<compile_context>
chip_gen: v7x
topology: tpu7x:2x2x1
jax: 0.10.2.dev20260603
libtpu: 0.0.44.dev20260713+nightly
codegen_flags: <defaults>
</compile_context>

<pallas_src>
import functools

import jax
import jax.numpy as jnp
from jax import lax
from jax.experimental import pallas as pl
from jax.experimental.pallas import tpu as pltpu
from jax.experimental.pallas import tpu_sc as plsc

N = 10000
L = 104
LP = 128
E = 640000
K = 128
NSUB = 16
ROWS_PER_SUB = 320
ROWS = NSUB * ROWS_PER_SUB
EPAD = ROWS * K
NBUF = 2
CPS = ROWS_PER_SUB // NBUF
ACC_PER_SUB = 632
NACC = NSUB * ACC_PER_SUB
NBLK = 10
BLK = N // NBLK



def _sc_segsum(qh, qp, eidx, znull):
    mesh = plsc.VectorSubcoreMesh(core_axis_name="c", subcore_axis_name="s")

    @functools.partial(
        pl.kernel,
        mesh=mesh,
        out_type=(
            jax.ShapeDtypeStruct((NACC, LP), jnp.float32),
            jax.ShapeDtypeStruct((NACC, LP), jnp.float32),
        ),
        scratch_types=[
            pltpu.VMEM((2 * NBUF, K), jnp.int32),
            pltpu.VMEM((2 * NBUF, K), jnp.int32),
            pltpu.VMEM((K, LP), jnp.float32),
            pltpu.VMEM((K, LP), jnp.float32),
            pltpu.VMEM_SHARED((NACC, LP), jnp.float32),
            pltpu.SemaphoreType.DMA,
            pltpu.SemaphoreType.DMA,
            pltpu.SemaphoreType.DMA,
            pltpu.SemaphoreType.DMA,
            pltpu.SemaphoreType.DMA,
            pltpu.SemaphoreType.DMA,
        ],
    )
    def sc_kernel(qh_hbm, qp_hbm, eidx_hbm, z_hbm, onum, oden,
                  idxa, idxb, rb0, rb1, acc,
                  gs0, gs1, ss0, ss1, isa, isb):
        core = lax.axis_index("c")
        sub = lax.axis_index("s")
        rbufs = [rb0, rb1]
        gsems = [gs0, gs1]
        ssems = [ss0, ss1]

        a0 = sub * ACC_PER_SUB
        pltpu.sync_copy(z_hbm.at[pl.ds(a0, ACC_PER_SUB)],
                        acc.at[pl.ds(a0, ACC_PER_SUB)])
        plsc.subcore_barrier()

        def edge_pass(table_hbm):
            base = 2 * sub * ROWS_PER_SUB

            def fetch_idx(c, ib, sem):
                return pltpu.async_copy(
                    eidx_hbm.at[pl.ds(base + 2 * NBUF * c, 2 * NBUF)], ib, sem)

            def wait_idx(ib, sem):
                pltpu.make_async_copy(
                    eidx_hbm.at[pl.ds(base, 2 * NBUF)], ib, sem).wait()

            def gathers(ib, drain):
                hs = []
                for b in range(NBUF):
                    if drain is not None:
                        pltpu.make_async_copy(
                            rbufs[b], acc.at[drain.at[2 * b + 1]],
                            ssems[b]).wait()
                    hs.append(pltpu.async_copy(
                        table_hbm.at[ib.at[2 * b]], rbufs[b], gsems[b]))
                return hs

            def scatters(hs, ib):
                for b in range(NBUF):
                    hs[b].wait()
                    pltpu.async_copy(
                        rbufs[b], acc.at[ib.at[2 * b + 1]], ssems[b],
                        add=True)

            fetch_idx(0, idxa, isa).wait()
            gh = gathers(idxa, None)
            fetch_idx(1, idxb, isb)
            scatters(gh, idxa)
            wait_idx(idxb, isb)
            gh = gathers(idxb, idxa)
            fetch_idx(2, idxa, isa)
            scatters(gh, idxb)

            @pl.loop(0, (CPS - 4) // 2)
            def _(k):
                c0 = 2 + 2 * k
                wait_idx(idxa, isa)
                gh = gathers(idxa, idxb)
                fetch_idx(c0 + 1, idxb, isb)
                scatters(gh, idxa)
                wait_idx(idxb, isb)
                gh = gathers(idxb, idxa)
                fetch_idx(c0 + 2, idxa, isa)
                scatters(gh, idxb)

            wait_idx(idxa, isa)
            gh = gathers(idxa, idxb)
            fetch_idx(CPS - 1, idxb, isb)
            scatters(gh, idxa)
            wait_idx(idxb, isb)
            gh = gathers(idxb, idxa)
            scatters(gh, idxb)
            for b in range(NBUF):
                pltpu.make_async_copy(
                    rbufs[b], acc.at[idxb.at[2 * b + 1]], ssems[b]).wait()

        @pl.when(core == 0)
        def _():
            edge_pass(qh_hbm)

        @pl.when(core == 1)
        def _():
            edge_pass(qp_hbm)

        plsc.subcore_barrier()

        @pl.when(core == 0)
        def _():
            pltpu.sync_copy(acc.at[pl.ds(a0, ACC_PER_SUB)],
                            onum.at[pl.ds(a0, ACC_PER_SUB)])

        @pl.when(core == 1)
        def _():
            pltpu.sync_copy(acc.at[pl.ds(a0, ACC_PER_SUB)],
                            oden.at[pl.ds(a0, ACC_PER_SUB)])

    return sc_kernel(qh, qp, eidx, znull)



def _h0_body(x_ref, w1_ref, b1_ref, attw_ref, h0_ref, c_ref):
    h0 = jnp.maximum(
        jnp.dot(x_ref[...], w1_ref[...], preferred_element_type=jnp.float32)
        + b1_ref[...], 0.0)
    h0_ref[...] = h0
    m = jnp.max(h0 * attw_ref[...], axis=0, keepdims=True)

    @pl.when(pl.program_id(0) == 0)
    def _():
        c_ref[...] = m

    @pl.when(pl.program_id(0) > 0)
    def _():
        c_ref[...] = jnp.maximum(c_ref[...], m)


def _call_h0(x, W1, b1r, attwr):
    return pl.pallas_call(
        _h0_body,
        grid=(NBLK,),
        in_specs=[
            pl.BlockSpec((BLK, L), lambda i: (i, 0)),
            pl.BlockSpec((L, L), lambda i: (0, 0)),
            pl.BlockSpec((1, L), lambda i: (0, 0)),
            pl.BlockSpec((1, L), lambda i: (0, 0)),
        ],
        out_specs=[
            pl.BlockSpec((BLK, L), lambda i: (i, 0)),
            pl.BlockSpec((1, L), lambda i: (0, 0)),
        ],
        out_shape=[
            jax.ShapeDtypeStruct((N, L), jnp.float32),
            jax.ShapeDtypeStruct((1, L), jnp.float32),
        ],
    )(x, W1, b1r, attwr)


def _q_body(h_ref, attw_ref, c_ref, qh_ref, qp_ref):
    p = jnp.exp(h_ref[...] * attw_ref[...] - c_ref[...])
    z = jnp.zeros((BLK, LP - L), jnp.float32)
    qh_ref[...] = jnp.concatenate([p * h_ref[...], z], axis=1)
    qp_ref[...] = jnp.concatenate([p, z], axis=1)


def _call_q(h, attwr, c):
    return pl.pallas_call(
        _q_body,
        grid=(NBLK,),
        in_specs=[
            pl.BlockSpec((BLK, L), lambda i: (i, 0)),
            pl.BlockSpec((1, L), lambda i: (0, 0)),
            pl.BlockSpec((1, L), lambda i: (0, 0)),
        ],
        out_specs=[
            pl.BlockSpec((BLK, LP), lambda i: (i, 0)),
            pl.BlockSpec((BLK, LP), lambda i: (i, 0)),
        ],
        out_shape=[
            jax.ShapeDtypeStruct((N, LP), jnp.float32),
            jax.ShapeDtypeStruct((N, LP), jnp.float32),
        ],
    )(h, attwr, c)


def _merge_body(num_ref, den_ref, x_ref, h0_ref, wmt_ref, wmb_ref, bm_ref,
                wc_ref, h_ref, c_ref):
    den = den_ref[:, :L]
    agg = num_ref[:, :L] / (den + 1e-9)
    merged = jnp.maximum(
        jnp.dot(agg, wmt_ref[...], preferred_element_type=jnp.float32)
        + jnp.dot(x_ref[...], wmb_ref[...], preferred_element_type=jnp.float32)
        + bm_ref[...], 0.0)
    h = jnp.where(den[:, :1] > 0.0, merged, h0_ref[...])
    h_ref[...] = h
    m = jnp.max(h * wc_ref[...], axis=0, keepdims=True)

    @pl.when(pl.program_id(0) == 0)
    def _():
        c_ref[...] = m

    @pl.when(pl.program_id(0) > 0)
    def _():
        c_ref[...] = jnp.maximum(c_ref[...], m)


def _call_merge(num, den, x, h0, WmT, WmB, bmr, wcr):
    return pl.pallas_call(
        _merge_body,
        grid=(NBLK,),
        in_specs=[
            pl.BlockSpec((BLK, LP), lambda i: (i, 0)),
            pl.BlockSpec((BLK, LP), lambda i: (i, 0)),
            pl.BlockSpec((BLK, L), lambda i: (i, 0)),
            pl.BlockSpec((BLK, L), lambda i: (i, 0)),
            pl.BlockSpec((L, L), lambda i: (0, 0)),
            pl.BlockSpec((L, L), lambda i: (0, 0)),
            pl.BlockSpec((1, L), lambda i: (0, 0)),
            pl.BlockSpec((1, L), lambda i: (0, 0)),
        ],
        out_specs=[
            pl.BlockSpec((BLK, L), lambda i: (i, 0)),
            pl.BlockSpec((1, L), lambda i: (0, 0)),
        ],
        out_shape=[
            jax.ShapeDtypeStruct((N, L), jnp.float32),
            jax.ShapeDtypeStruct((1, L), jnp.float32),
        ],
    )(num, den, x, h0, WmT, WmB, bmr, wcr)


def _final1_body(h_ref, dagw_ref, c_ref, se_ref, seh_ref):
    h = h_ref[...]
    e = jnp.exp(h * dagw_ref[...] - c_ref[...])
    se = jnp.sum(e, axis=0, keepdims=True)
    seh = jnp.sum(e * h, axis=0, keepdims=True)

    @pl.when(pl.program_id(0) == 0)
    def _():
        se_ref[...] = se
        seh_ref[...] = seh

    @pl.when(pl.program_id(0) > 0)
    def _():
        se_ref[...] = se_ref[...] + se
        seh_ref[...] = seh_ref[...] + seh


def _call_final1(h, dagwr, cdag):
    return pl.pallas_call(
        _final1_body,
        grid=(NBLK,),
        in_specs=[
            pl.BlockSpec((BLK, L), lambda i: (i, 0)),
            pl.BlockSpec((1, L), lambda i: (0, 0)),
            pl.BlockSpec((1, L), lambda i: (0, 0)),
        ],
        out_specs=[
            pl.BlockSpec((1, L), lambda i: (0, 0)),
            pl.BlockSpec((1, L), lambda i: (0, 0)),
        ],
        out_shape=[
            jax.ShapeDtypeStruct((1, L), jnp.float32),
            jax.ShapeDtypeStruct((1, L), jnp.float32),
        ],
    )(h, dagwr, cdag)


def _final2_body(se_ref, seh_ref, wf_ref, bf_ref, out_ref):
    pooled = seh_ref[...] / se_ref[...]
    out_ref[...] = (
        jnp.dot(pooled, wf_ref[...], preferred_element_type=jnp.float32)
        + bf_ref[...])


def _call_final2(se, seh, Wf, bfr):
    nc = Wf.shape[1]
    return pl.pallas_call(
        _final2_body,
        in_specs=[
            pl.BlockSpec((1, L), lambda: (0, 0)),
            pl.BlockSpec((1, L), lambda: (0, 0)),
            pl.BlockSpec((L, nc), lambda: (0, 0)),
            pl.BlockSpec((1, nc), lambda: (0, 0)),
        ],
        out_specs=pl.BlockSpec((1, nc), lambda: (0, 0)),
        out_shape=jax.ShapeDtypeStruct((1, nc), jnp.float32),
    )(se, seh, Wf, bfr)



def kernel(x, edge_index, W1, b1, Wm, bm, att_w, dag_w, Wf, bf):
    src = edge_index[0]
    dst = edge_index[1]
    pad = EPAD - E
    src1d = jnp.concatenate([src, jnp.zeros((pad,), jnp.int32)])
    dst1d = jnp.concatenate([dst, jnp.full((pad,), N, jnp.int32)])
    eidx = jnp.stack([src1d.reshape(ROWS, K), dst1d.reshape(ROWS, K)],
                     axis=1).reshape(2 * ROWS, K)
    znull = jnp.zeros((NACC, LP), jnp.float32)

    b1r = b1.reshape(1, L)
    bmr = bm.reshape(1, L)
    bfr = bf.reshape(1, -1)
    attwr = att_w.reshape(1, L)
    dagwr = dag_w.reshape(1, L)
    WmT = Wm[:L]
    WmB = Wm[L:]

    h0, c = _call_h0(x, W1, b1r, attwr)

    h = h0
    for step in range(2):
        qh, qp = _call_q(h, attwr, c)
        num, den = _sc_segsum(qh, qp, eidx, znull)
        wcr = attwr if step == 0 else dagwr
        h, c = _call_merge(num[:N], den[:N], x, h0, WmT, WmB, bmr, wcr)

    se, seh = _call_final1(h, dagwr, c)
    out = _call_final2(se, seh, Wf, bfr)
    return out.reshape(-1)

# --- scband reference (transcript-rebuilt; emitter-appended) ---
"""Pipeline reference for scband-ch-ebirec-nn-43868795961379 (READ-ONLY COPY).

The authoritative reference and input builder live on the scoring server;
editing this copy changes nothing except your own understanding.
"""

import jax, jax.numpy as jnp
import numpy as np

L = 104
NUM_CLASSES = 500
N_NODES = 10000
N_EDGES = 640000
N_STEPS = 2


def setup_inputs(seed: int = 0) -> dict:
    key = jax.random.key(seed)
    ks = jax.random.split(key, 12)
    x = jax.random.normal(ks[0], (N_NODES, L), dtype=jnp.float32)
    edge_index = jax.random.randint(ks[1], (2, N_EDGES), 0, N_NODES, dtype=jnp.int32)
    W1 = jax.random.normal(ks[2], (L, L), dtype=jnp.float32) / np.sqrt(L)
    b1 = jnp.zeros((L,), dtype=jnp.float32)
    Wm = jax.random.normal(ks[3], (2 * L, L), dtype=jnp.float32) / np.sqrt(2 * L)
    bm = jnp.zeros((L,), dtype=jnp.float32)
    att_w = jax.random.uniform(ks[4], (L,), dtype=jnp.float32)
    dag_w = jax.random.uniform(ks[5], (L,), dtype=jnp.float32)
    Wf = jax.random.normal(ks[6], (L, NUM_CLASSES), dtype=jnp.float32) / np.sqrt(L)
    bf = jnp.zeros((NUM_CLASSES,), dtype=jnp.float32)
    return {"x": x, "edge_index": edge_index, "W1": W1, "b1": b1, "Wm": Wm,
            "bm": bm, "att_w": att_w, "dag_w": dag_w, "Wf": Wf, "bf": bf}


def reference(x, edge_index, W1, b1, Wm, bm, att_w, dag_w, Wf, bf):
    # Tensorized (level-synchronous) version of the DAG-recursive ChEBIRecNN:
    #   - source nodes: h0 = relu(NN_single_node(atom))
    #   - interior nodes: feature-wise attention softmax over predecessor
    #     messages (attention_weight * msg), weighted sum, merged with the
    #     atom features through the `merge` linear, relu
    #   - readout: feature-wise softmax attention (dag_weight) over node
    #     states, summed, then the `final` linear to 500 classes.
    src = edge_index[0]
    dst = edge_index[1]
    h0 = jax.nn.relu(x @ W1 + b1)
    deg = jax.ops.segment_sum(jnp.ones((N_EDGES,), dtype=jnp.float32), dst,
                              num_segments=N_NODES)
    has_in = (deg > 0)[:, None]
    h = h0
    for _ in range(N_STEPS):
        m = h[src]                                   # gather: [E, L]
        a = m * att_w                                # attention logits [E, L]
        seg_max = jax.ops.segment_max(a, dst, num_segments=N_NODES)
        seg_max = jnp.where(jnp.isfinite(seg_max), seg_max, 0.0)
        ea = jnp.exp(a - seg_max[dst])
        denom = jax.ops.segment_sum(ea, dst, num_segments=N_NODES)
        num = jax.ops.segment_sum(ea * m, dst, num_segments=N_NODES)
        agg = num / (denom + 1e-9)                   # per-dst attention sum
        merged = jax.nn.relu(jnp.concatenate([agg, x], axis=1) @ Wm + bm)
        h = jnp.where(has_in, merged, h0)
    s = h * dag_w
    w = jax.nn.softmax(s, axis=0)
    pooled = jnp.sum(w * h, axis=0)                  # [L]
    return pooled @ Wf + bf                          # [500]

if __name__ == "__main__":
    import jax
    _d = setup_inputs()
    print(jax.jit(kernel)(*tuple(_d.values())))

</pallas_src>

<mosaic_0001>
#map = affine_map<(d0, d1) -> (0, 0)>
module attributes {stable_mosaic.version = 14 : i64} {
  func.func @sc_kernel(%arg0: i32, %arg1: i32, %arg2: memref<10000x128xf32, #tpu.memory_space<hbm>>, %arg3: memref<10000x128xf32, #tpu.memory_space<hbm>>, %arg4: memref<10240x128xi32, #tpu.memory_space<hbm>>, %arg5: memref<10112x128xf32, #tpu.memory_space<hbm>>, %arg6: memref<10112x128xf32, #tpu.memory_space<hbm>>, %arg7: memref<10112x128xf32, #tpu.memory_space<hbm>>, %arg8: memref<4x128xi32, #tpu.memory_space<vmem>>, %arg9: memref<4x128xi32, #tpu.memory_space<vmem>>, %arg10: memref<128x128xf32, #tpu.memory_space<vmem>>, %arg11: memref<128x128xf32, #tpu.memory_space<vmem>>, %arg12: memref<10112x128xf32, #tpu.memory_space<vmem_shared>>, %arg13: memref<!tpu.dma_semaphore, #tpu.memory_space<semaphore_mem>>, %arg14: memref<!tpu.dma_semaphore, #tpu.memory_space<semaphore_mem>>, %arg15: memref<!tpu.dma_semaphore, #tpu.memory_space<semaphore_mem>>, %arg16: memref<!tpu.dma_semaphore, #tpu.memory_space<semaphore_mem>>, %arg17: memref<!tpu.dma_semaphore, #tpu.memory_space<semaphore_mem>>, %arg18: memref<!tpu.dma_semaphore, #tpu.memory_space<semaphore_mem>>) attributes {dimension_semantics = [#tpu.dimension_semantics<core_parallel>, #tpu.dimension_semantics<subcore_parallel>], iteration_bounds = array<i64: 2, 16>, scalar_prefetch = 0 : i64, scratch_operands = 11 : i64, tpu.core_type = #tpu.core_type<sc_vector_subcore>, window_params = [{transform_indices = #map}, {transform_indices = #map}, {transform_indices = #map}, {transform_indices = #map}, {transform_indices = #map}, {transform_indices = #map}]} {
    %mul3A = arith.constant 632 : i32
    %mul3A_0 = arith.muli %arg1, %mul3A : i32
    "tpu.region"() ({
      %run_scoped3A = tpu.sem_alloc : memref<!tpu.dma_semaphore, #tpu.memory_space<semaphore_mem>>
      %dma_start3A = arith.constant 0 : i32
      %dma_start3A_19 = tpu.memref_slice %arg12[%mul3A_0, %dma_start3A] : memref<10112x128xf32, #tpu.memory_space<vmem_shared>> -> memref<632x128xf32, #tpu.memory_space<vmem_shared>>
      %dma_start3A_20 = arith.constant 0 : i32
      %dma_start3A_21 = tpu.memref_slice %arg5[%mul3A_0, %dma_start3A_20] : memref<10112x128xf32, #tpu.memory_space<hbm>> -> memref<632x128xf32, #tpu.memory_space<hbm>>
      tpu.enqueue_dma source(%dma_start3A_21 : memref<632x128xf32, #tpu.memory_space<hbm>>) target(%dma_start3A_19 : memref<632x128xf32, #tpu.memory_space<vmem_shared>>) target_semaphore(%run_scoped3A : memref<!tpu.dma_semaphore, #tpu.memory_space<semaphore_mem>>)
      %dma_wait3A = arith.constant 0 : i32
      %dma_wait3A_22 = tpu.memref_slice %arg12[%mul3A_0, %dma_wait3A] : memref<10112x128xf32, #tpu.memory_space<vmem_shared>> -> memref<632x128xf32, #tpu.memory_space<vmem_shared>>
      %dma_wait3A_23 = arith.constant 0 : i32
      %dma_wait3A_24 = tpu.memref_slice %arg5[%mul3A_0, %dma_wait3A_23] : memref<10112x128xf32, #tpu.memory_space<hbm>> -> memref<632x128xf32, #tpu.memory_space<hbm>>
      tpu.wait_dma2 semaphore(%run_scoped3A : memref<!tpu.dma_semaphore, #tpu.memory_space<semaphore_mem>>) src(%dma_wait3A_24 : memref<632x128xf32, #tpu.memory_space<hbm>>) dst(%dma_wait3A_22 : memref<632x128xf32, #tpu.memory_space<vmem_shared>>)
      tpu.yield
    }) : () -> ()
    %barrier3A = arith.constant 0 : index
    tpu.barrier barrier_id(%barrier3A)
    %eq3A = arith.constant 0 : i32
    %eq3A_1 = arith.cmpi eq, %arg0, %eq3A : i32
    %convert_element_type3A = arith.extui %eq3A_1 : i1 to i32
    %cond3A = arith.constant 0 : i32
    %cond3A_2 = arith.cmpi ne, %convert_element_type3A, %cond3A : i32
    scf.if %cond3A_2 {
      %mul3A_19 = arith.constant 2 : i32
      %mul3A_20 = arith.muli %mul3A_19, %arg1 : i32
      %mul3A_21 = arith.constant 320 : i32
      %mul3A_22 = arith.muli %mul3A_20, %mul3A_21 : i32
      %add3A = arith.constant 0 : i32
      %add3A_23 = arith.addi %mul3A_22, %add3A : i32
      %dma_start3A = arith.constant 0 : i32
      %dma_start3A_24 = tpu.memref_slice %arg4[%add3A_23, %dma_start3A] : memref<10240x128xi32, #tpu.memory_space<hbm>> -> memref<4x128xi32, #tpu.memory_space<hbm>>
      %dma_start3A_25 = arith.constant 0 : i32
      %dma_start3A_26 = tpu.memref_slice %arg4[%add3A_23, %dma_start3A_25] : memref<10240x128xi32, #tpu.memory_space<hbm>> -> memref<4x128xi32, #tpu.memory_space<hbm>>
      tpu.enqueue_dma source(%dma_start3A_26 : memref<4x128xi32, #tpu.memory_space<hbm>>) target(%arg8 : memref<4x128xi32, #tpu.memory_space<vmem>>) target_semaphore(%arg17 : memref<!tpu.dma_semaphore, #tpu.memory_space<semaphore_mem>>)
      %dma_wait3A = arith.constant 0 : i32
      %dma_wait3A_27 = tpu.memref_slice %arg4[%add3A_23, %dma_wait3A] : memref<10240x128xi32, #tpu.memory_space<hbm>> -> memref<4x128xi32, #tpu.memory_space<hbm>>
      %dma_wait3A_28 = arith.constant 0 : i32
      %dma_wait3A_29 = tpu.memref_slice %arg4[%add3A_23, %dma_wait3A_28] : memref<10240x128xi32, #tpu.memory_space<hbm>> -> memref<4x128xi32, #tpu.memory_space<hbm>>
      tpu.wait_dma2 semaphore(%arg17 : memref<!tpu.dma_semaphore, #tpu.memory_space<semaphore_mem>>) src(%dma_wait3A_29 : memref<4x128xi32, #tpu.memory_space<hbm>>) dst(%arg8 : memref<4x128xi32, #tpu.memory_space<vmem>>)
      %dma_start3A_30 = arith.constant 0 : i32
      %dma_start3A_31 = arith.constant 0 : i32
      %dma_start3A_32 = tpu.memref_slice %arg8[%dma_start3A_30, %dma_start3A_31] : memref<4x128xi32, #tpu.memory_space<vmem>> -> memref<1x128xi32, #tpu.memory_space<vmem>>
      %dma_start3A_33 = tpu.memref_squeeze %dma_start3A_32 : memref<1x128xi32, #tpu.memory_space<vmem>> -> memref<128xi32, #tpu.memory_space<vmem>>
      %dma_start3A_34 = arith.constant 0 : i32
      %dma_start3A_35 = arith.constant 0 : i32
      %dma_start3A_36 = tpu.memref_slice %arg2[%dma_start3A_34, %dma_start3A_35] : memref<10000x128xf32, #tpu.memory_space<hbm>> -> memref<10000x128xf32, #tpu.memory_space<hbm>>
      tpu.enqueue_indirect_dma source(%dma_start3A_36 : memref<10000x128xf32, #tpu.memory_space<hbm>>) target(%arg10 : memref<128x128xf32, #tpu.memory_space<vmem>>) offsets(%dma_start3A_33 : memref<128xi32, #tpu.memory_space<vmem>>) semaphore(%arg13 : memref<!tpu.dma_semaphore, #tpu.memory_space<semaphore_mem>>)
      %dma_start3A_37 = arith.constant 2 : i32
      %dma_start3A_38 = arith.constant 0 : i32
      %dma_start3A_39 = tpu.memref_slice %arg8[%dma_start3A_37, %dma_start3A_38] : memref<4x128xi32, #tpu.memory_space<vmem>> -> memref<1x128xi32, #tpu.memory_space<vmem>>
      %dma_start3A_40 = tpu.memref_squeeze %dma_start3A_39 : memref<1x128xi32, #tpu.memory_space<vmem>> -> memref<128xi32, #tpu.memory_space<vmem>>
      %dma_start3A_41 = arith.constant 0 : i32
      %dma_start3A_42 = arith.constant 0 : i32
      %dma_start3A_43 = tpu.memref_slice %arg2[%dma_start3A_41, %dma_start3A_42] : memref<10000x128xf32, #tpu.memory_space<hbm>> -> memref<10000x128xf32, #tpu.memory_space<hbm>>
      tpu.enqueue_indirect_dma source(%dma_start3A_43 : memref<10000x128xf32, #tpu.memory_space<hbm>>) target(%arg11 : memref<128x128xf32, #tpu.memory_space<vmem>>) offsets(%dma_start3A_40 : memref<128xi32, #tpu.memory_space<vmem>>) semaphore(%arg14 : memref<!tpu.dma_semaphore, #tpu.memory_space<semaphore_mem>>)
      %add3A_44 = arith.constant 4 : i32
      %add3A_45 = arith.addi %mul3A_22, %add3A_44 : i32
      %dma_start3A_46 = arith.constant 0 : i32
      %dma_start3A_47 = tpu.memref_slice %arg4[%add3A_45, %dma_start3A_46] : memref<10240x128xi32, #tpu.memory_space<hbm>> -> memref<4x128xi32, #tpu.memory_space<hbm>>
      %dma_start3A_48 = arith.constant 0 : i32
      %dma_start3A_49 = tpu.memref_slice %arg4[%add3A_45, %dma_start3A_48] : memref<10240x128xi32, #tpu.memory_space<hbm>> -> memref<4x128xi32, #tpu.memory_space<hbm>>
      tpu.enqueue_dma source(%dma_start3A_49 : memref<4x128xi32, #tpu.memory_space<hbm>>) target(%arg9 : memref<4x128xi32, #tpu.memory_space<vmem>>) target_semaphore(%arg18 : memref<!tpu.dma_semaphore, #tpu.memory_space<semaphore_mem>>)
      %dma_wait3A_50 = arith.constant 0 : i32
      %dma_wait3A_51 = arith.constant 0 : i32
      %dma_wait3A_52 = tpu.memref_slice %arg8[%dma_wait3A_50, %dma_wait3A_51] : memref<4x128xi32, #tpu.memory_space<vmem>> -> memref<1x128xi32, #tpu.memory_space<vmem>>
      %dma_wait3A_53 = tpu.memref_squeeze %dma_wait3A_52 : memref<1x128xi32, #tpu.memory_space<vmem>> -> memref<128xi32, #tpu.memory_space<vmem>>
      %dma_wait3A_54 = arith.constant 0 : i32
      %dma_wait3A_55 = arith.constant 0 : i32
      %dma_wait3A_56 = tpu.memref_slice %arg2[%dma_wait3A_54, %dma_wait3A_55] : memref<10000x128xf32, #tpu.memory_space<hbm>> -> memref<10000x128xf32, #tpu.memory_space<hbm>>
      tpu.wait_indirect_dma semaphore(%arg13 : memref<!tpu.dma_semaphore, #tpu.memory_space<semaphore_mem>>) src(%dma_wait3A_56 : memref<10000x128xf32, #tpu.memory_space<hbm>>) dst(%arg10 : memref<128x128xf32, #tpu.memory_space<vmem>>)
      %dma_start3A_57 = arith.constant 1 : i32
      %dma_start3A_58 = arith.constant 0 : i32
      %dma_start3A_59 = tpu.memref_slice %arg8[%dma_start3A_57, %dma_start3A_58] : memref<4x128xi32, #tpu.memory_space<vmem>> -> memref<1x128xi32, #tpu.memory_space<vmem>>
      %dma_start3A_60 = tpu.memref_squeeze %dma_start3A_59 : memref<1x128xi32, #tpu.memory_space<vmem>> -> memref<128xi32, #tpu.memory_space<vmem>>
      %dma_start3A_61 = arith.constant 0 : i32
      %dma_start3A_62 = arith.constant 0 : i32
      %dma_start3A_63 = tpu.memref_slice %arg12[%dma_start3A_61, %dma_start3A_62] : memref<10112x128xf32, #tpu.memory_space<vmem_shared>> -> memref<10112x128xf32, #tpu.memory_space<vmem_shared>>
      tpu.enqueue_indirect_dma source(%arg10 : memref<128x128xf32, #tpu.memory_space<vmem>>) target(%dma_start3A_63 : memref<10112x128xf32, #tpu.memory_space<vmem_shared>>) offsets(%dma_start3A_60 : memref<128xi32, #tpu.memory_space<vmem>>) semaphore(%arg15 : memref<!tpu.dma_semaphore, #tpu.memory_space<semaphore_mem>>) {add = true}
      %dma_wait3A_64 = arith.constant 2 : i32
      %dma_wait3A_65 = arith.constant 0 : i32
      %dma_wait3A_66 = tpu.memref_slice %arg8[%dma_wait3A_64, %dma_wait3A_65] : memref<4x128xi32, #tpu.memory_space<vmem>> -> memref<1x128xi32, #tpu.memory_space<vmem>>
      %dma_wait3A_67 = tpu.memref_squeeze %dma_wait3A_66 : memref<1x128xi32, #tpu.memory_space<vmem>> -> memref<128xi32, #tpu.memory_space<vmem>>
      %dma_wait3A_68 = arith.constant 0 : i32
      %dma_wait3A_69 = arith.constant 0 : i32
      %dma_wait3A_70 = tpu.memref_slice %arg2[%dma_wait3A_68, %dma_wait3A_69] : memref<10000x128xf32, #tpu.memory_space<hbm>> -> memref<10000x128xf32, #tpu.memory_space<hbm>>
      tpu.wait_indirect_dma semaphore(%arg14 : memref<!tpu.dma_semaphore, #tpu.memory_space<semaphore_mem>>) src(%dma_wait3A_70 : memref<10000x128xf32, #tpu.memory_space<hbm>>) dst(%arg11 : memref<128x128xf32, #tpu.memory_space<vmem>>)
      %dma_start3A_71 = arith.constant 3 : i32
      %dma_start3A_72 = arith.constant 0 : i32
      %dma_start3A_73 = tpu.memref_slice %arg8[%dma_start3A_71, %dma_start3A_72] : memref<4x128xi32, #tpu.memory_space<vmem>> -> memref<1x128xi32, #tpu.memory_space<vmem>>
      %dma_start3A_74 = tpu.memref_squeeze %dma_start3A_73 : memref<1x128xi32, #tpu.memory_space<vmem>> -> memref<128xi32, #tpu.memory_space<vmem>>
      %dma_start3A_75 = arith.constant 0 : i32
      %dma_start3A_76 = arith.constant 0 : i32
      %dma_start3A_77 = tpu.memref_slice %arg12[%dma_start3A_75, %dma_start3A_76] : memref<10112x128xf32, #tpu.memory_space<vmem_shared>> -> memref<10112x128xf32, #tpu.memory_space<vmem_shared>>
      tpu.enqueue_indirect_dma source(%arg11 : memref<128x128xf32, #tpu.memory_space<vmem>>) target(%dma_start3A_77 : memref<10112x128xf32, #tpu.memory_space<vmem_shared>>) offsets(%dma_start3A_74 : memref<128xi32, #tpu.memory_space<vmem>>) semaphore(%arg16 : memref<!tpu.dma_semaphore, #tpu.memory_space<semaphore_mem>>) {add = true}
      %dma_wait3A_78 = arith.constant 0 : i32
      %dma_wait3A_79 = tpu.memref_slice %arg4[%mul3A_22, %dma_wait3A_78] : memref<10240x128xi32, #tpu.memory_space<hbm>> -> memref<4x128xi32, #tpu.memory_space<hbm>>
      %dma_wait3A_80 = arith.constant 0 : i32
      %dma_wait3A_81 = tpu.memref_slice %arg4[%mul3A_22, %dma_wait3A_80] : memref<10240x128xi32, #tpu.memory_space<hbm>> -> memref<4x128xi32, #tpu.memory_space<hbm>>
      tpu.wait_dma2 semaphore(%arg18 : memref<!tpu.dma_semaphore, #tpu.memory_space<semaphore_mem>>) src(%dma_wait3A_81 : memref<4x128xi32, #tpu.memory_space<hbm>>) dst(%arg9 : memref<4x128xi32, #tpu.memory_space<vmem>>)
      %dma_wait3A_82 = arith.constant 1 : i32
      %dma_wait3A_83 = arith.constant 0 : i32
      %dma_wait3A_84 = tpu.memref_slice %arg8[%dma_wait3A_82, %dma_wait3A_83] : memref<4x128xi32, #tpu.memory_space<vmem>> -> memref<1x128xi32, #tpu.memory_space<vmem>>
      %dma_wait3A_85 = tpu.memref_squeeze %dma_wait3A_84 : memref<1x128xi32, #tpu.memory_space<vmem>> -> memref<128xi32, #tpu.memory_space<vmem>>
      %dma_wait3A_86 = arith.constant 0 : i32
      %dma_wait3A_87 = arith.constant 0 : i32
      %dma_wait3A_88 = tpu.memref_slice %arg12[%dma_wait3A_86, %dma_wait3A_87] : memref<10112x128xf32, #tpu.memory_space<vmem_shared>> -> memref<10112x128xf32, #tpu.memory_space<vmem_shared>>
      tpu.wait_indirect_dma semaphore(%arg15 : memref<!tpu.dma_semaphore, #tpu.memory_space<semaphore_mem>>) src(%arg10 : memref<128x128xf32, #tpu.memory_space<vmem>>) dst(%dma_wait3A_88 : memref<10112x128xf32, #tpu.memory_space<vmem_shared>>)
      %dma_start3A_89 = arith.constant 0 : i32
      %dma_start3A_90 = arith.constant 0 : i32
      %dma_start3A_91 = tpu.memref_slice %arg9[%dma_start3A_89, %dma_start3A_90] : memref<4x128xi32, #tpu.memory_space<vmem>> -> memref<1x128xi32, #tpu.memory_space<vmem>>
      %dma_start3A_92 = tpu.memref_squeeze %dma_start3A_91 : memref<1x128xi32, #tpu.memory_space<vmem>> -> memref<128xi32, #tpu.memory_space<vmem>>
      %dma_start3A_93 = arith.constant 0 : i32
      %dma_start3A_94 = arith.constant 0 : i32
      %dma_start3A_95 = tpu.memref_slice %arg2[%dma_start3A_93, %dma_start3A_94] : memref<10000x128xf32, #tpu.memory_space<hbm>> -> memref<10000x128xf32, #tpu.memory_space<hbm>>
      tpu.enqueue_indirect_dma source(%dma_start3A_95 : memref<10000x128xf32, #tpu.memory_space<hbm>>) target(%arg10 : memref<128x128xf32, #tpu.memory_space<vmem>>) offsets(%dma_start3A_92 : memref<128xi32, #tpu.memory_space<vmem>>) semaphore(%arg13 : memref<!tpu.dma_semaphore, #tpu.memory_space<semaphore_mem>>)
      %dma_wait3A_96 = arith.constant 3 : i32
      %dma_wait3A_97 = arith.constant 0 : i32
      %dma_wait3A_98 = tpu.memref_slice %arg8[%dma_wait3A_96, %dma_wait3A_97] : memref<4x128xi32, #tpu.memory_space<vmem>> -> memref<1x128xi32, #tpu.memory_space<vmem>>
      %dma_wait3A_99 = tpu.memref_squeeze %dma_wait3A_98 : memref<1x128xi32, #tpu.memory_space<vmem>> -> memref<128xi32, #tpu.memory_space<vmem>>
      %dma_wait3A_100 = arith.constant 0 : i32
      %dma_wait3A_101 = arith.constant 0 : i32
      %dma_wait3A_102 = tpu.memref_slice %arg12[%dma_wait3A_100, %dma_wait3A_101] : memref<10112x128xf32, #tpu.memory_space<vmem_shared>> -> memref<10112x128xf32, #tpu.memory_space<vmem_shared>>
      tpu.wait_indirect_dma semaphore(%arg16 : memref<!tpu.dma_semaphore, #tpu.memory_space<semaphore_mem>>) src(%arg11 : memref<128x128xf32, #tpu.memory_space<vmem>>) dst(%dma_wait3A_102 : memref<10112x128xf32, #tpu.memory_space<vmem_shared>>)
      %dma_start3A_103 = arith.constant 2 : i32
      %dma_start3A_104 = arith.constant 0 : i32
      %dma_start3A_105 = tpu.memref_slice %arg9[%dma_start3A_103, %dma_start3A_104] : memref<4x128xi32, #tpu.memory_space<vmem>> -> memref<1x128xi32, #tpu.memory_space<vmem>>
      %dma_start3A_106 = tpu.memref_squeeze %dma_start3A_105 : memref<1x128xi32, #tpu.memory_space<vmem>> -> memref<128xi32, #tpu.memory_space<vmem>>
      %dma_start3A_107 = arith.constant 0 : i32
      %dma_start3A_108 = arith.constant 0 : i32
      %dma_start3A_109 = tpu.memref_slice %arg2[%dma_start3A_107, %dma_start3A_108] : memref<10000x128xf32, #tpu.memory_space<hbm>> -> memref<10000x128xf32, #tpu.memory_space<hbm>>
      tpu.enqueue_indirect_dma source(%dma_start3A_109 : memref<10000x128xf32, #tpu.memory_space<hbm>>) target(%arg11 : memref<128x128xf32, #tpu.memory_space<vmem>>) offsets(%dma_start3A_106 : memref<128xi32, #tpu.memory_space<vmem>>) semaphore(%arg14 : memref<!tpu.dma_semaphore, #tpu.memory_space<semaphore_mem>>)
      %add3A_110 = arith.constant 8 : i32
      %add3A_111 = arith.addi %mul3A_22, %add3A_110 : i32
      %dma_start3A_112 = arith.constant 0 : i32
      %dma_start3A_113 = tpu.memref_slice %arg4[%add3A_111, %dma_start3A_112] : memref<10240x128xi32, #tpu.memory_space<hbm>> -> memref<4x128xi32, #tpu.memory_space<hbm>>
      %dma_start3A_114 = arith.constant 0 : i32
      %dma_start3A_115 = tpu.memref_slice %arg4[%add3A_111, %dma_start3A_114] : memref<10240x128xi32, #tpu.memory_space<hbm>> -> memref<4x128xi32, #tpu.memory_space<hbm>>
      tpu.enqueue_dma source(%dma_start3A_115 : memref<4x128xi32, #tpu.memory_space<hbm>>) target(%arg8 : memref<4x128xi32, #tpu.memory_space<vmem>>) target_semaphore(%arg17 : memref<!tpu.dma_semaphore, #tpu.memory_space<semaphore_mem>>)
      %dma_wait3A_116 = arith.constant 0 : i32
      %dma_wait3A_117 = arith.constant 0 : i32
      %dma_wait3A_118 = tpu.memref_slice %arg9[%dma_wait3A_116, %dma_wait3A_117] : memref<4x128xi32, #tpu.memory_space<vmem>> -> memref<1x128xi32, #tpu.memory_space<vmem>>
      %dma_wait3A_119 = tpu.memref_squeeze %dma_wait3A_118 : memref<1x128xi32, #tpu.memory_space<vmem>> -> memref<128xi32, #tpu.memory_space<vmem>>
      %dma_wait3A_120 = arith.constant 0 : i32
      %dma_wait3A_121 = arith.constant 0 : i32
      %dma_wait3A_122 = tpu.memref_slice %arg2[%dma_wait3A_120, %dma_wait3A_121] : memref<10000x128xf32, #tpu.memory_space<hbm>> -> memref<10000x128xf32, #tpu.memory_space<hbm>>
      tpu.wait_indirect_dma semaphore(%arg13 : memref<!tpu.dma_semaphore, #tpu.memory_space<semaphore_mem>>) src(%dma_wait3A_122 : memref<10000x128xf32, #tpu.memory_space<hbm>>) dst(%arg10 : memref<128x128xf32, #tpu.memory_space<vmem>>)
      %dma_start3A_123 = arith.constant 1 : i32
      %dma_start3A_124 = arith.constant 0 : i32
      %dma_start3A_125 = tpu.memref_slice %arg9[%dma_start3A_123, %dma_start3A_124] : memref<4x128xi32, #tpu.memory_space<vmem>> -> memref<1x128xi32, #tpu.memory_space<vmem>>
      %dma_start3A_126 = tpu.memref_squeeze %dma_start3A_125 : memref<1x128xi32, #tpu.memory_space<vmem>> -> memref<128xi32, #tpu.memory_space<vmem>>
      %dma_start3A_127 = arith.constant 0 : i32
      %dma_start3A_128 = arith.constant 0 : i32
      %dma_start3A_129 = tpu.memref_slice %arg12[%dma_start3A_127, %dma_start3A_128] : memref<10112x128xf32, #tpu.memory_space<vmem_shared>> -> memref<10112x128xf32, #tpu.memory_space<vmem_shared>>
      tpu.enqueue_indirect_dma source(%arg10 : memref<128x128xf32, #tpu.memory_space<vmem>>) target(%dma_start3A_129 : memref<10112x128xf32, #tpu.memory_space<vmem_shared>>) offsets(%dma_start3A_126 : memref<128xi32, #tpu.memory_space<vmem>>) semaphore(%arg15 : memref<!tpu.dma_semaphore, #tpu.memory_space<semaphore_mem>>) {add = true}
      %dma_wait3A_130 = arith.constant 2 : i32
      %dma_wait3A_131 = arith.constant 0 : i32
      %dma_wait3A_132 = tpu.memref_slice %arg9[%dma_wait3A_130, %dma_wait3A_131] : memref<4x128xi32, #tpu.memory_space<vmem>> -> memref<1x128xi32, #tpu.memory_space<vmem>>
      %dma_wait3A_133 = tpu.memref_squeeze %dma_wait3A_132 : memref<1x128xi32, #tpu.memory_space<vmem>> -> memref<128xi32, #tpu.memory_space<vmem>>
      %dma_wait3A_134 = arith.constant 0 : i32
      %dma_wait3A_135 = arith.constant 0 : i32
      %dma_wait3A_136 = tpu.memref_slice %arg2[%dma_wait3A_134, %dma_wait3A_135] : memref<10000x128xf32, #tpu.memory_space<hbm>> -> memref<10000x128xf32, #tpu.memory_space<hbm>>
      tpu.wait_indirect_dma semaphore(%arg14 : memref<!tpu.dma_semaphore, #tpu.memory_space<semaphore_mem>>) src(%dma_wait3A_136 : memref<10000x128xf32, #tpu.memory_space<hbm>>) dst(%arg11 : memref<128x128xf32, #tpu.memory_space<vmem>>)
      %dma_start3A_137 = arith.constant 3 : i32
      %dma_start3A_138 = arith.constant 0 : i32
      %dma_start3A_139 = tpu.memref_slice %arg9[%dma_start3A_137, %dma_start3A_138] : memref<4x128xi32, #tpu.memory_space<vmem>> -> memref<1x128xi32, #tpu.memory_space<vmem>>
      %dma_start3A_140 = tpu.memref_squeeze %dma_start3A_139 : memref<1x128xi32, #tpu.memory_space<vmem>> -> memref<128xi32, #tpu.memory_space<vmem>>
      %dma_start3A_141 = arith.constant 0 : i32
      %dma_start3A_142 = arith.constant 0 : i32
      %dma_start3A_143 = tpu.memref_slice %arg12[%dma_start3A_141, %dma_start3A_142] : memref<10112x128xf32, #tpu.memory_space<vmem_shared>> -> memref<10112x128xf32, #tpu.memory_space<vmem_shared>>
      tpu.enqueue_indirect_dma source(%arg11 : memref<128x128xf32, #tpu.memory_space<vmem>>) target(%dma_start3A_143 : memref<10112x128xf32, #tpu.memory_space<vmem_shared>>) offsets(%dma_start3A_140 : memref<128xi32, #tpu.memory_space<vmem>>) semaphore(%arg16 : memref<!tpu.dma_semaphore, #tpu.memory_space<semaphore_mem>>) {add = true}
      %scan3A = arith.constant 0 : i32
      %scan3A_144 = arith.constant 78 : i32
      %scan3A_145 = arith.addi %scan3A, %scan3A_144 : i32
      %scan3A_146 = arith.constant 1 : i32
      scf.for %scan3A_288 = %scan3A to %scan3A_145 step %scan3A_146  : i32 {
        %mul3A_289 = arith.constant 1 : i32
        %mul3A_290 = arith.muli %scan3A_288, %mul3A_289 : i32
        %add3A_291 = arith.constant 0 : i32
        %add3A_292 = arith.addi %add3A_291, %mul3A_290 : i32
        %mul3A_293 = arith.constant 2 : i32
        %mul3A_294 = arith.muli %mul3A_293, %add3A_292 : i32
        %add3A_295 = arith.constant 2 : i32
        %add3A_296 = arith.addi %add3A_295, %mul3A_294 : i32
        %dma_wait3A_297 = arith.constant 0 : i32
        %dma_wait3A_298 = tpu.memref_slice %arg4[%mul3A_22, %dma_wait3A_297] : memref<10240x128xi32, #tpu.memory_space<hbm>> -> memref<4x128xi32, #tpu.memory_space<hbm>>
        %dma_wait3A_299 = arith.constant 0 : i32
        %dma_wait3A_300 = tpu.memref_slice %arg4[%mul3A_22, %dma_wait3A_299] : memref<10240x128xi32, #tpu.memory_space<hbm>> -> memref<4x128xi32, #tpu.memory_space<hbm>>
        tpu.wait_dma2 semaphore(%arg17 : memref<!tpu.dma_semaphore, #tpu.memory_space<semaphore_mem>>) src(%dma_wait3A_300 : memref<4x128xi32, #tpu.memory_space<hbm>>) dst(%arg8 : memref<4x128xi32, #tpu.memory_space<vmem>>)
        %dma_wait3A_301 = arith.constant 1 : i32
        %dma_wait3A_302 = arith.constant 0 : i32
        %dma_wait3A_303 = tpu.memref_slice %arg9[%dma_wait3A_301, %dma_wait3A_302] : memref<4x128xi32, #tpu.memory_space<vmem>> -> memref<1x128xi32, #tpu.memory_space<vmem>>
        %dma_wait3A_304 = tpu.memref_squeeze %dma_wait3A_303 : memref<1x128xi32, #tpu.memory_space<vmem>> -> memref<128xi32, #tpu.memory_space<vmem>>
        %dma_wait3A_305 = arith.constant 0 : i32
        %dma_wait3A_306 = arith.constant 0 : i32
        %dma_wait3A_307 = tpu.memref_slice %arg12[%dma_wait3A_305, %dma_wait3A_306] : memref<10112x128xf32, #tpu.memory_space<vmem_shared>> -> memref<10112x128xf32, #tpu.memory_space<vmem_shared>>
        tpu.wait_indirect_dma semaphore(%arg15 : memref<!tpu.dma_semaphore, #tpu.memory_space<semaphore_mem>>) src(%arg10 : memref<128x128xf32, #tpu.memory_space<vmem>>) dst(%dma_wait3A_307 : memref<10112x128xf32, #tpu.memory_space<vmem_shared>>)
        %dma_start3A_308 = arith.constant 0 : i32
        %dma_start3A_309 = arith.constant 0 : i32
        %dma_start3A_310 = tpu.memref_slice %arg8[%dma_start3A_308, %dma_start3A_309] : memref<4x128xi32, #tpu.memory_space<vmem>> -> memref<1x128xi32, #tpu.memory_space<vmem>>
        %dma_start3A_311 = tpu.memref_squeeze %dma_start3A_310 : memref<1x128xi32, #tpu.memory_space<vmem>> -> memref<128xi32, #tpu.memory_space<vmem>>
        %dma_start3A_312 = arith.constant 0 : i32
        %dma_start3A_313 = arith.constant 0 : i32
        %dma_start3A_314 = tpu.memref_slice %arg2[%dma_start3A_312, %dma_start3A_313] : memref<10000x128xf32, #tpu.memory_space<hbm>> -> memref<10000x128xf32, #tpu.memory_space<hbm>>
        tpu.enqueue_indirect_dma source(%dma_start3A_314 : memref<10000x128xf32, #tpu.memory_space<hbm>>) target(%arg10 : memref<128x128xf32, #tpu.memory_space<vmem>>) offsets(%dma_start3A_311 : memref<128xi32, #tpu.memory_space<vmem>>) semaphore(%arg13 : memref<!tpu.dma_semaphore, #tpu.memory_space<semaphore_mem>>)
        %dma_wait3A_315 = arith.constant 3 : i32
        %dma_wait3A_316 = arith.constant 0 : i32
        %dma_wait3A_317 = tpu.memref_slice %arg9[%dma_wait3A_315, %dma_wait3A_316] : memref<4x128xi32, #tpu.memory_space<vmem>> -> memref<1x128xi32, #tpu.memory_space<vmem>>
        %dma_wait3A_318 = tpu.memref_squeeze %dma_wait3A_317 : memref<1x128xi32, #tpu.memory_space<vmem>> -> memref<128xi32, #tpu.memory_space<vmem>>
        %dma_wait3A_319 = arith.constant 0 : i32
        %dma_wait3A_320 = arith.constant 0 : i32
        %dma_wait3A_321 = tpu.memref_slice %arg12[%dma_wait3A_319, %dma_wait3A_320] : memref<10112x128xf32, #tpu.memory_space<vmem_shared>> -> memref<10112x128xf32, #tpu.memory_space<vmem_shared>>
        tpu.wait_indirect_dma semaphore(%arg16 : memref<!tpu.dma_semaphore, #tpu.memory_space<semaphore_mem>>) src(%arg11 : memref<128x128xf32, #tpu.memory_space<vmem>>) dst(%dma_wait3A_321 : memref<10112x128xf32, #tpu.memory_space<vmem_shared>>)
        %dma_start3A_322 = arith.constant 2 : i32
        %dma_start3A_323 = arith.constant 0 : i32
        %dma_start3A_324 = tpu.memref_slice %arg8[%dma_start3A_322, %dma_start3A_323] : memref<4x128xi32, #tpu.memory_space<vmem>> -> memref<1x128xi32, #tpu.memory_space<vmem>>
        %dma_start3A_325 = tpu.memref_squeeze %dma_start3A_324 : memref<1x128xi32, #tpu.memory_space<vmem>> -> memref<128xi32, #tpu.memory_space<vmem>>
        %dma_start3A_326 = arith.constant 0 : i32
        %dma_start3A_327 = arith.constant 0 : i32
        %dma_start3A_328 = tpu.memref_slice %arg2[%dma_start3A_326, %dma_start3A_327] : memref<10000x128xf32, #tpu.memory_space<hbm>> -> memref<10000x128xf32, #tpu.memory_space<hbm>>
        tpu.enqueue_indirect_dma source(%dma_start3A_328 : memref<10000x128xf32, #tpu.memory_space<hbm>>) target(%arg11 : memref<128x128xf32, #tpu.memory_space<vmem>>) offsets(%dma_start3A_325 : memref<128xi32, #tpu.memory_space<vmem>>) semaphore(%arg14 : memref<!tpu.dma_semaphore, #tpu.memory_space<semaphore_mem>>)
        %add3A_329 = arith.constant 1 : i32
        %add3A_330 = arith.addi %add3A_296, %add3A_329 : i32
        %mul3A_331 = arith.constant 4 : i32
        %mul3A_332 = arith.muli %mul3A_331, %add3A_330 : i32
        %add3A_333 = arith.addi %mul3A_22, %mul3A_332 : i32
        %dma_start3A_334 = arith.constant 0 : i32
        %dma_start3A_335 = tpu.memref_slice %arg4[%add3A_333, %dma_start3A_334] : memref<10240x128xi32, #tpu.memory_space<hbm>> -> memref<4x128xi32, #tpu.memory_space<hbm>>
        %dma_start3A_336 = arith.constant 0 : i32
        %dma_start3A_337 = tpu.memref_slice %arg4[%add3A_333, %dma_start3A_336] : memref<10240x128xi32, #tpu.memory_space<hbm>> -> memref<4x128xi32, #tpu.memory_space<hbm>>
        tpu.enqueue_dma source(%dma_start3A_337 : memref<4x128xi32, #tpu.memory_space<hbm>>) target(%arg9 : memref<4x128xi32, #tpu.memory_space<vmem>>) target_semaphore(%arg18 : memref<!tpu.dma_semaphore, #tpu.memory_space<semaphore_mem>>)
        %dma_wait3A_338 = arith.constant 0 : i32
        %dma_wait3A_339 = arith.constant 0 : i32
        %dma_wait3A_340 = tpu.memref_slice %arg8[%dma_wait3A_338, %dma_wait3A_339] : memref<4x128xi32, #tpu.memory_space<vmem>> -> memref<1x128xi32, #tpu.memory_space<vmem>>
        %dma_wait3A_341 = tpu.memref_squeeze %dma_wait3A_340 : memref<1x128xi32, #tpu.memory_space<vmem>> -> memref<128xi32, #tpu.memory_space<vmem>>
        %dma_wait3A_342 = arith.constant 0 : i32
        %dma_wait3A_343 = arith.constant 0 : i32
        %dma_wait3A_344 = tpu.memref_slice %arg2[%dma_wait3A_342, %dma_wait3A_343] : memref<10000x128xf32, #tpu.memory_space<hbm>> -> memref<10000x128xf32, #tpu.memory_space<hbm>>
        tpu.wait_indirect_dma semaphore(%arg13 : memref<!tpu.dma_semaphore, #tpu.memory_space<semaphore_mem>>) src(%dma_wait3A_344 : memref<10000x128xf32, #tpu.memory_space<hbm>>) dst(%arg10 : memref<128x128xf32, #tpu.memory_space<vmem>>)
        %dma_start3A_345 = arith.constant 1 : i32
        %dma_start3A_346 = arith.constant 0 : i32
        %dma_start3A_347 = tpu.memref_slice %arg8[%dma_start3A_345, %dma_start3A_346] : memref<4x128xi32, #tpu.memory_space<vmem>> -> memref<1x128xi32, #tpu.memory_space<vmem>>
        %dma_start3A_348 = tpu.memref_squeeze %dma_start3A_347 : memref<1x128xi32, #tpu.memory_space<vmem>> -> memref<128xi32, #tpu.memory_space<vmem>>
        %dma_start3A_349 = arith.constant 0 : i32
        %dma_start3A_350 = arith.constant 0 : i32
        %dma_start3A_351 = tpu.memref_slice %arg12[%dma_start3A_349, %dma_start3A_350] : memref<10112x128xf32, #tpu.memory_space<vmem_shared>> -> memref<10112x128xf32, #tpu.memory_space<vmem_shared>>
        tpu.enqueue_indirect_dma source(%arg10 : memref<128x128xf32, #tpu.memory_space<vmem>>) target(%dma_start3A_351 : memref<10112x128xf32, #tpu.memory_space<vmem_shared>>) offsets(%dma_start3A_348 : memref<128xi32, #tpu.memory_space<vmem>>) semaphore(%arg15 : memref<!tpu.dma_semaphore, #tpu.memory_space<semaphore_mem>>) {add = true}
        %dma_wait3A_352 = arith.constant 2 : i32
        %dma_wait3A_353 = arith.constant 0 : i32
        %dma_wait3A_354 = tpu.memref_slice %arg8[%dma_wait3A_352, %dma_wait3A_353] : memref<4x128xi32, #tpu.memory_space<vmem>> -> memref<1x128xi32, #tpu.memory_space<vmem>>
        %dma_wait3A_355 = tpu.memref_squeeze %dma_wait3A_354 : memref<1x128xi32, #tpu.memory_space<vmem>> -> memref<128xi32, #tpu.memory_space<vmem>>
        %dma_wait3A_356 = arith.constant 0 : i32
        %dma_wait3A_357 = arith.constant 0 : i32
        %dma_wait3A_358 = tpu.memref_slice %arg2[%dma_wait3A_356, %dma_wait3A_357] : memref<10000x128xf32, #tpu.memory_space<hbm>> -> memref<10000x128xf32, #tpu.memory_space<hbm>>
        tpu.wait_indirect_dma semaphore(%arg14 : memref<!tpu.dma_semaphore, #tpu.memory_space<semaphore_mem>>) src(%dma_wait3A_358 : memref<10000x128xf32, #tpu.memory_space<hbm>>) dst(%arg11 : memref<128x128xf32, #tpu.memory_space<vmem>>)
        %dma_start3A_359 = arith.constant 3 : i32
        %dma_start3A_360 = arith.constant 0 : i32
        %dma_start3A_361 = tpu.memref_slice %arg8[%dma_start3A_359, %dma_start3A_360] : memref<4x128xi32, #tpu.memory_space<vmem>> -> memref<1x128xi32, #tpu.memory_space<vmem>>
        %dma_start3A_362 = tpu.memref_squeeze %dma_start3A_361 : memref<1x128xi32, #tpu.memory_space<vmem>> -> memref<128xi32, #tpu.memory_space<vmem>>
        %dma_start3A_363 = arith.constant 0 : i32
        %dma_start3A_364 = arith.constant 0 : i32
        %dma_start3A_365 = tpu.memref_slice %arg12[%dma_start3A_363, %dma_start3A_364] : memref<10112x128xf32, #tpu.memory_space<vmem_shared>> -> memref<10112x128xf32, #tpu.memory_space<vmem_shared>>
        tpu.enqueue_indirect_dma source(%arg11 : memref<128x128xf32, #tpu.memory_space<vmem>>) target(%dma_start3A_365 : memref<10112x128xf32, #tpu.memory_space<vmem_shared>>) offsets(%dma_start3A_362 : memref<128xi32, #tpu.memory_space<vmem>>) semaphore(%arg16 : memref<!tpu.dma_semaphore, #tpu.memory_space<semaphore_mem>>) {add = true}
        %dma_wait3A_366 = arith.constant 0 : i32
        %dma_wait3A_367 = tpu.memref_slice %arg4[%mul3A_22, %dma_wait3A_366] : memref<10240x128xi32, #tpu.memory_space<hbm>> -> memref<4x128xi32, #tpu.memory_space<hbm>>
        %dma_wait3A_368 = arith.constant 0 : i32
        %dma_wait3A_369 = tpu.memref_slice %arg4[%mul3A_22, %dma_wait3A_368] : memref<10240x128xi32, #tpu.memory_space<hbm>> -> memref<4x128xi32, #tpu.memory_space<hbm>>
        tpu.wait_dma2 semaphore(%arg18 : memref<!tpu.dma_semaphore, #tpu.memory_space<semaphore_mem>>) src(%dma_wait3A_369 : memref<4x128xi32, #tpu.memory_space<hbm>>) dst(%arg9 : memref<4x128xi32, #tpu.memory_space<vmem>>)
        %dma_wait3A_370 = arith.constant 1 : i32
        %dma_wait3A_371 = arith.constant 0 : i32
        %dma_wait3A_372 = tpu.memref_slice %arg8[%dma_wait3A_370, %dma_wait3A_371] : memref<4x128xi32, #tpu.memory_space<vmem>> -> memref<1x128xi32, #tpu.memory_space<vmem>>
        %dma_wait3A_373 = tpu.memref_squeeze %dma_wait3A_372 : memref<1x128xi32, #tpu.memory_space<vmem>> -> memref<128xi32, #tpu.memory_space<vmem>>
        %dma_wait3A_374 = arith.constant 0 : i32
        %dma_wait3A_375 = arith.constant 0 : i32
        %dma_wait3A_376 = tpu.memref_slice %arg12[%dma_wait3A_374, %dma_wait3A_375] : memref<10112x128xf32, #tpu.memory_space<vmem_shared>> -> memref<10112x128xf32, #tpu.memory_space<vmem_shared>>
        tpu.wait_indirect_dma semaphore(%arg15 : memref<!tpu.dma_semaphore, #tpu.memory_space<semaphore_mem>>) src(%arg10 : memref<128x128xf32, #tpu.memory_space<vmem>>) dst(%dma_wait3A_376 : memref<10112x128xf32, #tpu.memory_space<vmem_shared>>)
        %dma_start3A_377 = arith.constant 0 : i32
        %dma_start3A_378 = arith.constant 0 : i32
        %dma_start3A_379 = tpu.memref_slice %arg9[%dma_start3A_377, %dma_start3A_378] : memref<4x128xi32, #tpu.memory_space<vmem>> -> memref<1x128xi32, #tpu.memory_space<vmem>>
        %dma_start3A_380 = tpu.memref_squeeze %dma_start3A_379 : memref<1x128xi32, #tpu.memory_space<vmem>> -> memref<128xi32, #tpu.memory_space<vmem>>
        %dma_start3A_381 = arith.constant 0 : i32
        %dma_start3A_382 = arith.constant 0 : i32
        %dma_start3A_383 = tpu.memref_slice %arg2[%dma_start3A_381, %dma_start3A_382] : memref<10000x128xf32, #tpu.memory_space<hbm>> -> memref<10000x128xf32, #tpu.memory_space<hbm>>
        tpu.enqueue_indirect_dma source(%dma_start3A_383 : memref<10000x128xf32, #tpu.memory_space<hbm>>) target(%arg10 : memref<128x128xf32, #tpu.memory_space<vmem>>) offsets(%dma_start3A_380 : memref<128xi32, #tpu.memory_space<vmem>>) semaphore(%arg13 : memref<!tpu.dma_semaphore, #tpu.memory_space<semaphore_mem>>)
        %dma_wait3A_384 = arith.constant 3 : i32
        %dma_wait3A_385 = arith.constant 0 : i32
        %dma_wait3A_386 = tpu.memref_slice %arg8[%dma_wait3A_384, %dma_wait3A_385] : memref<4x128xi32, #tpu.memory_space<vmem>> -> memref<1x128xi32, #tpu.memory_space<vmem>>
        %dma_wait3A_387 = tpu.memref_squeeze %dma_wait3A_386 : memref<1x128xi32, #tpu.memory_space<vmem>> -> memref<128xi32, #tpu.memory_space<vmem>>
        %dma_wait3A_388 = arith.constant 0 : i32
        %dma_wait3A_389 = arith.constant 0 : i32
        %dma_wait3A_390 = tpu.memref_slice %arg12[%dma_wait3A_388, %dma_wait3A_389] : memref<10112x128xf32, #tpu.memory_space<vmem_shared>> -> memref<10112x128xf32, #tpu.memory_space<vmem_shared>>
        tpu.wait_indirect_dma semaphore(%arg16 : memref<!tpu.dma_semaphore, #tpu.memory_space<semaphore_mem>>) src(%arg11 : memref<128x128xf32, #tpu.memory_space<vmem>>) dst(%dma_wait3A_390 : memref<10112x128xf32, #tpu.memory_space<vmem_shared>>)
        %dma_start3A_391 = arith.constant 2 : i32
        %dma_start3A_392 = arith.constant 0 : i32
        %dma_start3A_393 = tpu.memref_slice %arg9[%dma_start3A_391, %dma_start3A_392] : memref<4x128xi32, #tpu.memory_space<vmem>> -> memref<1x128xi32, #tpu.memory_space<vmem>>
        %dma_start3A_394 = tpu.memref_squeeze %dma_start3A_393 : memref<1x128xi32, #tpu.memory_space<vmem>> -> memref<128xi32, #tpu.memory_space<vmem>>
        %dma_start3A_395 = arith.constant 0 : i32
        %dma_start3A_396 = arith.constant 0 : i32
        %dma_start3A_397 = tpu.memref_slice %arg2[%dma_start3A_395, %dma_start3A_396] : memref<10000x128xf32, #tpu.memory_space<hbm>> -> memref<10000x128xf32, #tpu.memory_space<hbm>>
        tpu.enqueue_indirect_dma source(%dma_start3A_397 : memref<10000x128xf32, #tpu.memory_space<hbm>>) target(%arg11 : memref<128x128xf32, #tpu.memory_space<vmem>>) offsets(%dma_start3A_394 : memref<128xi32, #tpu.memory_space<vmem>>) semaphore(%arg14 : memref<!tpu.dma_semaphore, #tpu.memory_space<semaphore_mem>>)
        %add3A_398 = arith.constant 2 : i32
        %add3A_399 = arith.addi %add3A_296, %add3A_398 : i32
        %mul3A_400 = arith.constant 4 : i32
        %mul3A_401 = arith.muli %mul3A_400, %add3A_399 : i32
        %add3A_402 = arith.addi %mul3A_22, %mul3A_401 : i32
        %dma_start3A_403 = arith.constant 0 : i32
        %dma_start3A_404 = tpu.memref_slice %arg4[%add3A_402, %dma_start3A_403] : memref<10240x128xi32, #tpu.memory_space<hbm>> -> memref<4x128xi32, #tpu.memory_space<hbm>>
        %dma_start3A_405 = arith.constant 0 : i32
        %dma_start3A_406 = tpu.memref_slice %arg4[%add3A_402, %dma_start3A_405] : memref<10240x128xi32, #tpu.memory_space<hbm>> -> memref<4x128xi32, #tpu.memory_space<hbm>>
        tpu.enqueue_dma source(%dma_start3A_406 : memref<4x128xi32, #tpu.memory_space<hbm>>) target(%arg8 : memref<4x128xi32, #tpu.memory_space<vmem>>) target_semaphore(%arg17 : memref<!tpu.dma_semaphore, #tpu.memory_space<semaphore_mem>>)
        %dma_wait3A_407 = arith.constant 0 : i32
        %dma_wait3A_408 = arith.constant 0 : i32
        %dma_wait3A_409 = tpu.memref_slice %arg9[%dma_wait3A_407, %dma_wait3A_408] : memref<4x128xi32, #tpu.memory_space<vmem>> -> memref<1x128xi32, #tpu.memory_space<vmem>>
        %dma_wait3A_410 = tpu.memref_squeeze %dma_wait3A_409 : memref<1x128xi32, #tpu.memory_space<vmem>> -> memref<128xi32, #tpu.memory_space<vmem>>
        %dma_wait3A_411 = arith.constant 0 : i32
        %dma_wait3A_412 = arith.constant 0 : i32
        %dma_wait3A_413 = tpu.memref_slice %arg2[%dma_wait3A_411, %dma_wait3A_412] : memref<10000x128xf32, #tpu.memory_space<hbm>> -> memref<10000x128xf32, #tpu.memory_space<hbm>>
        tpu.wait_indirect_dma semaphore(%arg13 : memref<!tpu.dma_semaphore, #tpu.memory_space<semaphore_mem>>) src(%dma_wait3A_413 : memref<10000x128xf32, #tpu.memory_space<hbm>>) dst(%arg10 : memref<128x128xf32, #tpu.memory_space<vmem>>)
        %dma_start3A_414 = arith.constant 1 : i32
        %dma_start3A_415 = arith.constant 0 : i32
        %dma_start3A_416 = tpu.memref_slice %arg9[%dma_start3A_414, %dma_start3A_415] : memref<4x128xi32, #tpu.memory_space<vmem>> -> memref<1x128xi32, #tpu.memory_space<vmem>>
        %dma_start3A_417 = tpu.memref_squeeze %dma_start3A_416 : memref<1x128xi32, #tpu.memory_space<vmem>> -> memref<128xi32, #tpu.memory_space<vmem>>
        %dma_start3A_418 = arith.constant 0 : i32
        %dma_start3A_419 = arith.constant 0 : i32
        %dma_start3A_420 = tpu.memref_slice %arg12[%dma_start3A_418, %dma_start3A_419] : memref<10112x128xf32, #tpu.memory_space<vmem_shared>> -> memref<10112x128xf32, #tpu.memory_space<vmem_shared>>
        tpu.enqueue_indirect_dma source(%arg10 : memref<128x128xf32, #tpu.memory_space<vmem>>) target(%dma_start3A_420 : memref<10112x128xf32, #tpu.memory_space<vmem_shared>>) offsets(%dma_start3A_417 : memref<128xi32, #tpu.memory_space<vmem>>) semaphore(%arg15 : memref<!tpu.dma_semaphore, #tpu.memory_space<semaphore_mem>>) {add = true}
        %dma_wait3A_421 = arith.constant 2 : i32
        %dma_wait3A_422 = arith.constant 0 : i32
        %dma_wait3A_423 = tpu.memref_slice %arg9[%dma_wait3A_421, %dma_wait3A_422] : memref<4x128xi32, #tpu.memory_space<vmem>> -> memref<1x128xi32, #tpu.memory_space<vmem>>
        %dma_wait3A_424 = tpu.memref_squeeze %dma_wait3A_423 : memref<1x128xi32, #tpu.memory_space<vmem>> -> memref<128xi32, #tpu.memory_space<vmem>>
        %dma_wait3A_425 = arith.constant 0 : i32
        %dma_wait3A_426 = arith.constant 0 : i32
        %dma_wait3A_427 = tpu.memref_slice %arg2[%dma_wait3A_425, %dma_wait3A_426] : memref<10000x128xf32, #tpu.memory_space<hbm>> -> memref<10000x128xf32, #tpu.memory_space<hbm>>
        tpu.wait_indirect_dma semaphore(%arg14 : memref<!tpu.dma_semaphore, #tpu.memory_space<semaphore_mem>>) src(%dma_wait3A_427 : memref<10000x128xf32, #tpu.memory_space<hbm>>) dst(%arg11 : memref<128x128xf32, #tpu.memory_space<vmem>>)
        %dma_start3A_428 = arith.constant 3 : i32
        %dma_start3A_429 = arith.constant 0 : i32
        %dma_start3A_430 = tpu.memref_slice %arg9[%dma_start3A_428, %dma_start3A_429] : memref<4x128xi32, #tpu.memory_space<vmem>> -> memref<1x128xi32, #tpu.memory_space<vmem>>
        %dma_start3A_431 = tpu.memref_squeeze %dma_start3A_430 : memref<1x128xi32, #tpu.memory_space<vmem>> -> memref<128xi32, #tpu.memory_space<vmem>>
        %dma_start3A_432 = arith.constant 0 : i32
        %dma_start3A_433 = arith.constant 0 : i32
        %dma_start3A_434 = tpu.memref_slice %arg12[%dma_start3A_432, %dma_start3A_433] : memref<10112x128xf32, #tpu.memory_space<vmem_shared>> -> memref<10112x128xf32, #tpu.memory_space<vmem_shared>>
        tpu.enqueue_indirect_dma source(%arg11 : memref<128x128xf32, #tpu.memory_space<vmem>>) target(%dma_start3A_434 : memref<10112x128xf32, #tpu.memory_space<vmem_shared>>) offsets(%dma_start3A_431 : memref<128xi32, #tpu.memory_space<vmem>>) semaphore(%arg16 : memref<!tpu.dma_semaphore, #tpu.memory_space<semaphore_mem>>) {add = true}
      }
      %scan3A_147 = arith.constant 78 : i32
      %dma_wait3A_148 = arith.constant 0 : i32
      %dma_wait3A_149 = tpu.memref_slice %arg4[%mul3A_22, %dma_wait3A_148] : memref<10240x128xi32, #tpu.memory_space<hbm>> -> memref<4x128xi32, #tpu.memory_space<hbm>>
      %dma_wait3A_150 = arith.constant 0 : i32
      %dma_wait3A_151 = tpu.memref_slice %arg4[%mul3A_22, %dma_wait3A_150] : memref<10240x128xi32, #tpu.memory_space<hbm>> -> memref<4x128xi32, #tpu.memory_space<hbm>>
      tpu.wait_dma2 semaphore(%arg17 : memref<!tpu.dma_semaphore, #tpu.memory_space<semaphore_mem>>) src(%dma_wait3A_151 : memref<4x128xi32, #tpu.memory_space<hbm>>) dst(%arg8 : memref<4x128xi32, #tpu.memory_space<vmem>>)
      %dma_wait3A_152 = arith.constant 1 : i32
      %dma_wait3A_153 = arith.constant 0 : i32
      %dma_wait3A_154 = tpu.memref_slice %arg9[%dma_wait3A_152, %dma_wait3A_153] : memref<4x128xi32, #tpu.memory_space<vmem>> -> memref<1x128xi32, #tpu.memory_space<vmem>>
      %dma_wait3A_155 = tpu.memref_squeeze %dma_wait3A_154 : memref<1x128xi32, #tpu.memory_space<vmem>> -> memref<128xi32, #tpu.memory_space<vmem>>
      %dma_wait3A_156 = arith.constant 0 : i32
      %dma_wait3A_157 = arith.constant 0 : i32
      %dma_wait3A_158 = tpu.memref_slice %arg12[%dma_wait3A_156, %dma_wait3A_157] : memref<10112x128xf32, #tpu.memory_space<vmem_shared>> -> memref<10112x128xf32, #tpu.memory_space<vmem_shared>>
      tpu.wait_indirect_dma semaphore(%arg15 : memref<!tpu.dma_semaphore, #tpu.memory_space<semaphore_mem>>) src(%arg10 : memref<128x128xf32, #tpu.memory_space<vmem>>) dst(%dma_wait3A_158 : memref<10112x128xf32, #tpu.memory_space<vmem_shared>>)
      %dma_start3A_159 = arith.constant 0 : i32
      %dma_start3A_160 = arith.constant 0 : i32
      %dma_start3A_161 = tpu.memref_slice %arg8[%dma_start3A_159, %dma_start3A_160] : memref<4x128xi32, #tpu.memory_space<vmem>> -> memref<1x128xi32, #tpu.memory_space<vmem>>
      %dma_start3A_162 = tpu.memref_squeeze %dma_start3A_161 : memref<1x128xi32, #tpu.memory_space<vmem>> -> memref<128xi32, #tpu.memory_space<vmem>>
      %dma_start3A_163 = arith.constant 0 : i32
      %dma_start3A_164 = arith.constant 0 : i32
      %dma_start3A_165 = tpu.memref_slice %arg2[%dma_start3A_163, %dma_start3A_164] : memref<10000x128xf32, #tpu.memory_space<hbm>> -> memref<10000x128xf32, #tpu.memory_space<hbm>>
      tpu.enqueue_indirect_dma source(%dma_start3A_165 : memref<10000x128xf32, #tpu.memory_space<hbm>>) target(%arg10 : memref<128x128xf32, #tpu.memory_space<vmem>>) offsets(%dma_start3A_162 : memref<128xi32, #tpu.memory_space<vmem>>) semaphore(%arg13 : memref<!tpu.dma_semaphore, #tpu.memory_space<semaphore_mem>>)
      %dma_wait3A_166 = arith.constant 3 : i32
      %dma_wait3A_167 = arith.constant 0 : i32
      %dma_wait3A_168 = tpu.memref_slice %arg9[%dma_wait3A_166, %dma_wait3A_167] : memref<4x128xi32, #tpu.memory_space<vmem>> -> memref<1x128xi32, #tpu.memory_space<vmem>>
      %dma_wait3A_169 = tpu.memref_squeeze %dma_wait3A_168 : memref<1x128xi32, #tpu.memory_space<vmem>> -> memref<128xi32, #tpu.memory_space<vmem>>
      %dma_wait3A_170 = arith.constant 0 : i32
      %dma_wait3A_171 = arith.constant 0 : i32
      %dma_wait3A_172 = tpu.memref_slice %arg12[%dma_wait3A_170, %dma_wait3A_171] : memref<10112x128xf32, #tpu.memory_space<vmem_shared>> -> memref<10112x128xf32, #tpu.memory_space<vmem_shared>>
      tpu.wait_indirect_dma semaphore(%arg16 : memref<!tpu.dma_semaphore, #tpu.memory_space<semaphore_mem>>) src(%arg11 : memref<128x128xf32, #tpu.memory_space<vmem>>) dst(%dma_wait3A_172 : memref<10112x128xf32, #tpu.memory_space<vmem_shared>>)
      %dma_start3A_173 = arith.constant 2 : i32
      %dma_start3A_174 = arith.constant 0 : i32
      %dma_start3A_175 = tpu.memref_slice %arg8[%dma_start3A_173, %dma_start3A_174] : memref<4x128xi32, #tpu.memory_space<vmem>> -> memref<1x128xi32, #tpu.memory_space<vmem>>
      %dma_start3A_176 = tpu.memref_squeeze %dma_start3A_175 : memref<1x128xi32, #tpu.memory_space<vmem>> -> memref<128xi32, #tpu.memory_space<vmem>>
      %dma_start3A_177 = arith.constant 0 : i32
      %dma_start3A_178 = arith.constant 0 : i32
      %dma_start3A_179 = tpu.memref_slice %arg2[%dma_start3A_177, %dma_start3A_178] : memref<10000x128xf32, #tpu.memory_space<hbm>> -> memref<10000x128xf32, #tpu.memory_space<hbm>>
      tpu.enqueue_indirect_dma source(%dma_start3A_179 : memref<10000x128xf32, #tpu.memory_space<hbm>>) target(%arg11 : memref<128x128xf32, #tpu.memory_space<vmem>>) offsets(%dma_start3A_176 : memref<128xi32, #tpu.memory_space<vmem>>) semaphore(%arg14 : memref<!tpu.dma_semaphore, #tpu.memory_space<semaphore_mem>>)
      %add3A_180 = arith.constant 636 : i32
      %add3A_181 = arith.addi %mul3A_22, %add3A_180 : i32
      %dma_start3A_182 = arith.constant 0 : i32
      %dma_start3A_183 = tpu.memref_slice %arg4[%add3A_181, %dma_start3A_182] : memref<10240x128xi32, #tpu.memory_space<hbm>> -> memref<4x128xi32, #tpu.memory_space<hbm>>
      %dma_start3A_184 = arith.constant 0 : i32
      %dma_start3A_185 = tpu.memref_slice %arg4[%add3A_181, %dma_start3A_184] : memref<10240x128xi32, #tpu.memory_space<hbm>> -> memref<4x128xi32, #tpu.memory_space<hbm>>
      tpu.enqueue_dma source(%dma_start3A_185 : memref<4x128xi32, #tpu.memory_space<hbm>>) target(%arg9 : memref<4x128xi32, #tpu.memory_space<vmem>>) target_semaphore(%arg18 : memref<!tpu.dma_semaphore, #tpu.memory_space<semaphore_mem>>)
      %dma_wait3A_186 = arith.constant 0 : i32
      %dma_wait3A_187 = arith.constant 0 : i32
      %dma_wait3A_188 = tpu.memref_slice %arg8[%dma_wait3A_186, %dma_wait3A_187] : memref<4x128xi32, #tpu.memory_space<vmem>> -> memref<1x128xi32, #tpu.memory_space<vmem>>
      %dma_wait3A_189 = tpu.memref_squeeze %dma_wait3A_188 : memref<1x128xi32, #tpu.memory_space<vmem>> -> memref<128xi32, #tpu.memory_space<vmem>>
      %dma_wait3A_190 = arith.constant 0 : i32
      %dma_wait3A_191 = arith.constant 0 : i32
      %dma_wait3A_192 = tpu.memref_slice %arg2[%dma_wait3A_190, %dma_wait3A_191] : memref<10000x128xf32, #tpu.memory_space<hbm>> -> memref<10000x128xf32, #tpu.memory_space<hbm>>
      tpu.wait_indirect_dma semaphore(%arg13 : memref<!tpu.dma_semaphore, #tpu.memory_space<semaphore_mem>>) src(%dma_wait3A_192 : memref<10000x128xf32, #tpu.memory_space<hbm>>) dst(%arg10 : memref<128x128xf32, #tpu.memory_space<vmem>>)
      %dma_start3A_193 = arith.constant 1 : i32
      %dma_start3A_194 = arith.constant 0 : i32
      %dma_start3A_195 = tpu.memref_slice %arg8[%dma_start3A_193, %dma_start3A_194] : memref<4x128xi32, #tpu.memory_space<vmem>> -> memref<1x128xi32, #tpu.memory_space<vmem>>
      %dma_start3A_196 = tpu.memref_squeeze %dma_start3A_195 : memref<1x128xi32, #tpu.memory_space<vmem>> -> memref<128xi32, #tpu.memory_space<vmem>>
      %dma_start3A_197 = arith.constant 0 : i32
      %dma_start3A_198 = arith.constant 0 : i32
      %dma_start3A_199 = tpu.memref_slice %arg12[%dma_start3A_197, %dma_start3A_198] : memref<10112x128xf32, #tpu.memory_space<vmem_shared>> -> memref<10112x128xf32, #tpu.memory_space<vmem_shared>>
      tpu.enqueue_indirect_dma source(%arg10 : memref<128x128xf32, #tpu.memory_space<vmem>>) target(%dma_start3A_199 : memref<10112x128xf32, #tpu.memory_space<vmem_shared>>) offsets(%dma_start3A_196 : memref<128xi32, #tpu.memory_space<vmem>>) semaphore(%arg15 : memref<!tpu.dma_semaphore, #tpu.memory_space<semaphore_mem>>) {add = true}
      %dma_wait3A_200 = arith.constant 2 : i32
      %dma_wait3A_201 = arith.constant 0 : i32
      %dma_wait3A_202 = tpu.memref_slice %arg8[%dma_wait3A_200, %dma_wait3A_201] : memref<4x128xi32, #tpu.memory_space<vmem>> -> memref<1x128xi32, #tpu.memory_space<vmem>>
      %dma_wait3A_203 = tpu.memref_squeeze %dma_wait3A_202 : memref<1x128xi32, #tpu.memory_space<vmem>> -> memref<128xi32, #tpu.memory_space<vmem>>
      %dma_wait3A_204 = arith.constant 0 : i32
      %dma_wait3A_205 = arith.constant 0 : i32
      %dma_wait3A_206 = tpu.memref_slice %arg2[%dma_wait3A_204, %dma_wait3A_205] : memref<10000x128xf32, #tpu.memory_space<hbm>> -> memref<10000x128xf32, #tpu.memory_space<hbm>>
      tpu.wait_indirect_dma semaphore(%arg14 : memref<!tpu.dma_semaphore, #tpu.memory_space<semaphore_mem>>) src(%dma_wait3A_206 : memref<10000x128xf32, #tpu.memory_space<hbm>>) dst(%arg11 : memref<128x128xf32, #tpu.memory_space<vmem>>)
      %dma_start3A_207 = arith.constant 3 : i32
      %dma_start3A_208 = arith.constant 0 : i32
      %dma_start3A_209 = tpu.memref_slice %arg8[%dma_start3A_207, %dma_start3A_208] : memref<4x128xi32, #tpu.memory_space<vmem>> -> memref<1x128xi32, #tpu.memory_space<vmem>>
      %dma_start3A_210 = tpu.memref_squeeze %dma_start3A_209 : memref<1x128xi32, #tpu.memory_space<vmem>> -> memref<128xi32, #tpu.memory_space<vmem>>
      %dma_start3A_211 = arith.constant 0 : i32
      %dma_start3A_212 = arith.constant 0 : i32
      %dma_start3A_213 = tpu.memref_slice %arg12[%dma_start3A_211, %dma_start3A_212] : memref<10112x128xf32, #tpu.memory_space<vmem_shared>> -> memref<10112x128xf32, #tpu.memory_space<vmem_shared>>
      tpu.enqueue_indirect_dma source(%arg11 : memref<128x128xf32, #tpu.memory_space<vmem>>) target(%dma_start3A_213 : memref<10112x128xf32, #tpu.memory_space<vmem_shared>>) offsets(%dma_start3A_210 : memref<128xi32, #tpu.memory_space<vmem>>) semaphore(%arg16 : memref<!tpu.dma_semaphore, #tpu.memory_space<semaphore_mem>>) {add = true}
      %dma_wait3A_214 = arith.constant 0 : i32
      %dma_wait3A_215 = tpu.memref_slice %arg4[%mul3A_22, %dma_wait3A_214] : memref<10240x128xi32, #tpu.memory_space<hbm>> -> memref<4x128xi32, #tpu.memory_space<hbm>>
      %dma_wait3A_216 = arith.constant 0 : i32
      %dma_wait3A_217 = tpu.memref_slice %arg4[%mul3A_22, %dma_wait3A_216] : memref<10240x128xi32, #tpu.memory_space<hbm>> -> memref<4x128xi32, #tpu.memory_space<hbm>>
      tpu.wait_dma2 semaphore(%arg18 : memref<!tpu.dma_semaphore, #tpu.memory_space<semaphore_mem>>) src(%dma_wait3A_217 : memref<4x128xi32, #tpu.memory_space<hbm>>) dst(%arg9 : memref<4x128xi32, #tpu.memory_space<vmem>>)
      %dma_wait3A_218 = arith.constant 1 : i32
      %dma_wait3A_219 = arith.constant 0 : i32
      %dma_wait3A_220 = tpu.memref_slice %arg8[%dma_wait3A_218, %dma_wait3A_219] : memref<4x128xi32, #tpu.memory_space<vmem>> -> memref<1x128xi32, #tpu.memory_space<vmem>>
      %dma_wait3A_221 = tpu.memref_squeeze %dma_wait3A_220 : memref<1x128xi32, #tpu.memory_space<vmem>> -> memref<128xi32, #tpu.memory_space<vmem>>
      %dma_wait3A_222 = arith.constant 0 : i32
      %dma_wait3A_223 = arith.constant 0 : i32
      %dma_wait3A_224 = tpu.memref_slice %arg12[%dma_wait3A_222, %dma_wait3A_223] : memref<10112x128xf32, #tpu.memory_space<vmem_shared>> -> memref<10112x128xf32, #tpu.memory_space<vmem_shared>>
      tpu.wait_indirect_dma semaphore(%arg15 : memref<!tpu.dma_semaphore, #tpu.memory_space<semaphore_mem>>) src(%arg10 : memref<128x128xf32, #tpu.memory_space<vmem>>) dst(%dma_wait3A_224 : memref<10112x128xf32, #tpu.memory_space<vmem_shared>>)
      %dma_start3A_225 = arith.constant 0 : i32
      %dma_start3A_226 = arith.constant 0 : i32
      %dma_start3A_227 = tpu.memref_slice %arg9[%dma_start3A_225, %dma_start3A_226] : memref<4x128xi32, #tpu.memory_space<vmem>> -> memref<1x128xi32, #tpu.memory_space<vmem>>
      %dma_start3A_228 = tpu.memref_squeeze %dma_start3A_227 : memref<1x128xi32, #tpu.memory_space<vmem>> -> memref<128xi32, #tpu.memory_space<vmem>>
      %dma_start3A_229 = arith.constant 0 : i32
      %dma_start3A_230 = arith.constant 0 : i32
      %dma_start3A_231 = tpu.memref_slice %arg2[%dma_start3A_229, %dma_start3A_230] : memref<10000x128xf32, #tpu.memory_space<hbm>> -> memref<10000x128xf32, #tpu.memory_space<hbm>>
      tpu.enqueue_indirect_dma source(%dma_start3A_231 : memref<10000x128xf32, #tpu.memory_space<hbm>>) target(%arg10 : memref<128x128xf32, #tpu.memory_space<vmem>>) offsets(%dma_start3A_228 : memref<128xi32, #tpu.memory_space<vmem>>) semaphore(%arg13 : memref<!tpu.dma_semaphore, #tpu.memory_space<semaphore_mem>>)
      %dma_wait3A_232 = arith.constant 3 : i32
      %dma_wait3A_233 = arith.constant 0 : i32
      %dma_wait3A_234 = tpu.memref_slice %arg8[%dma_wait3A_232, %dma_wait3A_233] : memref<4x128xi32, #tpu.memory_space<vmem>> -> memref<1x128xi32, #tpu.memory_space<vmem>>
      %dma_wait3A_235 = tpu.memref_squeeze %dma_wait3A_234 : memref<1x128xi32, #tpu.memory_space<vmem>> -> memref<128xi32, #tpu.memory_space<vmem>>
      %dma_wait3A_236 = arith.constant 0 : i32
      %dma_wait3A_237 = arith.constant 0 : i32
      %dma_wait3A_238 = tpu.memref_slice %arg12[%dma_wait3A_236, %dma_wait3A_237] : memref<10112x128xf32, #tpu.memory_space<vmem_shared>> -> memref<10112x128xf32, #tpu.memory_space<vmem_shared>>
      tpu.wait_indirect_dma semaphore(%arg16 : memref<!tpu.dma_semaphore, #tpu.memory_space<semaphore_mem>>) src(%arg11 : memref<128x128xf32, #tpu.memory_space<vmem>>) dst(%dma_wait3A_238 : memref<10112x128xf32, #tpu.memory_space<vmem_shared>>)
      %dma_start3A_239 = arith.constant 2 : i32
      %dma_start3A_240 = arith.constant 0 : i32
      %dma_start3A_241 = tpu.memref_slice %arg9[%dma_start3A_239, %dma_start3A_240] : memref<4x128xi32, #tpu.memory_space<vmem>> -> memref<1x128xi32, #tpu.memory_space<vmem>>
      %dma_start3A_242 = tpu.memref_squeeze %dma_start3A_241 : memref<1x128xi32, #tpu.memory_space<vmem>> -> memref<128xi32, #tpu.memory_space<vmem>>
      %dma_start3A_243 = arith.constant 0 : i32
      %dma_start3A_244 = arith.constant 0 : i32
      %dma_start3A_245 = tpu.memref_slice %arg2[%dma_start3A_243, %dma_start3A_244] : memref<10000x128xf32, #tpu.memory_space<hbm>> -> memref<10000x128xf32, #tpu.memory_space<hbm>>
      tpu.enqueue_indirect_dma source(%dma_start3A_245 : memref<10000x128xf32, #tpu.memory_space<hbm>>) target(%arg11 : memref<128x128xf32, #tpu.memory_space<vmem>>) offsets(%dma_start3A_242 : memref<128xi32, #tpu.memory_space<vmem>>) semaphore(%arg14 : memref<!tpu.dma_semaphore, #tpu.memory_space<semaphore_mem>>)
      %dma_wait3A_246 = arith.constant 0 : i32
      %dma_wait3A_247 = arith.constant 0 : i32
      %dma_wait3A_248 = tpu.memref_slice %arg9[%dma_wait3A_246, %dma_wait3A_247] : memref<4x128xi32, #tpu.memory_space<vmem>> -> memref<1x128xi32, #tpu.memory_space<vmem>>
      %dma_wait3A_249 = tpu.memref_squeeze %dma_wait3A_248 : memref<1x128xi32, #tpu.memory_space<vmem>> -> memref<128xi32, #tpu.memory_space<vmem>>
      %dma_wait3A_250 = arith.constant 0 : i32
      %dma_wait3A_251 = arith.constant 0 : i32
      %dma_wait3A_252 = tpu.memref_slice %arg2[%dma_wait3A_250, %dma_wait3A_251] : memref<10000x128xf32, #tpu.memory_space<hbm>> -> memref<10000x128xf32, #tpu.memory_space<hbm>>
      tpu.wait_indirect_dma semaphore(%arg13 : memref<!tpu.dma_semaphore, #tpu.memory_space<semaphore_mem>>) src(%dma_wait3A_252 : memref<10000x128xf32, #tpu.memory_space<hbm>>) dst(%arg10 : memref<128x128xf32, #tpu.memory_space<vmem>>)
      %dma_start3A_253 = arith.constant 1 : i32
      %dma_start3A_254 = arith.constant 0 : i32
      %dma_start3A_255 = tpu.memref_slice %arg9[%dma_start3A_253, %dma_start3A_254] : memref<4x128xi32, #tpu.memory_space<vmem>> -> memref<1x128xi32, #tpu.memory_space<vmem>>
      %dma_start3A_256 = tpu.memref_squeeze %dma_start3A_255 : memref<1x128xi32, #tpu.memory_space<vmem>> -> memref<128xi32, #tpu.memory_space<vmem>>
      %dma_start3A_257 = arith.constant 0 : i32
      %dma_start3A_258 = arith.constant 0 : i32
      %dma_start3A_259 = tpu.memref_slice %arg12[%dma_start3A_257, %dma_start3A_258] : memref<10112x128xf32, #tpu.memory_space<vmem_shared>> -> memref<10112x128xf32, #tpu.memory_space<vmem_shared>>
      tpu.enqueue_indirect_dma source(%arg10 : memref<128x128xf32, #tpu.memory_space<vmem>>) target(%dma_start3A_259 : memref<10112x128xf32, #tpu.memory_space<vmem_shared>>) offsets(%dma_start3A_256 : memref<128xi32, #tpu.memory_space<vmem>>) semaphore(%arg15 : memref<!tpu.dma_semaphore, #tpu.memory_space<semaphore_mem>>) {add = true}
      %dma_wait3A_260 = arith.constant 2 : i32
      %dma_wait3A_261 = arith.constant 0 : i32
      %dma_wait3A_262 = tpu.memref_slice %arg9[%dma_wait3A_260, %dma_wait3A_261] : memref<4x128xi32, #tpu.memory_space<vmem>> -> memref<1x128xi32, #tpu.memory_space<vmem>>
      %dma_wait3A_263 = tpu.memref_squeeze %dma_wait3A_262 : memref<1x128xi32, #tpu.memory_space<vmem>> -> memref<128xi32, #tpu.memory_space<vmem>>
      %dma_wait3A_264 = arith.constant 0 : i32
      %dma_wait3A_265 = arith.constant 0 : i32
      %dma_wait3A_266 = tpu.memref_slice %arg2[%dma_wait3A_264, %dma_wait3A_265] : memref<10000x128xf32, #tpu.memory_space<hbm>> -> memref<10000x128xf32, #tpu.memory_space<hbm>>
      tpu.wait_indirect_dma semaphore(%arg14 : memref<!tpu.dma_semaphore, #tpu.memory_space<semaphore_mem>>) src(%dma_wait3A_266 : memref<10000x128xf32, #tpu.memory_space<hbm>>) dst(%arg11 : memref<128x128xf32, #tpu.memory_space<vmem>>)
      %dma_start3A_267 = arith.constant 3 : i32
      %dma_start3A_268 = arith.constant 0 : i32
      %dma_start3A_269 = tpu.memref_slice %arg9[%dma_start3A_267, %dma_start3A_268] : memref<4x128xi32, #tpu.memory_space<vmem>> -> memref<1x128xi32, #tpu.memory_space<vmem>>
      %dma_start3A_270 = tpu.memref_squeeze %dma_start3A_269 : memref<1x128xi32, #tpu.memory_space<vmem>> -> memref<128xi32, #tpu.memory_space<vmem>>
      %dma_start3A_271 = arith.constant 0 : i32
      %dma_start3A_272 = arith.constant 0 : i32
      %dma_start3A_273 = tpu.memref_slice %arg12[%dma_start3A_271, %dma_start3A_272] : memref<10112x128xf32, #tpu.memory_space<vmem_shared>> -> memref<10112x128xf32, #tpu.memory_space<vmem_shared>>
      tpu.enqueue_indirect_dma source(%arg11 : memref<128x128xf32, #tpu.memory_space<vmem>>) target(%dma_start3A_273 : memref<10112x128xf32, #tpu.memory_space<vmem_shared>>) offsets(%dma_start3A_270 : memref<128xi32, #tpu.memory_space<vmem>>) semaphore(%arg16 : memref<!tpu.dma_semaphore, #tpu.memory_space<semaphore_mem>>) {add = true}
      %dma_wait3A_274 = arith.constant 1 : i32
      %dma_wait3A_275 = arith.constant 0 : i32
      %dma_wait3A_276 = tpu.memref_slice %arg9[%dma_wait3A_274, %dma_wait3A_275] : memref<4x128xi32, #tpu.memory_space<vmem>> -> memref<1x128xi32, #tpu.memory_space<vmem>>
      %dma_wait3A_277 = tpu.memref_squeeze %dma_wait3A_276 : memref<1x128xi32, #tpu.memory_space<vmem>> -> memref<128xi32, #tpu.memory_space<vmem>>
      %dma_wait3A_278 = arith.constant 0 : i32
      %dma_wait3A_279 = arith.constant 0 : i32
      %dma_wait3A_280 = tpu.memref_slice %arg12[%dma_wait3A_278, %dma_wait3A_279] : memref<10112x128xf32, #tpu.memory_space<vmem_shared>> -> memref<10112x128xf32, #tpu.memory_space<vmem_shared>>
      tpu.wait_indirect_dma semaphore(%arg15 : memref<!tpu.dma_semaphore, #tpu.memory_space<semaphore_mem>>) src(%arg10 : memref<128x128xf32, #tpu.memory_space<vmem>>) dst(%dma_wait3A_280 : memref<10112x128xf32, #tpu.memory_space<vmem_shared>>)
      %dma_wait3A_281 = arith.constant 3 : i32
      %dma_wait3A_282 = arith.constant 0 : i32
      %dma_wait3A_283 = tpu.memref_slice %arg9[%dma_wait3A_281, %dma_wait3A_282] : memref<4x128xi32, #tpu.memory_space<vmem>> -> memref<1x128xi32, #tpu.memory_space<vmem>>
      %dma_wait3A_284 = tpu.memref_squeeze %dma_wait3A_283 : memref<1x128xi32, #tpu.memory_space<vmem>> -> memref<128xi32, #tpu.memory_space<vmem>>
      %dma_wait3A_285 = arith.constant 0 : i32
      %dma_wait3A_286 = arith.constant 0 : i32
      %dma_wait3A_287 = tpu.memref_slice %arg12[%dma_wait3A_285, %dma_wait3A_286] : memref<10112x128xf32, #tpu.memory_space<vmem_shared>> -> memref<10112x128xf32, #tpu.memory_space<vmem_shared>>
      tpu.wait_indirect_dma semaphore(%arg16 : memref<!tpu.dma_semaphore, #tpu.memory_space<semaphore_mem>>) src(%arg11 : memref<128x128xf32, #tpu.memory_space<vmem>>) dst(%dma_wait3A_287 : memref<10112x128xf32, #tpu.memory_space<vmem_shared>>)
    } else {
    }
    %eq3A_3 = arith.constant 1 : i32
    %eq3A_4 = arith.cmpi eq, %arg0, %eq3A_3 : i32
    %convert_element_type3A_5 = arith.extui %eq3A_4 : i1 to i32
    %cond3A_6 = arith.constant 0 : i32
    %cond3A_7 = arith.cmpi ne, %convert_element_type3A_5, %cond3A_6 : i32
    scf.if %cond3A_7 {
      %mul3A_19 = arith.constant 2 : i32
      %mul3A_20 = arith.muli %mul3A_19, %arg1 : i32
      %mul3A_21 = arith.constant 320 : i32
      %mul3A_22 = arith.muli %mul3A_20, %mul3A_21 : i32
      %add3A = arith.constant 0 : i32
      %add3A_23 = arith.addi %mul3A_22, %add3A : i32
      %dma_start3A = arith.constant 0 : i32
      %dma_start3A_24 = tpu.memref_slice %arg4[%add3A_23, %dma_start3A] : memref<10240x128xi32, #tpu.memory_space<hbm>> -> memref<4x128xi32, #tpu.memory_space<hbm>>
      %dma_start3A_25 = arith.constant 0 : i32
      %dma_start3A_26 = tpu.memref_slice %arg4[%add3A_23, %dma_start3A_25] : memref<10240x128xi32, #tpu.memory_space<hbm>> -> memref<4x128xi32, #tpu.memory_space<hbm>>
      tpu.enqueue_dma source(%dma_start3A_26 : memref<4x128xi32, #tpu.memory_space<hbm>>) target(%arg8 : memref<4x128xi32, #tpu.memory_space<vmem>>) target_semaphore(%arg17 : memref<!tpu.dma_semaphore, #tpu.memory_space<semaphore_mem>>)
      %dma_wait3A = arith.constant 0 : i32
      %dma_wait3A_27 = tpu.memref_slice %arg4[%add3A_23, %dma_wait3A] : memref<10240x128xi32, #tpu.memory_space<hbm>> -> memref<4x128xi32, #tpu.memory_space<hbm>>
      %dma_wait3A_28 = arith.constant 0 : i32
      %dma_wait3A_29 = tpu.memref_slice %arg4[%add3A_23, %dma_wait3A_28] : memref<10240x128xi32, #tpu.memory_space<hbm>> -> memref<4x128xi32, #tpu.memory_space<hbm>>
      tpu.wait_dma2 semaphore(%arg17 : memref<!tpu.dma_semaphore, #tpu.memory_space<semaphore_mem>>) src(%dma_wait3A_29 : memref<4x128xi32, #tpu.memory_space<hbm>>) dst(%arg8 : memref<4x128xi32, #tpu.memory_space<vmem>>)
      %dma_start3A_30 = arith.constant 0 : i32
      %dma_start3A_31 = arith.constant 0 : i32
      %dma_start3A_32 = tpu.memref_slice %arg8[%dma_start3A_30, %dma_start3A_31] : memref<4x128xi32, #tpu.memory_space<vmem>> -> memref<1x128xi32, #tpu.memory_space<vmem>>
      %dma_start3A_33 = tpu.memref_squeeze %dma_start3A_32 : memref<1x128xi32, #tpu.memory_space<vmem>> -> memref<128xi32, #tpu.memory_space<vmem>>
      %dma_start3A_34 = arith.constant 0 : i32
      %dma_start3A_35 = arith.constant 0 : i32
      %dma_start3A_36 = tpu.memref_slice %arg3[%dma_start3A_34, %dma_start3A_35] : memref<10000x128xf32, #tpu.memory_space<hbm>> -> memref<10000x128xf32, #tpu.memory_space<hbm>>
      tpu.enqueue_indirect_dma source(%dma_start3A_36 : memref<10000x128xf32, #tpu.memory_space<hbm>>) target(%arg10 : memref<128x128xf32, #tpu.memory_space<vmem>>) offsets(%dma_start3A_33 : memref<128xi32, #tpu.memory_space<vmem>>) semaphore(%arg13 : memref<!tpu.dma_semaphore, #tpu.memory_space<semaphore_mem>>)
      %dma_start3A_37 = arith.constant 2 : i32
      %dma_start3A_38 = arith.constant 0 : i32
      %dma_start3A_39 = tpu.memref_slice %arg8[%dma_start3A_37, %dma_start3A_38] : memref<4x128xi32, #tpu.memory_space<vmem>> -> memref<1x128xi32, #tpu.memory_space<vmem>>
      %dma_start3A_40 = tpu.memref_squeeze %dma_start3A_39 : memref<1x128xi32, #tpu.memory_space<vmem>> -> memref<128xi32, #tpu.memory_space<vmem>>
      %dma_start3A_41 = arith.constant 0 : i32
      %dma_start3A_42 = arith.constant 0 : i32
      %dma_start3A_43 = tpu.memref_slice %arg3[%dma_start3A_41, %dma_start3A_42] : memref<10000x128xf32, #tpu.memory_space<hbm>> -> memref<10000x128xf32, #tpu.memory_space<hbm>>
      tpu.enqueue_indirect_dma source(%dma_start3A_43 : memref<10000x128xf32, #tpu.memory_space<hbm>>) target(%arg11 : memref<128x128xf32, #tpu.memory_space<vmem>>) offsets(%dma_start3A_40 : memref<128xi32, #tpu.memory_space<vmem>>) semaphore(%arg14 : memref<!tpu.dma_semaphore, #tpu.memory_space<semaphore_mem>>)
      %add3A_44 = arith.constant 4 : i32
      %add3A_45 = arith.addi %mul3A_22, %add3A_44 : i32
      %dma_start3A_46 = arith.constant 0 : i32
      %dma_start3A_47 = tpu.memref_slice %arg4[%add3A_45, %dma_start3A_46] : memref<10240x128xi32, #tpu.memory_space<hbm>> -> memref<4x128xi32, #tpu.memory_space<hbm>>
      %dma_start3A_48 = arith.constant 0 : i32
      %dma_start3A_49 = tpu.memref_slice %arg4[%add3A_45, %dma_start3A_48] : memref<10240x128xi32, #tpu.memory_space<hbm>> -> memref<4x128xi32, #tpu.memory_space<hbm>>
      tpu.enqueue_dma source(%dma_start3A_49 : memref<4x128xi32, #tpu.memory_space<hbm>>) target(%arg9 : memref<4x128xi32, #tpu.memory_space<vmem>>) target_semaphore(%arg18 : memref<!tpu.dma_semaphore, #tpu.memory_space<semaphore_mem>>)
      %dma_wait3A_50 = arith.constant 0 : i32
      %dma_wait3A_51 = arith.constant 0 : i32
      %dma_wait3A_52 = tpu.memref_slice %arg8[%dma_wait3A_50, %dma_wait3A_51] : memref<4x128xi32, #tpu.memory_space<vmem>> -> memref<1x128xi32, #tpu.memory_space<vmem>>
      %dma_wait3A_53 = tpu.memref_squeeze %dma_wait3A_52 : memref<1x128xi32, #tpu.memory_space<vmem>> -> memref<128xi32, #tpu.memory_space<vmem>>
      %dma_wait3A_54 = arith.constant 0 : i32
      %dma_wait3A_55 = arith.constant 0 : i32
      %dma_wait3A_56 = tpu.memref_slice %arg3[%dma_wait3A_54, %dma_wait3A_55] : memref<10000x128xf32, #tpu.memory_space<hbm>> -> memref<10000x128xf32, #tpu.memory_space<hbm>>
      tpu.wait_indirect_dma semaphore(%arg13 : memref<!tpu.dma_semaphore, #tpu.memory_space<semaphore_mem>>) src(%dma_wait3A_56 : memref<10000x128xf32, #tpu.memory_space<hbm>>) dst(%arg10 : memref<128x128xf32, #tpu.memory_space<vmem>>)
      %dma_start3A_57 = arith.constant 1 : i32
      %dma_start3A_58 = arith.constant 0 : i32
      %dma_start3A_59 = tpu.memref_slice %arg8[%dma_start3A_57, %dma_start3A_58] : memref<4x128xi32, #tpu.memory_space<vmem>> -> memref<1x128xi32, #tpu.memory_space<vmem>>
      %dma_start3A_60 = tpu.memref_squeeze %dma_start3A_59 : memref<1x128xi32, #tpu.memory_space<vmem>> -> memref<128xi32, #tpu.memory_space<vmem>>
      %dma_start3A_61 = arith.constant 0 : i32
      %dma_start3A_62 = arith.constant 0 : i32
      %dma_start3A_63 = tpu.memref_slice %arg12[%dma_start3A_61, %dma_start3A_62] : memref<10112x128xf32, #tpu.memory_space<vmem_shared>> -> memref<10112x128xf32, #tpu.memory_space<vmem_shared>>
      tpu.enqueue_indirect_dma source(%arg10 : memref<128x128xf32, #tpu.memory_space<vmem>>) target(%dma_start3A_63 : memref<10112x128xf32, #tpu.memory_space<vmem_shared>>) offsets(%dma_start3A_60 : memref<128xi32, #tpu.memory_space<vmem>>) semaphore(%arg15 : memref<!tpu.dma_semaphore, #tpu.memory_space<semaphore_mem>>) {add = true}
      %dma_wait3A_64 = arith.constant 2 : i32
      %dma_wait3A_65 = arith.constant 0 : i32
      %dma_wait3A_66 = tpu.memref_slice %arg8[%dma_wait3A_64, %dma_wait3A_65] : memref<4x128xi32, #tpu.memory_space<vmem>> -> memref<1x128xi32, #tpu.memory_space<vmem>>
      %dma_wait3A_67 = tpu.memref_squeeze %dma_wait3A_66 : memref<1x128xi32, #tpu.memory_space<vmem>> -> memref<128xi32, #tpu.memory_space<vmem>>
      %dma_wait3A_68 = arith.constant 0 : i32
      %dma_wait3A_69 = arith.constant 0 : i32
      %dma_wait3A_70 = tpu.memref_slice %arg3[%dma_wait3A_68, %dma_wait3A_69] : memref<10000x128xf32, #tpu.memory_space<hbm>> -> memref<10000x128xf32, #tpu.memory_space<hbm>>
      tpu.wait_indirect_dma semaphore(%arg14 : memref<!tpu.dma_semaphore, #tpu.memory_space<semaphore_mem>>) src(%dma_wait3A_70 : memref<10000x128xf32, #tpu.memory_space<hbm>>) dst(%arg11 : memref<128x128xf32, #tpu.memory_space<vmem>>)
      %dma_start3A_71 = arith.constant 3 : i32
      %dma_start3A_72 = arith.constant 0 : i32
      %dma_start3A_73 = tpu.memref_slice %arg8[%dma_start3A_71, %dma_start3A_72] : memref<4x128xi32, #tpu.memory_space<vmem>> -> memref<1x128xi32, #tpu.memory_space<vmem>>
      %dma_start3A_74 = tpu.memref_squeeze %dma_start3A_73 : memref<1x128xi32, #tpu.memory_space<vmem>> -> memref<128xi32, #tpu.memory_space<vmem>>
      %dma_start3A_75 = arith.constant 0 : i32
      %dma_start3A_76 = arith.constant 0 : i32
      %dma_start3A_77 = tpu.memref_slice %arg12[%dma_start3A_75, %dma_start3A_76] : memref<10112x128xf32, #tpu.memory_space<vmem_shared>> -> memref<10112x128xf32, #tpu.memory_space<vmem_shared>>
      tpu.enqueue_indirect_dma source(%arg11 : memref<128x128xf32, #tpu.memory_space<vmem>>) target(%dma_start3A_77 : memref<10112x128xf32, #tpu.memory_space<vmem_shared>>) offsets(%dma_start3A_74 : memref<128xi32, #tpu.memory_space<vmem>>) semaphore(%arg16 : memref<!tpu.dma_semaphore, #tpu.memory_space<semaphore_mem>>) {add = true}
      %dma_wait3A_78 = arith.constant 0 : i32
      %dma_wait3A_79 = tpu.memref_slice %arg4[%mul3A_22, %dma_wait3A_78] : memref<10240x128xi32, #tpu.memory_space<hbm>> -> memref<4x128xi32, #tpu.memory_space<hbm>>
      %dma_wait3A_80 = arith.constant 0 : i32
      %dma_wait3A_81 = tpu.memref_slice %arg4[%mul3A_22, %dma_wait3A_80] : memref<10240x128xi32, #tpu.memory_space<hbm>> -> memref<4x128xi32, #tpu.memory_space<hbm>>
      tpu.wait_dma2 semaphore(%arg18 : memref<!tpu.dma_semaphore, #tpu.memory_space<semaphore_mem>>) src(%dma_wait3A_81 : memref<4x128xi32, #tpu.memory_space<hbm>>) dst(%arg9 : memref<4x128xi32, #tpu.memory_space<vmem>>)
      %dma_wait3A_82 = arith.constant 1 : i32
      %dma_wait3A_83 = arith.constant 0 : i32
      %dma_wait3A_84 = tpu.memref_slice %arg8[%dma_wait3A_82, %dma_wait3A_83] : memref<4x128xi32, #tpu.memory_space<vmem>> -> memref<1x128xi32, #tpu.memory_space<vmem>>
      %dma_wait3A_85 = tpu.memref_squeeze %dma_wait3A_84 : memref<1x128xi32, #tpu.memory_space<vmem>> -> memref<128xi32, #tpu.memory_space<vmem>>
      %dma_wait3A_86 = arith.constant 0 : i32
      %dma_wait3A_87 = arith.constant 0 : i32
      %dma_wait3A_88 = tpu.memref_slice %arg12[%dma_wait3A_86, %dma_wait3A_87] : memref<10112x128xf32, #tpu.memory_space<vmem_shared>> -> memref<10112x128xf32, #tpu.memory_space<vmem_shared>>
      tpu.wait_indirect_dma semaphore(%arg15 : memref<!tpu.dma_semaphore, #tpu.memory_space<semaphore_mem>>) src(%arg10 : memref<128x128xf32, #tpu.memory_space<vmem>>) dst(%dma_wait3A_88 : memref<10112x128xf32, #tpu.memory_space<vmem_shared>>)
      %dma_start3A_89 = arith.constant 0 : i32
      %dma_start3A_90 = arith.constant 0 : i32
      %dma_start3A_91 = tpu.memref_slice %arg9[%dma_start3A_89, %dma_start3A_90] : memref<4x128xi32, #tpu.memory_space<vmem>> -> memref<1x128xi32, #tpu.memory_space<vmem>>
      %dma_start3A_92 = tpu.memref_squeeze %dma_start3A_91 : memref<1x128xi32, #tpu.memory_space<vmem>> -> memref<128xi32, #tpu.memory_space<vmem>>
      %dma_start3A_93 = arith.constant 0 : i32
      %dma_start3A_94 = arith.constant 0 : i32
      %dma_start3A_95 = tpu.memref_slice %arg3[%dma_start3A_93, %dma_start3A_94] : memref<10000x128xf32, #tpu.memory_space<hbm>> -> memref<10000x128xf32, #tpu.memory_space<hbm>>
      tpu.enqueue_indirect_dma source(%dma_start3A_95 : memref<10000x128xf32, #tpu.memory_space<hbm>>) target(%arg10 : memref<128x128xf32, #tpu.memory_space<vmem>>) offsets(%dma_start3A_92 : memref<128xi32, #tpu.memory_space<vmem>>) semaphore(%arg13 : memref<!tpu.dma_semaphore, #tpu.memory_space<semaphore_mem>>)
      %dma_wait3A_96 = arith.constant 3 : i32
      %dma_wait3A_97 = arith.constant 0 : i32
      %dma_wait3A_98 = tpu.memref_slice %arg8[%dma_wait3A_96, %dma_wait3A_97] : memref<4x128xi32, #tpu.memory_space<vmem>> -> memref<1x128xi32, #tpu.memory_space<vmem>>
      %dma_wait3A_99 = tpu.memref_squeeze %dma_wait3A_98 : memref<1x128xi32, #tpu.memory_space<vmem>> -> memref<128xi32, #tpu.memory_space<vmem>>
      %dma_wait3A_100 = arith.constant 0 : i32
      %dma_wait3A_101 = arith.constant 0 : i32
      %dma_wait3A_102 = tpu.memref_slice %arg12[%dma_wait3A_100, %dma_wait3A_101] : memref<10112x128xf32, #tpu.memory_space<vmem_shared>> -> memref<10112x128xf32, #tpu.memory_space<vmem_shared>>
      tpu.wait_indirect_dma semaphore(%arg16 : memref<!tpu.dma_semaphore, #tpu.memory_space<semaphore_mem>>) src(%arg11 : memref<128x128xf32, #tpu.memory_space<vmem>>) dst(%dma_wait3A_102 : memref<10112x128xf32, #tpu.memory_space<vmem_shared>>)
      %dma_start3A_103 = arith.constant 2 : i32
      %dma_start3A_104 = arith.constant 0 : i32
      %dma_start3A_105 = tpu.memref_slice %arg9[%dma_start3A_103, %dma_start3A_104] : memref<4x128xi32, #tpu.memory_space<vmem>> -> memref<1x128xi32, #tpu.memory_space<vmem>>
      %dma_start3A_106 = tpu.memref_squeeze %dma_start3A_105 : memref<1x128xi32, #tpu.memory_space<vmem>> -> memref<128xi32, #tpu.memory_space<vmem>>
      %dma_start3A_107 = arith.constant 0 : i32
      %dma_start3A_108 = arith.constant 0 : i32
      %dma_start3A_109 = tpu.memref_slice %arg3[%dma_start3A_107, %dma_start3A_108] : memref<10000x128xf32, #tpu.memory_space<hbm>> -> memref<10000x128xf32, #tpu.memory_space<hbm>>
      tpu.enqueue_indirect_dma source(%dma_start3A_109 : memref<10000x128xf32, #tpu.memory_space<hbm>>) target(%arg11 : memref<128x128xf32, #tpu.memory_space<vmem>>) offsets(%dma_start3A_106 : memref<128xi32, #tpu.memory_space<vmem>>) semaphore(%arg14 : memref<!tpu.dma_semaphore, #tpu.memory_space<semaphore_mem>>)
      %add3A_110 = arith.constant 8 : i32
      %add3A_111 = arith.addi %mul3A_22, %add3A_110 : i32
      %dma_start3A_112 = arith.constant 0 : i32
      %dma_start3A_113 = tpu.memref_slice %arg4[%add3A_111, %dma_start3A_112] : memref<10240x128xi32, #tpu.memory_space<hbm>> -> memref<4x128xi32, #tpu.memory_space<hbm>>
      %dma_start3A_114 = arith.constant 0 : i32
      %dma_start3A_115 = tpu.memref_slice %arg4[%add3A_111, %dma_start3A_114] : memref<10240x128xi32, #tpu.memory_space<hbm>> -> memref<4x128xi32, #tpu.memory_space<hbm>>
      tpu.enqueue_dma source(%dma_start3A_115 : memref<4x128xi32, #tpu.memory_space<hbm>>) target(%arg8 : memref<4x128xi32, #tpu.memory_space<vmem>>) target_semaphore(%arg17 : memref<!tpu.dma_semaphore, #tpu.memory_space<semaphore_mem>>)
      %dma_wait3A_116 = arith.constant 0 : i32
      %dma_wait3A_117 = arith.constant 0 : i32
      %dma_wait3A_118 = tpu.memref_slice %arg9[%dma_wait3A_116, %dma_wait3A_117] : memref<4x128xi32, #tpu.memory_space<vmem>> -> memref<1x128xi32, #tpu.memory_space<vmem>>
      %dma_wait3A_119 = tpu.memref_squeeze %dma_wait3A_118 : memref<1x128xi32, #tpu.memory_space<vmem>> -> memref<128xi32, #tpu.memory_space<vmem>>
      %dma_wait3A_120 = arith.constant 0 : i32
      %dma_wait3A_121 = arith.constant 0 : i32
      %dma_wait3A_122 = tpu.memref_slice %arg3[%dma_wait3A_120, %dma_wait3A_121] : memref<10000x128xf32, #tpu.memory_space<hbm>> -> memref<10000x128xf32, #tpu.memory_space<hbm>>
      tpu.wait_indirect_dma semaphore(%arg13 : memref<!tpu.dma_semaphore, #tpu.memory_space<semaphore_mem>>) src(%dma_wait3A_122 : memref<10000x128xf32, #tpu.memory_space<hbm>>) dst(%arg10 : memref<128x128xf32, #tpu.memory_space<vmem>>)
      %dma_start3A_123 = arith.constant 1 : i32
      %dma_start3A_124 = arith.constant 0 : i32
      %dma_start3A_125 = tpu.memref_slice %arg9[%dma_start3A_123, %dma_start3A_124] : memref<4x128xi32, #tpu.memory_space<vmem>> -> memref<1x128xi32, #tpu.memory_space<vmem>>
      %dma_start3A_126 = tpu.memref_squeeze %dma_start3A_125 : memref<1x128xi32, #tpu.memory_space<vmem>> -> memref<128xi32, #tpu.memory_space<vmem>>
      %dma_start3A_127 = arith.constant 0 : i32
      %dma_start3A_128 = arith.constant 0 : i32
      %dma_start3A_129 = tpu.memref_slice %arg12[%dma_start3A_127, %dma_start3A_128] : memref<10112x128xf32, #tpu.memory_space<vmem_shared>> -> memref<10112x128xf32, #tpu.memory_space<vmem_shared>>
      tpu.enqueue_indirect_dma source(%arg10 : memref<128x128xf32, #tpu.memory_space<vmem>>) target(%dma_start3A_129 : memref<10112x128xf32, #tpu.memory_space<vmem_shared>>) offsets(%dma_start3A_126 : memref<128xi32, #tpu.memory_space<vmem>>) semaphore(%arg15 : memref<!tpu.dma_semaphore, #tpu.memory_space<semaphore_mem>>) {add = true}
      %dma_wait3A_130 = arith.constant 2 : i32
      %dma_wait3A_131 = arith.constant 0 : i32
      %dma_wait3A_132 = tpu.memref_slice %arg9[%dma_wait3A_130, %dma_wait3A_131] : memref<4x128xi32, #tpu.memory_space<vmem>> -> memref<1x128xi32, #tpu.memory_space<vmem>>
      %dma_wait3A_133 = tpu.memref_squeeze %dma_wait3A_132 : memref<1x128xi32, #tpu.memory_space<vmem>> -> memref<128xi32, #tpu.memory_space<vmem>>
      %dma_wait3A_134 = arith.constant 0 : i32
      %dma_wait3A_135 = arith.constant 0 : i32
      %dma_wait3A_136 = tpu.memref_slice %arg3[%dma_wait3A_134, %dma_wait3A_135] : memref<10000x128xf32, #tpu.memory_space<hbm>> -> memref<10000x128xf32, #tpu.memory_space<hbm>>
      tpu.wait_indirect_dma semaphore(%arg14 : memref<!tpu.dma_semaphore, #tpu.memory_space<semaphore_mem>>) src(%dma_wait3A_136 : memref<10000x128xf32, #tpu.memory_space<hbm>>) dst(%arg11 : memref<128x128xf32, #tpu.memory_space<vmem>>)
      %dma_start3A_137 = arith.constant 3 : i32
      %dma_start3A_138 = arith.constant 0 : i32
      %dma_start3A_139 = tpu.memref_slice %arg9[%dma_start3A_137, %dma_start3A_138] : memref<4x128xi32, #tpu.memory_space<vmem>> -> memref<1x128xi32, #tpu.memory_space<vmem>>
      %dma_start3A_140 = tpu.memref_squeeze %dma_start3A_139 : memref<1x128xi32, #tpu.memory_space<vmem>> -> memref<128xi32, #tpu.memory_space<vmem>>
      %dma_start3A_141 = arith.constant 0 : i32
      %dma_start3A_142 = arith.constant 0 : i32
      %dma_start3A_143 = tpu.memref_slice %arg12[%dma_start3A_141, %dma_start3A_142] : memref<10112x128xf32, #tpu.memory_space<vmem_shared>> -> memref<10112x128xf32, #tpu.memory_space<vmem_shared>>
      tpu.enqueue_indirect_dma source(%arg11 : memref<128x128xf32, #tpu.memory_space<vmem>>) target(%dma_start3A_143 : memref<10112x128xf32, #tpu.memory_space<vmem_shared>>) offsets(%dma_start3A_140 : memref<128xi32, #tpu.memory_space<vmem>>) semaphore(%arg16 : memref<!tpu.dma_semaphore, #tpu.memory_space<semaphore_mem>>) {add = true}
      %scan3A = arith.constant 0 : i32
      %scan3A_144 = arith.constant 78 : i32
      %scan3A_145 = arith.addi %scan3A, %scan3A_144 : i32
      %scan3A_146 = arith.constant 1 : i32
      scf.for %scan3A_288 = %scan3A to %scan3A_145 step %scan3A_146  : i32 {
        %mul3A_289 = arith.constant 1 : i32
        %mul3A_290 = arith.muli %scan3A_288, %mul3A_289 : i32
        %add3A_291 = arith.constant 0 : i32
        %add3A_292 = arith.addi %add3A_291, %mul3A_290 : i32
        %mul3A_293 = arith.constant 2 : i32
        %mul3A_294 = arith.muli %mul3A_293, %add3A_292 : i32
        %add3A_295 = arith.constant 2 : i32
        %add3A_296 = arith.addi %add3A_295, %mul3A_294 : i32
        %dma_wait3A_297 = arith.constant 0 : i32
        %dma_wait3A_298 = tpu.memref_slice %arg4[%mul3A_22, %dma_wait3A_297] : memref<10240x128xi32, #tpu.memory_space<hbm>> -> memref<4x128xi32, #tpu.memory_space<hbm>>
        %dma_wait3A_299 = arith.constant 0 : i32
        %dma_wait3A_300 = tpu.memref_slice %arg4[%mul3A_22, %dma_wait3A_299] : memref<10240x128xi32, #tpu.memory_space<hbm>> -> memref<4x128xi32, #tpu.memory_space<hbm>>
        tpu.wait_dma2 semaphore(%arg17 : memref<!tpu.dma_semaphore, #tpu.memory_space<semaphore_mem>>) src(%dma_wait3A_300 : memref<4x128xi32, #tpu.memory_space<hbm>>) dst(%arg8 : memref<4x128xi32, #tpu.memory_space<vmem>>)
        %dma_wait3A_301 = arith.constant 1 : i32
        %dma_wait3A_302 = arith.constant 0 : i32
        %dma_wait3A_303 = tpu.memref_slice %arg9[%dma_wait3A_301, %dma_wait3A_302] : memref<4x128xi32, #tpu.memory_space<vmem>> -> memref<1x128xi32, #tpu.memory_space<vmem>>
        %dma_wait3A_304 = tpu.memref_squeeze %dma_wait3A_303 : memref<1x128xi32, #tpu.memory_space<vmem>> -> memref<128xi32, #tpu.memory_space<vmem>>
        %dma_wait3A_305 = arith.constant 0 : i32
        %dma_wait3A_306 = arith.constant 0 : i32
        %dma_wait3A_307 = tpu.memref_slice %arg12[%dma_wait3A_305, %dma_wait3A_306] : memref<10112x128xf32, #tpu.memory_space<vmem_shared>> -> memref<10112x128xf32, #tpu.memory_space<vmem_shared>>
        tpu.wait_indirect_dma semaphore(%arg15 : memref<!tpu.dma_semaphore, #tpu.memory_space<semaphore_mem>>) src(%arg10 : memref<128x128xf32, #tpu.memory_space<vmem>>) dst(%dma_wait3A_307 : memref<10112x128xf32, #tpu.memory_space<vmem_shared>>)
        %dma_start3A_308 = arith.constant 0 : i32
        %dma_start3A_309 = arith.constant 0 : i32
        %dma_start3A_310 = tpu.memref_slice %arg8[%dma_start3A_308, %dma_start3A_309] : memref<4x128xi32, #tpu.memory_space<vmem>> -> memref<1x128xi32, #tpu.memory_space<vmem>>
        %dma_start3A_311 = tpu.memref_squeeze %dma_start3A_310 : memref<1x128xi32, #tpu.memory_space<vmem>> -> memref<128xi32, #tpu.memory_space<vmem>>
        %dma_start3A_312 = arith.constant 0 : i32
        %dma_start3A_313 = arith.constant 0 : i32
        %dma_start3A_314 = tpu.memref_slice %arg3[%dma_start3A_312, %dma_start3A_313] : memref<10000x128xf32, #tpu.memory_space<hbm>> -> memref<10000x128xf32, #tpu.memory_space<hbm>>
        tpu.enqueue_indirect_dma source(%dma_start3A_314 : memref<10000x128xf32, #tpu.memory_space<hbm>>) target(%arg10 : memref<128x128xf32, #tpu.memory_space<vmem>>) offsets(%dma_start3A_311 : memref<128xi32, #tpu.memory_space<vmem>>) semaphore(%arg13 : memref<!tpu.dma_semaphore, #tpu.memory_space<semaphore_mem>>)
        %dma_wait3A_315 = arith.constant 3 : i32
        %dma_wait3A_316 = arith.constant 0 : i32
        %dma_wait3A_317 = tpu.memref_slice %arg9[%dma_wait3A_315, %dma_wait3A_316] : memref<4x128xi32, #tpu.memory_space<vmem>> -> memref<1x128xi32, #tpu.memory_space<vmem>>
        %dma_wait3A_318 = tpu.memref_squeeze %dma_wait3A_317 : memref<1x128xi32, #tpu.memory_space<vmem>> -> memref<128xi32, #tpu.memory_space<vmem>>
        %dma_wait3A_319 = arith.constant 0 : i32
        %dma_wait3A_320 = arith.constant 0 : i32
        %dma_wait3A_321 = tpu.memref_slice %arg12[%dma_wait3A_319, %dma_wait3A_320] : memref<10112x128xf32, #tpu.memory_space<vmem_shared>> -> memref<10112x128xf32, #tpu.memory_space<vmem_shared>>
        tpu.wait_indirect_dma semaphore(%arg16 : memref<!tpu.dma_semaphore, #tpu.memory_space<semaphore_mem>>) src(%arg11 : memref<128x128xf32, #tpu.memory_space<vmem>>) dst(%dma_wait3A_321 : memref<10112x128xf32, #tpu.memory_space<vmem_shared>>)
        %dma_start3A_322 = arith.constant 2 : i32
        %dma_start3A_323 = arith.constant 0 : i32
        %dma_start3A_324 = tpu.memref_slice %arg8[%dma_start3A_322, %dma_start3A_323] : memref<4x128xi32, #tpu.memory_space<vmem>> -> memref<1x128xi32, #tpu.memory_space<vmem>>
        %dma_start3A_325 = tpu.memref_squeeze %dma_start3A_324 : memref<1x128xi32, #tpu.memory_space<vmem>> -> memref<128xi32, #tpu.memory_space<vmem>>
        %dma_start3A_326 = arith.constant 0 : i32
        %dma_start3A_327 = arith.constant 0 : i32
        %dma_start3A_328 = tpu.memref_slice %arg3[%dma_start3A_326, %dma_start3A_327] : memref<10000x128xf32, #tpu.memory_space<hbm>> -> memref<10000x128xf32, #tpu.memory_space<hbm>>
        tpu.enqueue_indirect_dma source(%dma_start3A_328 : memref<10000x128xf32, #tpu.memory_space<hbm>>) target(%arg11 : memref<128x128xf32, #tpu.memory_space<vmem>>) offsets(%dma_start3A_325 : memref<128xi32, #tpu.memory_space<vmem>>) semaphore(%arg14 : memref<!tpu.dma_semaphore, #tpu.memory_space<semaphore_mem>>)
        %add3A_329 = arith.constant 1 : i32
        %add3A_330 = arith.addi %add3A_296, %add3A_329 : i32
        %mul3A_331 = arith.constant 4 : i32
        %mul3A_332 = arith.muli %mul3A_331, %add3A_330 : i32
        %add3A_333 = arith.addi %mul3A_22, %mul3A_332 : i32
        %dma_start3A_334 = arith.constant 0 : i32
        %dma_start3A_335 = tpu.memref_slice %arg4[%add3A_333, %dma_start3A_334] : memref<10240x128xi32, #tpu.memory_space<hbm>> -> memref<4x128xi32, #tpu.memory_space<hbm>>
        %dma_start3A_336 = arith.constant 0 : i32
        %dma_start3A_337 = tpu.memref_slice %arg4[%add3A_333, %dma_start3A_336] : memref<10240x128xi32, #tpu.memory_space<hbm>> -> memref<4x128xi32, #tpu.memory_space<hbm>>
        tpu.enqueue_dma source(%dma_start3A_337 : memref<4x128xi32, #tpu.memory_space<hbm>>) target(%arg9 : memref<4x128xi32, #tpu.memory_space<vmem>>) target_semaphore(%arg18 : memref<!tpu.dma_semaphore, #tpu.memory_space<semaphore_mem>>)
        %dma_wait3A_338 = arith.constant 0 : i32
        %dma_wait3A_339 = arith.constant 0 : i32
        %dma_wait3A_340 = tpu.memref_slice %arg8[%dma_wait3A_338, %dma_wait3A_339] : memref<4x128xi32, #tpu.memory_space<vmem>> -> memref<1x128xi32, #tpu.memory_space<vmem>>
        %dma_wait3A_341 = tpu.memref_squeeze %dma_wait3A_340 : memref<1x128xi32, #tpu.memory_space<vmem>> -> memref<128xi32, #tpu.memory_space<vmem>>
        %dma_wait3A_342 = arith.constant 0 : i32
        %dma_wait3A_343 = arith.constant 0 : i32
        %dma_wait3A_344 = tpu.memref_slice %arg3[%dma_wait3A_342, %dma_wait3A_343] : memref<10000x128xf32, #tpu.memory_space<hbm>> -> memref<10000x128xf32, #tpu.memory_space<hbm>>
        tpu.wait_indirect_dma semaphore(%arg13 : memref<!tpu.dma_semaphore, #tpu.memory_space<semaphore_mem>>) src(%dma_wait3A_344 : memref<10000x128xf32, #tpu.memory_space<hbm>>) dst(%arg10 : memref<128x128xf32, #tpu.memory_space<vmem>>)
        %dma_start3A_345 = arith.constant 1 : i32
        %dma_start3A_346 = arith.constant 0 : i32
        %dma_start3A_347 = tpu.memref_slice %arg8[%dma_start3A_345, %dma_start3A_346] : memref<4x128xi32, #tpu.memory_space<vmem>> -> memref<1x128xi32, #tpu.memory_space<vmem>>
        %dma_start3A_348 = tpu.memref_squeeze %dma_start3A_347 : memref<1x128xi32, #tpu.memory_space<vmem>> -> memref<128xi32, #tpu.memory_space<vmem>>
        %dma_start3A_349 = arith.constant 0 : i32
        %dma_start3A_350 = arith.constant 0 : i32
        %dma_start3A_351 = tpu.memref_slice %arg12[%dma_start3A_349, %dma_start3A_350] : memref<10112x128xf32, #tpu.memory_space<vmem_shared>> -> memref<10112x128xf32, #tpu.memory_space<vmem_shared>>
        tpu.enqueue_indirect_dma source(%arg10 : memref<128x128xf32, #tpu.memory_space<vmem>>) target(%dma_start3A_351 : memref<10112x128xf32, #tpu.memory_space<vmem_shared>>) offsets(%dma_start3A_348 : memref<128xi32, #tpu.memory_space<vmem>>) semaphore(%arg15 : memref<!tpu.dma_semaphore, #tpu.memory_space<semaphore_mem>>) {add = true}
        %dma_wait3A_352 = arith.constant 2 : i32
        %dma_wait3A_353 = arith.constant 0 : i32
        %dma_wait3A_354 = tpu.memref_slice %arg8[%dma_wait3A_352, %dma_wait3A_353] : memref<4x128xi32, #tpu.memory_space<vmem>> -> memref<1x128xi32, #tpu.memory_space<vmem>>
        %dma_wait3A_355 = tpu.memref_squeeze %dma_wait3A_354 : memref<1x128xi32, #tpu.memory_space<vmem>> -> memref<128xi32, #tpu.memory_space<vmem>>
        %dma_wait3A_356 = arith.constant 0 : i32
        %dma_wait3A_357 = arith.constant 0 : i32
        %dma_wait3A_358 = tpu.memref_slice %arg3[%dma_wait3A_356, %dma_wait3A_357] : memref<10000x128xf32, #tpu.memory_space<hbm>> -> memref<10000x128xf32, #tpu.memory_space<hbm>>
        tpu.wait_indirect_dma semaphore(%arg14 : memref<!tpu.dma_semaphore, #tpu.memory_space<semaphore_mem>>) src(%dma_wait3A_358 : memref<10000x128xf32, #tpu.memory_space<hbm>>) dst(%arg11 : memref<128x128xf32, #tpu.memory_space<vmem>>)
        %dma_start3A_359 = arith.constant 3 : i32
        %dma_start3A_360 = arith.constant 0 : i32
        %dma_start3A_361 = tpu.memref_slice %arg8[%dma_start3A_359, %dma_start3A_360] : memref<4x128xi32, #tpu.memory_space<vmem>> -> memref<1x128xi32, #tpu.memory_space<vmem>>
        %dma_start3A_362 = tpu.memref_squeeze %dma_start3A_361 : memref<1x128xi32, #tpu.memory_space<vmem>> -> memref<128xi32, #tpu.memory_space<vmem>>
        %dma_start3A_363 = arith.constant 0 : i32
        %dma_start3A_364 = arith.constant 0 : i32
        %dma_start3A_365 = tpu.memref_slice %arg12[%dma_start3A_363, %dma_start3A_364] : memref<10112x128xf32, #tpu.memory_space<vmem_shared>> -> memref<10112x128xf32, #tpu.memory_space<vmem_shared>>
        tpu.enqueue_indirect_dma source(%arg11 : memref<128x128xf32, #tpu.memory_space<vmem>>) target(%dma_start3A_365 : memref<10112x128xf32, #tpu.memory_space<vmem_shared>>) offsets(%dma_start3A_362 : memref<128xi32, #tpu.memory_space<vmem>>) semaphore(%arg16 : memref<!tpu.dma_semaphore, #tpu.memory_space<semaphore_mem>>) {add = true}
        %dma_wait3A_366 = arith.constant 0 : i32
        %dma_wait3A_367 = tpu.memref_slice %arg4[%mul3A_22, %dma_wait3A_366] : memref<10240x128xi32, #tpu.memory_space<hbm>> -> memref<4x128xi32, #tpu.memory_space<hbm>>
        %dma_wait3A_368 = arith.constant 0 : i32
        %dma_wait3A_369 = tpu.memref_slice %arg4[%mul3A_22, %dma_wait3A_368] : memref<10240x128xi32, #tpu.memory_space<hbm>> -> memref<4x128xi32, #tpu.memory_space<hbm>>
        tpu.wait_dma2 semaphore(%arg18 : memref<!tpu.dma_semaphore, #tpu.memory_space<semaphore_mem>>) src(%dma_wait3A_369 : memref<4x128xi32, #tpu.memory_space<hbm>>) dst(%arg9 : memref<4x128xi32, #tpu.memory_space<vmem>>)
        %dma_wait3A_370 = arith.constant 1 : i32
        %dma_wait3A_371 = arith.constant 0 : i32
        %dma_wait3A_372 = tpu.memref_slice %arg8[%dma_wait3A_370, %dma_wait3A_371] : memref<4x128xi32, #tpu.memory_space<vmem>> -> memref<1x128xi32, #tpu.memory_space<vmem>>
        %dma_wait3A_373 = tpu.memref_squeeze %dma_wait3A_372 : memref<1x128xi32, #tpu.memory_space<vmem>> -> memref<128xi32, #tpu.memory_space<vmem>>
        %dma_wait3A_374 = arith.constant 0 : i32
        %dma_wait3A_375 = arith.constant 0 : i32
        %dma_wait3A_376 = tpu.memref_slice %arg12[%dma_wait3A_374, %dma_wait3A_375] : memref<10112x128xf32, #tpu.memory_space<vmem_shared>> -> memref<10112x128xf32, #tpu.memory_space<vmem_shared>>
        tpu.wait_indirect_dma semaphore(%arg15 : memref<!tpu.dma_semaphore, #tpu.memory_space<semaphore_mem>>) src(%arg10 : memref<128x128xf32, #tpu.memory_space<vmem>>) dst(%dma_wait3A_376 : memref<10112x128xf32, #tpu.memory_space<vmem_shared>>)
        %dma_start3A_377 = arith.constant 0 : i32
        %dma_start3A_378 = arith.constant 0 : i32
        %dma_start3A_379 = tpu.memref_slice %arg9[%dma_start3A_377, %dma_start3A_378] : memref<4x128xi32, #tpu.memory_space<vmem>> -> memref<1x128xi32, #tpu.memory_space<vmem>>
        %dma_start3A_380 = tpu.memref_squeeze %dma_start3A_379 : memref<1x128xi32, #tpu.memory_space<vmem>> -> memref<128xi32, #tpu.memory_space<vmem>>
        %dma_start3A_381 = arith.constant 0 : i32
        %dma_start3A_382 = arith.constant 0 : i32
        %dma_start3A_383 = tpu.memref_slice %arg3[%dma_start3A_381, %dma_start3A_382] : memref<10000x128xf32, #tpu.memory_space<hbm>> -> memref<10000x128xf32, #tpu.memory_space<hbm>>
        tpu.enqueue_indirect_dma source(%dma_start3A_383 : memref<10000x128xf32, #tpu.memory_space<hbm>>) target(%arg10 : memref<128x128xf32, #tpu.memory_space<vmem>>) offsets(%dma_start3A_380 : memref<128xi32, #tpu.memory_space<vmem>>) semaphore(%arg13 : memref<!tpu.dma_semaphore, #tpu.memory_space<semaphore_mem>>)
        %dma_wait3A_384 = arith.constant 3 : i32
        %dma_wait3A_385 = arith.constant 0 : i32
        %dma_wait3A_386 = tpu.memref_slice %arg8[%dma_wait3A_384, %dma_wait3A_385] : memref<4x128xi32, #tpu.memory_space<vmem>> -> memref<1x128xi32, #tpu.memory_space<vmem>>
        %dma_wait3A_387 = tpu.memref_squeeze %dma_wait3A_386 : memref<1x128xi32, #tpu.memory_space<vmem>> -> memref<128xi32, #tpu.memory_space<vmem>>
        %dma_wait3A_388 = arith.constant 0 : i32
        %dma_wait3A_389 = arith.constant 0 : i32
        %dma_wait3A_390 = tpu.memref_slice %arg12[%dma_wait3A_388, %dma_wait3A_389] : memref<10112x128xf32, #tpu.memory_space<vmem_shared>> -> memref<10112x128xf32, #tpu.memory_space<vmem_shared>>
        tpu.wait_indirect_dma semaphore(%arg16 : memref<!tpu.dma_semaphore, #tpu.memory_space<semaphore_mem>>) src(%arg11 : memref<128x128xf32, #tpu.memory_space<vmem>>) dst(%dma_wait3A_390 : memref<10112x128xf32, #tpu.memory_space<vmem_shared>>)
        %dma_start3A_391 = arith.constant 2 : i32
        %dma_start3A_392 = arith.constant 0 : i32
        %dma_start3A_393 = tpu.memref_slice %arg9[%dma_start3A_391, %dma_start3A_392] : memref<4x128xi32, #tpu.memory_space<vmem>> -> memref<1x128xi32, #tpu.memory_space<vmem>>
        %dma_start3A_394 = tpu.memref_squeeze %dma_start3A_393 : memref<1x128xi32, #tpu.memory_space<vmem>> -> memref<128xi32, #tpu.memory_space<vmem>>
        %dma_start3A_395 = arith.constant 0 : i32
        %dma_start3A_396 = arith.constant 0 : i32
        %dma_start3A_397 = tpu.memref_slice %arg3[%dma_start3A_395, %dma_start3A_396] : memref<10000x128xf32, #tpu.memory_space<hbm>> -> memref<10000x128xf32, #tpu.memory_space<hbm>>
        tpu.enqueue_indirect_dma source(%dma_start3A_397 : memref<10000x128xf32, #tpu.memory_space<hbm>>) target(%arg11 : memref<128x128xf32, #tpu.memory_space<vmem>>) offsets(%dma_start3A_394 : memref<128xi32, #tpu.memory_space<vmem>>) semaphore(%arg14 : memref<!tpu.dma_semaphore, #tpu.memory_space<semaphore_mem>>)
        %add3A_398 = arith.constant 2 : i32
        %add3A_399 = arith.addi %add3A_296, %add3A_398 : i32
        %mul3A_400 = arith.constant 4 : i32
        %mul3A_401 = arith.muli %mul3A_400, %add3A_399 : i32
        %add3A_402 = arith.addi %mul3A_22, %mul3A_401 : i32
        %dma_start3A_403 = arith.constant 0 : i32
        %dma_start3A_404 = tpu.memref_slice %arg4[%add3A_402, %dma_start3A_403] : memref<10240x128xi32, #tpu.memory_space<hbm>> -> memref<4x128xi32, #tpu.memory_space<hbm>>
        %dma_start3A_405 = arith.constant 0 : i32
        %dma_start3A_406 = tpu.memref_slice %arg4[%add3A_402, %dma_start3A_405] : memref<10240x128xi32, #tpu.memory_space<hbm>> -> memref<4x128xi32, #tpu.memory_space<hbm>>
        tpu.enqueue_dma source(%dma_start3A_406 : memref<4x128xi32, #tpu.memory_space<hbm>>) target(%arg8 : memref<4x128xi32, #tpu.memory_space<vmem>>) target_semaphore(%arg17 : memref<!tpu.dma_semaphore, #tpu.memory_space<semaphore_mem>>)
        %dma_wait3A_407 = arith.constant 0 : i32
        %dma_wait3A_408 = arith.constant 0 : i32
        %dma_wait3A_409 = tpu.memref_slice %arg9[%dma_wait3A_407, %dma_wait3A_408] : memref<4x128xi32, #tpu.memory_space<vmem>> -> memref<1x128xi32, #tpu.memory_space<vmem>>
        %dma_wait3A_410 = tpu.memref_squeeze %dma_wait3A_409 : memref<1x128xi32, #tpu.memory_space<vmem>> -> memref<128xi32, #tpu.memory_space<vmem>>
        %dma_wait3A_411 = arith.constant 0 : i32
        %dma_wait3A_412 = arith.constant 0 : i32
        %dma_wait3A_413 = tpu.memref_slice %arg3[%dma_wait3A_411, %dma_wait3A_412] : memref<10000x128xf32, #tpu.memory_space<hbm>> -> memref<10000x128xf32, #tpu.memory_space<hbm>>
        tpu.wait_indirect_dma semaphore(%arg13 : memref<!tpu.dma_semaphore, #tpu.memory_space<semaphore_mem>>) src(%dma_wait3A_413 : memref<10000x128xf32, #tpu.memory_space<hbm>>) dst(%arg10 : memref<128x128xf32, #tpu.memory_space<vmem>>)
        %dma_start3A_414 = arith.constant 1 : i32
        %dma_start3A_415 = arith.constant 0 : i32
        %dma_start3A_416 = tpu.memref_slice %arg9[%dma_start3A_414, %dma_start3A_415] : memref<4x128xi32, #tpu.memory_space<vmem>> -> memref<1x128xi32, #tpu.memory_space<vmem>>
        %dma_start3A_417 = tpu.memref_squeeze %dma_start3A_416 : memref<1x128xi32, #tpu.memory_space<vmem>> -> memref<128xi32, #tpu.memory_space<vmem>>
        %dma_start3A_418 = arith.constant 0 : i32
        %dma_start3A_419 = arith.constant 0 : i32
        %dma_start3A_420 = tpu.memref_slice %arg12[%dma_start3A_418, %dma_start3A_419] : memref<10112x128xf32, #tpu.memory_space<vmem_shared>> -> memref<10112x128xf32, #tpu.memory_space<vmem_shared>>
        tpu.enqueue_indirect_dma source(%arg10 : memref<128x128xf32, #tpu.memory_space<vmem>>) target(%dma_start3A_420 : memref<10112x128xf32, #tpu.memory_space<vmem_shared>>) offsets(%dma_start3A_417 : memref<128xi32, #tpu.memory_space<vmem>>) semaphore(%arg15 : memref<!tpu.dma_semaphore, #tpu.memory_space<semaphore_mem>>) {add = true}
        %dma_wait3A_421 = arith.constant 2 : i32
        %dma_wait3A_422 = arith.constant 0 : i32
        %dma_wait3A_423 = tpu.memref_slice %arg9[%dma_wait3A_421, %dma_wait3A_422] : memref<4x128xi32, #tpu.memory_space<vmem>> -> memref<1x128xi32, #tpu.memory_space<vmem>>
        %dma_wait3A_424 = tpu.memref_squeeze %dma_wait3A_423 : memref<1x128xi32, #tpu.memory_space<vmem>> -> memref<128xi32, #tpu.memory_space<vmem>>
        %dma_wait3A_425 = arith.constant 0 : i32
        %dma_wait3A_426 = arith.constant 0 : i32
        %dma_wait3A_427 = tpu.memref_slice %arg3[%dma_wait3A_425, %dma_wait3A_426] : memref<10000x128xf32, #tpu.memory_space<hbm>> -> memref<10000x128xf32, #tpu.memory_space<hbm>>
        tpu.wait_indirect_dma semaphore(%arg14 : memref<!tpu.dma_semaphore, #tpu.memory_space<semaphore_mem>>) src(%dma_wait3A_427 : memref<10000x128xf32, #tpu.memory_space<hbm>>) dst(%arg11 : memref<128x128xf32, #tpu.memory_space<vmem>>)
        %dma_start3A_428 = arith.constant 3 : i32
        %dma_start3A_429 = arith.constant 0 : i32
        %dma_start3A_430 = tpu.memref_slice %arg9[%dma_start3A_428, %dma_start3A_429] : memref<4x128xi32, #tpu.memory_space<vmem>> -> memref<1x128xi32, #tpu.memory_space<vmem>>
        %dma_start3A_431 = tpu.memref_squeeze %dma_start3A_430 : memref<1x128xi32, #tpu.memory_space<vmem>> -> memref<128xi32, #tpu.memory_space<vmem>>
        %dma_start3A_432 = arith.constant 0 : i32
        %dma_start3A_433 = arith.constant 0 : i32
        %dma_start3A_434 = tpu.memref_slice %arg12[%dma_start3A_432, %dma_start3A_433] : memref<10112x128xf32, #tpu.memory_space<vmem_shared>> -> memref<10112x128xf32, #tpu.memory_space<vmem_shared>>
        tpu.enqueue_indirect_dma source(%arg11 : memref<128x128xf32, #tpu.memory_space<vmem>>) target(%dma_start3A_434 : memref<10112x128xf32, #tpu.memory_space<vmem_shared>>) offsets(%dma_start3A_431 : memref<128xi32, #tpu.memory_space<vmem>>) semaphore(%arg16 : memref<!tpu.dma_semaphore, #tpu.memory_space<semaphore_mem>>) {add = true}
      }
      %scan3A_147 = arith.constant 78 : i32
      %dma_wait3A_148 = arith.constant 0 : i32
      %dma_wait3A_149 = tpu.memref_slice %arg4[%mul3A_22, %dma_wait3A_148] : memref<10240x128xi32, #tpu.memory_space<hbm>> -> memref<4x128xi32, #tpu.memory_space<hbm>>
      %dma_wait3A_150 = arith.constant 0 : i32
      %dma_wait3A_151 = tpu.memref_slice %arg4[%mul3A_22, %dma_wait3A_150] : memref<10240x128xi32, #tpu.memory_space<hbm>> -> memref<4x128xi32, #tpu.memory_space<hbm>>
      tpu.wait_dma2 semaphore(%arg17 : memref<!tpu.dma_semaphore, #tpu.memory_space<semaphore_mem>>) src(%dma_wait3A_151 : memref<4x128xi32, #tpu.memory_space<hbm>>) dst(%arg8 : memref<4x128xi32, #tpu.memory_space<vmem>>)
      %dma_wait3A_152 = arith.constant 1 : i32
      %dma_wait3A_153 = arith.constant 0 : i32
      %dma_wait3A_154 = tpu.memref_slice %arg9[%dma_wait3A_152, %dma_wait3A_153] : memref<4x128xi32, #tpu.memory_space<vmem>> -> memref<1x128xi32, #tpu.memory_space<vmem>>
      %dma_wait3A_155 = tpu.memref_squeeze %dma_wait3A_154 : memref<1x128xi32, #tpu.memory_space<vmem>> -> memref<128xi32, #tpu.memory_space<vmem>>
      %dma_wait3A_156 = arith.constant 0 : i32
      %dma_wait3A_157 = arith.constant 0 : i32
      %dma_wait3A_158 = tpu.memref_slice %arg12[%dma_wait3A_156, %dma_wait3A_157] : memref<10112x128xf32, #tpu.memory_space<vmem_shared>> -> memref<10112x128xf32, #tpu.memory_space<vmem_shared>>
      tpu.wait_indirect_dma semaphore(%arg15 : memref<!tpu.dma_semaphore, #tpu.memory_space<semaphore_mem>>) src(%arg10 : memref<128x128xf32, #tpu.memory_space<vmem>>) dst(%dma_wait3A_158 : memref<10112x128xf32, #tpu.memory_space<vmem_shared>>)
      %dma_start3A_159 = arith.constant 0 : i32
      %dma_start3A_160 = arith.constant 0 : i32
      %dma_start3A_161 = tpu.memref_slice %arg8[%dma_start3A_159, %dma_start3A_160] : memref<4x128xi32, #tpu.memory_space<vmem>> -> memref<1x128xi32, #tpu.memory_space<vmem>>
      %dma_start3A_162 = tpu.memref_squeeze %dma_start3A_161 : memref<1x128xi32, #tpu.memory_space<vmem>> -> memref<128xi32, #tpu.memory_space<vmem>>
      %dma_start3A_163 = arith.constant 0 : i32
      %dma_start3A_164 = arith.constant 0 : i32
      %dma_start3A_165 = tpu.memref_slice %arg3[%dma_start3A_163, %dma_start3A_164] : memref<10000x128xf32, #tpu.memory_space<hbm>> -> memref<10000x128xf32, #tpu.memory_space<hbm>>
      tpu.enqueue_indirect_dma source(%dma_start3A_165 : memref<10000x128xf32, #tpu.memory_space<hbm>>) target(%arg10 : memref<128x128xf32, #tpu.memory_space<vmem>>) offsets(%dma_start3A_162 : memref<128xi32, #tpu.memory_space<vmem>>) semaphore(%arg13 : memref<!tpu.dma_semaphore, #tpu.memory_space<semaphore_mem>>)
      %dma_wait3A_166 = arith.constant 3 : i32
      %dma_wait3A_167 = arith.constant 0 : i32
      %dma_wait3A_168 = tpu.memref_slice %arg9[%dma_wait3A_166, %dma_wait3A_167] : memref<4x128xi32, #tpu.memory_space<vmem>> -> memref<1x128xi32, #tpu.memory_space<vmem>>
      %dma_wait3A_169 = tpu.memref_squeeze %dma_wait3A_168 : memref<1x128xi32, #tpu.memory_space<vmem>> -> memref<128xi32, #tpu.memory_space<vmem>>
      %dma_wait3A_170 = arith.constant 0 : i32
      %dma_wait3A_171 = arith.constant 0 : i32
      %dma_wait3A_172 = tpu.memref_slice %arg12[%dma_wait3A_170, %dma_wait3A_171] : memref<10112x128xf32, #tpu.memory_space<vmem_shared>> -> memref<10112x128xf32, #tpu.memory_space<vmem_shared>>
      tpu.wait_indirect_dma semaphore(%arg16 : memref<!tpu.dma_semaphore, #tpu.memory_space<semaphore_mem>>) src(%arg11 : memref<128x128xf32, #tpu.memory_space<vmem>>) dst(%dma_wait3A_172 : memref<10112x128xf32, #tpu.memory_space<vmem_shared>>)
      %dma_start3A_173 = arith.constant 2 : i32
      %dma_start3A_174 = arith.constant 0 : i32
      %dma_start3A_175 = tpu.memref_slice %arg8[%dma_start3A_173, %dma_start3A_174] : memref<4x128xi32, #tpu.memory_space<vmem>> -> memref<1x128xi32, #tpu.memory_space<vmem>>
      %dma_start3A_176 = tpu.memref_squeeze %dma_start3A_175 : memref<1x128xi32, #tpu.memory_space<vmem>> -> memref<128xi32, #tpu.memory_space<vmem>>
      %dma_start3A_177 = arith.constant 0 : i32
      %dma_start3A_178 = arith.constant 0 : i32
      %dma_start3A_179 = tpu.memref_slice %arg3[%dma_start3A_177, %dma_start3A_178] : memref<10000x128xf32, #tpu.memory_space<hbm>> -> memref<10000x128xf32, #tpu.memory_space<hbm>>
      tpu.enqueue_indirect_dma source(%dma_start3A_179 : memref<10000x128xf32, #tpu.memory_space<hbm>>) target(%arg11 : memref<128x128xf32, #tpu.memory_space<vmem>>) offsets(%dma_start3A_176 : memref<128xi32, #tpu.memory_space<vmem>>) semaphore(%arg14 : memref<!tpu.dma_semaphore, #tpu.memory_space<semaphore_mem>>)
      %add3A_180 = arith.constant 636 : i32
      %add3A_181 = arith.addi %mul3A_22, %add3A_180 : i32
      %dma_start3A_182 = arith.constant 0 : i32
      %dma_start3A_183 = tpu.memref_slice %arg4[%add3A_181, %dma_start3A_182] : memref<10240x128xi32, #tpu.memory_space<hbm>> -> memref<4x128xi32, #tpu.memory_space<hbm>>
      %dma_start3A_184 = arith.constant 0 : i32
      %dma_start3A_185 = tpu.memref_slice %arg4[%add3A_181, %dma_start3A_184] : memref<10240x128xi32, #tpu.memory_space<hbm>> -> memref<4x128xi32, #tpu.memory_space<hbm>>
      tpu.enqueue_dma source(%dma_start3A_185 : memref<4x128xi32, #tpu.memory_space<hbm>>) target(%arg9 : memref<4x128xi32, #tpu.memory_space<vmem>>) target_semaphore(%arg18 : memref<!tpu.dma_semaphore, #tpu.memory_space<semaphore_mem>>)
      %dma_wait3A_186 = arith.constant 0 : i32
      %dma_wait3A_187 = arith.constant 0 : i32
      %dma_wait3A_188 = tpu.memref_slice %arg8[%dma_wait3A_186, %dma_wait3A_187] : memref<4x128xi32, #tpu.memory_space<vmem>> -> memref<1x128xi32, #tpu.memory_space<vmem>>
      %dma_wait3A_189 = tpu.memref_squeeze %dma_wait3A_188 : memref<1x128xi32, #tpu.memory_space<vmem>> -> memref<128xi32, #tpu.memory_space<vmem>>
      %dma_wait3A_190 = arith.constant 0 : i32
      %dma_wait3A_191 = arith.constant 0 : i32
      %dma_wait3A_192 = tpu.memref_slice %arg3[%dma_wait3A_190, %dma_wait3A_191] : memref<10000x128xf32, #tpu.memory_space<hbm>> -> memref<10000x128xf32, #tpu.memory_space<hbm>>
      tpu.wait_indirect_dma semaphore(%arg13 : memref<!tpu.dma_semaphore, #tpu.memory_space<semaphore_mem>>) src(%dma_wait3A_192 : memref<10000x128xf32, #tpu.memory_space<hbm>>) dst(%arg10 : memref<128x128xf32, #tpu.memory_space<vmem>>)
      %dma_start3A_193 = arith.constant 1 : i32
      %dma_start3A_194 = arith.constant 0 : i32
      %dma_start3A_195 = tpu.memref_slice %arg8[%dma_start3A_193, %dma_start3A_194] : memref<4x128xi32, #tpu.memory_space<vmem>> -> memref<1x128xi32, #tpu.memory_space<vmem>>
      %dma_start3A_196 = tpu.memref_squeeze %dma_start3A_195 : memref<1x128xi32, #tpu.memory_space<vmem>> -> memref<128xi32, #tpu.memory_space<vmem>>
      %dma_start3A_197 = arith.constant 0 : i32
      %dma_start3A_198 = arith.constant 0 : i32
      %dma_start3A_199 = tpu.memref_slice %arg12[%dma_start3A_197, %dma_start3A_198] : memref<10112x128xf32, #tpu.memory_space<vmem_shared>> -> memref<10112x128xf32, #tpu.memory_space<vmem_shared>>
      tpu.enqueue_indirect_dma source(%arg10 : memref<128x128xf32, #tpu.memory_space<vmem>>) target(%dma_start3A_199 : memref<10112x128xf32, #tpu.memory_space<vmem_shared>>) offsets(%dma_start3A_196 : memref<128xi32, #tpu.memory_space<vmem>>) semaphore(%arg15 : memref<!tpu.dma_semaphore, #tpu.memory_space<semaphore_mem>>) {add = true}
      %dma_wait3A_200 = arith.constant 2 : i32
      %dma_wait3A_201 = arith.constant 0 : i32
      %dma_wait3A_202 = tpu.memref_slice %arg8[%dma_wait3A_200, %dma_wait3A_201] : memref<4x128xi32, #tpu.memory_space<vmem>> -> memref<1x128xi32, #tpu.memory_space<vmem>>
      %dma_wait3A_203 = tpu.memref_squeeze %dma_wait3A_202 : memref<1x128xi32, #tpu.memory_space<vmem>> -> memref<128xi32, #tpu.memory_space<vmem>>
      %dma_wait3A_204 = arith.constant 0 : i32
      %dma_wait3A_205 = arith.constant 0 : i32
      %dma_wait3A_206 = tpu.memref_slice %arg3[%dma_wait3A_204, %dma_wait3A_205] : memref<10000x128xf32, #tpu.memory_space<hbm>> -> memref<10000x128xf32, #tpu.memory_space<hbm>>
      tpu.wait_indirect_dma semaphore(%arg14 : memref<!tpu.dma_semaphore, #tpu.memory_space<semaphore_mem>>) src(%dma_wait3A_206 : memref<10000x128xf32, #tpu.memory_space<hbm>>) dst(%arg11 : memref<128x128xf32, #tpu.memory_space<vmem>>)
      %dma_start3A_207 = arith.constant 3 : i32
      %dma_start3A_208 = arith.constant 0 : i32
      %dma_start3A_209 = tpu.memref_slice %arg8[%dma_start3A_207, %dma_start3A_208] : memref<4x128xi32, #tpu.memory_space<vmem>> -> memref<1x128xi32, #tpu.memory_space<vmem>>
      %dma_start3A_210 = tpu.memref_squeeze %dma_start3A_209 : memref<1x128xi32, #tpu.memory_space<vmem>> -> memref<128xi32, #tpu.memory_space<vmem>>
      %dma_start3A_211 = arith.constant 0 : i32
      %dma_start3A_212 = arith.constant 0 : i32
      %dma_start3A_213 = tpu.memref_slice %arg12[%dma_start3A_211, %dma_start3A_212] : memref<10112x128xf32, #tpu.memory_space<vmem_shared>> -> memref<10112x128xf32, #tpu.memory_space<vmem_shared>>
      tpu.enqueue_indirect_dma source(%arg11 : memref<128x128xf32, #tpu.memory_space<vmem>>) target(%dma_start3A_213 : memref<10112x128xf32, #tpu.memory_space<vmem_shared>>) offsets(%dma_start3A_210 : memref<128xi32, #tpu.memory_space<vmem>>) semaphore(%arg16 : memref<!tpu.dma_semaphore, #tpu.memory_space<semaphore_mem>>) {add = true}
      %dma_wait3A_214 = arith.constant 0 : i32
      %dma_wait3A_215 = tpu.memref_slice %arg4[%mul3A_22, %dma_wait3A_214] : memref<10240x128xi32, #tpu.memory_space<hbm>> -> memref<4x128xi32, #tpu.memory_space<hbm>>
      %dma_wait3A_216 = arith.constant 0 : i32
      %dma_wait3A_217 = tpu.memref_slice %arg4[%mul3A_22, %dma_wait3A_216] : memref<10240x128xi32, #tpu.memory_space<hbm>> -> memref<4x128xi32, #tpu.memory_space<hbm>>
      tpu.wait_dma2 semaphore(%arg18 : memref<!tpu.dma_semaphore, #tpu.memory_space<semaphore_mem>>) src(%dma_wait3A_217 : memref<4x128xi32, #tpu.memory_space<hbm>>) dst(%arg9 : memref<4x128xi32, #tpu.memory_space<vmem>>)
      %dma_wait3A_218 = arith.constant 1 : i32
      %dma_wait3A_219 = arith.constant 0 : i32
      %dma_wait3A_220 = tpu.memref_slice %arg8[%dma_wait3A_218, %dma_wait3A_219] : memref<4x128xi32, #tpu.memory_space<vmem>> -> memref<1x128xi32, #tpu.memory_space<vmem>>
      %dma_wait3A_221 = tpu.memref_squeeze %dma_wait3A_220 : memref<1x128xi32, #tpu.memory_space<vmem>> -> memref<128xi32, #tpu.memory_space<vmem>>
      %dma_wait3A_222 = arith.constant 0 : i32
      %dma_wait3A_223 = arith.constant 0 : i32
      %dma_wait3A_224 = tpu.memref_slice %arg12[%dma_wait3A_222, %dma_wait3A_223] : memref<10112x128xf32, #tpu.memory_space<vmem_shared>> -> memref<10112x128xf32, #tpu.memory_space<vmem_shared>>
      tpu.wait_indirect_dma semaphore(%arg15 : memref<!tpu.dma_semaphore, #tpu.memory_space<semaphore_mem>>) src(%arg10 : memref<128x128xf32, #tpu.memory_space<vmem>>) dst(%dma_wait3A_224 : memref<10112x128xf32, #tpu.memory_space<vmem_shared>>)
      %dma_start3A_225 = arith.constant 0 : i32
      %dma_start3A_226 = arith.constant 0 : i32
      %dma_start3A_227 = tpu.memref_slice %arg9[%dma_start3A_225, %dma_start3A_226] : memref<4x128xi32, #tpu.memory_space<vmem>> -> memref<1x128xi32, #tpu.memory_space<vmem>>
      %dma_start3A_228 = tpu.memref_squeeze %dma_start3A_227 : memref<1x128xi32, #tpu.memory_space<vmem>> -> memref<128xi32, #tpu.memory_space<vmem>>
      %dma_start3A_229 = arith.constant 0 : i32
      %dma_start3A_230 = arith.constant 0 : i32
      %dma_start3A_231 = tpu.memref_slice %arg3[%dma_start3A_229, %dma_start3A_230] : memref<10000x128xf32, #tpu.memory_space<hbm>> -> memref<10000x128xf32, #tpu.memory_space<hbm>>
      tpu.enqueue_indirect_dma source(%dma_start3A_231 : memref<10000x128xf32, #tpu.memory_space<hbm>>) target(%arg10 : memref<128x128xf32, #tpu.memory_space<vmem>>) offsets(%dma_start3A_228 : memref<128xi32, #tpu.memory_space<vmem>>) semaphore(%arg13 : memref<!tpu.dma_semaphore, #tpu.memory_space<semaphore_mem>>)
      %dma_wait3A_232 = arith.constant 3 : i32
      %dma_wait3A_233 = arith.constant 0 : i32
      %dma_wait3A_234 = tpu.memref_slice %arg8[%dma_wait3A_232, %dma_wait3A_233] : memref<4x128xi32, #tpu.memory_space<vmem>> -> memref<1x128xi32, #tpu.memory_space<vmem>>
      %dma_wait3A_235 = tpu.memref_squeeze %dma_wait3A_234 : memref<1x128xi32, #tpu.memory_space<vmem>> -> memref<128xi32, #tpu.memory_space<vmem>>
      %dma_wait3A_236 = arith.constant 0 : i32
      %dma_wait3A_237 = arith.constant 0 : i32
      %dma_wait3A_238 = tpu.memref_slice %arg12[%dma_wait3A_236, %dma_wait3A_237] : memref<10112x128xf32, #tpu.memory_space<vmem_shared>> -> memref<10112x128xf32, #tpu.memory_space<vmem_shared>>
      tpu.wait_indirect_dma semaphore(%arg16 : memref<!tpu.dma_semaphore, #tpu.memory_space<semaphore_mem>>) src(%arg11 : memref<128x128xf32, #tpu.memory_space<vmem>>) dst(%dma_wait3A_238 : memref<10112x128xf32, #tpu.memory_space<vmem_shared>>)
      %dma_start3A_239 = arith.constant 2 : i32
      %dma_start3A_240 = arith.constant 0 : i32
      %dma_start3A_241 = tpu.memref_slice %arg9[%dma_start3A_239, %dma_start3A_240] : memref<4x128xi32, #tpu.memory_space<vmem>> -> memref<1x128xi32, #tpu.memory_space<vmem>>
      %dma_start3A_242 = tpu.memref_squeeze %dma_start3A_241 : memref<1x128xi32, #tpu.memory_space<vmem>> -> memref<128xi32, #tpu.memory_space<vmem>>
      %dma_start3A_243 = arith.constant 0 : i32
      %dma_start3A_244 = arith.constant 0 : i32
      %dma_start3A_245 = tpu.memref_slice %arg3[%dma_start3A_243, %dma_start3A_244] : memref<10000x128xf32, #tpu.memory_space<hbm>> -> memref<10000x128xf32, #tpu.memory_space<hbm>>
      tpu.enqueue_indirect_dma source(%dma_start3A_245 : memref<10000x128xf32, #tpu.memory_space<hbm>>) target(%arg11 : memref<128x128xf32, #tpu.memory_space<vmem>>) offsets(%dma_start3A_242 : memref<128xi32, #tpu.memory_space<vmem>>) semaphore(%arg14 : memref<!tpu.dma_semaphore, #tpu.memory_space<semaphore_mem>>)
      %dma_wait3A_246 = arith.constant 0 : i32
      %dma_wait3A_247 = arith.constant 0 : i32
      %dma_wait3A_248 = tpu.memref_slice %arg9[%dma_wait3A_246, %dma_wait3A_247] : memref<4x128xi32, #tpu.memory_space<vmem>> -> memref<1x128xi32, #tpu.memory_space<vmem>>
      %dma_wait3A_249 = tpu.memref_squeeze %dma_wait3A_248 : memref<1x128xi32, #tpu.memory_space<vmem>> -> memref<128xi32, #tpu.memory_space<vmem>>
      %dma_wait3A_250 = arith.constant 0 : i32
      %dma_wait3A_251 = arith.constant 0 : i32
      %dma_wait3A_252 = tpu.memref_slice %arg3[%dma_wait3A_250, %dma_wait3A_251] : memref<10000x128xf32, #tpu.memory_space<hbm>> -> memref<10000x128xf32, #tpu.memory_space<hbm>>
      tpu.wait_indirect_dma semaphore(%arg13 : memref<!tpu.dma_semaphore, #tpu.memory_space<semaphore_mem>>) src(%dma_wait3A_252 : memref<10000x128xf32, #tpu.memory_space<hbm>>) dst(%arg10 : memref<128x128xf32, #tpu.memory_space<vmem>>)
      %dma_start3A_253 = arith.constant 1 : i32
      %dma_start3A_254 = arith.constant 0 : i32
      %dma_start3A_255 = tpu.memref_slice %arg9[%dma_start3A_253, %dma_start3A_254] : memref<4x128xi32, #tpu.memory_space<vmem>> -> memref<1x128xi32, #tpu.memory_space<vmem>>
      %dma_start3A_256 = tpu.memref_squeeze %dma_start3A_255 : memref<1x128xi32, #tpu.memory_space<vmem>> -> memref<128xi32, #tpu.memory_space<vmem>>
      %dma_start3A_257 = arith.constant 0 : i32
      %dma_start3A_258 = arith.constant 0 : i32
      %dma_start3A_259 = tpu.memref_slice %arg12[%dma_start3A_257, %dma_start3A_258] : memref<10112x128xf32, #tpu.memory_space<vmem_shared>> -> memref<10112x128xf32, #tpu.memory_space<vmem_shared>>
      tpu.enqueue_indirect_dma source(%arg10 : memref<128x128xf32, #tpu.memory_space<vmem>>) target(%dma_start3A_259 : memref<10112x128xf32, #tpu.memory_space<vmem_shared>>) offsets(%dma_start3A_256 : memref<128xi32, #tpu.memory_space<vmem>>) semaphore(%arg15 : memref<!tpu.dma_semaphore, #tpu.memory_space<semaphore_mem>>) {add = true}
      %dma_wait3A_260 = arith.constant 2 : i32
      %dma_wait3A_261 = arith.constant 0 : i32
      %dma_wait3A_262 = tpu.memref_slice %arg9[%dma_wait3A_260, %dma_wait3A_261] : memref<4x128xi32, #tpu.memory_space<vmem>> -> memref<1x128xi32, #tpu.memory_space<vmem>>
      %dma_wait3A_263 = tpu.memref_squeeze %dma_wait3A_262 : memref<1x128xi32, #tpu.memory_space<vmem>> -> memref<128xi32, #tpu.memory_space<vmem>>
      %dma_wait3A_264 = arith.constant 0 : i32
      %dma_wait3A_265 = arith.constant 0 : i32
      %dma_wait3A_266 = tpu.memref_slice %arg3[%dma_wait3A_264, %dma_wait3A_265] : memref<10000x128xf32, #tpu.memory_space<hbm>> -> memref<10000x128xf32, #tpu.memory_space<hbm>>
      tpu.wait_indirect_dma semaphore(%arg14 : memref<!tpu.dma_semaphore, #tpu.memory_space<semaphore_mem>>) src(%dma_wait3A_266 : memref<10000x128xf32, #tpu.memory_space<hbm>>) dst(%arg11 : memref<128x128xf32, #tpu.memory_space<vmem>>)
      %dma_start3A_267 = arith.constant 3 : i32
      %dma_start3A_268 = arith.constant 0 : i32
      %dma_start3A_269 = tpu.memref_slice %arg9[%dma_start3A_267, %dma_start3A_268] : memref<4x128xi32, #tpu.memory_space<vmem>> -> memref<1x128xi32, #tpu.memory_space<vmem>>
      %dma_start3A_270 = tpu.memref_squeeze %dma_start3A_269 : memref<1x128xi32, #tpu.memory_space<vmem>> -> memref<128xi32, #tpu.memory_space<vmem>>
      %dma_start3A_271 = arith.constant 0 : i32
      %dma_start3A_272 = arith.constant 0 : i32
      %dma_start3A_273 = tpu.memref_slice %arg12[%dma_start3A_271, %dma_start3A_272] : memref<10112x128xf32, #tpu.memory_space<vmem_shared>> -> memref<10112x128xf32, #tpu.memory_space<vmem_shared>>
      tpu.enqueue_indirect_dma source(%arg11 : memref<128x128xf32, #tpu.memory_space<vmem>>) target(%dma_start3A_273 : memref<10112x128xf32, #tpu.memory_space<vmem_shared>>) offsets(%dma_start3A_270 : memref<128xi32, #tpu.memory_space<vmem>>) semaphore(%arg16 : memref<!tpu.dma_semaphore, #tpu.memory_space<semaphore_mem>>) {add = true}
      %dma_wait3A_274 = arith.constant 1 : i32
      %dma_wait3A_275 = arith.constant 0 : i32
      %dma_wait3A_276 = tpu.memref_slice %arg9[%dma_wait3A_274, %dma_wait3A_275] : memref<4x128xi32, #tpu.memory_space<vmem>> -> memref<1x128xi32, #tpu.memory_space<vmem>>
      %dma_wait3A_277 = tpu.memref_squeeze %dma_wait3A_276 : memref<1x128xi32, #tpu.memory_space<vmem>> -> memref<128xi32, #tpu.memory_space<vmem>>
      %dma_wait3A_278 = arith.constant 0 : i32
      %dma_wait3A_279 = arith.constant 0 : i32
      %dma_wait3A_280 = tpu.memref_slice %arg12[%dma_wait3A_278, %dma_wait3A_279] : memref<10112x128xf32, #tpu.memory_space<vmem_shared>> -> memref<10112x128xf32, #tpu.memory_space<vmem_shared>>
      tpu.wait_indirect_dma semaphore(%arg15 : memref<!tpu.dma_semaphore, #tpu.memory_space<semaphore_mem>>) src(%arg10 : memref<128x128xf32, #tpu.memory_space<vmem>>) dst(%dma_wait3A_280 : memref<10112x128xf32, #tpu.memory_space<vmem_shared>>)
      %dma_wait3A_281 = arith.constant 3 : i32
      %dma_wait3A_282 = arith.constant 0 : i32
      %dma_wait3A_283 = tpu.memref_slice %arg9[%dma_wait3A_281, %dma_wait3A_282] : memref<4x128xi32, #tpu.memory_space<vmem>> -> memref<1x128xi32, #tpu.memory_space<vmem>>
      %dma_wait3A_284 = tpu.memref_squeeze %dma_wait3A_283 : memref<1x128xi32, #tpu.memory_space<vmem>> -> memref<128xi32, #tpu.memory_space<vmem>>
      %dma_wait3A_285 = arith.constant 0 : i32
      %dma_wait3A_286 = arith.constant 0 : i32
      %dma_wait3A_287 = tpu.memref_slice %arg12[%dma_wait3A_285, %dma_wait3A_286] : memref<10112x128xf32, #tpu.memory_space<vmem_shared>> -> memref<10112x128xf32, #tpu.memory_space<vmem_shared>>
      tpu.wait_indirect_dma semaphore(%arg16 : memref<!tpu.dma_semaphore, #tpu.memory_space<semaphore_mem>>) src(%arg11 : memref<128x128xf32, #tpu.memory_space<vmem>>) dst(%dma_wait3A_287 : memref<10112x128xf32, #tpu.memory_space<vmem_shared>>)
    } else {
    }
    %barrier3A_8 = arith.constant 0 : index
    tpu.barrier barrier_id(%barrier3A_8)
    %eq3A_9 = arith.constant 0 : i32
    %eq3A_10 = arith.cmpi eq, %arg0, %eq3A_9 : i32
    %convert_element_type3A_11 = arith.extui %eq3A_10 : i1 to i32
    %cond3A_12 = arith.constant 0 : i32
    %cond3A_13 = arith.cmpi ne, %convert_element_type3A_11, %cond3A_12 : i32
    scf.if %cond3A_13 {
      "tpu.region"() ({
        %run_scoped3A = tpu.sem_alloc : memref<!tpu.dma_semaphore, #tpu.memory_space<semaphore_mem>>
        %dma_start3A = arith.constant 0 : i32
        %dma_start3A_19 = tpu.memref_slice %arg6[%mul3A_0, %dma_start3A] : memref<10112x128xf32, #tpu.memory_space<hbm>> -> memref<632x128xf32, #tpu.memory_space<hbm>>
        %dma_start3A_20 = arith.constant 0 : i32
        %dma_start3A_21 = tpu.memref_slice %arg12[%mul3A_0, %dma_start3A_20] : memref<10112x128xf32, #tpu.memory_space<vmem_shared>> -> memref<632x128xf32, #tpu.memory_space<vmem_shared>>
        tpu.enqueue_dma source(%dma_start3A_21 : memref<632x128xf32, #tpu.memory_space<vmem_shared>>) target(%dma_start3A_19 : memref<632x128xf32, #tpu.memory_space<hbm>>) target_semaphore(%run_scoped3A : memref<!tpu.dma_semaphore, #tpu.memory_space<semaphore_mem>>)
        %dma_wait3A = arith.constant 0 : i32
        %dma_wait3A_22 = tpu.memref_slice %arg6[%mul3A_0, %dma_wait3A] : memref<10112x128xf32, #tpu.memory_space<hbm>> -> memref<632x128xf32, #tpu.memory_space<hbm>>
        %dma_wait3A_23 = arith.constant 0 : i32
        %dma_wait3A_24 = tpu.memref_slice %arg12[%mul3A_0, %dma_wait3A_23] : memref<10112x128xf32, #tpu.memory_space<vmem_shared>> -> memref<632x128xf32, #tpu.memory_space<vmem_shared>>
        tpu.wait_dma2 semaphore(%run_scoped3A : memref<!tpu.dma_semaphore, #tpu.memory_space<semaphore_mem>>) src(%dma_wait3A_24 : memref<632x128xf32, #tpu.memory_space<vmem_shared>>) dst(%dma_wait3A_22 : memref<632x128xf32, #tpu.memory_space<hbm>>)
        tpu.yield
      }) : () -> ()
    } else {
    }
    %eq3A_14 = arith.constant 1 : i32
    %eq3A_15 = arith.cmpi eq, %arg0, %eq3A_14 : i32
    %convert_element_type3A_16 = arith.extui %eq3A_15 : i1 to i32
    %cond3A_17 = arith.constant 0 : i32
    %cond3A_18 = arith.cmpi ne, %convert_element_type3A_16, %cond3A_17 : i32
    scf.if %cond3A_18 {
      "tpu.region"() ({
        %run_scoped3A = tpu.sem_alloc : memref<!tpu.dma_semaphore, #tpu.memory_space<semaphore_mem>>
        %dma_start3A = arith.constant 0 : i32
        %dma_start3A_19 = tpu.memref_slice %arg7[%mul3A_0, %dma_start3A] : memref<10112x128xf32, #tpu.memory_space<hbm>> -> memref<632x128xf32, #tpu.memory_space<hbm>>
        %dma_start3A_20 = arith.constant 0 : i32
        %dma_start3A_21 = tpu.memref_slice %arg12[%mul3A_0, %dma_start3A_20] : memref<10112x128xf32, #tpu.memory_space<vmem_shared>> -> memref<632x128xf32, #tpu.memory_space<vmem_shared>>
        tpu.enqueue_dma source(%dma_start3A_21 : memref<632x128xf32, #tpu.memory_space<vmem_shared>>) target(%dma_start3A_19 : memref<632x128xf32, #tpu.memory_space<hbm>>) target_semaphore(%run_scoped3A : memref<!tpu.dma_semaphore, #tpu.memory_space<semaphore_mem>>)
        %dma_wait3A = arith.constant 0 : i32
        %dma_wait3A_22 = tpu.memref_slice %arg7[%mul3A_0, %dma_wait3A] : memref<10112x128xf32, #tpu.memory_space<hbm>> -> memref<632x128xf32, #tpu.memory_space<hbm>>
        %dma_wait3A_23 = arith.constant 0 : i32
        %dma_wait3A_24 = tpu.memref_slice %arg12[%mul3A_0, %dma_wait3A_23] : memref<10112x128xf32, #tpu.memory_space<vmem_shared>> -> memref<632x128xf32, #tpu.memory_space<vmem_shared>>
        tpu.wait_dma2 semaphore(%run_scoped3A : memref<!tpu.dma_semaphore, #tpu.memory_space<semaphore_mem>>) src(%dma_wait3A_24 : memref<632x128xf32, #tpu.memory_space<vmem_shared>>) dst(%dma_wait3A_22 : memref<632x128xf32, #tpu.memory_space<hbm>>)
        tpu.yield
      }) : () -> ()
    } else {
    }
    return
  }
}

#map = affine_map<(d0, d1) -> (0, 0)>
module attributes {stable_mosaic.version = 14 : i64} {
  func.func @sc_kernel(%arg0: i32, %arg1: i32, %arg2: memref<10000x128xf32, #tpu.memory_space<hbm>>, %arg3: memref<10000x128xf32, #tpu.memory_space<hbm>>, %arg4: memref<10240x128xi32, #tpu.memory_space<hbm>>, %arg5: memref<10112x128xf32, #tpu.memory_space<hbm>>, %arg6: memref<10112x128xf32, #tpu.memory_space<hbm>>, %arg7: memref<10112x128xf32, #tpu.memory_space<hbm>>, %arg8: memref<4x128xi32, #tpu.memory_space<vmem>>, %arg9: memref<4x128xi32, #tpu.memory_space<vmem>>, %arg10: memref<128x128xf32, #tpu.memory_space<vmem>>, %arg11: memref<128x128xf32, #tpu.memory_space<vmem>>, %arg12: memref<10112x128xf32, #tpu.memory_space<vmem_shared>>, %arg13: memref<!tpu.dma_semaphore, #tpu.memory_space<semaphore_mem>>, %arg14: memref<!tpu.dma_semaphore, #tpu.memory_space<semaphore_mem>>, %arg15: memref<!tpu.dma_semaphore, #tpu.memory_space<semaphore_mem>>, %arg16: memref<!tpu.dma_semaphore, #tpu.memory_space<semaphore_mem>>, %arg17: memref<!tpu.dma_semaphore, #tpu.memory_space<semaphore_mem>>, %arg18: memref<!tpu.dma_semaphore, #tpu.memory_space<semaphore_mem>>) attributes {dimension_semantics = [#tpu.dimension_semantics<core_parallel>, #tpu.dimension_semantics<subcore_parallel>], iteration_bounds = array<i64: 2, 16>, scalar_prefetch = 0 : i64, scratch_operands = 11 : i64, tpu.core_type = #tpu.core_type<sc_vector_subcore>, window_params = [{transform_indices = #map}, {transform_indices = #map}, {transform_indices = #map}, {transform_indices = #map}, {transform_indices = #map}, {transform_indices = #map}]} {
    %mul3A = arith.constant 632 : i32
    %mul3A_0 = arith.muli %arg1, %mul3A : i32
    "tpu.region"() ({
      %run_scoped3A = tpu.sem_alloc : memref<!tpu.dma_semaphore, #tpu.memory_space<semaphore_mem>>
      %dma_start3A = arith.constant 0 : i32
      %dma_start3A_19 = tpu.memref_slice %arg12[%mul3A_0, %dma_start3A] : memref<10112x128xf32, #tpu.memory_space<vmem_shared>> -> memref<632x128xf32, #tpu.memory_space<vmem_shared>>
      %dma_start3A_20 = arith.constant 0 : i32
      %dma_start3A_21 = tpu.memref_slice %arg5[%mul3A_0, %dma_start3A_20] : memref<10112x128xf32, #tpu.memory_space<hbm>> -> memref<632x128xf32, #tpu.memory_space<hbm>>
      tpu.enqueue_dma source(%dma_start3A_21 : memref<632x128xf32, #tpu.memory_space<hbm>>) target(%dma_start3A_19 : memref<632x128xf32, #tpu.memory_space<vmem_shared>>) target_semaphore(%run_scoped3A : memref<!tpu.dma_semaphore, #tpu.memory_space<semaphore_mem>>)
      %dma_wait3A = arith.constant 0 : i32
      %dma_wait3A_22 = tpu.memref_slice %arg12[%mul3A_0, %dma_wait3A] : memref<10112x128xf32, #tpu.memory_space<vmem_shared>> -> memref<632x128xf32, #tpu.memory_space<vmem_shared>>
      %dma_wait3A_23 = arith.constant 0 : i32
      %dma_wait3A_24 = tpu.memref_slice %arg5[%mul3A_0, %dma_wait3A_23] : memref<10112x128xf32, #tpu.memory_space<hbm>> -> memref<632x128xf32, #tpu.memory_space<hbm>>
      tpu.wait_dma2 semaphore(%run_scoped3A : memref<!tpu.dma_semaphore, #tpu.memory_space<semaphore_mem>>) src(%dma_wait3A_24 : memref<632x128xf32, #tpu.memory_space<hbm>>) dst(%dma_wait3A_22 : memref<632x128xf32, #tpu.memory_space<vmem_shared>>)
      tpu.yield
    }) : () -> ()
    %barrier3A = arith.constant 0 : index
    tpu.barrier barrier_id(%barrier3A)
    %eq3A = arith.constant 0 : i32
    %eq3A_1 = arith.cmpi eq, %arg0, %eq3A : i32
    %convert_element_type3A = arith.extui %eq3A_1 : i1 to i32
    %cond3A = arith.constant 0 : i32
    %cond3A_2 = arith.cmpi ne, %convert_element_type3A, %cond3A : i32
    scf.if %cond3A_2 {
      %mul3A_19 = arith.constant 2 : i32
      %mul3A_20 = arith.muli %mul3A_19, %arg1 : i32
      %mul3A_21 = arith.constant 320 : i32
      %mul3A_22 = arith.muli %mul3A_20, %mul3A_21 : i32
      %add3A = arith.constant 0 : i32
      %add3A_23 = arith.addi %mul3A_22, %add3A : i32
      %dma_start3A = arith.constant 0 : i32
      %dma_start3A_24 = tpu.memref_slice %arg4[%add3A_23, %dma_start3A] : memref<10240x128xi32, #tpu.memory_space<hbm>> -> memref<4x128xi32, #tpu.memory_space<hbm>>
      %dma_start3A_25 = arith.constant 0 : i32
      %dma_start3A_26 = tpu.memref_slice %arg4[%add3A_23, %dma_start3A_25] : memref<10240x128xi32, #tpu.memory_space<hbm>> -> memref<4x128xi32, #tpu.memory_space<hbm>>
      tpu.enqueue_dma source(%dma_start3A_26 : memref<4x128xi32, #tpu.memory_space<hbm>>) target(%arg8 : memref<4x128xi32, #tpu.memory_space<vmem>>) target_semaphore(%arg17 : memref<!tpu.dma_semaphore, #tpu.memory_space<semaphore_mem>>)
      %dma_wait3A = arith.constant 0 : i32
      %dma_wait3A_27 = tpu.memref_slice %arg4[%add3A_23, %dma_wait3A] : memref<10240x128xi32, #tpu.memory_space<hbm>> -> memref<4x128xi32, #tpu.memory_space<hbm>>
      %dma_wait3A_28 = arith.constant 0 : i32
      %dma_wait3A_29 = tpu.memref_slice %arg4[%add3A_23, %dma_wait3A_28] : memref<10240x128xi32, #tpu.memory_space<hbm>> -> memref<4x128xi32, #tpu.memory_space<hbm>>
      tpu.wait_dma2 semaphore(%arg17 : memref<!tpu.dma_semaphore, #tpu.memory_space<semaphore_mem>>) src(%dma_wait3A_29 : memref<4x128xi32, #tpu.memory_space<hbm>>) dst(%arg8 : memref<4x128xi32, #tpu.memory_space<vmem>>)
      %dma_start3A_30 = arith.constant 0 : i32
      %dma_start3A_31 = arith.constant 0 : i32
      %dma_start3A_32 = tpu.memref_slice %arg8[%dma_start3A_30, %dma_start3A_31] : memref<4x128xi32, #tpu.memory_space<vmem>> -> memref<1x128xi32, #tpu.memory_space<vmem>>
      %dma_start3A_33 = tpu.memref_squeeze %dma_start3A_32 : memref<1x128xi32, #tpu.memory_space<vmem>> -> memref<128xi32, #tpu.memory_space<vmem>>
      %dma_start3A_34 = arith.constant 0 : i32
      %dma_start3A_35 = arith.constant 0 : i32
      %dma_start3A_36 = tpu.memref_slice %arg2[%dma_start3A_34, %dma_start3A_35] : memref<10000x128xf32, #tpu.memory_space<hbm>> -> memref<10000x128xf32, #tpu.memory_space<hbm>>
      tpu.enqueue_indirect_dma source(%dma_start3A_36 : memref<10000x128xf32, #tpu.memory_space<hbm>>) target(%arg10 : memref<128x128xf32, #tpu.memory_space<vmem>>) offsets(%dma_start3A_33 : memref<128xi32, #tpu.memory_space<vmem>>) semaphore(%arg13 : memref<!tpu.dma_semaphore, #tpu.memory_space<semaphore_mem>>)
      %dma_start3A_37 = arith.constant 2 : i32
      %dma_start3A_38 = arith.constant 0 : i32
      %dma_start3A_39 = tpu.memref_slice %arg8[%dma_start3A_37, %dma_start3A_38] : memref<4x128xi32, #tpu.memory_space<vmem>> -> memref<1x128xi32, #tpu.memory_space<vmem>>
      %dma_start3A_40 = tpu.memref_squeeze %dma_start3A_39 : memref<1x128xi32, #tpu.memory_space<vmem>> -> memref<128xi32, #tpu.memory_space<vmem>>
      %dma_start3A_41 = arith.constant 0 : i32
      %dma_start3A_42 = arith.constant 0 : i32
      %dma_start3A_43 = tpu.memref_slice %arg2[%dma_start3A_41, %dma_start3A_42] : memref<10000x128xf32, #tpu.memory_space<hbm>> -> memref<10000x128xf32, #tpu.memory_space<hbm>>
      tpu.enqueue_indirect_dma source(%dma_start3A_43 : memref<10000x128xf32, #tpu.memory_space<hbm>>) target(%arg11 : memref<128x128xf32, #tpu.memory_space<vmem>>) offsets(%dma_start3A_40 : memref<128xi32, #tpu.memory_space<vmem>>) semaphore(%arg14 : memref<!tpu.dma_semaphore, #tpu.memory_space<semaphore_mem>>)
      %add3A_44 = arith.constant 4 : i32
      %add3A_45 = arith.addi %mul3A_22, %add3A_44 : i32
      %dma_start3A_46 = arith.constant 0 : i32
      %dma_start3A_47 = tpu.memref_slice %arg4[%add3A_45, %dma_start3A_46] : memref<10240x128xi32, #tpu.memory_space<hbm>> -> memref<4x128xi32, #tpu.memory_space<hbm>>
      %dma_start3A_48 = arith.constant 0 : i32
      %dma_start3A_49 = tpu.memref_slice %arg4[%add3A_45, %dma_start3A_48] : memref<10240x128xi32, #tpu.memory_space<hbm>> -> memref<4x128xi32, #tpu.memory_space<hbm>>
      tpu.enqueue_dma source(%dma_start3A_49 : memref<4x128xi32, #tpu.memory_space<hbm>>) target(%arg9 : memref<4x128xi32, #tpu.memory_space<vmem>>) target_semaphore(%arg18 : memref<!tpu.dma_semaphore, #tpu.memory_space<semaphore_mem>>)
      %dma_wait3A_50 = arith.constant 0 : i32
      %dma_wait3A_51 = arith.constant 0 : i32
      %dma_wait3A_52 = tpu.memref_slice %arg8[%dma_wait3A_50, %dma_wait3A_51] : memref<4x128xi32, #tpu.memory_space<vmem>> -> memref<1x128xi32, #tpu.memory_space<vmem>>
      %dma_wait3A_53 = tpu.memref_squeeze %dma_wait3A_52 : memref<1x128xi32, #tpu.memory_space<vmem>> -> memref<128xi32, #tpu.memory_space<vmem>>
      %dma_wait3A_54 = arith.constant 0 : i32
      %dma_wait3A_55 = arith.constant 0 : i32
      %dma_wait3A_56 = tpu.memref_slice %arg2[%dma_wait3A_54, %dma_wait3A_55] : memref<10000x128xf32, #tpu.memory_space<hbm>> -> memref<10000x128xf32, #tpu.memory_space<hbm>>
      tpu.wait_indirect_dma semaphore(%arg13 : memref<!tpu.dma_semaphore, #tpu.memory_space<semaphore_mem>>) src(%dma_wait3A_56 : memref<10000x128xf32, #tpu.memory_space<hbm>>) dst(%arg10 : memref<128x128xf32, #tpu.memory_space<vmem>>)
      %dma_start3A_57 = arith.constant 1 : i32
      %dma_start3A_58 = arith.constant 0 : i32
      %dma_start3A_59 = tpu.memref_slice %arg8[%dma_start3A_57, %dma_start3A_58] : memref<4x128xi32, #tpu.memory_space<vmem>> -> memref<1x128xi32, #tpu.memory_space<vmem>>
      %dma_start3A_60 = tpu.memref_squeeze %dma_start3A_59 : memref<1x128xi32, #tpu.memory_space<vmem>> -> memref<128xi32, #tpu.memory_space<vmem>>
      %dma_start3A_61 = arith.constant 0 : i32
      %dma_start3A_62 = arith.constant 0 : i32
      %dma_start3A_63 = tpu.memref_slice %arg12[%dma_start3A_61, %dma_start3A_62] : memref<10112x128xf32, #tpu.memory_space<vmem_shared>> -> memref<10112x128xf32, #tpu.memory_space<vmem_shared>>
      tpu.enqueue_indirect_dma source(%arg10 : memref<128x128xf32, #tpu.memory_space<vmem>>) target(%dma_start3A_63 : memref<10112x128xf32, #tpu.memory_space<vmem_shared>>) offsets(%dma_start3A_60 : memref<128xi32, #tpu.memory_space<vmem>>) semaphore(%arg15 : memref<!tpu.dma_semaphore, #tpu.memory_space<semaphore_mem>>) {add = true}
      %dma_wait3A_64 = arith.constant 2 : i32
      %dma_wait3A_65 = arith.constant 0 : i32
      %dma_wait3A_66 = tpu.memref_slice %arg8[%dma_wait3A_64, %dma_wait3A_65] : memref<4x128xi32, #tpu.memory_space<vmem>> -> memref<1x128xi32, #tpu.memory_space<vmem>>
      %dma_wait3A_67 = tpu.memref_squeeze %dma_wait3A_66 : memref<1x128xi32, #tpu.memory_space<vmem>> -> memref<128xi32, #tpu.memory_space<vmem>>
      %dma_wait3A_68 = arith.constant 0 : i32
      %dma_wait3A_69 = arith.constant 0 : i32
      %dma_wait3A_70 = tpu.memref_slice %arg2[%dma_wait3A_68, %dma_wait3A_69] : memref<10000x128xf32, #tpu.memory_space<hbm>> -> memref<10000x128xf32, #tpu.memory_space<hbm>>
      tpu.wait_indirect_dma semaphore(%arg14 : memref<!tpu.dma_semaphore, #tpu.memory_space<semaphore_mem>>) src(%dma_wait3A_70 : memref<10000x128xf32, #tpu.memory_space<hbm>>) dst(%arg11 : memref<128x128xf32, #tpu.memory_space<vmem>>)
      %dma_start3A_71 = arith.constant 3 : i32
      %dma_start3A_72 = arith.constant 0 : i32
      %dma_start3A_73 = tpu.memref_slice %arg8[%dma_start3A_71, %dma_start3A_72] : memref<4x128xi32, #tpu.memory_space<vmem>> -> memref<1x128xi32, #tpu.memory_space<vmem>>
      %dma_start3A_74 = tpu.memref_squeeze %dma_start3A_73 : memref<1x128xi32, #tpu.memory_space<vmem>> -> memref<128xi32, #tpu.memory_space<vmem>>
      %dma_start3A_75 = arith.constant 0 : i32
      %dma_start3A_76 = arith.constant 0 : i32
      %dma_start3A_77 = tpu.memref_slice %arg12[%dma_start3A_75, %dma_start3A_76] : memref<10112x128xf32, #tpu.memory_space<vmem_shared>> -> memref<10112x128xf32, #tpu.memory_space<vmem_shared>>
      tpu.enqueue_indirect_dma source(%arg11 : memref<128x128xf32, #tpu.memory_space<vmem>>) target(%dma_start3A_77 : memref<10112x128xf32, #tpu.memory_space<vmem_shared>>) offsets(%dma_start3A_74 : memref<128xi32, #tpu.memory_space<vmem>>) semaphore(%arg16 : memref<!tpu.dma_semaphore, #tpu.memory_space<semaphore_mem>>) {add = true}
      %dma_wait3A_78 = arith.constant 0 : i32
      %dma_wait3A_79 = tpu.memref_slice %arg4[%mul3A_22, %dma_wait3A_78] : memref<10240x128xi32, #tpu.memory_space<hbm>> -> memref<4x128xi32, #tpu.memory_space<hbm>>
      %dma_wait3A_80 = arith.constant 0 : i32
      %dma_wait3A_81 = tpu.memref_slice %arg4[%mul3A_22, %dma_wait3A_80] : memref<10240x128xi32, #tpu.memory_space<hbm>> -> memref<4x128xi32, #tpu.memory_space<hbm>>
      tpu.wait_dma2 semaphore(%arg18 : memref<!tpu.dma_semaphore, #tpu.memory_space<semaphore_mem>>) src(%dma_wait3A_81 : memref<4x128xi32, #tpu.memory_space<hbm>>) dst(%arg9 : memref<4x128xi32, #tpu.memory_space<vmem>>)
      %dma_wait3A_82 = arith.constant 1 : i32
      %dma_wait3A_83 = arith.constant 0 : i32
      %dma_wait3A_84 = tpu.memref_slice %arg8[%dma_wait3A_82, %dma_wait3A_83] : memref<4x128xi32, #tpu.memory_space<vmem>> -> memref<1x128xi32, #tpu.memory_space<vmem>>
      %dma_wait3A_85 = tpu.memref_squeeze %dma_wait3A_84 : memref<1x128xi32, #tpu.memory_space<vmem>> -> memref<128xi32, #tpu.memory_space<vmem>>
      %dma_wait3A_86 = arith.constant 0 : i32
      %dma_wait3A_87 = arith.constant 0 : i32
      %dma_wait3A_88 = tpu.memref_slice %arg12[%dma_wait3A_86, %dma_wait3A_87] : memref<10112x128xf32, #tpu.memory_space<vmem_shared>> -> memref<10112x128xf32, #tpu.memory_space<vmem_shared>>
      tpu.wait_indirect_dma semaphore(%arg15 : memref<!tpu.dma_semaphore, #tpu.memory_space<semaphore_mem>>) src(%arg10 : memref<128x128xf32, #tpu.memory_space<vmem>>) dst(%dma_wait3A_88 : memref<10112x128xf32, #tpu.memory_space<vmem_shared>>)
      %dma_start3A_89 = arith.constant 0 : i32
      %dma_start3A_90 = arith.constant 0 : i32
      %dma_start3A_91 = tpu.memref_slice %arg9[%dma_start3A_89, %dma_start3A_90] : memref<4x128xi32, #tpu.memory_space<vmem>> -> memref<1x128xi32, #tpu.memory_space<vmem>>
      %dma_start3A_92 = tpu.memref_squeeze %dma_start3A_91 : memref<1x128xi32, #tpu.memory_space<vmem>> -> memref<128xi32, #tpu.memory_space<vmem>>
      %dma_start3A_93 = arith.constant 0 : i32
      %dma_start3A_94 = arith.constant 0 : i32
      %dma_start3A_95 = tpu.memref_slice %arg2[%dma_start3A_93, %dma_start3A_94] : memref<10000x128xf32, #tpu.memory_space<hbm>> -> memref<10000x128xf32, #tpu.memory_space<hbm>>
      tpu.enqueue_indirect_dma source(%dma_start3A_95 : memref<10000x128xf32, #tpu.memory_space<hbm>>) target(%arg10 : memref<128x128xf32, #tpu.memory_space<vmem>>) offsets(%dma_start3A_92 : memref<128xi32, #tpu.memory_space<vmem>>) semaphore(%arg13 : memref<!tpu.dma_semaphore, #tpu.memory_space<semaphore_mem>>)
      %dma_wait3A_96 = arith.constant 3 : i32
      %dma_wait3A_97 = arith.constant 0 : i32
      %dma_wait3A_98 = tpu.memref_slice %arg8[%dma_wait3A_96, %dma_wait3A_97] : memref<4x128xi32, #tpu.memory_space<vmem>> -> memref<1x128xi32, #tpu.memory_space<vmem>>
      %dma_wait3A_99 = tpu.memref_squeeze %dma_wait3A_98 : memref<1x128xi32, #tpu.memory_space<vmem>> -> memref<128xi32, #tpu.memory_space<vmem>>
      %dma_wait3A_100 = arith.constant 0 : i32
      %dma_wait3A_101 = arith.constant 0 : i32
      %dma_wait3A_102 = tpu.memref_slice %arg12[%dma_wait3A_100, %dma_wait3A_101] : memref<10112x128xf32, #tpu.memory_space<vmem_shared>> -> memref<10112x128xf32, #tpu.memory_space<vmem_shared>>
      tpu.wait_indirect_dma semaphore(%arg16 : memref<!tpu.dma_semaphore, #tpu.memory_space<semaphore_mem>>) src(%arg11 : memref<128x128xf32, #tpu.memory_space<vmem>>) dst(%dma_wait3A_102 : memref<10112x128xf32, #tpu.memory_space<vmem_shared>>)
      %dma_start3A_103 = arith.constant 2 : i32
      %dma_start3A_104 = arith.constant 0 : i32
      %dma_start3A_105 = tpu.memref_slice %arg9[%dma_start3A_103, %dma_start3A_104] : memref<4x128xi32, #tpu.memory_space<vmem>> -> memref<1x128xi32, #tpu.memory_space<vmem>>
      %dma_start3A_106 = tpu.memref_squeeze %dma_start3A_105 : memref<1x128xi32, #tpu.memory_space<vmem>> -> memref<128xi32, #tpu.memory_space<vmem>>
      %dma_start3A_107 = arith.constant 0 : i32
      %dma_start3A_108 = arith.constant 0 : i32
      %dma_start3A_109 = tpu.memref_slice %arg2[%dma_start3A_107, %dma_start3A_108] : memref<10000x128xf32, #tpu.memory_space<hbm>> -> memref<10000x128xf32, #tpu.memory_space<hbm>>
      tpu.enqueue_indirect_dma source(%dma_start3A_109 : memref<10000x128xf32, #tpu.memory_space<hbm>>) target(%arg11 : memref<128x128xf32, #tpu.memory_space<vmem>>) offsets(%dma_start3A_106 : memref<128xi32, #tpu.memory_space<vmem>>) semaphore(%arg14 : memref<!tpu.dma_semaphore, #tpu.memory_space<semaphore_mem>>)
      %add3A_110 = arith.constant 8 : i32
      %add3A_111 = arith.addi %mul3A_22, %add3A_110 : i32
      %dma_start3A_112 = arith.constant 0 : i32
      %dma_start3A_113 = tpu.memref_slice %arg4[%add3A_111, %dma_start3A_112] : memref<10240x128xi32, #tpu.memory_space<hbm>> -> memref<4x128xi32, #tpu.memory_space<hbm>>
      %dma_start3A_114 = arith.constant 0 : i32
      %dma_start3A_115 = tpu.memref_slice %arg4[%add3A_111, %dma_start3A_114] : memref<10240x128xi32, #tpu.memory_space<hbm>> -> memref<4x128xi32, #tpu.memory_space<hbm>>
      tpu.enqueue_dma source(%dma_start3A_115 : memref<4x128xi32, #tpu.memory_space<hbm>>) target(%arg8 : memref<4x128xi32, #tpu.memory_space<vmem>>) target_semaphore(%arg17 : memref<!tpu.dma_semaphore, #tpu.memory_space<semaphore_mem>>)
      %dma_wait3A_116 = arith.constant 0 : i32
      %dma_wait3A_117 = arith.constant 0 : i32
      %dma_wait3A_118 = tpu.memref_slice %arg9[%dma_wait3A_116, %dma_wait3A_117] : memref<4x128xi32, #tpu.memory_space<vmem>> -> memref<1x128xi32, #tpu.memory_space<vmem>>
      %dma_wait3A_119 = tpu.memref_squeeze %dma_wait3A_118 : memref<1x128xi32, #tpu.memory_space<vmem>> -> memref<128xi32, #tpu.memory_space<vmem>>
      %dma_wait3A_120 = arith.constant 0 : i32
      %dma_wait3A_121 = arith.constant 0 : i32
      %dma_wait3A_122 = tpu.memref_slice %arg2[%dma_wait3A_120, %dma_wait3A_121] : memref<10000x128xf32, #tpu.memory_space<hbm>> -> memref<10000x128xf32, #tpu.memory_space<hbm>>
      tpu.wait_indirect_dma semaphore(%arg13 : memref<!tpu.dma_semaphore, #tpu.memory_space<semaphore_mem>>) src(%dma_wait3A_122 : memref<10000x128xf32, #tpu.memory_space<hbm>>) dst(%arg10 : memref<128x128xf32, #tpu.memory_space<vmem>>)
      %dma_start3A_123 = arith.constant 1 : i32
      %dma_start3A_124 = arith.constant 0 : i32
      %dma_start3A_125 = tpu.memref_slice %arg9[%dma_start3A_123, %dma_start3A_124] : memref<4x128xi32, #tpu.memory_space<vmem>> -> memref<1x128xi32, #tpu.memory_space<vmem>>
      %dma_start3A_126 = tpu.memref_squeeze %dma_start3A_125 : memref<1x128xi32, #tpu.memory_space<vmem>> -> memref<128xi32, #tpu.memory_space<vmem>>
      %dma_start3A_127 = arith.constant 0 : i32
      %dma_start3A_128 = arith.constant 0 : i32
      %dma_start3A_129 = tpu.memref_slice %arg12[%dma_start3A_127, %dma_start3A_128] : memref<10112x128xf32, #tpu.memory_space<vmem_shared>> -> memref<10112x128xf32, #tpu.memory_space<vmem_shared>>
      tpu.enqueue_indirect_dma source(%arg10 : memref<128x128xf32, #tpu.memory_space<vmem>>) target(%dma_start3A_129 : memref<10112x128xf32, #tpu.memory_space<vmem_shared>>) offsets(%dma_start3A_126 : memref<128xi32, #tpu.memory_space<vmem>>) semaphore(%arg15 : memref<!tpu.dma_semaphore, #tpu.memory_space<semaphore_mem>>) {add = true}
      %dma_wait3A_130 = arith.constant 2 : i32
      %dma_wait3A_131 = arith.constant 0 : i32
      %dma_wait3A_132 = tpu.memref_slice %arg9[%dma_wait3A_130, %dma_wait3A_131] : memref<4x128xi32, #tpu.memory_space<vmem>> -> memref<1x128xi32, #tpu.memory_space<vmem>>
      %dma_wait3A_133 = tpu.memref_squeeze %dma_wait3A_132 : memref<1x128xi32, #tpu.memory_space<vmem>> -> memref<128xi32, #tpu.memory_space<vmem>>
      %dma_wait3A_134 = arith.constant 0 : i32
      %dma_wait3A_135 = arith.constant 0 : i32
      %dma_wait3A_136 = tpu.memref_slice %arg2[%dma_wait3A_134, %dma_wait3A_135] : memref<10000x128xf32, #tpu.memory_space<hbm>> -> memref<10000x128xf32, #tpu.memory_space<hbm>>
      tpu.wait_indirect_dma semaphore(%arg14 : memref<!tpu.dma_semaphore, #tpu.memory_space<semaphore_mem>>) src(%dma_wait3A_136 : memref<10000x128xf32, #tpu.memory_space<hbm>>) dst(%arg11 : memref<128x128xf32, #tpu.memory_space<vmem>>)
      %dma_start3A_137 = arith.constant 3 : i32
      %dma_start3A_138 = arith.constant 0 : i32
      %dma_start3A_139 = tpu.memref_slice %arg9[%dma_start3A_137, %dma_start3A_138] : memref<4x128xi32, #tpu.memory_space<vmem>> -> memref<1x128xi32, #tpu.memory_space<vmem>>
      %dma_start3A_140 = tpu.memref_squeeze %dma_start3A_139 : memref<1x128xi32, #tpu.memory_space<vmem>> -> memref<128xi32, #tpu.memory_space<vmem>>
      %dma_start3A_141 = arith.constant 0 : i32
      %dma_start3A_142 = arith.constant 0 : i32
      %dma_start3A_143 = tpu.memref_slice %arg12[%dma_start3A_141, %dma_start3A_142] : memref<10112x128xf32, #tpu.memory_space<vmem_shared>> -> memref<10112x128xf32, #tpu.memory_space<vmem_shared>>
      tpu.enqueue_indirect_dma source(%arg11 : memref<128x128xf32, #tpu.memory_space<vmem>>) target(%dma_start3A_143 : memref<10112x128xf32, #tpu.memory_space<vmem_shared>>) offsets(%dma_start3A_140 : memref<128xi32, #tpu.memory_space<vmem>>) semaphore(%arg16 : memref<!tpu.dma_semaphore, #tpu.memory_space<semaphore_mem>>) {add = true}
      %scan3A = arith.constant 0 : i32
      %scan3A_144 = arith.constant 78 : i32
      %scan3A_145 = arith.addi %scan3A, %scan3A_144 : i32
      %scan3A_146 = arith.constant 1 : i32
      scf.for %scan3A_288 = %scan3A to %scan3A_145 step %scan3A_146  : i32 {
        %mul3A_289 = arith.constant 1 : i32
        %mul3A_290 = arith.muli %scan3A_288, %mul3A_289 : i32
        %add3A_291 = arith.constant 0 : i32
        %add3A_292 = arith.addi %add3A_291, %mul3A_290 : i32
        %mul3A_293 = arith.constant 2 : i32
        %mul3A_294 = arith.muli %mul3A_293, %add3A_292 : i32
        %add3A_295 = arith.constant 2 : i32
        %add3A_296 = arith.addi %add3A_295, %mul3A_294 : i32
        %dma_wait3A_297 = arith.constant 0 : i32
        %dma_wait3A_298 = tpu.memref_slice %arg4[%mul3A_22, %dma_wait3A_297] : memref<10240x128xi32, #tpu.memory_space<hbm>> -> memref<4x128xi32, #tpu.memory_space<hbm>>
        %dma_wait3A_299 = arith.constant 0 : i32
        %dma_wait3A_300 = tpu.memref_slice %arg4[%mul3A_22, %dma_wait3A_299] : memref<10240x128xi32, #tpu.memory_space<hbm>> -> memref<4x128xi32, #tpu.memory_space<hbm>>
        tpu.wait_dma2 semaphore(%arg17 : memref<!tpu.dma_semaphore, #tpu.memory_space<semaphore_mem>>) src(%dma_wait3A_300 : memref<4x128xi32, #tpu.memory_space<hbm>>) dst(%arg8 : memref<4x128xi32, #tpu.memory_space<vmem>>)
        %dma_wait3A_301 = arith.constant 1 : i32
        %dma_wait3A_302 = arith.constant 0 : i32
        %dma_wait3A_303 = tpu.memref_slice %arg9[%dma_wait3A_301, %dma_wait3A_302] : memref<4x128xi32, #tpu.memory_space<vmem>> -> memref<1x128xi32, #tpu.memory_space<vmem>>
        %dma_wait3A_304 = tpu.memref_squeeze %dma_wait3A_303 : memref<1x128xi32, #tpu.memory_space<vmem>> -> memref<128xi32, #tpu.memory_space<vmem>>
        %dma_wait3A_305 = arith.constant 0 : i32
        %dma_wait3A_306 = arith.constant 0 : i32
        %dma_wait3A_307 = tpu.memref_slice %arg12[%dma_wait3A_305, %dma_wait3A_306] : memref<10112x128xf32, #tpu.memory_space<vmem_shared>> -> memref<10112x128xf32, #tpu.memory_space<vmem_shared>>
        tpu.wait_indirect_dma semaphore(%arg15 : memref<!tpu.dma_semaphore, #tpu.memory_space<semaphore_mem>>) src(%arg10 : memref<128x128xf32, #tpu.memory_space<vmem>>) dst(%dma_wait3A_307 : memref<10112x128xf32, #tpu.memory_space<vmem_shared>>)
        %dma_start3A_308 = arith.constant 0 : i32
        %dma_start3A_309 = arith.constant 0 : i32
        %dma_start3A_310 = tpu.memref_slice %arg8[%dma_start3A_308, %dma_start3A_309] : memref<4x128xi32, #tpu.memory_space<vmem>> -> memref<1x128xi32, #tpu.memory_space<vmem>>
        %dma_start3A_311 = tpu.memref_squeeze %dma_start3A_310 : memref<1x128xi32, #tpu.memory_space<vmem>> -> memref<128xi32, #tpu.memory_space<vmem>>
        %dma_start3A_312 = arith.constant 0 : i32
        %dma_start3A_313 = arith.constant 0 : i32
        %dma_start3A_314 = tpu.memref_slice %arg2[%dma_start3A_312, %dma_start3A_313] : memref<10000x128xf32, #tpu.memory_space<hbm>> -> memref<10000x128xf32, #tpu.memory_space<hbm>>
        tpu.enqueue_indirect_dma source(%dma_start3A_314 : memref<10000x128xf32, #tpu.memory_space<hbm>>) target(%arg10 : memref<128x128xf32, #tpu.memory_space<vmem>>) offsets(%dma_start3A_311 : memref<128xi32, #tpu.memory_space<vmem>>) semaphore(%arg13 : memref<!tpu.dma_semaphore, #tpu.memory_space<semaphore_mem>>)
        %dma_wait3A_315 = arith.constant 3 : i32
        %dma_wait3A_316 = arith.constant 0 : i32
        %dma_wait3A_317 = tpu.memref_slice %arg9[%dma_wait3A_315, %dma_wait3A_316] : memref<4x128xi32, #tpu.memory_space<vmem>> -> memref<1x128xi32, #tpu.memory_space<vmem>>
        %dma_wait3A_318 = tpu.memref_squeeze %dma_wait3A_317 : memref<1x128xi32, #tpu.memory_space<vmem>> -> memref<128xi32, #tpu.memory_space<vmem>>
        %dma_wait3A_319 = arith.constant 0 : i32
        %dma_wait3A_320 = arith.constant 0 : i32
        %dma_wait3A_321 = tpu.memref_slice %arg12[%dma_wait3A_319, %dma_wait3A_320] : memref<10112x128xf32, #tpu.memory_space<vmem_shared>> -> memref<10112x128xf32, #tpu.memory_space<vmem_shared>>
        tpu.wait_indirect_dma semaphore(%arg16 : memref<!tpu.dma_semaphore, #tpu.memory_space<semaphore_mem>>) src(%arg11 : memref<128x128xf32, #tpu.memory_space<vmem>>) dst(%dma_wait3A_321 : memref<10112x128xf32, #tpu.memory_space<vmem_shared>>)
        %dma_start3A_322 = arith.constant 2 : i32
        %dma_start3A_323 = arith.constant 0 : i32
        %dma_start3A_324 = tpu.memref_slice %arg8[%dma_start3A_322, %dma_start3A_323] : memref<4x128xi32, #tpu.memory_space<vmem>> -> memref<1x128xi32, #tpu.memory_space<vmem>>
        %dma_start3A_325 = tpu.memref_squeeze %dma_start3A_324 : memref<1x128xi32, #tpu.memory_space<vmem>> -> memref<128xi32, #tpu.memory_space<vmem>>
        %dma_start3A_326 = arith.constant 0 : i32
        %dma_start3A_327 = arith.constant 0 : i32
        %dma_start3A_328 = tpu.memref_slice %arg2[%dma_start3A_326, %dma_start3A_327] : memref<10000x128xf32, #tpu.memory_space<hbm>> -> memref<10000x128xf32, #tpu.memory_space<hbm>>
        tpu.enqueue_indirect_dma source(%dma_start3A_328 : memref<10000x128xf32, #tpu.memory_space<hbm>>) target(%arg11 : memref<128x128xf32, #tpu.memory_space<vmem>>) offsets(%dma_start3A_325 : memref<128xi32, #tpu.memory_space<vmem>>) semaphore(%arg14 : memref<!tpu.dma_semaphore, #tpu.memory_space<semaphore_mem>>)
        %add3A_329 = arith.constant 1 : i32
        %add3A_330 = arith.addi %add3A_296, %add3A_329 : i32
        %mul3A_331 = arith.constant 4 : i32
        %mul3A_332 = arith.muli %mul3A_331, %add3A_330 : i32
        %add3A_333 = arith.addi %mul3A_22, %mul3A_332 : i32
        %dma_start3A_334 = arith.constant 0 : i32
        %dma_start3A_335 = tpu.memref_slice %arg4[%add3A_333, %dma_start3A_334] : memref<10240x128xi32, #tpu.memory_space<hbm>> -> memref<4x128xi32, #tpu.memory_space<hbm>>
        %dma_start3A_336 = arith.constant 0 : i32
        %dma_start3A_337 = tpu.memref_slice %arg4[%add3A_333, %dma_start3A_336] : memref<10240x128xi32, #tpu.memory_space<hbm>> -> memref<4x128xi32, #tpu.memory_space<hbm>>
        tpu.enqueue_dma source(%dma_start3A_337 : memref<4x128xi32, #tpu.memory_space<hbm>>) target(%arg9 : memref<4x128xi32, #tpu.memory_space<vmem>>) target_semaphore(%arg18 : memref<!tpu.dma_semaphore, #tpu.memory_space<semaphore_mem>>)
        %dma_wait3A_338 = arith.constant 0 : i32
        %dma_wait3A_339 = arith.constant 0 : i32
        %dma_wait3A_340 = tpu.memref_slice %arg8[%dma_wait3A_338, %dma_wait3A_339] : memref<4x128xi32, #tpu.memory_space<vmem>> -> memref<1x128xi32, #tpu.memory_space<vmem>>
        %dma_wait3A_341 = tpu.memref_squeeze %dma_wait3A_340 : memref<1x128xi32, #tpu.memory_space<vmem>> -> memref<128xi32, #tpu.memory_space<vmem>>
        %dma_wait3A_342 = arith.constant 0 : i32
        %dma_wait3A_343 = arith.constant 0 : i32
        %dma_wait3A_344 = tpu.memref_slice %arg2[%dma_wait3A_342, %dma_wait3A_343] : memref<10000x128xf32, #tpu.memory_space<hbm>> -> memref<10000x128xf32, #tpu.memory_space<hbm>>
        tpu.wait_indirect_dma semaphore(%arg13 : memref<!tpu.dma_semaphore, #tpu.memory_space<semaphore_mem>>) src(%dma_wait3A_344 : memref<10000x128xf32, #tpu.memory_space<hbm>>) dst(%arg10 : memref<128x128xf32, #tpu.memory_space<vmem>>)
        %dma_start3A_345 = arith.constant 1 : i32
        %dma_start3A_346 = arith.constant 0 : i32
        %dma_start3A_347 = tpu.memref_slice %arg8[%dma_start3A_345, %dma_start3A_346] : memref<4x128xi32, #tpu.memory_space<vmem>> -> memref<1x128xi32, #tpu.memory_space<vmem>>
        %dma_start3A_348 = tpu.memref_squeeze %dma_start3A_347 : memref<1x128xi32, #tpu.memory_space<vmem>> -> memref<128xi32, #tpu.memory_space<vmem>>
        %dma_start3A_349 = arith.constant 0 : i32
        %dma_start3A_350 = arith.constant 0 : i32
        %dma_start3A_351 = tpu.memref_slice %arg12[%dma_start3A_349, %dma_start3A_350] : memref<10112x128xf32, #tpu.memory_space<vmem_shared>> -> memref<10112x128xf32, #tpu.memory_space<vmem_shared>>
        tpu.enqueue_indirect_dma source(%arg10 : memref<128x128xf32, #tpu.memory_space<vmem>>) target(%dma_start3A_351 : memref<10112x128xf32, #tpu.memory_space<vmem_shared>>) offsets(%dma_start3A_348 : memref<128xi32, #tpu.memory_space<vmem>>) semaphore(%arg15 : memref<!tpu.dma_semaphore, #tpu.memory_space<semaphore_mem>>) {add = true}
        %dma_wait3A_352 = arith.constant 2 : i32
        %dma_wait3A_353 = arith.constant 0 : i32
        %dma_wait3A_354 = tpu.memref_slice %arg8[%dma_wait3A_352, %dma_wait3A_353] : memref<4x128xi32, #tpu.memory_space<vmem>> -> memref<1x128xi32, #tpu.memory_space<vmem>>
        %dma_wait3A_355 = tpu.memref_squeeze %dma_wait3A_354 : memref<1x128xi32, #tpu.memory_space<vmem>> -> memref<128xi32, #tpu.memory_space<vmem>>
        %dma_wait3A_356 = arith.constant 0 : i32
        %dma_wait3A_357 = arith.constant 0 : i32
        %dma_wait3A_358 = tpu.memref_slice %arg2[%dma_wait3A_356, %dma_wait3A_357] : memref<10000x128xf32, #tpu.memory_space<hbm>> -> memref<10000x128xf32, #tpu.memory_space<hbm>>
        tpu.wait_indirect_dma semaphore(%arg14 : memref<!tpu.dma_semaphore, #tpu.memory_space<semaphore_mem>>) src(%dma_wait3A_358 : memref<10000x128xf32, #tpu.memory_space<hbm>>) dst(%arg11 : memref<128x128xf32, #tpu.memory_space<vmem>>)
        %dma_start3A_359 = arith.constant 3 : i32
        %dma_start3A_360 = arith.constant 0 : i32
        %dma_start3A_361 = tpu.memref_slice %arg8[%dma_start3A_359, %dma_start3A_360] : memref<4x128xi32, #tpu.memory_space<vmem>> -> memref<1x128xi32, #tpu.memory_space<vmem>>
        %dma_start3A_362 = tpu.memref_squeeze %dma_start3A_361 : memref<1x128xi32, #tpu.memory_space<vmem>> -> memref<128xi32, #tpu.memory_space<vmem>>
        %dma_start3A_363 = arith.constant 0 : i32
        %dma_start3A_364 = arith.constant 0 : i32
        %dma_start3A_365 = tpu.memref_slice %arg12[%dma_start3A_363, %dma_start3A_364] : memref<10112x128xf32, #tpu.memory_space<vmem_shared>> -> memref<10112x128xf32, #tpu.memory_space<vmem_shared>>
        tpu.enqueue_indirect_dma source(%arg11 : memref<128x128xf32, #tpu.memory_space<vmem>>) target(%dma_start3A_365 : memref<10112x128xf32, #tpu.memory_space<vmem_shared>>) offsets(%dma_start3A_362 : memref<128xi32, #tpu.memory_space<vmem>>) semaphore(%arg16 : memref<!tpu.dma_semaphore, #tpu.memory_space<semaphore_mem>>) {add = true}
        %dma_wait3A_366 = arith.constant 0 : i32
        %dma_wait3A_367 = tpu.memref_slice %arg4[%mul3A_22, %dma_wait3A_366] : memref<10240x128xi32, #tpu.memory_space<hbm>> -> memref<4x128xi32, #tpu.memory_space<hbm>>
        %dma_wait3A_368 = arith.constant 0 : i32
        %dma_wait3A_369 = tpu.memref_slice %arg4[%mul3A_22, %dma_wait3A_368] : memref<10240x128xi32, #tpu.memory_space<hbm>> -> memref<4x128xi32, #tpu.memory_space<hbm>>
        tpu.wait_dma2 semaphore(%arg18 : memref<!tpu.dma_semaphore, #tpu.memory_space<semaphore_mem>>) src(%dma_wait3A_369 : memref<4x128xi32, #tpu.memory_space<hbm>>) dst(%arg9 : memref<4x128xi32, #tpu.memory_space<vmem>>)
        %dma_wait3A_370 = arith.constant 1 : i32
        %dma_wait3A_371 = arith.constant 0 : i32
        %dma_wait3A_372 = tpu.memref_slice %arg8[%dma_wait3A_370, %dma_wait3A_371] : memref<4x128xi32, #tpu.memory_space<vmem>> -> memref<1x128xi32, #tpu.memory_space<vmem>>
        %dma_wait3A_373 = tpu.memref_squeeze %dma_wait3A_372 : memref<1x128xi32, #tpu.memory_space<vmem>> -> memref<128xi32, #tpu.memory_space<vmem>>
        %dma_wait3A_374 = arith.constant 0 : i32
        %dma_wait3A_375 = arith.constant 0 : i32
        %dma_wait3A_376 = tpu.memref_slice %arg12[%dma_wait3A_374, %dma_wait3A_375] : memref<10112x128xf32, #tpu.memory_space<vmem_shared>> -> memref<10112x128xf32, #tpu.memory_space<vmem_shared>>
        tpu.wait_indirect_dma semaphore(%arg15 : memref<!tpu.dma_semaphore, #tpu.memory_space<semaphore_mem>>) src(%arg10 : memref<128x128xf32, #tpu.memory_space<vmem>>) dst(%dma_wait3A_376 : memref<10112x128xf32, #tpu.memory_space<vmem_shared>>)
        %dma_start3A_377 = arith.constant 0 : i32
        %dma_start3A_378 = arith.constant 0 : i32
        %dma_start3A_379 = tpu.memref_slice %arg9[%dma_start3A_377, %dma_start3A_378] : memref<4x128xi32, #tpu.memory_space<vmem>> -> memref<1x128xi32, #tpu.memory_space<vmem>>
        %dma_start3A_380 = tpu.memref_squeeze %dma_start3A_379 : memref<1x128xi32, #tpu.memory_space<vmem>> -> memref<128xi32, #tpu.memory_space<vmem>>
        %dma_start3A_381 = arith.constant 0 : i32
        %dma_start3A_382 = arith.constant 0 : i32
        %dma_start3A_383 = tpu.memref_slice %arg2[%dma_start3A_381, %dma_start3A_382] : memref<10000x128xf32, #tpu.memory_space<hbm>> -> memref<10000x128xf32, #tpu.memory_space<hbm>>
        tpu.enqueue_indirect_dma source(%dma_start3A_383 : memref<10000x128xf32, #tpu.memory_space<hbm>>) target(%arg10 : memref<128x128xf32, #tpu.memory_space<vmem>>) offsets(%dma_start3A_380 : memref<128xi32, #tpu.memory_space<vmem>>) semaphore(%arg13 : memref<!tpu.dma_semaphore, #tpu.memory_space<semaphore_mem>>)
        %dma_wait3A_384 = arith.constant 3 : i32
        %dma_wait3A_385 = arith.constant 0 : i32
        %dma_wait3A_386 = tpu.memref_slice %arg8[%dma_wait3A_384, %dma_wait3A_385] : memref<4x128xi32, #tpu.memory_space<vmem>> -> memref<1x128xi32, #tpu.memory_space<vmem>>
        %dma_wait3A_387 = tpu.memref_squeeze %dma_wait3A_386 : memref<1x128xi32, #tpu.memory_space<vmem>> -> memref<128xi32, #tpu.memory_space<vmem>>
        %dma_wait3A_388 = arith.constant 0 : i32
        %dma_wait3A_389 = arith.constant 0 : i32
        %dma_wait3A_390 = tpu.memref_slice %arg12[%dma_wait3A_388, %dma_wait3A_389] : memref<10112x128xf32, #tpu.memory_space<vmem_shared>> -> memref<10112x128xf32, #tpu.memory_space<vmem_shared>>
        tpu.wait_indirect_dma semaphore(%arg16 : memref<!tpu.dma_semaphore, #tpu.memory_space<semaphore_mem>>) src(%arg11 : memref<128x128xf32, #tpu.memory_space<vmem>>) dst(%dma_wait3A_390 : memref<10112x128xf32, #tpu.memory_space<vmem_shared>>)
        %dma_start3A_391 = arith.constant 2 : i32
        %dma_start3A_392 = arith.constant 0 : i32
        %dma_start3A_393 = tpu.memref_slice %arg9[%dma_start3A_391, %dma_start3A_392] : memref<4x128xi32, #tpu.memory_space<vmem>> -> memref<1x128xi32, #tpu.memory_space<vmem>>
        %dma_start3A_394 = tpu.memref_squeeze %dma_start3A_393 : memref<1x128xi32, #tpu.memory_space<vmem>> -> memref<128xi32, #tpu.memory_space<vmem>>
        %dma_start3A_395 = arith.constant 0 : i32
        %dma_start3A_396 = arith.constant 0 : i32
        %dma_start3A_397 = tpu.memref_slice %arg2[%dma_start3A_395, %dma_start3A_396] : memref<10000x128xf32, #tpu.memory_space<hbm>> -> memref<10000x128xf32, #tpu.memory_space<hbm>>
        tpu.enqueue_indirect_dma source(%dma_start3A_397 : memref<10000x128xf32, #tpu.memory_space<hbm>>) target(%arg11 : memref<128x128xf32, #tpu.memory_space<vmem>>) offsets(%dma_start3A_394 : memref<128xi32, #tpu.memory_space<vmem>>) semaphore(%arg14 : memref<!tpu.dma_semaphore, #tpu.memory_space<semaphore_mem>>)
        %add3A_398 = arith.constant 2 : i32
        %add3A_399 = arith.addi %add3A_296, %add3A_398 : i32
        %mul3A_400 = arith.constant 4 : i32
        %mul3A_401 = arith.muli %mul3A_400, %add3A_399 : i32
        %add3A_402 = arith.addi %mul3A_22, %mul3A_401 : i32
        %dma_start3A_403 = arith.constant 0 : i32
        %dma_start3A_404 = tpu.memref_slice %arg4[%add3A_402, %dma_start3A_403] : memref<10240x128xi32, #tpu.memory_space<hbm>> -> memref<4x128xi32, #tpu.memory_space<hbm>>
        %dma_start3A_405 = arith.constant 0 : i32
        %dma_start3A_406 = tpu.memref_slice %arg4[%add3A_402, %dma_start3A_405] : memref<10240x128xi32, #tpu.memory_space<hbm>> -> memref<4x128xi32, #tpu.memory_space<hbm>>
        tpu.enqueue_dma source(%dma_start3A_406 : memref<4x128xi32, #tpu.memory_space<hbm>>) target(%arg8 : memref<4x128xi32, #tpu.memory_space<vmem>>) target_semaphore(%arg17 : memref<!tpu.dma_semaphore, #tpu.memory_space<semaphore_mem>>)
        %dma_wait3A_407 = arith.constant 0 : i32
        %dma_wait3A_408 = arith.constant 0 : i32
        %dma_wait3A_409 = tpu.memref_slice %arg9[%dma_wait3A_407, %dma_wait3A_408] : memref<4x128xi32, #tpu.memory_space<vmem>> -> memref<1x128xi32, #tpu.memory_space<vmem>>
        %dma_wait3A_410 = tpu.memref_squeeze %dma_wait3A_409 : memref<1x128xi32, #tpu.memory_space<vmem>> -> memref<128xi32, #tpu.memory_space<vmem>>
        %dma_wait3A_411 = arith.constant 0 : i32
        %dma_wait3A_412 = arith.constant 0 : i32
        %dma_wait3A_413 = tpu.memref_slice %arg2[%dma_wait3A_411, %dma_wait3A_412] : memref<10000x128xf32, #tpu.memory_space<hbm>> -> memref<10000x128xf32, #tpu.memory_space<hbm>>
        tpu.wait_indirect_dma semaphore(%arg13 : memref<!tpu.dma_semaphore, #tpu.memory_space<semaphore_mem>>) src(%dma_wait3A_413 : memref<10000x128xf32, #tpu.memory_space<hbm>>) dst(%arg10 : memref<128x128xf32, #tpu.memory_space<vmem>>)
        %dma_start3A_414 = arith.constant 1 : i32
        %dma_start3A_415 = arith.constant 0 : i32
        %dma_start3A_416 = tpu.memref_slice %arg9[%dma_start3A_414, %dma_start3A_415] : memref<4x128xi32, #tpu.memory_space<vmem>> -> memref<1x128xi32, #tpu.memory_space<vmem>>
        %dma_start3A_417 = tpu.memref_squeeze %dma_start3A_416 : memref<1x128xi32, #tpu.memory_space<vmem>> -> memref<128xi32, #tpu.memory_space<vmem>>
        %dma_start3A_418 = arith.constant 0 : i32
        %dma_start3A_419 = arith.constant 0 : i32
        %dma_start3A_420 = tpu.memref_slice %arg12[%dma_start3A_418, %dma_start3A_419] : memref<10112x128xf32, #tpu.memory_space<vmem_shared>> -> memref<10112x128xf32, #tpu.memory_space<vmem_shared>>
        tpu.enqueue_indirect_dma source(%arg10 : memref<128x128xf32, #tpu.memory_space<vmem>>) target(%dma_start3A_420 : memref<10112x128xf32, #tpu.memory_space<vmem_shared>>) offsets(%dma_start3A_417 : memref<128xi32, #tpu.memory_space<vmem>>) semaphore(%arg15 : memref<!tpu.dma_semaphore, #tpu.memory_space<semaphore_mem>>) {add = true}
        %dma_wait3A_421 = arith.constant 2 : i32
        %dma_wait3A_422 = arith.constant 0 : i32
        %dma_wait3A_423 = tpu.memref_slice %arg9[%dma_wait3A_421, %dma_wait3A_422] : memref<4x128xi32, #tpu.memory_space<vmem>> -> memref<1x128xi32, #tpu.memory_space<vmem>>
        %dma_wait3A_424 = tpu.memref_squeeze %dma_wait3A_423 : memref<1x128xi32, #tpu.memory_space<vmem>> -> memref<128xi32, #tpu.memory_space<vmem>>
        %dma_wait3A_425 = arith.constant 0 : i32
        %dma_wait3A_426 = arith.constant 0 : i32
        %dma_wait3A_427 = tpu.memref_slice %arg2[%dma_wait3A_425, %dma_wait3A_426] : memref<10000x128xf32, #tpu.memory_space<hbm>> -> memref<10000x128xf32, #tpu.memory_space<hbm>>
        tpu.wait_indirect_dma semaphore(%arg14 : memref<!tpu.dma_semaphore, #tpu.memory_space<semaphore_mem>>) src(%dma_wait3A_427 : memref<10000x128xf32, #tpu.memory_space<hbm>>) dst(%arg11 : memref<128x128xf32, #tpu.memory_space<vmem>>)
        %dma_start3A_428 = arith.constant 3 : i32
        %dma_start3A_429 = arith.constant 0 : i32
        %dma_start3A_430 = tpu.memref_slice %arg9[%dma_start3A_428, %dma_start3A_429] : memref<4x128xi32, #tpu.memory_space<vmem>> -> memref<1x128xi32, #tpu.memory_space<vmem>>
        %dma_start3A_431 = tpu.memref_squeeze %dma_start3A_430 : memref<1x128xi32, #tpu.memory_space<vmem>> -> memref<128xi32, #tpu.memory_space<vmem>>
        %dma_start3A_432 = arith.constant 0 : i32
        %dma_start3A_433 = arith.constant 0 : i32
        %dma_start3A_434 = tpu.memref_slice %arg12[%dma_start3A_432, %dma_start3A_433] : memref<10112x128xf32, #tpu.memory_space<vmem_shared>> -> memref<10112x128xf32, #tpu.memory_space<vmem_shared>>
        tpu.enqueue_indirect_dma source(%arg11 : memref<128x128xf32, #tpu.memory_space<vmem>>) target(%dma_start3A_434 : memref<10112x128xf32, #tpu.memory_space<vmem_shared>>) offsets(%dma_start3A_431 : memref<128xi32, #tpu.memory_space<vmem>>) semaphore(%arg16 : memref<!tpu.dma_semaphore, #tpu.memory_space<semaphore_mem>>) {add = true}
      }
      %scan3A_147 = arith.constant 78 : i32
      %dma_wait3A_148 = arith.constant 0 : i32
      %dma_wait3A_149 = tpu.memref_slice %arg4[%mul3A_22, %dma_wait3A_148] : memref<10240x128xi32, #tpu.memory_space<hbm>> -> memref<4x128xi32, #tpu.memory_space<hbm>>
      %dma_wait3A_150 = arith.constant 0 : i32
      %dma_wait3A_151 = tpu.memref_slice %arg4[%mul3A_22, %dma_wait3A_150] : memref<10240x128xi32, #tpu.memory_space<hbm>> -> memref<4x128xi32, #tpu.memory_space<hbm>>
      tpu.wait_dma2 semaphore(%arg17 : memref<!tpu.dma_semaphore, #tpu.memory_space<semaphore_mem>>) src(%dma_wait3A_151 : memref<4x128xi32, #tpu.memory_space<hbm>>) dst(%arg8 : memref<4x128xi32, #tpu.memory_space<vmem>>)
      %dma_wait3A_152 = arith.constant 1 : i32
      %dma_wait3A_153 = arith.constant 0 : i32
      %dma_wait3A_154 = tpu.memref_slice %arg9[%dma_wait3A_152, %dma_wait3A_153] : memref<4x128xi32, #tpu.memory_space<vmem>> -> memref<1x128xi32, #tpu.memory_space<vmem>>
      %dma_wait3A_155 = tpu.memref_squeeze %dma_wait3A_154 : memref<1x128xi32, #tpu.memory_space<vmem>> -> memref<128xi32, #tpu.memory_space<vmem>>
      %dma_wait3A_156 = arith.constant 0 : i32
      %dma_wait3A_157 = arith.constant 0 : i32
      %dma_wait3A_158 = tpu.memref_slice %arg12[%dma_wait3A_156, %dma_wait3A_157] : memref<10112x128xf32, #tpu.memory_space<vmem_shared>> -> memref<10112x128xf32, #tpu.memory_space<vmem_shared>>
      tpu.wait_indirect_dma semaphore(%arg15 : memref<!tpu.dma_semaphore, #tpu.memory_space<semaphore_mem>>) src(%arg10 : memref<128x128xf32, #tpu.memory_space<vmem>>) dst(%dma_wait3A_158 : memref<10112x128xf32, #tpu.memory_space<vmem_shared>>)
      %dma_start3A_159 = arith.constant 0 : i32
      %dma_start3A_160 = arith.constant 0 : i32
      %dma_start3A_161 = tpu.memref_slice %arg8[%dma_start3A_159, %dma_start3A_160] : memref<4x128xi32, #tpu.memory_space<vmem>> -> memref<1x128xi32, #tpu.memory_space<vmem>>
      %dma_start3A_162 = tpu.memref_squeeze %dma_start3A_161 : memref<1x128xi32, #tpu.memory_space<vmem>> -> memref<128xi32, #tpu.memory_space<vmem>>
      %dma_start3A_163 = arith.constant 0 : i32
      %dma_start3A_164 = arith.constant 0 : i32
      %dma_start3A_165 = tpu.memref_slice %arg2[%dma_start3A_163, %dma_start3A_164] : memref<10000x128xf32, #tpu.memory_space<hbm>> -> memref<10000x128xf32, #tpu.memory_space<hbm>>
      tpu.enqueue_indirect_dma source(%dma_start3A_165 : memref<10000x128xf32, #tpu.memory_space<hbm>>) target(%arg10 : memref<128x128xf32, #tpu.memory_space<vmem>>) offsets(%dma_start3A_162 : memref<128xi32, #tpu.memory_space<vmem>>) semaphore(%arg13 : memref<!tpu.dma_semaphore, #tpu.memory_space<semaphore_mem>>)
      %dma_wait3A_166 = arith.constant 3 : i32
      %dma_wait3A_167 = arith.constant 0 : i32
      %dma_wait3A_168 = tpu.memref_slice %arg9[%dma_wait3A_166, %dma_wait3A_167] : memref<4x128xi32, #tpu.memory_space<vmem>> -> memref<1x128xi32, #tpu.memory_space<vmem>>
      %dma_wait3A_169 = tpu.memref_squeeze %dma_wait3A_168 : memref<1x128xi32, #tpu.memory_space<vmem>> -> memref<128xi32, #tpu.memory_space<vmem>>
      %dma_wait3A_170 = arith.constant 0 : i32
      %dma_wait3A_171 = arith.constant 0 : i32
      %dma_wait3A_172 = tpu.memref_slice %arg12[%dma_wait3A_170, %dma_wait3A_171] : memref<10112x128xf32, #tpu.memory_space<vmem_shared>> -> memref<10112x128xf32, #tpu.memory_space<vmem_shared>>
      tpu.wait_indirect_dma semaphore(%arg16 : memref<!tpu.dma_semaphore, #tpu.memory_space<semaphore_mem>>) src(%arg11 : memref<128x128xf32, #tpu.memory_space<vmem>>) dst(%dma_wait3A_172 : memref<10112x128xf32, #tpu.memory_space<vmem_shared>>)
      %dma_start3A_173 = arith.constant 2 : i32
      %dma_start3A_174 = arith.constant 0 : i32
      %dma_start3A_175 = tpu.memref_slice %arg8[%dma_start3A_173, %dma_start3A_174] : memref<4x128xi32, #tpu.memory_space<vmem>> -> memref<1x128xi32, #tpu.memory_space<vmem>>
      %dma_start3A_176 = tpu.memref_squeeze %dma_start3A_175 : memref<1x128xi32, #tpu.memory_space<vmem>> -> memref<128xi32, #tpu.memory_space<vmem>>
      %dma_start3A_177 = arith.constant 0 : i32
      %dma_start3A_178 = arith.constant 0 : i32
      %dma_start3A_179 = tpu.memref_slice %arg2[%dma_start3A_177, %dma_start3A_178] : memref<10000x128xf32, #tpu.memory_space<hbm>> -> memref<10000x128xf32, #tpu.memory_space<hbm>>
      tpu.enqueue_indirect_dma source(%dma_start3A_179 : memref<10000x128xf32, #tpu.memory_space<hbm>>) target(%arg11 : memref<128x128xf32, #tpu.memory_space<vmem>>) offsets(%dma_start3A_176 : memref<128xi32, #tpu.memory_space<vmem>>) semaphore(%arg14 : memref<!tpu.dma_semaphore, #tpu.memory_space<semaphore_mem>>)
      %add3A_180 = arith.constant 636 : i32
      %add3A_181 = arith.addi %mul3A_22, %add3A_180 : i32
      %dma_start3A_182 = arith.constant 0 : i32
      %dma_start3A_183 = tpu.memref_slice %arg4[%add3A_181, %dma_start3A_182] : memref<10240x128xi32, #tpu.memory_space<hbm>> -> memref<4x128xi32, #tpu.memory_space<hbm>>
      %dma_start3A_184 = arith.constant 0 : i32
      %dma_start3A_185 = tpu.memref_slice %arg4[%add3A_181, %dma_start3A_184] : memref<10240x128xi32, #tpu.memory_space<hbm>> -> memref<4x128xi32, #tpu.memory_space<hbm>>
      tpu.enqueue_dma source(%dma_start3A_185 : memref<4x128xi32, #tpu.memory_space<hbm>>) target(%arg9 : memref<4x128xi32, #tpu.memory_space<vmem>>) target_semaphore(%arg18 : memref<!tpu.dma_semaphore, #tpu.memory_space<semaphore_mem>>)
      %dma_wait3A_186 = arith.constant 0 : i32
      %dma_wait3A_187 = arith.constant 0 : i32
      %dma_wait3A_188 = tpu.memref_slice %arg8[%dma_wait3A_186, %dma_wait3A_187] : memref<4x128xi32, #tpu.memory_space<vmem>> -> memref<1x128xi32, #tpu.memory_space<vmem>>
      %dma_wait3A_189 = tpu.memref_squeeze %dma_wait3A_188 : memref<1x128xi32, #tpu.memory_space<vmem>> -> memref<128xi32, #tpu.memory_space<vmem>>
      %dma_wait3A_190 = arith.constant 0 : i32
      %dma_wait3A_191 = arith.constant 0 : i32
      %dma_wait3A_192 = tpu.memref_slice %arg2[%dma_wait3A_190, %dma_wait3A_191] : memref<10000x128xf32, #tpu.memory_space<hbm>> -> memref<10000x128xf32, #tpu.memory_space<hbm>>
      tpu.wait_indirect_dma semaphore(%arg13 : memref<!tpu.dma_semaphore, #tpu.memory_space<semaphore_mem>>) src(%dma_wait3A_192 : memref<10000x128xf32, #tpu.memory_space<hbm>>) dst(%arg10 : memref<128x128xf32, #tpu.memory_space<vmem>>)
      %dma_start3A_193 = arith.constant 1 : i32
      %dma_start3A_194 = arith.constant 0 : i32
      %dma_start3A_195 = tpu.memref_slice %arg8[%dma_start3A_193, %dma_start3A_194] : memref<4x128xi32, #tpu.memory_space<vmem>> -> memref<1x128xi32, #tpu.memory_space<vmem>>
      %dma_start3A_196 = tpu.memref_squeeze %dma_start3A_195 : memref<1x128xi32, #tpu.memory_space<vmem>> -> memref<128xi32, #tpu.memory_space<vmem>>
      %dma_start3A_197 = arith.constant 0 : i32
      %dma_start3A_198 = arith.constant 0 : i32
      %dma_start3A_199 = tpu.memref_slice %arg12[%dma_start3A_197, %dma_start3A_198] : memref<10112x128xf32, #tpu.memory_space<vmem_shared>> -> memref<10112x128xf32, #tpu.memory_space<vmem_shared>>
      tpu.enqueue_indirect_dma source(%arg10 : memref<128x128xf32, #tpu.memory_space<vmem>>) target(%dma_start3A_199 : memref<10112x128xf32, #tpu.memory_space<vmem_shared>>) offsets(%dma_start3A_196 : memref<128xi32, #tpu.memory_space<vmem>>) semaphore(%arg15 : memref<!tpu.dma_semaphore, #tpu.memory_space<semaphore_mem>>) {add = true}
      %dma_wait3A_200 = arith.constant 2 : i32
      %dma_wait3A_201 = arith.constant 0 : i32
      %dma_wait3A_202 = tpu.memref_slice %arg8[%dma_wait3A_200, %dma_wait3A_201] : memref<4x128xi32, #tpu.memory_space<vmem>> -> memref<1x128xi32, #tpu.memory_space<vmem>>
      %dma_wait3A_203 = tpu.memref_squeeze %dma_wait3A_202 : memref<1x128xi32, #tpu.memory_space<vmem>> -> memref<128xi32, #tpu.memory_space<vmem>>
      %dma_wait3A_204 = arith.constant 0 : i32
      %dma_wait3A_205 = arith.constant 0 : i32
      %dma_wait3A_206 = tpu.memref_slice %arg2[%dma_wait3A_204, %dma_wait3A_205] : memref<10000x128xf32, #tpu.memory_space<hbm>> -> memref<10000x128xf32, #tpu.memory_space<hbm>>
      tpu.wait_indirect_dma semaphore(%arg14 : memref<!tpu.dma_semaphore, #tpu.memory_space<semaphore_mem>>) src(%dma_wait3A_206 : memref<10000x128xf32, #tpu.memory_space<hbm>>) dst(%arg11 : memref<128x128xf32, #tpu.memory_space<vmem>>)
      %dma_start3A_207 = arith.constant 3 : i32
      %dma_start3A_208 = arith.constant 0 : i32
      %dma_start3A_209 = tpu.memref_slice %arg8[%dma_start3A_207, %dma_start3A_208] : memref<4x128xi32, #tpu.memory_space<vmem>> -> memref<1x128xi32, #tpu.memory_space<vmem>>
      %dma_start3A_210 = tpu.memref_squeeze %dma_start3A_209 : memref<1x128xi32, #tpu.memory_space<vmem>> -> memref<128xi32, #tpu.memory_space<vmem>>
      %dma_start3A_211 = arith.constant 0 : i32
      %dma_start3A_212 = arith.constant 0 : i32
      %dma_start3A_213 = tpu.memref_slice %arg12[%dma_start3A_211, %dma_start3A_212] : memref<10112x128xf32, #tpu.memory_space<vmem_shared>> -> memref<10112x128xf32, #tpu.memory_space<vmem_shared>>
      tpu.enqueue_indirect_dma source(%arg11 : memref<128x128xf32, #tpu.memory_space<vmem>>) target(%dma_start3A_213 : memref<10112x128xf32, #tpu.memory_space<vmem_shared>>) offsets(%dma_start3A_210 : memref<128xi32, #tpu.memory_space<vmem>>) semaphore(%arg16 : memref<!tpu.dma_semaphore, #tpu.memory_space<semaphore_mem>>) {add = true}
      %dma_wait3A_214 = arith.constant 0 : i32
      %dma_wait3A_215 = tpu.memref_slice %arg4[%mul3A_22, %dma_wait3A_214] : memref<10240x128xi32, #tpu.memory_space<hbm>> -> memref<4x128xi32, #tpu.memory_space<hbm>>
      %dma_wait3A_216 = arith.constant 0 : i32
      %dma_wait3A_217 = tpu.memref_slice %arg4[%mul3A_22, %dma_wait3A_216] : memref<10240x128xi32, #tpu.memory_space<hbm>> -> memref<4x128xi32, #tpu.memory_space<hbm>>
      tpu.wait_dma2 semaphore(%arg18 : memref<!tpu.dma_semaphore, #tpu.memory_space<semaphore_mem>>) src(%dma_wait3A_217 : memref<4x128xi32, #tpu.memory_space<hbm>>) dst(%arg9 : memref<4x128xi32, #tpu.memory_space<vmem>>)
      %dma_wait3A_218 = arith.constant 1 : i32
      %dma_wait3A_219 = arith.constant 0 : i32
      %dma_wait3A_220 = tpu.memref_slice %arg8[%dma_wait3A_218, %dma_wait3A_219] : memref<4x128xi32, #tpu.memory_space<vmem>> -> memref<1x128xi32, #tpu.memory_space<vmem>>
      %dma_wait3A_221 = tpu.memref_squeeze %dma_wait3A_220 : memref<1x128xi32, #tpu.memory_space<vmem>> -> memref<128xi32, #tpu.memory_space<vmem>>
      %dma_wait3A_222 = arith.constant 0 : i32
      %dma_wait3A_223 = arith.constant 0 : i32
      %dma_wait3A_224 = tpu.memref_slice %arg12[%dma_wait3A_222, %dma_wait3A_223] : memref<10112x128xf32, #tpu.memory_space<vmem_shared>> -> memref<10112x128xf32, #tpu.memory_space<vmem_shared>>
      tpu.wait_indirect_dma semaphore(%arg15 : memref<!tpu.dma_semaphore, #tpu.memory_space<semaphore_mem>>) src(%arg10 : memref<128x128xf32, #tpu.memory_space<vmem>>) dst(%dma_wait3A_224 : memref<10112x128xf32, #tpu.memory_space<vmem_shared>>)
      %dma_start3A_225 = arith.constant 0 : i32
      %dma_start3A_226 = arith.constant 0 : i32
      %dma_start3A_227 = tpu.memref_slice %arg9[%dma_start3A_225, %dma_start3A_226] : memref<4x128xi32, #tpu.memory_space<vmem>> -> memref<1x128xi32, #tpu.memory_space<vmem>>
      %dma_start3A_228 = tpu.memref_squeeze %dma_start3A_227 : memref<1x128xi32, #tpu.memory_space<vmem>> -> memref<128xi32, #tpu.memory_space<vmem>>
      %dma_start3A_229 = arith.constant 0 : i32
      %dma_start3A_230 = arith.constant 0 : i32
      %dma_start3A_231 = tpu.memref_slice %arg2[%dma_start3A_229, %dma_start3A_230] : memref<10000x128xf32, #tpu.memory_space<hbm>> -> memref<10000x128xf32, #tpu.memory_space<hbm>>
      tpu.enqueue_indirect_dma source(%dma_start3A_231 : memref<10000x128xf32, #tpu.memory_space<hbm>>) target(%arg10 : memref<128x128xf32, #tpu.memory_space<vmem>>) offsets(%dma_start3A_228 : memref<128xi32, #tpu.memory_space<vmem>>) semaphore(%arg13 : memref<!tpu.dma_semaphore, #tpu.memory_space<semaphore_mem>>)
      %dma_wait3A_232 = arith.constant 3 : i32
      %dma_wait3A_233 = arith.constant 0 : i32
      %dma_wait3A_234 = tpu.memref_slice %arg8[%dma_wait3A_232, %dma_wait3A_233] : memref<4x128xi32, #tpu.memory_space<vmem>> -> memref<1x128xi32, #tpu.memory_space<vmem>>
      %dma_wait3A_235 = tpu.memref_squeeze %dma_wait3A_234 : memref<1x128xi32, #tpu.memory_space<vmem>> -> memref<128xi32, #tpu.memory_space<vmem>>
      %dma_wait3A_236 = arith.constant 0 : i32
      %dma_wait3A_237 = arith.constant 0 : i32
      %dma_wait3A_238 = tpu.memref_slice %arg12[%dma_wait3A_236, %dma_wait3A_237] : memref<10112x128xf32, #tpu.memory_space<vmem_shared>> -> memref<10112x128xf32, #tpu.memory_space<vmem_shared>>
      tpu.wait_indirect_dma semaphore(%arg16 : memref<!tpu.dma_semaphore, #tpu.memory_space<semaphore_mem>>) src(%arg11 : memref<128x128xf32, #tpu.memory_space<vmem>>) dst(%dma_wait3A_238 : memref<10112x128xf32, #tpu.memory_space<vmem_shared>>)
      %dma_start3A_239 = arith.constant 2 : i32
      %dma_start3A_240 = arith.constant 0 : i32
      %dma_start3A_241 = tpu.memref_slice %arg9[%dma_start3A_239, %dma_start3A_240] : memref<4x128xi32, #tpu.memory_space<vmem>> -> memref<1x128xi32, #tpu.memory_space<vmem>>
      %dma_start3A_242 = tpu.memref_squeeze %dma_start3A_241 : memref<1x128xi32, #tpu.memory_space<vmem>> -> memref<128xi32, #tpu.memory_space<vmem>>
      %dma_start3A_243 = arith.constant 0 : i32
      %dma_start3A_244 = arith.constant 0 : i32
      %dma_start3A_245 = tpu.memref_slice %arg2[%dma_start3A_243, %dma_start3A_244] : memref<10000x128xf32, #tpu.memory_space<hbm>> -> memref<10000x128xf32, #tpu.memory_space<hbm>>
      tpu.enqueue_indirect_dma source(%dma_start3A_245 : memref<10000x128xf32, #tpu.memory_space<hbm>>) target(%arg11 : memref<128x128xf32, #tpu.memory_space<vmem>>) offsets(%dma_start3A_242 : memref<128xi32, #tpu.memory_space<vmem>>) semaphore(%arg14 : memref<!tpu.dma_semaphore, #tpu.memory_space<semaphore_mem>>)
      %dma_wait3A_246 = arith.constant 0 : i32
      %dma_wait3A_247 = arith.constant 0 : i32
      %dma_wait3A_248 = tpu.memref_slice %arg9[%dma_wait3A_246, %dma_wait3A_247] : memref<4x128xi32, #tpu.memory_space<vmem>> -> memref<1x128xi32, #tpu.memory_space<vmem>>
      %dma_wait3A_249 = tpu.memref_squeeze %dma_wait3A_248 : memref<1x128xi32, #tpu.memory_space<vmem>> -> memref<128xi32, #tpu.memory_space<vmem>>
      %dma_wait3A_250 = arith.constant 0 : i32
      %dma_wait3A_251 = arith.constant 0 : i32
      %dma_wait3A_252 = tpu.memref_slice %arg2[%dma_wait3A_250, %dma_wait3A_251] : memref<10000x128xf32, #tpu.memory_space<hbm>> -> memref<10000x128xf32, #tpu.memory_space<hbm>>
      tpu.wait_indirect_dma semaphore(%arg13 : memref<!tpu.dma_semaphore, #tpu.memory_space<semaphore_mem>>) src(%dma_wait3A_252 : memref<10000x128xf32, #tpu.memory_space<hbm>>) dst(%arg10 : memref<128x128xf32, #tpu.memory_space<vmem>>)
      %dma_start3A_253 = arith.constant 1 : i32
      %dma_start3A_254 = arith.constant 0 : i32
      %dma_start3A_255 = tpu.memref_slice %arg9[%dma_start3A_253, %dma_start3A_254] : memref<4x128xi32, #tpu.memory_space<vmem>> -> memref<1x128xi32, #tpu.memory_space<vmem>>
      %dma_start3A_256 = tpu.memref_squeeze %dma_start3A_255 : memref<1x128xi32, #tpu.memory_space<vmem>> -> memref<128xi32, #tpu.memory_space<vmem>>
      %dma_start3A_257 = arith.constant 0 : i32
      %dma_start3A_258 = arith.constant 0 : i32
      %dma_start3A_259 = tpu.memref_slice %arg12[%dma_start3A_257, %dma_start3A_258] : memref<10112x128xf32, #tpu.memory_space<vmem_shared>> -> memref<10112x128xf32, #tpu.memory_space<vmem_shared>>
      tpu.enqueue_indirect_dma source(%arg10 : memref<128x128xf32, #tpu.memory_space<vmem>>) target(%dma_start3A_259 : memref<10112x128xf32, #tpu.memory_space<vmem_shared>>) offsets(%dma_start3A_256 : memref<128xi32, #tpu.memory_space<vmem>>) semaphore(%arg15 : memref<!tpu.dma_semaphore, #tpu.memory_space<semaphore_mem>>) {add = true}
      %dma_wait3A_260 = arith.constant 2 : i32
      %dma_wait3A_261 = arith.constant 0 : i32
      %dma_wait3A_262 = tpu.memref_slice %arg9[%dma_wait3A_260, %dma_wait3A_261] : memref<4x128xi32, #tpu.memory_space<vmem>> -> memref<1x128xi32, #tpu.memory_space<vmem>>
      %dma_wait3A_263 = tpu.memref_squeeze %dma_wait3A_262 : memref<1x128xi32, #tpu.memory_space<vmem>> -> memref<128xi32, #tpu.memory_space<vmem>>
      %dma_wait3A_264 = arith.constant 0 : i32
      %dma_wait3A_265 = arith.constant 0 : i32
      %dma_wait3A_266 = tpu.memref_slice %arg2[%dma_wait3A_264, %dma_wait3A_265] : memref<10000x128xf32, #tpu.memory_space<hbm>> -> memref<10000x128xf32, #tpu.memory_space<hbm>>
      tpu.wait_indirect_dma semaphore(%arg14 : memref<!tpu.dma_semaphore, #tpu.memory_space<semaphore_mem>>) src(%dma_wait3A_266 : memref<10000x128xf32, #tpu.memory_space<hbm>>) dst(%arg11 : memref<128x128xf32, #tpu.memory_space<vmem>>)
      %dma_start3A_267 = arith.constant 3 : i32
      %dma_start3A_268 = arith.constant 0 : i32
      %dma_start3A_269 = tpu.memref_slice %arg9[%dma_start3A_267, %dma_start3A_268] : memref<4x128xi32, #tpu.memory_space<vmem>> -> memref<1x128xi32, #tpu.memory_space<vmem>>
      %dma_start3A_270 = tpu.memref_squeeze %dma_start3A_269 : memref<1x128xi32, #tpu.memory_space<vmem>> -> memref<128xi32, #tpu.memory_space<vmem>>
      %dma_start3A_271 = arith.constant 0 : i32
      %dma_start3A_272 = arith.constant 0 : i32
      %dma_start3A_273 = tpu.memref_slice %arg12[%dma_start3A_271, %dma_start3A_272] : memref<10112x128xf32, #tpu.memory_space<vmem_shared>> -> memref<10112x128xf32, #tpu.memory_space<vmem_shared>>
      tpu.enqueue_indirect_dma source(%arg11 : memref<128x128xf32, #tpu.memory_space<vmem>>) target(%dma_start3A_273 : memref<10112x128xf32, #tpu.memory_space<vmem_shared>>) offsets(%dma_start3A_270 : memref<128xi32, #tpu.memory_space<vmem>>) semaphore(%arg16 : memref<!tpu.dma_semaphore, #tpu.memory_space<semaphore_mem>>) {add = true}
      %dma_wait3A_274 = arith.constant 1 : i32
      %dma_wait3A_275 = arith.constant 0 : i32
      %dma_wait3A_276 = tpu.memref_slice %arg9[%dma_wait3A_274, %dma_wait3A_275] : memref<4x128xi32, #tpu.memory_space<vmem>> -> memref<1x128xi32, #tpu.memory_space<vmem>>
      %dma_wait3A_277 = tpu.memref_squeeze %dma_wait3A_276 : memref<1x128xi32, #tpu.memory_space<vmem>> -> memref<128xi32, #tpu.memory_space<vmem>>
      %dma_wait3A_278 = arith.constant 0 : i32
      %dma_wait3A_279 = arith.constant 0 : i32
      %dma_wait3A_280 = tpu.memref_slice %arg12[%dma_wait3A_278, %dma_wait3A_279] : memref<10112x128xf32, #tpu.memory_space<vmem_shared>> -> memref<10112x128xf32, #tpu.memory_space<vmem_shared>>
      tpu.wait_indirect_dma semaphore(%arg15 : memref<!tpu.dma_semaphore, #tpu.memory_space<semaphore_mem>>) src(%arg10 : memref<128x128xf32, #tpu.memory_space<vmem>>) dst(%dma_wait3A_280 : memref<10112x128xf32, #tpu.memory_space<vmem_shared>>)
      %dma_wait3A_281 = arith.constant 3 : i32
      %dma_wait3A_282 = arith.constant 0 : i32
      %dma_wait3A_283 = tpu.memref_slice %arg9[%dma_wait3A_281, %dma_wait3A_282] : memref<4x128xi32, #tpu.memory_space<vmem>> -> memref<1x128xi32, #tpu.memory_space<vmem>>
      %dma_wait3A_284 = tpu.memref_squeeze %dma_wait3A_283 : memref<1x128xi32, #tpu.memory_space<vmem>> -> memref<128xi32, #tpu.memory_space<vmem>>
      %dma_wait3A_285 = arith.constant 0 : i32
      %dma_wait3A_286 = arith.constant 0 : i32
      %dma_wait3A_287 = tpu.memref_slice %arg12[%dma_wait3A_285, %dma_wait3A_286] : memref<10112x128xf32, #tpu.memory_space<vmem_shared>> -> memref<10112x128xf32, #tpu.memory_space<vmem_shared>>
      tpu.wait_indirect_dma semaphore(%arg16 : memref<!tpu.dma_semaphore, #tpu.memory_space<semaphore_mem>>) src(%arg11 : memref<128x128xf32, #tpu.memory_space<vmem>>) dst(%dma_wait3A_287 : memref<10112x128xf32, #tpu.memory_space<vmem_shared>>)
    } else {
    }
    %eq3A_3 = arith.constant 1 : i32
    %eq3A_4 = arith.cmpi eq, %arg0, %eq3A_3 : i32
    %convert_element_type3A_5 = arith.extui %eq3A_4 : i1 to i32
    %cond3A_6 = arith.constant 0 : i32
    %cond3A_7 = arith.cmpi ne, %convert_element_type3A_5, %cond3A_6 : i32
    scf.if %cond3A_7 {
      %mul3A_19 = arith.constant 2 : i32
      %mul3A_20 = arith.muli %mul3A_19, %arg1 : i32
      %mul3A_21 = arith.constant 320 : i32
      %mul3A_22 = arith.muli %mul3A_20, %mul3A_21 : i32
      %add3A = arith.constant 0 : i32
      %add3A_23 = arith.addi %mul3A_22, %add3A : i32
      %dma_start3A = arith.constant 0 : i32
      %dma_start3A_24 = tpu.memref_slice %arg4[%add3A_23, %dma_start3A] : memref<10240x128xi32, #tpu.memory_space<hbm>> -> memref<4x128xi32, #tpu.memory_space<hbm>>
      %dma_start3A_25 = arith.constant 0 : i32
      %dma_start3A_26 = tpu.memref_slice %arg4[%add3A_23, %dma_start3A_25] : memref<10240x128xi32, #tpu.memory_space<hbm>> -> memref<4x128xi32, #tpu.memory_space<hbm>>
      tpu.enqueue_dma source(%dma_start3A_26 : memref<4x128xi32, #tpu.memory_space<hbm>>) target(%arg8 : memref<4x128xi32, #tpu.memory_space<vmem>>) target_semaphore(%arg17 : memref<!tpu.dma_semaphore, #tpu.memory_space<semaphore_mem>>)
      %dma_wait3A = arith.constant 0 : i32
      %dma_wait3A_27 = tpu.memref_slice %arg4[%add3A_23, %dma_wait3A] : memref<10240x128xi32, #tpu.memory_space<hbm>> -> memref<4x128xi32, #tpu.memory_space<hbm>>
      %dma_wait3A_28 = arith.constant 0 : i32
      %dma_wait3A_29 = tpu.memref_slice %arg4[%add3A_23, %dma_wait3A_28] : memref<10240x128xi32, #tpu.memory_space<hbm>> -> memref<4x128xi32, #tpu.memory_space<hbm>>
      tpu.wait_dma2 semaphore(%arg17 : memref<!tpu.dma_semaphore, #tpu.memory_space<semaphore_mem>>) src(%dma_wait3A_29 : memref<4x128xi32, #tpu.memory_space<hbm>>) dst(%arg8 : memref<4x128xi32, #tpu.memory_space<vmem>>)
      %dma_start3A_30 = arith.constant 0 : i32
      %dma_start3A_31 = arith.constant 0 : i32
      %dma_start3A_32 = tpu.memref_slice %arg8[%dma_start3A_30, %dma_start3A_31] : memref<4x128xi32, #tpu.memory_space<vmem>> -> memref<1x128xi32, #tpu.memory_space<vmem>>
      %dma_start3A_33 = tpu.memref_squeeze %dma_start3A_32 : memref<1x128xi32, #tpu.memory_space<vmem>> -> memref<128xi32, #tpu.memory_space<vmem>>
      %dma_start3A_34 = arith.constant 0 : i32
      %dma_start3A_35 = arith.constant 0 : i32
      %dma_start3A_36 = tpu.memref_slice %arg3[%dma_start3A_34, %dma_start3A_35] : memref<10000x128xf32, #tpu.memory_space<hbm>> -> memref<10000x128xf32, #tpu.memory_space<hbm>>
      tpu.enqueue_indirect_dma source(%dma_start3A_36 : memref<10000x128xf32, #tpu.memory_space<hbm>>) target(%arg10 : memref<128x128xf32, #tpu.memory_space<vmem>>) offsets(%dma_start3A_33 : memref<128xi32, #tpu.memory_space<vmem>>) semaphore(%arg13 : memref<!tpu.dma_semaphore, #tpu.memory_space<semaphore_mem>>)
      %dma_start3A_37 = arith.constant 2 : i32
      %dma_start3A_38 = arith.constant 0 : i32
      %dma_start3A_39 = tpu.memref_slice %arg8[%dma_start3A_37, %dma_start3A_38] : memref<4x128xi32, #tpu.memory_space<vmem>> -> memref<1x128xi32, #tpu.memory_space<vmem>>
      %dma_start3A_40 = tpu.memref_squeeze %dma_start3A_39 : memref<1x128xi32, #tpu.memory_space<vmem>> -> memref<128xi32, #tpu.memory_space<vmem>>
      %dma_start3A_41 = arith.constant 0 : i32
      %dma_start3A_42 = arith.constant 0 : i32
      %dma_start3A_43 = tpu.memref_slice %arg3[%dma_start3A_41, %dma_start3A_42] : memref<10000x128xf32, #tpu.memory_space<hbm>> -> memref<10000x128xf32, #tpu.memory_space<hbm>>
      tpu.enqueue_indirect_dma source(%dma_start3A_43 : memref<10000x128xf32, #tpu.memory_space<hbm>>) target(%arg11 : memref<128x128xf32, #tpu.memory_space<vmem>>) offsets(%dma_start3A_40 : memref<128xi32, #tpu.memory_space<vmem>>) semaphore(%arg14 : memref<!tpu.dma_semaphore, #tpu.memory_space<semaphore_mem>>)
      %add3A_44 = arith.constant 4 : i32
      %add3A_45 = arith.addi %mul3A_22, %add3A_44 : i32
      %dma_start3A_46 = arith.constant 0 : i32
      %dma_start3A_47 = tpu.memref_slice %arg4[%add3A_45, %dma_start3A_46] : memref<10240x128xi32, #tpu.memory_space<hbm>> -> memref<4x128xi32, #tpu.memory_space<hbm>>
      %dma_start3A_48 = arith.constant 0 : i32
      %dma_start3A_49 = tpu.memref_slice %arg4[%add3A_45, %dma_start3A_48] : memref<10240x128xi32, #tpu.memory_space<hbm>> -> memref<4x128xi32, #tpu.memory_space<hbm>>
      tpu.enqueue_dma source(%dma_start3A_49 : memref<4x128xi32, #tpu.memory_space<hbm>>) target(%arg9 : memref<4x128xi32, #tpu.memory_space<vmem>>) target_semaphore(%arg18 : memref<!tpu.dma_semaphore, #tpu.memory_space<semaphore_mem>>)
      %dma_wait3A_50 = arith.constant 0 : i32
      %dma_wait3A_51 = arith.constant 0 : i32
      %dma_wait3A_52 = tpu.memref_slice %arg8[%dma_wait3A_50, %dma_wait3A_51] : memref<4x128xi32, #tpu.memory_space<vmem>> -> memref<1x128xi32, #tpu.memory_space<vmem>>
      %dma_wait3A_53 = tpu.memref_squeeze %dma_wait3A_52 : memref<1x128xi32, #tpu.memory_space<vmem>> -> memref<128xi32, #tpu.memory_space<vmem>>
      %dma_wait3A_54 = arith.constant 0 : i32
      %dma_wait3A_55 = arith.constant 0 : i32
      %dma_wait3A_56 = tpu.memref_slice %arg3[%dma_wait3A_54, %dma_wait3A_55] : memref<10000x128xf32, #tpu.memory_space<hbm>> -> memref<10000x128xf32, #tpu.memory_space<hbm>>
      tpu.wait_indirect_dma semaphore(%arg13 : memref<!tpu.dma_semaphore, #tpu.memory_space<semaphore_mem>>) src(%dma_wait3A_56 : memref<10000x128xf32, #tpu.memory_space<hbm>>) dst(%arg10 : memref<128x128xf32, #tpu.memory_space<vmem>>)
      %dma_start3A_57 = arith.constant 1 : i32
      %dma_start3A_58 = arith.constant 0 : i32
      %dma_start3A_59 = tpu.memref_slice %arg8[%dma_start3A_57, %dma_start3A_58] : memref<4x128xi32, #tpu.memory_space<vmem>> -> memref<1x128xi32, #tpu.memory_space<vmem>>
      %dma_start3A_60 = tpu.memref_squeeze %dma_start3A_59 : memref<1x128xi32, #tpu.memory_space<vmem>> -> memref<128xi32, #tpu.memory_space<vmem>>
      %dma_start3A_61 = arith.constant 0 : i32
      %dma_start3A_62 = arith.constant 0 : i32
      %dma_start3A_63 = tpu.memref_slice %arg12[%dma_start3A_61, %dma_start3A_62] : memref<10112x128xf32, #tpu.memory_space<vmem_shared>> -> memref<10112x128xf32, #tpu.memory_space<vmem_shared>>
      tpu.enqueue_indirect_dma source(%arg10 : memref<128x128xf32, #tpu.memory_space<vmem>>) target(%dma_start3A_63 : memref<10112x128xf32, #tpu.memory_space<vmem_shared>>) offsets(%dma_start3A_60 : memref<128xi32, #tpu.memory_space<vmem>>) semaphore(%arg15 : memref<!tpu.dma_semaphore, #tpu.memory_space<semaphore_mem>>) {add = true}
      %dma_wait3A_64 = arith.constant 2 : i32
      %dma_wait3A_65 = arith.constant 0 : i32
      %dma_wait3A_66 = tpu.memref_slice %arg8[%dma_wait3A_64, %dma_wait3A_65] : memref<4x128xi32, #tpu.memory_space<vmem>> -> memref<1x128xi32, #tpu.memory_space<vmem>>
      %dma_wait3A_67 = tpu.memref_squeeze %dma_wait3A_66 : memref<1x128xi32, #tpu.memory_space<vmem>> -> memref<128xi32, #tpu.memory_space<vmem>>
      %dma_wait3A_68 = arith.constant 0 : i32
      %dma_wait3A_69 = arith.constant 0 : i32
      %dma_wait3A_70 = tpu.memref_slice %arg3[%dma_wait3A_68, %dma_wait3A_69] : memref<10000x128xf32, #tpu.memory_space<hbm>> -> memref<10000x128xf32, #tpu.memory_space<hbm>>
      tpu.wait_indirect_dma semaphore(%arg14 : memref<!tpu.dma_semaphore, #tpu.memory_space<semaphore_mem>>) src(%dma_wait3A_70 : memref<10000x128xf32, #tpu.memory_space<hbm>>) dst(%arg11 : memref<128x128xf32, #tpu.memory_space<vmem>>)
      %dma_start3A_71 = arith.constant 3 : i32
      %dma_start3A_72 = arith.constant 0 : i32
      %dma_start3A_73 = tpu.memref_slice %arg8[%dma_start3A_71, %dma_start3A_72] : memref<4x128xi32, #tpu.memory_space<vmem>> -> memref<1x128xi32, #tpu.memory_space<vmem>>
      %dma_start3A_74 = tpu.memref_squeeze %dma_start3A_73 : memref<1x128xi32, #tpu.memory_space<vmem>> -> memref<128xi32, #tpu.memory_space<vmem>>
      %dma_start3A_75 = arith.constant 0 : i32
      %dma_start3A_76 = arith.constant 0 : i32
      %dma_start3A_77 = tpu.memref_slice %arg12[%dma_start3A_75, %dma_start3A_76] : memref<10112x128xf32, #tpu.memory_space<vmem_shared>> -> memref<10112x128xf32, #tpu.memory_space<vmem_shared>>
      tpu.enqueue_indirect_dma source(%arg11 : memref<128x128xf32, #tpu.memory_space<vmem>>) target(%dma_start3A_77 : memref<10112x128xf32, #tpu.memory_space<vmem_shared>>) offsets(%dma_start3A_74 : memref<128xi32, #tpu.memory_space<vmem>>) semaphore(%arg16 : memref<!tpu.dma_semaphore, #tpu.memory_space<semaphore_mem>>) {add = true}
      %dma_wait3A_78 = arith.constant 0 : i32
      %dma_wait3A_79 = tpu.memref_slice %arg4[%mul3A_22, %dma_wait3A_78] : memref<10240x128xi32, #tpu.memory_space<hbm>> -> memref<4x128xi32, #tpu.memory_space<hbm>>
      %dma_wait3A_80 = arith.constant 0 : i32
      %dma_wait3A_81 = tpu.memref_slice %arg4[%mul3A_22, %dma_wait3A_80] : memref<10240x128xi32, #tpu.memory_space<hbm>> -> memref<4x128xi32, #tpu.memory_space<hbm>>
      tpu.wait_dma2 semaphore(%arg18 : memref<!tpu.dma_semaphore, #tpu.memory_space<semaphore_mem>>) src(%dma_wait3A_81 : memref<4x128xi32, #tpu.memory_space<hbm>>) dst(%arg9 : memref<4x128xi32, #tpu.memory_space<vmem>>)
      %dma_wait3A_82 = arith.constant 1 : i32
      %dma_wait3A_83 = arith.constant 0 : i32
      %dma_wait3A_84 = tpu.memref_slice %arg8[%dma_wait3A_82, %dma_wait3A_83] : memref<4x128xi32, #tpu.memory_space<vmem>> -> memref<1x128xi32, #tpu.memory_space<vmem>>
      %dma_wait3A_85 = tpu.memref_squeeze %dma_wait3A_84 : memref<1x128xi32, #tpu.memory_space<vmem>> -> memref<128xi32, #tpu.memory_space<vmem>>
      %dma_wait3A_86 = arith.constant 0 : i32
      %dma_wait3A_87 = arith.constant 0 : i32
      %dma_wait3A_88 = tpu.memref_slice %arg12[%dma_wait3A_86, %dma_wait3A_87] : memref<10112x128xf32, #tpu.memory_space<vmem_shared>> -> memref<10112x128xf32, #tpu.memory_space<vmem_shared>>
      tpu.wait_indirect_dma semaphore(%arg15 : memref<!tpu.dma_semaphore, #tpu.memory_space<semaphore_mem>>) src(%arg10 : memref<128x128xf32, #tpu.memory_space<vmem>>) dst(%dma_wait3A_88 : memref<10112x128xf32, #tpu.memory_space<vmem_shared>>)
      %dma_start3A_89 = arith.constant 0 : i32
      %dma_start3A_90 = arith.constant 0 : i32
      %dma_start3A_91 = tpu.memref_slice %arg9[%dma_start3A_89, %dma_start3A_90] : memref<4x128xi32, #tpu.memory_space<vmem>> -> memref<1x128xi32, #tpu.memory_space<vmem>>
      %dma_start3A_92 = tpu.memref_squeeze %dma_start3A_91 : memref<1x128xi32, #tpu.memory_space<vmem>> -> memref<128xi32, #tpu.memory_space<vmem>>
      %dma_start3A_93 = arith.constant 0 : i32
      %dma_start3A_94 = arith.constant 0 : i32
      %dma_start3A_95 = tpu.memref_slice %arg3[%dma_start3A_93, %dma_start3A_94] : memref<10000x128xf32, #tpu.memory_space<hbm>> -> memref<10000x128xf32, #tpu.memory_space<hbm>>
      tpu.enqueue_indirect_dma source(%dma_start3A_95 : memref<10000x128xf32, #tpu.memory_space<hbm>>) target(%arg10 : memref<128x128xf32, #tpu.memory_space<vmem>>) offsets(%dma_start3A_92 : memref<128xi32, #tpu.memory_space<vmem>>) semaphore(%arg13 : memref<!tpu.dma_semaphore, #tpu.memory_space<semaphore_mem>>)
      %dma_wait3A_96 = arith.constant 3 : i32
      %dma_wait3A_97 = arith.constant 0 : i32
      %dma_wait3A_98 = tpu.memref_slice %arg8[%dma_wait3A_96, %dma_wait3A_97] : memref<4x128xi32, #tpu.memory_space<vmem>> -> memref<1x128xi32, #tpu.memory_space<vmem>>
      %dma_wait3A_99 = tpu.memref_squeeze %dma_wait3A_98 : memref<1x128xi32, #tpu.memory_space<vmem>> -> memref<128xi32, #tpu.memory_space<vmem>>
      %dma_wait3A_100 = arith.constant 0 : i32
      %dma_wait3A_101 = arith.constant 0 : i32
      %dma_wait3A_102 = tpu.memref_slice %arg12[%dma_wait3A_100, %dma_wait3A_101] : memref<10112x128xf32, #tpu.memory_space<vmem_shared>> -> memref<10112x128xf32, #tpu.memory_space<vmem_shared>>
      tpu.wait_indirect_dma semaphore(%arg16 : memref<!tpu.dma_semaphore, #tpu.memory_space<semaphore_mem>>) src(%arg11 : memref<128x128xf32, #tpu.memory_space<vmem>>) dst(%dma_wait3A_102 : memref<10112x128xf32, #tpu.memory_space<vmem_shared>>)
      %dma_start3A_103 = arith.constant 2 : i32
      %dma_start3A_104 = arith.constant 0 : i32
      %dma_start3A_105 = tpu.memref_slice %arg9[%dma_start3A_103, %dma_start3A_104] : memref<4x128xi32, #tpu.memory_space<vmem>> -> memref<1x128xi32, #tpu.memory_space<vmem>>
      %dma_start3A_106 = tpu.memref_squeeze %dma_start3A_105 : memref<1x128xi32, #tpu.memory_space<vmem>> -> memref<128xi32, #tpu.memory_space<vmem>>
      %dma_start3A_107 = arith.constant 0 : i32
      %dma_start3A_108 = arith.constant 0 : i32
      %dma_start3A_109 = tpu.memref_slice %arg3[%dma_start3A_107, %dma_start3A_108] : memref<10000x128xf32, #tpu.memory_space<hbm>> -> memref<10000x128xf32, #tpu.memory_space<hbm>>
      tpu.enqueue_indirect_dma source(%dma_start3A_109 : memref<10000x128xf32, #tpu.memory_space<hbm>>) target(%arg11 : memref<128x128xf32, #tpu.memory_space<vmem>>) offsets(%dma_start3A_106 : memref<128xi32, #tpu.memory_space<vmem>>) semaphore(%arg14 : memref<!tpu.dma_semaphore, #tpu.memory_space<semaphore_mem>>)
      %add3A_110 = arith.constant 8 : i32
      %add3A_111 = arith.addi %mul3A_22, %add3A_110 : i32
      %dma_start3A_112 = arith.constant 0 : i32
      %dma_start3A_113 = tpu.memref_slice %arg4[%add3A_111, %dma_start3A_112] : memref<10240x128xi32, #tpu.memory_space<hbm>> -> memref<4x128xi32, #tpu.memory_space<hbm>>
      %dma_start3A_114 = arith.constant 0 : i32
      %dma_start3A_115 = tpu.memref_slice %arg4[%add3A_111, %dma_start3A_114] : memref<10240x128xi32, #tpu.memory_space<hbm>> -> memref<4x128xi32, #tpu.memory_space<hbm>>
      tpu.enqueue_dma source(%dma_start3A_115 : memref<4x128xi32, #tpu.memory_space<hbm>>) target(%arg8 : memref<4x128xi32, #tpu.memory_space<vmem>>) target_semaphore(%arg17 : memref<!tpu.dma_semaphore, #tpu.memory_space<semaphore_mem>>)
      %dma_wait3A_116 = arith.constant 0 : i32
      %dma_wait3A_117 = arith.constant 0 : i32
      %dma_wait3A_118 = tpu.memref_slice %arg9[%dma_wait3A_116, %dma_wait3A_117] : memref<4x128xi32, #tpu.memory_space<vmem>> -> memref<1x128xi32, #tpu.memory_space<vmem>>
      %dma_wait3A_119 = tpu.memref_squeeze %dma_wait3A_118 : memref<1x128xi32, #tpu.memory_space<vmem>> -> memref<128xi32, #tpu.memory_space<vmem>>
      %dma_wait3A_120 = arith.constant 0 : i32
      %dma_wait3A_121 = arith.constant 0 : i32
      %dma_wait3A_122 = tpu.memref_slice %arg3[%dma_wait3A_120, %dma_wait3A_121] : memref<10000x128xf32, #tpu.memory_space<hbm>> -> memref<10000x128xf32, #tpu.memory_space<hbm>>
      tpu.wait_indirect_dma semaphore(%arg13 : memref<!tpu.dma_semaphore, #tpu.memory_space<semaphore_mem>>) src(%dma_wait3A_122 : memref<10000x128xf32, #tpu.memory_space<hbm>>) dst(%arg10 : memref<128x128xf32, #tpu.memory_space<vmem>>)
      %dma_start3A_123 = arith.constant 1 : i32
      %dma_start3A_124 = arith.constant 0 : i32
      %dma_start3A_125 = tpu.memref_slice %arg9[%dma_start3A_123, %dma_start3A_124] : memref<4x128xi32, #tpu.memory_space<vmem>> -> memref<1x128xi32, #tpu.memory_space<vmem>>
      %dma_start3A_126 = tpu.memref_squeeze %dma_start3A_125 : memref<1x128xi32, #tpu.memory_space<vmem>> -> memref<128xi32, #tpu.memory_space<vmem>>
      %dma_start3A_127 = arith.constant 0 : i32
      %dma_start3A_128 = arith.constant 0 : i32
      %dma_start3A_129 = tpu.memref_slice %arg12[%dma_start3A_127, %dma_start3A_128] : memref<10112x128xf32, #tpu.memory_space<vmem_shared>> -> memref<10112x128xf32, #tpu.memory_space<vmem_shared>>
      tpu.enqueue_indirect_dma source(%arg10 : memref<128x128xf32, #tpu.memory_space<vmem>>) target(%dma_start3A_129 : memref<10112x128xf32, #tpu.memory_space<vmem_shared>>) offsets(%dma_start3A_126 : memref<128xi32, #tpu.memory_space<vmem>>) semaphore(%arg15 : memref<!tpu.dma_semaphore, #tpu.memory_space<semaphore_mem>>) {add = true}
      %dma_wait3A_130 = arith.constant 2 : i32
      %dma_wait3A_131 = arith.constant 0 : i32
      %dma_wait3A_132 = tpu.memref_slice %arg9[%dma_wait3A_130, %dma_wait3A_131] : memref<4x128xi32, #tpu.memory_space<vmem>> -> memref<1x128xi32, #tpu.memory_space<vmem>>
      %dma_wait3A_133 = tpu.memref_squeeze %dma_wait3A_132 : memref<1x128xi32, #tpu.memory_space<vmem>> -> memref<128xi32, #tpu.memory_space<vmem>>
      %dma_wait3A_134 = arith.constant 0 : i32
      %dma_wait3A_135 = arith.constant 0 : i32
      %dma_wait3A_136 = tpu.memref_slice %arg3[%dma_wait3A_134, %dma_wait3A_135] : memref<10000x128xf32, #tpu.memory_space<hbm>> -> memref<10000x128xf32, #tpu.memory_space<hbm>>
      tpu.wait_indirect_dma semaphore(%arg14 : memref<!tpu.dma_semaphore, #tpu.memory_space<semaphore_mem>>) src(%dma_wait3A_136 : memref<10000x128xf32, #tpu.memory_space<hbm>>) dst(%arg11 : memref<128x128xf32, #tpu.memory_space<vmem>>)
      %dma_start3A_137 = arith.constant 3 : i32
      %dma_start3A_138 = arith.constant 0 : i32
      %dma_start3A_139 = tpu.memref_slice %arg9[%dma_start3A_137, %dma_start3A_138] : memref<4x128xi32, #tpu.memory_space<vmem>> -> memref<1x128xi32, #tpu.memory_space<vmem>>
      %dma_start3A_140 = tpu.memref_squeeze %dma_start3A_139 : memref<1x128xi32, #tpu.memory_space<vmem>> -> memref<128xi32, #tpu.memory_space<vmem>>
      %dma_start3A_141 = arith.constant 0 : i32
      %dma_start3A_142 = arith.constant 0 : i32
      %dma_start3A_143 = tpu.memref_slice %arg12[%dma_start3A_141, %dma_start3A_142] : memref<10112x128xf32, #tpu.memory_space<vmem_shared>> -> memref<10112x128xf32, #tpu.memory_space<vmem_shared>>
      tpu.enqueue_indirect_dma source(%arg11 : memref<128x128xf32, #tpu.memory_space<vmem>>) target(%dma_start3A_143 : memref<10112x128xf32, #tpu.memory_space<vmem_shared>>) offsets(%dma_start3A_140 : memref<128xi32, #tpu.memory_space<vmem>>) semaphore(%arg16 : memref<!tpu.dma_semaphore, #tpu.memory_space<semaphore_mem>>) {add = true}
      %scan3A = arith.constant 0 : i32
      %scan3A_144 = arith.constant 78 : i32
      %scan3A_145 = arith.addi %scan3A, %scan3A_144 : i32
      %scan3A_146 = arith.constant 1 : i32
      scf.for %scan3A_288 = %scan3A to %scan3A_145 step %scan3A_146  : i32 {
        %mul3A_289 = arith.constant 1 : i32
        %mul3A_290 = arith.muli %scan3A_288, %mul3A_289 : i32
        %add3A_291 = arith.constant 0 : i32
        %add3A_292 = arith.addi %add3A_291, %mul3A_290 : i32
        %mul3A_293 = arith.constant 2 : i32
        %mul3A_294 = arith.muli %mul3A_293, %add3A_292 : i32
        %add3A_295 = arith.constant 2 : i32
        %add3A_296 = arith.addi %add3A_295, %mul3A_294 : i32
        %dma_wait3A_297 = arith.constant 0 : i32
        %dma_wait3A_298 = tpu.memref_slice %arg4[%mul3A_22, %dma_wait3A_297] : memref<10240x128xi32, #tpu.memory_space<hbm>> -> memref<4x128xi32, #tpu.memory_space<hbm>>
        %dma_wait3A_299 = arith.constant 0 : i32
        %dma_wait3A_300 = tpu.memref_slice %arg4[%mul3A_22, %dma_wait3A_299] : memref<10240x128xi32, #tpu.memory_space<hbm>> -> memref<4x128xi32, #tpu.memory_space<hbm>>
        tpu.wait_dma2 semaphore(%arg17 : memref<!tpu.dma_semaphore, #tpu.memory_space<semaphore_mem>>) src(%dma_wait3A_300 : memref<4x128xi32, #tpu.memory_space<hbm>>) dst(%arg8 : memref<4x128xi32, #tpu.memory_space<vmem>>)
        %dma_wait3A_301 = arith.constant 1 : i32
        %dma_wait3A_302 = arith.constant 0 : i32
        %dma_wait3A_303 = tpu.memref_slice %arg9[%dma_wait3A_301, %dma_wait3A_302] : memref<4x128xi32, #tpu.memory_space<vmem>> -> memref<1x128xi32, #tpu.memory_space<vmem>>
        %dma_wait3A_304 = tpu.memref_squeeze %dma_wait3A_303 : memref<1x128xi32, #tpu.memory_space<vmem>> -> memref<128xi32, #tpu.memory_space<vmem>>
        %dma_wait3A_305 = arith.constant 0 : i32
        %dma_wait3A_306 = arith.constant 0 : i32
        %dma_wait3A_307 = tpu.memref_slice %arg12[%dma_wait3A_305, %dma_wait3A_306] : memref<10112x128xf32, #tpu.memory_space<vmem_shared>> -> memref<10112x128xf32, #tpu.memory_space<vmem_shared>>
        tpu.wait_indirect_dma semaphore(%arg15 : memref<!tpu.dma_semaphore, #tpu.memory_space<semaphore_mem>>) src(%arg10 : memref<128x128xf32, #tpu.memory_space<vmem>>) dst(%dma_wait3A_307 : memref<10112x128xf32, #tpu.memory_space<vmem_shared>>)
        %dma_start3A_308 = arith.constant 0 : i32
        %dma_start3A_309 = arith.constant 0 : i32
        %dma_start3A_310 = tpu.memref_slice %arg8[%dma_start3A_308, %dma_start3A_309] : memref<4x128xi32, #tpu.memory_space<vmem>> -> memref<1x128xi32, #tpu.memory_space<vmem>>
        %dma_start3A_311 = tpu.memref_squeeze %dma_start3A_310 : memref<1x128xi32, #tpu.memory_space<vmem>> -> memref<128xi32, #tpu.memory_space<vmem>>
        %dma_start3A_312 = arith.constant 0 : i32
        %dma_start3A_313 = arith.constant 0 : i32
        %dma_start3A_314 = tpu.memref_slice %arg3[%dma_start3A_312, %dma_start3A_313] : memref<10000x128xf32, #tpu.memory_space<hbm>> -> memref<10000x128xf32, #tpu.memory_space<hbm>>
        tpu.enqueue_indirect_dma source(%dma_start3A_314 : memref<10000x128xf32, #tpu.memory_space<hbm>>) target(%arg10 : memref<128x128xf32, #tpu.memory_space<vmem>>) offsets(%dma_start3A_311 : memref<128xi32, #tpu.memory_space<vmem>>) semaphore(%arg13 : memref<!tpu.dma_semaphore, #tpu.memory_space<semaphore_mem>>)
        %dma_wait3A_315 = arith.constant 3 : i32
        %dma_wait3A_316 = arith.constant 0 : i32
        %dma_wait3A_317 = tpu.memref_slice %arg9[%dma_wait3A_315, %dma_wait3A_316] : memref<4x128xi32, #tpu.memory_space<vmem>> -> memref<1x128xi32, #tpu.memory_space<vmem>>
        %dma_wait3A_318 = tpu.memref_squeeze %dma_wait3A_317 : memref<1x128xi32, #tpu.memory_space<vmem>> -> memref<128xi32, #tpu.memory_space<vmem>>
        %dma_wait3A_319 = arith.constant 0 : i32
        %dma_wait3A_320 = arith.constant 0 : i32
        %dma_wait3A_321 = tpu.memref_slice %arg12[%dma_wait3A_319, %dma_wait3A_320] : memref<10112x128xf32, #tpu.memory_space<vmem_shared>> -> memref<10112x128xf32, #tpu.memory_space<vmem_shared>>
        tpu.wait_indirect_dma semaphore(%arg16 : memref<!tpu.dma_semaphore, #tpu.memory_space<semaphore_mem>>) src(%arg11 : memref<128x128xf32, #tpu.memory_space<vmem>>) dst(%dma_wait3A_321 : memref<10112x128xf32, #tpu.memory_space<vmem_shared>>)
        %dma_start3A_322 = arith.constant 2 : i32
        %dma_start3A_323 = arith.constant 0 : i32
        %dma_start3A_324 = tpu.memref_slice %arg8[%dma_start3A_322, %dma_start3A_323] : memref<4x128xi32, #tpu.memory_space<vmem>> -> memref<1x128xi32, #tpu.memory_space<vmem>>
        %dma_start3A_325 = tpu.memref_squeeze %dma_start3A_324 : memref<1x128xi32, #tpu.memory_space<vmem>> -> memref<128xi32, #tpu.memory_space<vmem>>
        %dma_start3A_326 = arith.constant 0 : i32
        %dma_start3A_327 = arith.constant 0 : i32
        %dma_start3A_328 = tpu.memref_slice %arg3[%dma_start3A_326, %dma_start3A_327] : memref<10000x128xf32, #tpu.memory_space<hbm>> -> memref<10000x128xf32, #tpu.memory_space<hbm>>
        tpu.enqueue_indirect_dma source(%dma_start3A_328 : memref<10000x128xf32, #tpu.memory_space<hbm>>) target(%arg11 : memref<128x128xf32, #tpu.memory_space<vmem>>) offsets(%dma_start3A_325 : memref<128xi32, #tpu.memory_space<vmem>>) semaphore(%arg14 : memref<!tpu.dma_semaphore, #tpu.memory_space<semaphore_mem>>)
        %add3A_329 = arith.constant 1 : i32
        %add3A_330 = arith.addi %add3A_296, %add3A_329 : i32
        %mul3A_331 = arith.constant 4 : i32
        %mul3A_332 = arith.muli %mul3A_331, %add3A_330 : i32
        %add3A_333 = arith.addi %mul3A_22, %mul3A_332 : i32
        %dma_start3A_334 = arith.constant 0 : i32
        %dma_start3A_335 = tpu.memref_slice %arg4[%add3A_333, %dma_start3A_334] : memref<10240x128xi32, #tpu.memory_space<hbm>> -> memref<4x128xi32, #tpu.memory_space<hbm>>
        %dma_start3A_336 = arith.constant 0 : i32
        %dma_start3A_337 = tpu.memref_slice %arg4[%add3A_333, %dma_start3A_336] : memref<10240x128xi32, #tpu.memory_space<hbm>> -> memref<4x128xi32, #tpu.memory_space<hbm>>
        tpu.enqueue_dma source(%dma_start3A_337 : memref<4x128xi32, #tpu.memory_space<hbm>>) target(%arg9 : memref<4x128xi32, #tpu.memory_space<vmem>>) target_semaphore(%arg18 : memref<!tpu.dma_semaphore, #tpu.memory_space<semaphore_mem>>)
        %dma_wait3A_338 = arith.constant 0 : i32
        %dma_wait3A_339 = arith.constant 0 : i32
        %dma_wait3A_340 = tpu.memref_slice %arg8[%dma_wait3A_338, %dma_wait3A_339] : memref<4x128xi32, #tpu.memory_space<vmem>> -> memref<1x128xi32, #tpu.memory_space<vmem>>
        %dma_wait3A_341 = tpu.memref_squeeze %dma_wait3A_340 : memref<1x128xi32, #tpu.memory_space<vmem>> -> memref<128xi32, #tpu.memory_space<vmem>>
        %dma_wait3A_342 = arith.constant 0 : i32
        %dma_wait3A_343 = arith.constant 0 : i32
        %dma_wait3A_344 = tpu.memref_slice %arg3[%dma_wait3A_342, %dma_wait3A_343] : memref<10000x128xf32, #tpu.memory_space<hbm>> -> memref<10000x128xf32, #tpu.memory_space<hbm>>
        tpu.wait_indirect_dma semaphore(%arg13 : memref<!tpu.dma_semaphore, #tpu.memory_space<semaphore_mem>>) src(%dma_wait3A_344 : memref<10000x128xf32, #tpu.memory_space<hbm>>) dst(%arg10 : memref<128x128xf32, #tpu.memory_space<vmem>>)
        %dma_start3A_345 = arith.constant 1 : i32
        %dma_start3A_346 = arith.constant 0 : i32
        %dma_start3A_347 = tpu.memref_slice %arg8[%dma_start3A_345, %dma_start3A_346] : memref<4x128xi32, #tpu.memory_space<vmem>> -> memref<1x128xi32, #tpu.memory_space<vmem>>
        %dma_start3A_348 = tpu.memref_squeeze %dma_start3A_347 : memref<1x128xi32, #tpu.memory_space<vmem>> -> memref<128xi32, #tpu.memory_space<vmem>>
        %dma_start3A_349 = arith.constant 0 : i32
        %dma_start3A_350 = arith.constant 0 : i32
        %dma_start3A_351 = tpu.memref_slice %arg12[%dma_start3A_349, %dma_start3A_350] : memref<10112x128xf32, #tpu.memory_space<vmem_shared>> -> memref<10112x128xf32, #tpu.memory_space<vmem_shared>>
        tpu.enqueue_indirect_dma source(%arg10 : memref<128x128xf32, #tpu.memory_space<vmem>>) target(%dma_start3A_351 : memref<10112x128xf32, #tpu.memory_space<vmem_shared>>) offsets(%dma_start3A_348 : memref<128xi32, #tpu.memory_space<vmem>>) semaphore(%arg15 : memref<!tpu.dma_semaphore, #tpu.memory_space<semaphore_mem>>) {add = true}
        %dma_wait3A_352 = arith.constant 2 : i32
        %dma_wait3A_353 = arith.constant 0 : i32
        %dma_wait3A_354 = tpu.memref_slice %arg8[%dma_wait3A_352, %dma_wait3A_353] : memref<4x128xi32, #tpu.memory_space<vmem>> -> memref<1x128xi32, #tpu.memory_space<vmem>>
        %dma_wait3A_355 = tpu.memref_squeeze %dma_wait3A_354 : memref<1x128xi32, #tpu.memory_space<vmem>> -> memref<128xi32, #tpu.memory_space<vmem>>
        %dma_wait3A_356 = arith.constant 0 : i32
        %dma_wait3A_357 = arith.constant 0 : i32
        %dma_wait3A_358 = tpu.memref_slice %arg3[%dma_wait3A_356, %dma_wait3A_357] : memref<10000x128xf32, #tpu.memory_space<hbm>> -> memref<10000x128xf32, #tpu.memory_space<hbm>>
        tpu.wait_indirect_dma semaphore(%arg14 : memref<!tpu.dma_semaphore, #tpu.memory_space<semaphore_mem>>) src(%dma_wait3A_358 : memref<10000x128xf32, #tpu.memory_space<hbm>>) dst(%arg11 : memref<128x128xf32, #tpu.memory_space<vmem>>)
        %dma_start3A_359 = arith.constant 3 : i32
        %dma_start3A_360 = arith.constant 0 : i32
        %dma_start3A_361 = tpu.memref_slice %arg8[%dma_start3A_359, %dma_start3A_360] : memref<4x128xi32, #tpu.memory_space<vmem>> -> memref<1x128xi32, #tpu.memory_space<vmem>>
        %dma_start3A_362 = tpu.memref_squeeze %dma_start3A_361 : memref<1x128xi32, #tpu.memory_space<vmem>> -> memref<128xi32, #tpu.memory_space<vmem>>
        %dma_start3A_363 = arith.constant 0 : i32
        %dma_start3A_364 = arith.constant 0 : i32
        %dma_start3A_365 = tpu.memref_slice %arg12[%dma_start3A_363, %dma_start3A_364] : memref<10112x128xf32, #tpu.memory_space<vmem_shared>> -> memref<10112x128xf32, #tpu.memory_space<vmem_shared>>
        tpu.enqueue_indirect_dma source(%arg11 : memref<128x128xf32, #tpu.memory_space<vmem>>) target(%dma_start3A_365 : memref<10112x128xf32, #tpu.memory_space<vmem_shared>>) offsets(%dma_start3A_362 : memref<128xi32, #tpu.memory_space<vmem>>) semaphore(%arg16 : memref<!tpu.dma_semaphore, #tpu.memory_space<semaphore_mem>>) {add = true}
        %dma_wait3A_366 = arith.constant 0 : i32
        %dma_wait3A_367 = tpu.memref_slice %arg4[%mul3A_22, %dma_wait3A_366] : memref<10240x128xi32, #tpu.memory_space<hbm>> -> memref<4x128xi32, #tpu.memory_space<hbm>>
        %dma_wait3A_368 = arith.constant 0 : i32
        %dma_wait3A_369 = tpu.memref_slice %arg4[%mul3A_22, %dma_wait3A_368] : memref<10240x128xi32, #tpu.memory_space<hbm>> -> memref<4x128xi32, #tpu.memory_space<hbm>>
        tpu.wait_dma2 semaphore(%arg18 : memref<!tpu.dma_semaphore, #tpu.memory_space<semaphore_mem>>) src(%dma_wait3A_369 : memref<4x128xi32, #tpu.memory_space<hbm>>) dst(%arg9 : memref<4x128xi32, #tpu.memory_space<vmem>>)
        %dma_wait3A_370 = arith.constant 1 : i32
        %dma_wait3A_371 = arith.constant 0 : i32
        %dma_wait3A_372 = tpu.memref_slice %arg8[%dma_wait3A_370, %dma_wait3A_371] : memref<4x128xi32, #tpu.memory_space<vmem>> -> memref<1x128xi32, #tpu.memory_space<vmem>>
        %dma_wait3A_373 = tpu.memref_squeeze %dma_wait3A_372 : memref<1x128xi32, #tpu.memory_space<vmem>> -> memref<128xi32, #tpu.memory_space<vmem>>
        %dma_wait3A_374 = arith.constant 0 : i32
        %dma_wait3A_375 = arith.constant 0 : i32
        %dma_wait3A_376 = tpu.memref_slice %arg12[%dma_wait3A_374, %dma_wait3A_375] : memref<10112x128xf32, #tpu.memory_space<vmem_shared>> -> memref<10112x128xf32, #tpu.memory_space<vmem_shared>>
        tpu.wait_indirect_dma semaphore(%arg15 : memref<!tpu.dma_semaphore, #tpu.memory_space<semaphore_mem>>) src(%arg10 : memref<128x128xf32, #tpu.memory_space<vmem>>) dst(%dma_wait3A_376 : memref<10112x128xf32, #tpu.memory_space<vmem_shared>>)
        %dma_start3A_377 = arith.constant 0 : i32
        %dma_start3A_378 = arith.constant 0 : i32
        %dma_start3A_379 = tpu.memref_slice %arg9[%dma_start3A_377, %dma_start3A_378] : memref<4x128xi32, #tpu.memory_space<vmem>> -> memref<1x128xi32, #tpu.memory_space<vmem>>
        %dma_start3A_380 = tpu.memref_squeeze %dma_start3A_379 : memref<1x128xi32, #tpu.memory_space<vmem>> -> memref<128xi32, #tpu.memory_space<vmem>>
        %dma_start3A_381 = arith.constant 0 : i32
        %dma_start3A_382 = arith.constant 0 : i32
        %dma_start3A_383 = tpu.memref_slice %arg3[%dma_start3A_381, %dma_start3A_382] : memref<10000x128xf32, #tpu.memory_space<hbm>> -> memref<10000x128xf32, #tpu.memory_space<hbm>>
        tpu.enqueue_indirect_dma source(%dma_start3A_383 : memref<10000x128xf32, #tpu.memory_space<hbm>>) target(%arg10 : memref<128x128xf32, #tpu.memory_space<vmem>>) offsets(%dma_start3A_380 : memref<128xi32, #tpu.memory_space<vmem>>) semaphore(%arg13 : memref<!tpu.dma_semaphore, #tpu.memory_space<semaphore_mem>>)
        %dma_wait3A_384 = arith.constant 3 : i32
        %dma_wait3A_385 = arith.constant 0 : i32
        %dma_wait3A_386 = tpu.memref_slice %arg8[%dma_wait3A_384, %dma_wait3A_385] : memref<4x128xi32, #tpu.memory_space<vmem>> -> memref<1x128xi32, #tpu.memory_space<vmem>>
        %dma_wait3A_387 = tpu.memref_squeeze %dma_wait3A_386 : memref<1x128xi32, #tpu.memory_space<vmem>> -> memref<128xi32, #tpu.memory_space<vmem>>
        %dma_wait3A_388 = arith.constant 0 : i32
        %dma_wait3A_389 = arith.constant 0 : i32
        %dma_wait3A_390 = tpu.memref_slice %arg12[%dma_wait3A_388, %dma_wait3A_389] : memref<10112x128xf32, #tpu.memory_space<vmem_shared>> -> memref<10112x128xf32, #tpu.memory_space<vmem_shared>>
        tpu.wait_indirect_dma semaphore(%arg16 : memref<!tpu.dma_semaphore, #tpu.memory_space<semaphore_mem>>) src(%arg11 : memref<128x128xf32, #tpu.memory_space<vmem>>) dst(%dma_wait3A_390 : memref<10112x128xf32, #tpu.memory_space<vmem_shared>>)
        %dma_start3A_391 = arith.constant 2 : i32
        %dma_start3A_392 = arith.constant 0 : i32
        %dma_start3A_393 = tpu.memref_slice %arg9[%dma_start3A_391, %dma_start3A_392] : memref<4x128xi32, #tpu.memory_space<vmem>> -> memref<1x128xi32, #tpu.memory_space<vmem>>
        %dma_start3A_394 = tpu.memref_squeeze %dma_start3A_393 : memref<1x128xi32, #tpu.memory_space<vmem>> -> memref<128xi32, #tpu.memory_space<vmem>>
        %dma_start3A_395 = arith.constant 0 : i32
        %dma_start3A_396 = arith.constant 0 : i32
        %dma_start3A_397 = tpu.memref_slice %arg3[%dma_start3A_395, %dma_start3A_396] : memref<10000x128xf32, #tpu.memory_space<hbm>> -> memref<10000x128xf32, #tpu.memory_space<hbm>>
        tpu.enqueue_indirect_dma source(%dma_start3A_397 : memref<10000x128xf32, #tpu.memory_space<hbm>>) target(%arg11 : memref<128x128xf32, #tpu.memory_space<vmem>>) offsets(%dma_start3A_394 : memref<128xi32, #tpu.memory_space<vmem>>) semaphore(%arg14 : memref<!tpu.dma_semaphore, #tpu.memory_space<semaphore_mem>>)
        %add3A_398 = arith.constant 2 : i32
        %add3A_399 = arith.addi %add3A_296, %add3A_398 : i32
        %mul3A_400 = arith.constant 4 : i32
        %mul3A_401 = arith.muli %mul3A_400, %add3A_399 : i32
        %add3A_402 = arith.addi %mul3A_22, %mul3A_401 : i32
        %dma_start3A_403 = arith.constant 0 : i32
        %dma_start3A_404 = tpu.memref_slice %arg4[%add3A_402, %dma_start3A_403] : memref<10240x128xi32, #tpu.memory_space<hbm>> -> memref<4x128xi32, #tpu.memory_space<hbm>>
        %dma_start3A_405 = arith.constant 0 : i32
        %dma_start3A_406 = tpu.memref_slice %arg4[%add3A_402, %dma_start3A_405] : memref<10240x128xi32, #tpu.memory_space<hbm>> -> memref<4x128xi32, #tpu.memory_space<hbm>>
        tpu.enqueue_dma source(%dma_start3A_406 : memref<4x128xi32, #tpu.memory_space<hbm>>) target(%arg8 : memref<4x128xi32, #tpu.memory_space<vmem>>) target_semaphore(%arg17 : memref<!tpu.dma_semaphore, #tpu.memory_space<semaphore_mem>>)
        %dma_wait3A_407 = arith.constant 0 : i32
        %dma_wait3A_408 = arith.constant 0 : i32
        %dma_wait3A_409 = tpu.memref_slice %arg9[%dma_wait3A_407, %dma_wait3A_408] : memref<4x128xi32, #tpu.memory_space<vmem>> -> memref<1x128xi32, #tpu.memory_space<vmem>>
        %dma_wait3A_410 = tpu.memref_squeeze %dma_wait3A_409 : memref<1x128xi32, #tpu.memory_space<vmem>> -> memref<128xi32, #tpu.memory_space<vmem>>
        %dma_wait3A_411 = arith.constant 0 : i32
        %dma_wait3A_412 = arith.constant 0 : i32
        %dma_wait3A_413 = tpu.memref_slice %arg3[%dma_wait3A_411, %dma_wait3A_412] : memref<10000x128xf32, #tpu.memory_space<hbm>> -> memref<10000x128xf32, #tpu.memory_space<hbm>>
        tpu.wait_indirect_dma semaphore(%arg13 : memref<!tpu.dma_semaphore, #tpu.memory_space<semaphore_mem>>) src(%dma_wait3A_413 : memref<10000x128xf32, #tpu.memory_space<hbm>>) dst(%arg10 : memref<128x128xf32, #tpu.memory_space<vmem>>)
        %dma_start3A_414 = arith.constant 1 : i32
        %dma_start3A_415 = arith.constant 0 : i32
        %dma_start3A_416 = tpu.memref_slice %arg9[%dma_start3A_414, %dma_start3A_415] : memref<4x128xi32, #tpu.memory_space<vmem>> -> memref<1x128xi32, #tpu.memory_space<vmem>>
        %dma_start3A_417 = tpu.memref_squeeze %dma_start3A_416 : memref<1x128xi32, #tpu.memory_space<vmem>> -> memref<128xi32, #tpu.memory_space<vmem>>
        %dma_start3A_418 = arith.constant 0 : i32
        %dma_start3A_419 = arith.constant 0 : i32
        %dma_start3A_420 = tpu.memref_slice %arg12[%dma_start3A_418, %dma_start3A_419] : memref<10112x128xf32, #tpu.memory_space<vmem_shared>> -> memref<10112x128xf32, #tpu.memory_space<vmem_shared>>
        tpu.enqueue_indirect_dma source(%arg10 : memref<128x128xf32, #tpu.memory_space<vmem>>) target(%dma_start3A_420 : memref<10112x128xf32, #tpu.memory_space<vmem_shared>>) offsets(%dma_start3A_417 : memref<128xi32, #tpu.memory_space<vmem>>) semaphore(%arg15 : memref<!tpu.dma_semaphore, #tpu.memory_space<semaphore_mem>>) {add = true}
        %dma_wait3A_421 = arith.constant 2 : i32
        %dma_wait3A_422 = arith.constant 0 : i32
        %dma_wait3A_423 = tpu.memref_slice %arg9[%dma_wait3A_421, %dma_wait3A_422] : memref<4x128xi32, #tpu.memory_space<vmem>> -> memref<1x128xi32, #tpu.memory_space<vmem>>
        %dma_wait3A_424 = tpu.memref_squeeze %dma_wait3A_423 : memref<1x128xi32, #tpu.memory_space<vmem>> -> memref<128xi32, #tpu.memory_space<vmem>>
        %dma_wait3A_425 = arith.constant 0 : i32
        %dma_wait3A_426 = arith.constant 0 : i32
        %dma_wait3A_427 = tpu.memref_slice %arg3[%dma_wait3A_425, %dma_wait3A_426] : memref<10000x128xf32, #tpu.memory_space<hbm>> -> memref<10000x128xf32, #tpu.memory_space<hbm>>
        tpu.wait_indirect_dma semaphore(%arg14 : memref<!tpu.dma_semaphore, #tpu.memory_space<semaphore_mem>>) src(%dma_wait3A_427 : memref<10000x128xf32, #tpu.memory_space<hbm>>) dst(%arg11 : memref<128x128xf32, #tpu.memory_space<vmem>>)
        %dma_start3A_428 = arith.constant 3 : i32
        %dma_start3A_429 = arith.constant 0 : i32
        %dma_start3A_430 = tpu.memref_slice %arg9[%dma_start3A_428, %dma_start3A_429] : memref<4x128xi32, #tpu.memory_space<vmem>> -> memref<1x128xi32, #tpu.memory_space<vmem>>
        %dma_start3A_431 = tpu.memref_squeeze %dma_start3A_430 : memref<1x128xi32, #tpu.memory_space<vmem>> -> memref<128xi32, #tpu.memory_space<vmem>>
        %dma_start3A_432 = arith.constant 0 : i32
        %dma_start3A_433 = arith.constant 0 : i32
        %dma_start3A_434 = tpu.memref_slice %arg12[%dma_start3A_432, %dma_start3A_433] : memref<10112x128xf32, #tpu.memory_space<vmem_shared>> -> memref<10112x128xf32, #tpu.memory_space<vmem_shared>>
        tpu.enqueue_indirect_dma source(%arg11 : memref<128x128xf32, #tpu.memory_space<vmem>>) target(%dma_start3A_434 : memref<10112x128xf32, #tpu.memory_space<vmem_shared>>) offsets(%dma_start3A_431 : memref<128xi32, #tpu.memory_space<vmem>>) semaphore(%arg16 : memref<!tpu.dma_semaphore, #tpu.memory_space<semaphore_mem>>) {add = true}
      }
      %scan3A_147 = arith.constant 78 : i32
      %dma_wait3A_148 = arith.constant 0 : i32
      %dma_wait3A_149 = tpu.memref_slice %arg4[%mul3A_22, %dma_wait3A_148] : memref<10240x128xi32, #tpu.memory_space<hbm>> -> memref<4x128xi32, #tpu.memory_space<hbm>>
      %dma_wait3A_150 = arith.constant 0 : i32
      %dma_wait3A_151 = tpu.memref_slice %arg4[%mul3A_22, %dma_wait3A_150] : memref<10240x128xi32, #tpu.memory_space<hbm>> -> memref<4x128xi32, #tpu.memory_space<hbm>>
      tpu.wait_dma2 semaphore(%arg17 : memref<!tpu.dma_semaphore, #tpu.memory_space<semaphore_mem>>) src(%dma_wait3A_151 : memref<4x128xi32, #tpu.memory_space<hbm>>) dst(%arg8 : memref<4x128xi32, #tpu.memory_space<vmem>>)
      %dma_wait3A_152 = arith.constant 1 : i32
      %dma_wait3A_153 = arith.constant 0 : i32
      %dma_wait3A_154 = tpu.memref_slice %arg9[%dma_wait3A_152, %dma_wait3A_153] : memref<4x128xi32, #tpu.memory_space<vmem>> -> memref<1x128xi32, #tpu.memory_space<vmem>>
      %dma_wait3A_155 = tpu.memref_squeeze %dma_wait3A_154 : memref<1x128xi32, #tpu.memory_space<vmem>> -> memref<128xi32, #tpu.memory_space<vmem>>
      %dma_wait3A_156 = arith.constant 0 : i32
      %dma_wait3A_157 = arith.constant 0 : i32
      %dma_wait3A_158 = tpu.memref_slice %arg12[%dma_wait3A_156, %dma_wait3A_157] : memref<10112x128xf32, #tpu.memory_space<vmem_shared>> -> memref<10112x128xf32, #tpu.memory_space<vmem_shared>>
      tpu.wait_indirect_dma semaphore(%arg15 : memref<!tpu.dma_semaphore, #tpu.memory_space<semaphore_mem>>) src(%arg10 : memref<128x128xf32, #tpu.memory_space<vmem>>) dst(%dma_wait3A_158 : memref<10112x128xf32, #tpu.memory_space<vmem_shared>>)
      %dma_start3A_159 = arith.constant 0 : i32
      %dma_start3A_160 = arith.constant 0 : i32
      %dma_start3A_161 = tpu.memref_slice %arg8[%dma_start3A_159, %dma_start3A_160] : memref<4x128xi32, #tpu.memory_space<vmem>> -> memref<1x128xi32, #tpu.memory_space<vmem>>
      %dma_start3A_162 = tpu.memref_squeeze %dma_start3A_161 : memref<1x128xi32, #tpu.memory_space<vmem>> -> memref<128xi32, #tpu.memory_space<vmem>>
      %dma_start3A_163 = arith.constant 0 : i32
      %dma_start3A_164 = arith.constant 0 : i32
      %dma_start3A_165 = tpu.memref_slice %arg3[%dma_start3A_163, %dma_start3A_164] : memref<10000x128xf32, #tpu.memory_space<hbm>> -> memref<10000x128xf32, #tpu.memory_space<hbm>>
      tpu.enqueue_indirect_dma source(%dma_start3A_165 : memref<10000x128xf32, #tpu.memory_space<hbm>>) target(%arg10 : memref<128x128xf32, #tpu.memory_space<vmem>>) offsets(%dma_start3A_162 : memref<128xi32, #tpu.memory_space<vmem>>) semaphore(%arg13 : memref<!tpu.dma_semaphore, #tpu.memory_space<semaphore_mem>>)
      %dma_wait3A_166 = arith.constant 3 : i32
      %dma_wait3A_167 = arith.constant 0 : i32
      %dma_wait3A_168 = tpu.memref_slice %arg9[%dma_wait3A_166, %dma_wait3A_167] : memref<4x128xi32, #tpu.memory_space<vmem>> -> memref<1x128xi32, #tpu.memory_space<vmem>>
      %dma_wait3A_169 = tpu.memref_squeeze %dma_wait3A_168 : memref<1x128xi32, #tpu.memory_space<vmem>> -> memref<128xi32, #tpu.memory_space<vmem>>
      %dma_wait3A_170 = arith.constant 0 : i32
      %dma_wait3A_171 = arith.constant 0 : i32
      %dma_wait3A_172 = tpu.memref_slice %arg12[%dma_wait3A_170, %dma_wait3A_171] : memref<10112x128xf32, #tpu.memory_space<vmem_shared>> -> memref<10112x128xf32, #tpu.memory_space<vmem_shared>>
      tpu.wait_indirect_dma semaphore(%arg16 : memref<!tpu.dma_semaphore, #tpu.memory_space<semaphore_mem>>) src(%arg11 : memref<128x128xf32, #tpu.memory_space<vmem>>) dst(%dma_wait3A_172 : memref<10112x128xf32, #tpu.memory_space<vmem_shared>>)
      %dma_start3A_173 = arith.constant 2 : i32
      %dma_start3A_174 = arith.constant 0 : i32
      %dma_start3A_175 = tpu.memref_slice %arg8[%dma_start3A_173, %dma_start3A_174] : memref<4x128xi32, #tpu.memory_space<vmem>> -> memref<1x128xi32, #tpu.memory_space<vmem>>
      %dma_start3A_176 = tpu.memref_squeeze %dma_start3A_175 : memref<1x128xi32, #tpu.memory_space<vmem>> -> memref<128xi32, #tpu.memory_space<vmem>>
      %dma_start3A_177 = arith.constant 0 : i32
      %dma_start3A_178 = arith.constant 0 : i32
      %dma_start3A_179 = tpu.memref_slice %arg3[%dma_start3A_177, %dma_start3A_178] : memref<10000x128xf32, #tpu.memory_space<hbm>> -> memref<10000x128xf32, #tpu.memory_space<hbm>>
      tpu.enqueue_indirect_dma source(%dma_start3A_179 : memref<10000x128xf32, #tpu.memory_space<hbm>>) target(%arg11 : memref<128x128xf32, #tpu.memory_space<vmem>>) offsets(%dma_start3A_176 : memref<128xi32, #tpu.memory_space<vmem>>) semaphore(%arg14 : memref<!tpu.dma_semaphore, #tpu.memory_space<semaphore_mem>>)
      %add3A_180 = arith.constant 636 : i32
      %add3A_181 = arith.addi %mul3A_22, %add3A_180 : i32
      %dma_start3A_182 = arith.constant 0 : i32
      %dma_start3A_183 = tpu.memref_slice %arg4[%add3A_181, %dma_start3A_182] : memref<10240x128xi32, #tpu.memory_space<hbm>> -> memref<4x128xi32, #tpu.memory_space<hbm>>
      %dma_start3A_184 = arith.constant 0 : i32
      %dma_start3A_185 = tpu.memref_slice %arg4[%add3A_181, %dma_start3A_184] : memref<10240x128xi32, #tpu.memory_space<hbm>> -> memref<4x128xi32, #tpu.memory_space<hbm>>
      tpu.enqueue_dma source(%dma_start3A_185 : memref<4x128xi32, #tpu.memory_space<hbm>>) target(%arg9 : memref<4x128xi32, #tpu.memory_space<vmem>>) target_semaphore(%arg18 : memref<!tpu.dma_semaphore, #tpu.memory_space<semaphore_mem>>)
      %dma_wait3A_186 = arith.constant 0 : i32
      %dma_wait3A_187 = arith.constant 0 : i32
      %dma_wait3A_188 = tpu.memref_slice %arg8[%dma_wait3A_186, %dma_wait3A_187] : memref<4x128xi32, #tpu.memory_space<vmem>> -> memref<1x128xi32, #tpu.memory_space<vmem>>
      %dma_wait3A_189 = tpu.memref_squeeze %dma_wait3A_188 : memref<1x128xi32, #tpu.memory_space<vmem>> -> memref<128xi32, #tpu.memory_space<vmem>>
      %dma_wait3A_190 = arith.constant 0 : i32
      %dma_wait3A_191 = arith.constant 0 : i32
      %dma_wait3A_192 = tpu.memref_slice %arg3[%dma_wait3A_190, %dma_wait3A_191] : memref<10000x128xf32, #tpu.memory_space<hbm>> -> memref<10000x128xf32, #tpu.memory_space<hbm>>
      tpu.wait_indirect_dma semaphore(%arg13 : memref<!tpu.dma_semaphore, #tpu.memory_space<semaphore_mem>>) src(%dma_wait3A_192 : memref<10000x128xf32, #tpu.memory_space<hbm>>) dst(%arg10 : memref<128x128xf32, #tpu.memory_space<vmem>>)
      %dma_start3A_193 = arith.constant 1 : i32
      %dma_start3A_194 = arith.constant 0 : i32
      %dma_start3A_195 = tpu.memref_slice %arg8[%dma_start3A_193, %dma_start3A_194] : memref<4x128xi32, #tpu.memory_space<vmem>> -> memref<1x128xi32, #tpu.memory_space<vmem>>
      %dma_start3A_196 = tpu.memref_squeeze %dma_start3A_195 : memref<1x128xi32, #tpu.memory_space<vmem>> -> memref<128xi32, #tpu.memory_space<vmem>>
      %dma_start3A_197 = arith.constant 0 : i32
      %dma_start3A_198 = arith.constant 0 : i32
      %dma_start3A_199 = tpu.memref_slice %arg12[%dma_start3A_197, %dma_start3A_198] : memref<10112x128xf32, #tpu.memory_space<vmem_shared>> -> memref<10112x128xf32, #tpu.memory_space<vmem_shared>>
      tpu.enqueue_indirect_dma source(%arg10 : memref<128x128xf32, #tpu.memory_space<vmem>>) target(%dma_start3A_199 : memref<10112x128xf32, #tpu.memory_space<vmem_shared>>) offsets(%dma_start3A_196 : memref<128xi32, #tpu.memory_space<vmem>>) semaphore(%arg15 : memref<!tpu.dma_semaphore, #tpu.memory_space<semaphore_mem>>) {add = true}
      %dma_wait3A_200 = arith.constant 2 : i32
      %dma_wait3A_201 = arith.constant 0 : i32
      %dma_wait3A_202 = tpu.memref_slice %arg8[%dma_wait3A_200, %dma_wait3A_201] : memref<4x128xi32, #tpu.memory_space<vmem>> -> memref<1x128xi32, #tpu.memory_space<vmem>>
      %dma_wait3A_203 = tpu.memref_squeeze %dma_wait3A_202 : memref<1x128xi32, #tpu.memory_space<vmem>> -> memref<128xi32, #tpu.memory_space<vmem>>
      %dma_wait3A_204 = arith.constant 0 : i32
      %dma_wait3A_205 = arith.constant 0 : i32
      %dma_wait3A_206 = tpu.memref_slice %arg3[%dma_wait3A_204, %dma_wait3A_205] : memref<10000x128xf32, #tpu.memory_space<hbm>> -> memref<10000x128xf32, #tpu.memory_space<hbm>>
      tpu.wait_indirect_dma semaphore(%arg14 : memref<!tpu.dma_semaphore, #tpu.memory_space<semaphore_mem>>) src(%dma_wait3A_206 : memref<10000x128xf32, #tpu.memory_space<hbm>>) dst(%arg11 : memref<128x128xf32, #tpu.memory_space<vmem>>)
      %dma_start3A_207 = arith.constant 3 : i32
      %dma_start3A_208 = arith.constant 0 : i32
      %dma_start3A_209 = tpu.memref_slice %arg8[%dma_start3A_207, %dma_start3A_208] : memref<4x128xi32, #tpu.memory_space<vmem>> -> memref<1x128xi32, #tpu.memory_space<vmem>>
      %dma_start3A_210 = tpu.memref_squeeze %dma_start3A_209 : memref<1x128xi32, #tpu.memory_space<vmem>> -> memref<128xi32, #tpu.memory_space<vmem>>
      %dma_start3A_211 = arith.constant 0 : i32
      %dma_start3A_212 = arith.constant 0 : i32
      %dma_start3A_213 = tpu.memref_slice %arg12[%dma_start3A_211, %dma_start3A_212] : memref<10112x128xf32, #tpu.memory_space<vmem_shared>> -> memref<10112x128xf32, #tpu.memory_space<vmem_shared>>
      tpu.enqueue_indirect_dma source(%arg11 : memref<128x128xf32, #tpu.memory_space<vmem>>) target(%dma_start3A_213 : memref<10112x128xf32, #tpu.memory_space<vmem_shared>>) offsets(%dma_start3A_210 : memref<128xi32, #tpu.memory_space<vmem>>) semaphore(%arg16 : memref<!tpu.dma_semaphore, #tpu.memory_space<semaphore_mem>>) {add = true}
      %dma_wait3A_214 = arith.constant 0 : i32
      %dma_wait3A_215 = tpu.memref_slice %arg4[%mul3A_22, %dma_wait3A_214] : memref<10240x128xi32, #tpu.memory_space<hbm>> -> memref<4x128xi32, #tpu.memory_space<hbm>>
      %dma_wait3A_216 = arith.constant 0 : i32
      %dma_wait3A_217 = tpu.memref_slice %arg4[%mul3A_22, %dma_wait3A_216] : memref<10240x128xi32, #tpu.memory_space<hbm>> -> memref<4x128xi32, #tpu.memory_space<hbm>>
      tpu.wait_dma2 semaphore(%arg18 : memref<!tpu.dma_semaphore, #tpu.memory_space<semaphore_mem>>) src(%dma_wait3A_217 : memref<4x128xi32, #tpu.memory_space<hbm>>) dst(%arg9 : memref<4x128xi32, #tpu.memory_space<vmem>>)
      %dma_wait3A_218 = arith.constant 1 : i32
      %dma_wait3A_219 = arith.constant 0 : i32
      %dma_wait3A_220 = tpu.memref_slice %arg8[%dma_wait3A_218, %dma_wait3A_219] : memref<4x128xi32, #tpu.memory_space<vmem>> -> memref<1x128xi32, #tpu.memory_space<vmem>>
      %dma_wait3A_221 = tpu.memref_squeeze %dma_wait3A_220 : memref<1x128xi32, #tpu.memory_space<vmem>> -> memref<128xi32, #tpu.memory_space<vmem>>
      %dma_wait3A_222 = arith.constant 0 : i32
      %dma_wait3A_223 = arith.constant 0 : i32
      %dma_wait3A_224 = tpu.memref_slice %arg12[%dma_wait3A_222, %dma_wait3A_223] : memref<10112x128xf32, #tpu.memory_space<vmem_shared>> -> memref<10112x128xf32, #tpu.memory_space<vmem_shared>>
      tpu.wait_indirect_dma semaphore(%arg15 : memref<!tpu.dma_semaphore, #tpu.memory_space<semaphore_mem>>) src(%arg10 : memref<128x128xf32, #tpu.memory_space<vmem>>) dst(%dma_wait3A_224 : memref<10112x128xf32, #tpu.memory_space<vmem_shared>>)
      %dma_start3A_225 = arith.constant 0 : i32
      %dma_start3A_226 = arith.constant 0 : i32
      %dma_start3A_227 = tpu.memref_slice %arg9[%dma_start3A_225, %dma_start3A_226] : memref<4x128xi32, #tpu.memory_space<vmem>> -> memref<1x128xi32, #tpu.memory_space<vmem>>
      %dma_start3A_228 = tpu.memref_squeeze %dma_start3A_227 : memref<1x128xi32, #tpu.memory_space<vmem>> -> memref<128xi32, #tpu.memory_space<vmem>>
      %dma_start3A_229 = arith.constant 0 : i32
      %dma_start3A_230 = arith.constant 0 : i32
      %dma_start3A_231 = tpu.memref_slice %arg3[%dma_start3A_229, %dma_start3A_230] : memref<10000x128xf32, #tpu.memory_space<hbm>> -> memref<10000x128xf32, #tpu.memory_space<hbm>>
      tpu.enqueue_indirect_dma source(%dma_start3A_231 : memref<10000x128xf32, #tpu.memory_space<hbm>>) target(%arg10 : memref<128x128xf32, #tpu.memory_space<vmem>>) offsets(%dma_start3A_228 : memref<128xi32, #tpu.memory_space<vmem>>) semaphore(%arg13 : memref<!tpu.dma_semaphore, #tpu.memory_space<semaphore_mem>>)
      %dma_wait3A_232 = arith.constant 3 : i32
      %dma_wait3A_233 = arith.constant 0 : i32
      %dma_wait3A_234 = tpu.memref_slice %arg8[%dma_wait3A_232, %dma_wait3A_233] : memref<4x128xi32, #tpu.memory_space<vmem>> -> memref<1x128xi32, #tpu.memory_space<vmem>>
      %dma_wait3A_235 = tpu.memref_squeeze %dma_wait3A_234 : memref<1x128xi32, #tpu.memory_space<vmem>> -> memref<128xi32, #tpu.memory_space<vmem>>
      %dma_wait3A_236 = arith.constant 0 : i32
      %dma_wait3A_237 = arith.constant 0 : i32
      %dma_wait3A_238 = tpu.memref_slice %arg12[%dma_wait3A_236, %dma_wait3A_237] : memref<10112x128xf32, #tpu.memory_space<vmem_shared>> -> memref<10112x128xf32, #tpu.memory_space<vmem_shared>>
      tpu.wait_indirect_dma semaphore(%arg16 : memref<!tpu.dma_semaphore, #tpu.memory_space<semaphore_mem>>) src(%arg11 : memref<128x128xf32, #tpu.memory_space<vmem>>) dst(%dma_wait3A_238 : memref<10112x128xf32, #tpu.memory_space<vmem_shared>>)
      %dma_start3A_239 = arith.constant 2 : i32
      %dma_start3A_240 = arith.constant 0 : i32
      %dma_start3A_241 = tpu.memref_slice %arg9[%dma_start3A_239, %dma_start3A_240] : memref<4x128xi32, #tpu.memory_space<vmem>> -> memref<1x128xi32, #tpu.memory_space<vmem>>
      %dma_start3A_242 = tpu.memref_squeeze %dma_start3A_241 : memref<1x128xi32, #tpu.memory_space<vmem>> -> memref<128xi32, #tpu.memory_space<vmem>>
      %dma_start3A_243 = arith.constant 0 : i32
      %dma_start3A_244 = arith.constant 0 : i32
      %dma_start3A_245 = tpu.memref_slice %arg3[%dma_start3A_243, %dma_start3A_244] : memref<10000x128xf32, #tpu.memory_space<hbm>> -> memref<10000x128xf32, #tpu.memory_space<hbm>>
      tpu.enqueue_indirect_dma source(%dma_start3A_245 : memref<10000x128xf32, #tpu.memory_space<hbm>>) target(%arg11 : memref<128x128xf32, #tpu.memory_space<vmem>>) offsets(%dma_start3A_242 : memref<128xi32, #tpu.memory_space<vmem>>) semaphore(%arg14 : memref<!tpu.dma_semaphore, #tpu.memory_space<semaphore_mem>>)
      %dma_wait3A_246 = arith.constant 0 : i32
      %dma_wait3A_247 = arith.constant 0 : i32
      %dma_wait3A_248 = tpu.memref_slice %arg9[%dma_wait3A_246, %dma_wait3A_247] : memref<4x128xi32, #tpu.memory_space<vmem>> -> memref<1x128xi32, #tpu.memory_space<vmem>>
      %dma_wait3A_249 = tpu.memref_squeeze %dma_wait3A_248 : memref<1x128xi32, #tpu.memory_space<vmem>> -> memref<128xi32, #tpu.memory_space<vmem>>
      %dma_wait3A_250 = arith.constant 0 : i32
      %dma_wait3A_251 = arith.constant 0 : i32
      %dma_wait3A_252 = tpu.memref_slice %arg3[%dma_wait3A_250, %dma_wait3A_251] : memref<10000x128xf32, #tpu.memory_space<hbm>> -> memref<10000x128xf32, #tpu.memory_space<hbm>>
      tpu.wait_indirect_dma semaphore(%arg13 : memref<!tpu.dma_semaphore, #tpu.memory_space<semaphore_mem>>) src(%dma_wait3A_252 : memref<10000x128xf32, #tpu.memory_space<hbm>>) dst(%arg10 : memref<128x128xf32, #tpu.memory_space<vmem>>)
      %dma_start3A_253 = arith.constant 1 : i32
      %dma_start3A_254 = arith.constant 0 : i32
      %dma_start3A_255 = tpu.memref_slice %arg9[%dma_start3A_253, %dma_start3A_254] : memref<4x128xi32, #tpu.memory_space<vmem>> -> memref<1x128xi32, #tpu.memory_space<vmem>>
      %dma_start3A_256 = tpu.memref_squeeze %dma_start3A_255 : memref<1x128xi32, #tpu.memory_space<vmem>> -> memref<128xi32, #tpu.memory_space<vmem>>
      %dma_start3A_257 = arith.constant 0 : i32
      %dma_start3A_258 = arith.constant 0 : i32
      %dma_start3A_259 = tpu.memref_slice %arg12[%dma_start3A_257, %dma_start3A_258] : memref<10112x128xf32, #tpu.memory_space<vmem_shared>> -> memref<10112x128xf32, #tpu.memory_space<vmem_shared>>
      tpu.enqueue_indirect_dma source(%arg10 : memref<128x128xf32, #tpu.memory_space<vmem>>) target(%dma_start3A_259 : memref<10112x128xf32, #tpu.memory_space<vmem_shared>>) offsets(%dma_start3A_256 : memref<128xi32, #tpu.memory_space<vmem>>) semaphore(%arg15 : memref<!tpu.dma_semaphore, #tpu.memory_space<semaphore_mem>>) {add = true}
      %dma_wait3A_260 = arith.constant 2 : i32
      %dma_wait3A_261 = arith.constant 0 : i32
      %dma_wait3A_262 = tpu.memref_slice %arg9[%dma_wait3A_260, %dma_wait3A_261] : memref<4x128xi32, #tpu.memory_space<vmem>> -> memref<1x128xi32, #tpu.memory_space<vmem>>
      %dma_wait3A_263 = tpu.memref_squeeze %dma_wait3A_262 : memref<1x128xi32, #tpu.memory_space<vmem>> -> memref<128xi32, #tpu.memory_space<vmem>>
      %dma_wait3A_264 = arith.constant 0 : i32
      %dma_wait3A_265 = arith.constant 0 : i32
      %dma_wait3A_266 = tpu.memref_slice %arg3[%dma_wait3A_264, %dma_wait3A_265] : memref<10000x128xf32, #tpu.memory_space<hbm>> -> memref<10000x128xf32, #tpu.memory_space<hbm>>
      tpu.wait_indirect_dma semaphore(%arg14 : memref<!tpu.dma_semaphore, #tpu.memory_space<semaphore_mem>>) src(%dma_wait3A_266 : memref<10000x128xf32, #tpu.memory_space<hbm>>) dst(%arg11 : memref<128x128xf32, #tpu.memory_space<vmem>>)
      %dma_start3A_267 = arith.constant 3 : i32
      %dma_start3A_268 = arith.constant 0 : i32
      %dma_start3A_269 = tpu.memref_slice %arg9[%dma_start3A_267, %dma_start3A_268] : memref<4x128xi32, #tpu.memory_space<vmem>> -> memref<1x128xi32, #tpu.memory_space<vmem>>
      %dma_start3A_270 = tpu.memref_squeeze %dma_start3A_269 : memref<1x128xi32, #tpu.memory_space<vmem>> -> memref<128xi32, #tpu.memory_space<vmem>>
      %dma_start3A_271 = arith.constant 0 : i32
      %dma_start3A_272 = arith.constant 0 : i32
      %dma_start3A_273 = tpu.memref_slice %arg12[%dma_start3A_271, %dma_start3A_272] : memref<10112x128xf32, #tpu.memory_space<vmem_shared>> -> memref<10112x128xf32, #tpu.memory_space<vmem_shared>>
      tpu.enqueue_indirect_dma source(%arg11 : memref<128x128xf32, #tpu.memory_space<vmem>>) target(%dma_start3A_273 : memref<10112x128xf32, #tpu.memory_space<vmem_shared>>) offsets(%dma_start3A_270 : memref<128xi32, #tpu.memory_space<vmem>>) semaphore(%arg16 : memref<!tpu.dma_semaphore, #tpu.memory_space<semaphore_mem>>) {add = true}
      %dma_wait3A_274 = arith.constant 1 : i32
      %dma_wait3A_275 = arith.constant 0 : i32
      %dma_wait3A_276 = tpu.memref_slice %arg9[%dma_wait3A_274, %dma_wait3A_275] : memref<4x128xi32, #tpu.memory_space<vmem>> -> memref<1x128xi32, #tpu.memory_space<vmem>>
      %dma_wait3A_277 = tpu.memref_squeeze %dma_wait3A_276 : memref<1x128xi32, #tpu.memory_space<vmem>> -> memref<128xi32, #tpu.memory_space<vmem>>
      %dma_wait3A_278 = arith.constant 0 : i32
      %dma_wait3A_279 = arith.constant 0 : i32
      %dma_wait3A_280 = tpu.memref_slice %arg12[%dma_wait3A_278, %dma_wait3A_279] : memref<10112x128xf32, #tpu.memory_space<vmem_shared>> -> memref<10112x128xf32, #tpu.memory_space<vmem_shared>>
      tpu.wait_indirect_dma semaphore(%arg15 : memref<!tpu.dma_semaphore, #tpu.memory_space<semaphore_mem>>) src(%arg10 : memref<128x128xf32, #tpu.memory_space<vmem>>) dst(%dma_wait3A_280 : memref<10112x128xf32, #tpu.memory_space<vmem_shared>>)
      %dma_wait3A_281 = arith.constant 3 : i32
      %dma_wait3A_282 = arith.constant 0 : i32
      %dma_wait3A_283 = tpu.memref_slice %arg9[%dma_wait3A_281, %dma_wait3A_282] : memref<4x128xi32, #tpu.memory_space<vmem>> -> memref<1x128xi32, #tpu.memory_space<vmem>>
      %dma_wait3A_284 = tpu.memref_squeeze %dma_wait3A_283 : memref<1x128xi32, #tpu.memory_space<vmem>> -> memref<128xi32, #tpu.memory_space<vmem>>
      %dma_wait3A_285 = arith.constant 0 : i32
      %dma_wait3A_286 = arith.constant 0 : i32
      %dma_wait3A_287 = tpu.memref_slice %arg12[%dma_wait3A_285, %dma_wait3A_286] : memref<10112x128xf32, #tpu.memory_space<vmem_shared>> -> memref<10112x128xf32, #tpu.memory_space<vmem_shared>>
      tpu.wait_indirect_dma semaphore(%arg16 : memref<!tpu.dma_semaphore, #tpu.memory_space<semaphore_mem>>) src(%arg11 : memref<128x128xf32, #tpu.memory_space<vmem>>) dst(%dma_wait3A_287 : memref<10112x128xf32, #tpu.memory_space<vmem_shared>>)
    } else {
    }
    %barrier3A_8 = arith.constant 0 : index
    tpu.barrier barrier_id(%barrier3A_8)
    %eq3A_9 = arith.constant 0 : i32
    %eq3A_10 = arith.cmpi eq, %arg0, %eq3A_9 : i32
    %convert_element_type3A_11 = arith.extui %eq3A_10 : i1 to i32
    %cond3A_12 = arith.constant 0 : i32
    %cond3A_13 = arith.cmpi ne, %convert_element_type3A_11, %cond3A_12 : i32
    scf.if %cond3A_13 {
      "tpu.region"() ({
        %run_scoped3A = tpu.sem_alloc : memref<!tpu.dma_semaphore, #tpu.memory_space<semaphore_mem>>
        %dma_start3A = arith.constant 0 : i32
        %dma_start3A_19 = tpu.memref_slice %arg6[%mul3A_0, %dma_start3A] : memref<10112x128xf32, #tpu.memory_space<hbm>> -> memref<632x128xf32, #tpu.memory_space<hbm>>
        %dma_start3A_20 = arith.constant 0 : i32
        %dma_start3A_21 = tpu.memref_slice %arg12[%mul3A_0, %dma_start3A_20] : memref<10112x128xf32, #tpu.memory_space<vmem_shared>> -> memref<632x128xf32, #tpu.memory_space<vmem_shared>>
        tpu.enqueue_dma source(%dma_start3A_21 : memref<632x128xf32, #tpu.memory_space<vmem_shared>>) target(%dma_start3A_19 : memref<632x128xf32, #tpu.memory_space<hbm>>) target_semaphore(%run_scoped3A : memref<!tpu.dma_semaphore, #tpu.memory_space<semaphore_mem>>)
        %dma_wait3A = arith.constant 0 : i32
        %dma_wait3A_22 = tpu.memref_slice %arg6[%mul3A_0, %dma_wait3A] : memref<10112x128xf32, #tpu.memory_space<hbm>> -> memref<632x128xf32, #tpu.memory_space<hbm>>
        %dma_wait3A_23 = arith.constant 0 : i32
        %dma_wait3A_24 = tpu.memref_slice %arg12[%mul3A_0, %dma_wait3A_23] : memref<10112x128xf32, #tpu.memory_space<vmem_shared>> -> memref<632x128xf32, #tpu.memory_space<vmem_shared>>
        tpu.wait_dma2 semaphore(%run_scoped3A : memref<!tpu.dma_semaphore, #tpu.memory_space<semaphore_mem>>) src(%dma_wait3A_24 : memref<632x128xf32, #tpu.memory_space<vmem_shared>>) dst(%dma_wait3A_22 : memref<632x128xf32, #tpu.memory_space<hbm>>)
        tpu.yield
      }) : () -> ()
    } else {
    }
    %eq3A_14 = arith.constant 1 : i32
    %eq3A_15 = arith.cmpi eq, %arg0, %eq3A_14 : i32
    %convert_element_type3A_16 = arith.extui %eq3A_15 : i1 to i32
    %cond3A_17 = arith.constant 0 : i32
    %cond3A_18 = arith.cmpi ne, %convert_element_type3A_16, %cond3A_17 : i32
    scf.if %cond3A_18 {
      "tpu.region"() ({
        %run_scoped3A = tpu.sem_alloc : memref<!tpu.dma_semaphore, #tpu.memory_space<semaphore_mem>>
        %dma_start3A = arith.constant 0 : i32
        %dma_start3A_19 = tpu.memref_slice %arg7[%mul3A_0, %dma_start3A] : memref<10112x128xf32, #tpu.memory_space<hbm>> -> memref<632x128xf32, #tpu.memory_space<hbm>>
        %dma_start3A_20 = arith.constant 0 : i32
        %dma_start3A_21 = tpu.memref_slice %arg12[%mul3A_0, %dma_start3A_20] : memref<10112x128xf32, #tpu.memory_space<vmem_shared>> -> memref<632x128xf32, #tpu.memory_space<vmem_shared>>
        tpu.enqueue_dma source(%dma_start3A_21 : memref<632x128xf32, #tpu.memory_space<vmem_shared>>) target(%dma_start3A_19 : memref<632x128xf32, #tpu.memory_space<hbm>>) target_semaphore(%run_scoped3A : memref<!tpu.dma_semaphore, #tpu.memory_space<semaphore_mem>>)
        %dma_wait3A = arith.constant 0 : i32
        %dma_wait3A_22 = tpu.memref_slice %arg7[%mul3A_0, %dma_wait3A] : memref<10112x128xf32, #tpu.memory_space<hbm>> -> memref<632x128xf32, #tpu.memory_space<hbm>>
        %dma_wait3A_23 = arith.constant 0 : i32
        %dma_wait3A_24 = tpu.memref_slice %arg12[%mul3A_0, %dma_wait3A_23] : memref<10112x128xf32, #tpu.memory_space<vmem_shared>> -> memref<632x128xf32, #tpu.memory_space<vmem_shared>>
        tpu.wait_dma2 semaphore(%run_scoped3A : memref<!tpu.dma_semaphore, #tpu.memory_space<semaphore_mem>>) src(%dma_wait3A_24 : memref<632x128xf32, #tpu.memory_space<vmem_shared>>) dst(%dma_wait3A_22 : memref<632x128xf32, #tpu.memory_space<hbm>>)
        tpu.yield
      }) : () -> ()
    } else {
    }
    return
  }
}

module attributes {stable_mosaic.version = 14 : i64} {
  func.func @_h0_body(%arg0: i32, %arg1: memref<1000x104xf32, #tpu.memory_space<vmem>>, %arg2: memref<104x104xf32, #tpu.memory_space<vmem>>, %arg3: memref<1x104xf32, #tpu.memory_space<vmem>>, %arg4: memref<1x104xf32, #tpu.memory_space<vmem>>, %arg5: memref<1000x104xf32, #tpu.memory_space<vmem>>, %arg6: memref<1x104xf32, #tpu.memory_space<vmem>>) attributes {dimension_semantics = [#tpu.dimension_semantics<arbitrary>], iteration_bounds = array<i64: 10>, scalar_prefetch = 0 : i64, scratch_operands = 0 : i64, tpu.core_type = #tpu.core_type<tc>, window_params = [{transform_indices = @transform_0, window_bounds = array<i64: 1000, 104>}, {pipeline_mode = #tpu.pipeline_mode<synchronous>, transform_indices = @transform_1, window_bounds = array<i64: 104, 104>}, {pipeline_mode = #tpu.pipeline_mode<synchronous>, transform_indices = @transform_2, window_bounds = array<i64: 1, 104>}, {pipeline_mode = #tpu.pipeline_mode<synchronous>, transform_indices = @transform_3, window_bounds = array<i64: 1, 104>}, {transform_indices = @transform_4, window_bounds = array<i64: 1000, 104>}, {pipeline_mode = #tpu.pipeline_mode<synchronous>, transform_indices = @transform_5, window_bounds = array<i64: 1, 104>}]} {
    %get3A = arith.constant 0 : index
    %get3A_0 = arith.constant 0 : index
    %get3A_1 = vector.load %arg1[%get3A, %get3A_0] : memref<1000x104xf32, #tpu.memory_space<vmem>>, vector<1000x104xf32>
    %get3A_2 = arith.constant 0 : index
    %get3A_3 = arith.constant 0 : index
    %get3A_4 = vector.load %arg2[%get3A_2, %get3A_3] : memref<104x104xf32, #tpu.memory_space<vmem>>, vector<104x104xf32>
    %dot_general3A = arith.constant dense<0.000000e+00> : vector<1000x104xf32>
    %dot_general3A_5 = tpu.matmul %get3A_1, %get3A_4, %dot_general3A {dimension_numbers = #tpu.dot_dimension_numbers<[1], [0], [0], [1], [0, 0, 1, 1], [], []>, transpose_lhs_hint = false} : vector<1000x104xf32>, vector<104x104xf32>, vector<1000x104xf32> -> vector<1000x104xf32>
    %get3A_6 = arith.constant 0 : index
    %get3A_7 = arith.constant 0 : index
    %get3A_8 = vector.load %arg3[%get3A_6, %get3A_7] : memref<1x104xf32, #tpu.memory_space<vmem>>, vector<1x104xf32>
    %add3A = vector.broadcast %get3A_8 : vector<1x104xf32> to vector<1000x104xf32>
    %add3A_9 = arith.addf %dot_general3A_5, %add3A : vector<1000x104xf32>
    %max3A = arith.constant 0.000000e+00 : f32
    %max3A_10 = vector.broadcast %max3A : f32 to vector<1000x104xf32>
    %max3A_11 = arith.maximumf %add3A_9, %max3A_10 : vector<1000x104xf32>
    %swap3A = arith.constant 0 : index
    %swap3A_12 = arith.constant 0 : index
    %swap3A_13 = vector.load %arg5[%swap3A, %swap3A_12] : memref<1000x104xf32, #tpu.memory_space<vmem>>, vector<1000x104xf32>
    tpu.vector_store %arg5[%swap3A, %swap3A_12], %max3A_11 {strides = array<i32>} : memref<1000x104xf32, #tpu.memory_space<vmem>>, vector<1000x104xf32>,
    %get3A_14 = arith.constant 0 : index
    %get3A_15 = arith.constant 0 : index
    %get3A_16 = vector.load %arg4[%get3A_14, %get3A_15] : memref<1x104xf32, #tpu.memory_space<vmem>>, vector<1x104xf32>
    %mul3A = vector.broadcast %get3A_16 : vector<1x104xf32> to vector<1000x104xf32>
    %mul3A_17 = arith.mulf %max3A_11, %mul3A : vector<1000x104xf32>
    %reduce_max3A = arith.constant dense<0xFF800000> : vector<104xf32>
    %reduce_max3A_18 = vector.multi_reduction <maximumf>, %mul3A_17, %reduce_max3A [0] : vector<1000x104xf32> to vector<104xf32>
    %broadcast_in_dim3A = vector.shape_cast %reduce_max3A_18 : vector<104xf32> to vector<1x104xf32>
    %eq3A = arith.constant 0 : i32
    %eq3A_19 = arith.cmpi eq, %arg0, %eq3A : i32
    %convert_element_type3A = arith.extui %eq3A_19 : i1 to i32
    %cond3A = arith.constant 0 : i32
    %cond3A_20 = arith.cmpi ne, %convert_element_type3A, %cond3A : i32
    scf.if %cond3A_20 {
      %swap3A_25 = arith.constant 0 : index
      %swap3A_26 = arith.constant 0 : index
      %swap3A_27 = vector.load %arg6[%swap3A_25, %swap3A_26] : memref<1x104xf32, #tpu.memory_space<vmem>>, vector<1x104xf32>
      tpu.vector_store %arg6[%swap3A_25, %swap3A_26], %broadcast_in_dim3A {strides = array<i32>} : memref<1x104xf32, #tpu.memory_space<vmem>>, vector<1x104xf32>,
    } else {
    }
    %gt3A = arith.constant 0 : i32
    %gt3A_21 = arith.cmpi sgt, %arg0, %gt3A : i32
    %convert_element_type3A_22 = arith.extui %gt3A_21 : i1 to i32
    %cond3A_23 = arith.constant 0 : i32
    %cond3A_24 = arith.cmpi ne, %convert_element_type3A_22, %cond3A_23 : i32
    scf.if %cond3A_24 {
      %get3A_25 = arith.constant 0 : index
      %get3A_26 = arith.constant 0 : index
      %get3A_27 = vector.load %arg6[%get3A_25, %get3A_26] : memref<1x104xf32, #tpu.memory_space<vmem>>, vector<1x104xf32>
      %max3A_28 = arith.maximumf %get3A_27, %broadcast_in_dim3A : vector<1x104xf32>
      %swap3A_29 = arith.constant 0 : index
      %swap3A_30 = arith.constant 0 : index
      %swap3A_31 = vector.load %arg6[%swap3A_29, %swap3A_30] : memref<1x104xf32, #tpu.memory_space<vmem>>, vector<1x104xf32>
      tpu.vector_store %arg6[%swap3A_29, %swap3A_30], %max3A_28 {strides = array<i32>} : memref<1x104xf32, #tpu.memory_space<vmem>>, vector<1x104xf32>,
    } else {
    }
    return
  }
  func.func @transform_0(%arg0: i32) -> (i32, i32) {
    %c0_i32 = arith.constant 0 : i32
    %c0_i32_0 = arith.constant 0 : i32
    return %arg0, %c0_i32 : i32, i32
  }
  func.func @transform_1(%arg0: i32) -> (i32, i32) {
    %c0_i32 = arith.constant 0 : i32
    %c0_i32_0 = arith.constant 0 : i32
    %c0_i32_1 = arith.constant 0 : i32
    return %c0_i32, %c0_i32_0 : i32, i32
  }
  func.func @transform_2(%arg0: i32) -> (i32, i32) {
    %c0_i32 = arith.constant 0 : i32
    %c0_i32_0 = arith.constant 0 : i32
    %c0_i32_1 = arith.constant 0 : i32
    return %c0_i32, %c0_i32_0 : i32, i32
  }
  func.func @transform_3(%arg0: i32) -> (i32, i32) {
    %c0_i32 = arith.constant 0 : i32
    %c0_i32_0 = arith.constant 0 : i32
    %c0_i32_1 = arith.constant 0 : i32
    return %c0_i32, %c0_i32_0 : i32, i32
  }
  func.func @transform_4(%arg0: i32) -> (i32, i32) {
    %c0_i32 = arith.constant 0 : i32
    %c0_i32_0 = arith.constant 0 : i32
    return %arg0, %c0_i32 : i32, i32
  }
  func.func @transform_5(%arg0: i32) -> (i32, i32) {
    %c0_i32 = arith.constant 0 : i32
    %c0_i32_0 = arith.constant 0 : i32
    %c0_i32_1 = arith.constant 0 : i32
    return %c0_i32, %c0_i32_0 : i32, i32
  }
}

module attributes {stable_mosaic.version = 14 : i64} {
  func.func @_q_body(%arg0: i32, %arg1: memref<1000x104xf32, #tpu.memory_space<vmem>>, %arg2: memref<1x104xf32, #tpu.memory_space<vmem>>, %arg3: memref<1x104xf32, #tpu.memory_space<vmem>>, %arg4: memref<1000x128xf32, #tpu.memory_space<vmem>>, %arg5: memref<1000x128xf32, #tpu.memory_space<vmem>>) attributes {dimension_semantics = [#tpu.dimension_semantics<arbitrary>], iteration_bounds = array<i64: 10>, scalar_prefetch = 0 : i64, scratch_operands = 0 : i64, tpu.core_type = #tpu.core_type<tc>, window_params = [{transform_indices = @transform_0, window_bounds = array<i64: 1000, 104>}, {pipeline_mode = #tpu.pipeline_mode<synchronous>, transform_indices = @transform_1, window_bounds = array<i64: 1, 104>}, {pipeline_mode = #tpu.pipeline_mode<synchronous>, transform_indices = @transform_2, window_bounds = array<i64: 1, 104>}, {transform_indices = @transform_3, window_bounds = array<i64: 1000, 128>}, {transform_indices = @transform_4, window_bounds = array<i64: 1000, 128>}]} {
    %get3A = arith.constant 0 : index
    %get3A_0 = arith.constant 0 : index
    %get3A_1 = vector.load %arg1[%get3A, %get3A_0] : memref<1000x104xf32, #tpu.memory_space<vmem>>, vector<1000x104xf32>
    %get3A_2 = arith.constant 0 : index
    %get3A_3 = arith.constant 0 : index
    %get3A_4 = vector.load %arg2[%get3A_2, %get3A_3] : memref<1x104xf32, #tpu.memory_space<vmem>>, vector<1x104xf32>
    %mul3A = vector.broadcast %get3A_4 : vector<1x104xf32> to vector<1000x104xf32>
    %mul3A_5 = arith.mulf %get3A_1, %mul3A : vector<1000x104xf32>
    %get3A_6 = arith.constant 0 : index
    %get3A_7 = arith.constant 0 : index
    %get3A_8 = vector.load %arg3[%get3A_6, %get3A_7] : memref<1x104xf32, #tpu.memory_space<vmem>>, vector<1x104xf32>
    %sub3A = vector.broadcast %get3A_8 : vector<1x104xf32> to vector<1000x104xf32>
    %sub3A_9 = arith.subf %mul3A_5, %sub3A : vector<1000x104xf32>
    %exp3A = math.exp %sub3A_9 : vector<1000x104xf32>
    %broadcast_in_dim3A = arith.constant 0.000000e+00 : f32
    %broadcast_in_dim3A_10 = vector.broadcast %broadcast_in_dim3A : f32 to vector<1000x24xf32>
    %get3A_11 = arith.constant 0 : index
    %get3A_12 = arith.constant 0 : index
    %get3A_13 = vector.load %arg1[%get3A_11, %get3A_12] : memref<1000x104xf32, #tpu.memory_space<vmem>>, vector<1000x104xf32>
    %mul3A_14 = arith.mulf %exp3A, %get3A_13 : vector<1000x104xf32>
    %concatenate3A = tpu.concatenate %mul3A_14, %broadcast_in_dim3A_10 in 1 : vector<1000x104xf32>, vector<1000x24xf32> -> vector<1000x128xf32>
    %swap3A = arith.constant 0 : index
    %swap3A_15 = arith.constant 0 : index
    %swap3A_16 = vector.load %arg4[%swap3A, %swap3A_15] : memref<1000x128xf32, #tpu.memory_space<vmem>>, vector<1000x128xf32>
    tpu.vector_store %arg4[%swap3A, %swap3A_15], %concatenate3A {strides = array<i32>} : memref<1000x128xf32, #tpu.memory_space<vmem>>, vector<1000x128xf32>,
    %concatenate3A_17 = tpu.concatenate %exp3A, %broadcast_in_dim3A_10 in 1 : vector<1000x104xf32>, vector<1000x24xf32> -> vector<1000x128xf32>
    %swap3A_18 = arith.constant 0 : index
    %swap3A_19 = arith.constant 0 : index
    %swap3A_20 = vector.load %arg5[%swap3A_18, %swap3A_19] : memref<1000x128xf32, #tpu.memory_space<vmem>>, vector<1000x128xf32>
    tpu.vector_store %arg5[%swap3A_18, %swap3A_19], %concatenate3A_17 {strides = array<i32>} : memref<1000x128xf32, #tpu.memory_space<vmem>>, vector<1000x128xf32>,
    return
  }
  func.func @transform_0(%arg0: i32) -> (i32, i32) {
    %c0_i32 = arith.constant 0 : i32
    %c0_i32_0 = arith.constant 0 : i32
    return %arg0, %c0_i32 : i32, i32
  }
  func.func @transform_1(%arg0: i32) -> (i32, i32) {
    %c0_i32 = arith.constant 0 : i32
    %c0_i32_0 = arith.constant 0 : i32
    %c0_i32_1 = arith.constant 0 : i32
    return %c0_i32, %c0_i32_0 : i32, i32
  }
  func.func @transform_2(%arg0: i32) -> (i32, i32) {
    %c0_i32 = arith.constant 0 : i32
    %c0_i32_0 = arith.constant 0 : i32
    %c0_i32_1 = arith.constant 0 : i32
    return %c0_i32, %c0_i32_0 : i32, i32
  }
  func.func @transform_3(%arg0: i32) -> (i32, i32) {
    %c0_i32 = arith.constant 0 : i32
    %c0_i32_0 = arith.constant 0 : i32
    return %arg0, %c0_i32 : i32, i32
  }
  func.func @transform_4(%arg0: i32) -> (i32, i32) {
    %c0_i32 = arith.constant 0 : i32
    %c0_i32_0 = arith.constant 0 : i32
    return %arg0, %c0_i32 : i32, i32
  }
}

module attributes {stable_mosaic.version = 14 : i64} {
  func.func @_merge_body(%arg0: i32, %arg1: memref<1000x128xf32, #tpu.memory_space<vmem>>, %arg2: memref<1000x128xf32, #tpu.memory_space<vmem>>, %arg3: memref<1000x104xf32, #tpu.memory_space<vmem>>, %arg4: memref<1000x104xf32, #tpu.memory_space<vmem>>, %arg5: memref<104x104xf32, #tpu.memory_space<vmem>>, %arg6: memref<104x104xf32, #tpu.memory_space<vmem>>, %arg7: memref<1x104xf32, #tpu.memory_space<vmem>>, %arg8: memref<1x104xf32, #tpu.memory_space<vmem>>, %arg9: memref<1000x104xf32, #tpu.memory_space<vmem>>, %arg10: memref<1x104xf32, #tpu.memory_space<vmem>>) attributes {dimension_semantics = [#tpu.dimension_semantics<arbitrary>], iteration_bounds = array<i64: 10>, scalar_prefetch = 0 : i64, scratch_operands = 0 : i64, tpu.core_type = #tpu.core_type<tc>, window_params = [{transform_indices = @transform_0, window_bounds = array<i64: 1000, 128>}, {transform_indices = @transform_1, window_bounds = array<i64: 1000, 128>}, {transform_indices = @transform_2, window_bounds = array<i64: 1000, 104>}, {transform_indices = @transform_3, window_bounds = array<i64: 1000, 104>}, {pipeline_mode = #tpu.pipeline_mode<synchronous>, transform_indices = @transform_4, window_bounds = array<i64: 104, 104>}, {pipeline_mode = #tpu.pipeline_mode<synchronous>, transform_indices = @transform_5, window_bounds = array<i64: 104, 104>}, {pipeline_mode = #tpu.pipeline_mode<synchronous>, transform_indices = @transform_6, window_bounds = array<i64: 1, 104>}, {pipeline_mode = #tpu.pipeline_mode<synchronous>, transform_indices = @transform_7, window_bounds = array<i64: 1, 104>}, {transform_indices = @transform_8, window_bounds = array<i64: 1000, 104>}, {pipeline_mode = #tpu.pipeline_mode<synchronous>, transform_indices = @transform_9, window_bounds = array<i64: 1, 104>}]} {
    %get3A = arith.constant 0 : index
    %get3A_0 = arith.constant 0 : index
    %get3A_1 = vector.load %arg2[%get3A, %get3A_0] : memref<1000x128xf32, #tpu.memory_space<vmem>>, vector<1000x104xf32>
    %get3A_2 = arith.constant 0 : index
    %get3A_3 = arith.constant 0 : index
    %get3A_4 = vector.load %arg1[%get3A_2, %get3A_3] : memref<1000x128xf32, #tpu.memory_space<vmem>>, vector<1000x104xf32>
    %add3A = arith.constant 9.99999971E-10 : f32
    %add3A_5 = vector.broadcast %add3A : f32 to vector<1000x104xf32>
    %add3A_6 = arith.addf %get3A_1, %add3A_5 : vector<1000x104xf32>
    %div3A = arith.divf %get3A_4, %add3A_6 : vector<1000x104xf32>
    %get3A_7 = arith.constant 0 : index
    %get3A_8 = arith.constant 0 : index
    %get3A_9 = vector.load %arg5[%get3A_7, %get3A_8] : memref<104x104xf32, #tpu.memory_space<vmem>>, vector<104x104xf32>
    %dot_general3A = arith.constant dense<0.000000e+00> : vector<1000x104xf32>
    %dot_general3A_10 = tpu.matmul %div3A, %get3A_9, %dot_general3A {dimension_numbers = #tpu.dot_dimension_numbers<[1], [0], [0], [1], [0, 0, 1, 1], [], []>, transpose_lhs_hint = false} : vector<1000x104xf32>, vector<104x104xf32>, vector<1000x104xf32> -> vector<1000x104xf32>
    %get3A_11 = arith.constant 0 : index
    %get3A_12 = arith.constant 0 : index
    %get3A_13 = vector.load %arg3[%get3A_11, %get3A_12] : memref<1000x104xf32, #tpu.memory_space<vmem>>, vector<1000x104xf32>
    %get3A_14 = arith.constant 0 : index
    %get3A_15 = arith.constant 0 : index
    %get3A_16 = vector.load %arg6[%get3A_14, %get3A_15] : memref<104x104xf32, #tpu.memory_space<vmem>>, vector<104x104xf32>
    %dot_general3A_17 = arith.constant dense<0.000000e+00> : vector<1000x104xf32>
    %dot_general3A_18 = tpu.matmul %get3A_13, %get3A_16, %dot_general3A_17 {dimension_numbers = #tpu.dot_dimension_numbers<[1], [0], [0], [1], [0, 0, 1, 1], [], []>, transpose_lhs_hint = false} : vector<1000x104xf32>, vector<104x104xf32>, vector<1000x104xf32> -> vector<1000x104xf32>
    %add3A_19 = arith.addf %dot_general3A_10, %dot_general3A_18 : vector<1000x104xf32>
    %get3A_20 = arith.constant 0 : index
    %get3A_21 = arith.constant 0 : index
    %get3A_22 = vector.load %arg7[%get3A_20, %get3A_21] : memref<1x104xf32, #tpu.memory_space<vmem>>, vector<1x104xf32>
    %add3A_23 = vector.broadcast %get3A_22 : vector<1x104xf32> to vector<1000x104xf32>
    %add3A_24 = arith.addf %add3A_19, %add3A_23 : vector<1000x104xf32>
    %max3A = arith.constant 0.000000e+00 : f32
    %max3A_25 = vector.broadcast %max3A : f32 to vector<1000x104xf32>
    %max3A_26 = arith.maximumf %add3A_24, %max3A_25 : vector<1000x104xf32>
    %slice3A = vector.extract_strided_slice %get3A_1 {offsets = [0, 0], sizes = [1000, 1], strides = [1, 1]} : vector<1000x104xf32> to vector<1000x1xf32>
    %gt3A = arith.constant 0.000000e+00 : f32
    %gt3A_27 = vector.broadcast %gt3A : f32 to vector<1000x1xf32>
    %gt3A_28 = arith.cmpf ogt, %slice3A, %gt3A_27 : vector<1000x1xf32>
    %get3A_29 = arith.constant 0 : index
    %get3A_30 = arith.constant 0 : index
    %get3A_31 = vector.load %arg4[%get3A_29, %get3A_30] : memref<1000x104xf32, #tpu.memory_space<vmem>>, vector<1000x104xf32>
    %broadcast_in_dim3A = vector.shape_cast %gt3A_28 : vector<1000x1xi1> to vector<1000x1xi1>
    %broadcast_in_dim3A_32 = vector.broadcast %broadcast_in_dim3A : vector<1000x1xi1> to vector<1000x104xi1>
    %select_n3A = arith.select %broadcast_in_dim3A_32, %max3A_26, %get3A_31 : vector<1000x104xi1>, vector<1000x104xf32>
    %swap3A = arith.constant 0 : index
    %swap3A_33 = arith.constant 0 : index
    %swap3A_34 = vector.load %arg9[%swap3A, %swap3A_33] : memref<1000x104xf32, #tpu.memory_space<vmem>>, vector<1000x104xf32>
    tpu.vector_store %arg9[%swap3A, %swap3A_33], %select_n3A {strides = array<i32>} : memref<1000x104xf32, #tpu.memory_space<vmem>>, vector<1000x104xf32>,
    %get3A_35 = arith.constant 0 : index
    %get3A_36 = arith.constant 0 : index
    %get3A_37 = vector.load %arg8[%get3A_35, %get3A_36] : memref<1x104xf32, #tpu.memory_space<vmem>>, vector<1x104xf32>
    %mul3A = vector.broadcast %get3A_37 : vector<1x104xf32> to vector<1000x104xf32>
    %mul3A_38 = arith.mulf %select_n3A, %mul3A : vector<1000x104xf32>
    %reduce_max3A = arith.constant dense<0xFF800000> : vector<104xf32>
    %reduce_max3A_39 = vector.multi_reduction <maximumf>, %mul3A_38, %reduce_max3A [0] : vector<1000x104xf32> to vector<104xf32>
    %broadcast_in_dim3A_40 = vector.shape_cast %reduce_max3A_39 : vector<104xf32> to vector<1x104xf32>
    %eq3A = arith.constant 0 : i32
    %eq3A_41 = arith.cmpi eq, %arg0, %eq3A : i32
    %convert_element_type3A = arith.extui %eq3A_41 : i1 to i32
    %cond3A = arith.constant 0 : i32
    %cond3A_42 = arith.cmpi ne, %convert_element_type3A, %cond3A : i32
    scf.if %cond3A_42 {
      %swap3A_48 = arith.constant 0 : index
      %swap3A_49 = arith.constant 0 : index
      %swap3A_50 = vector.load %arg10[%swap3A_48, %swap3A_49] : memref<1x104xf32, #tpu.memory_space<vmem>>, vector<1x104xf32>
      tpu.vector_store %arg10[%swap3A_48, %swap3A_49], %broadcast_in_dim3A_40 {strides = array<i32>} : memref<1x104xf32, #tpu.memory_space<vmem>>, vector<1x104xf32>,
    } else {
    }
    %gt3A_43 = arith.constant 0 : i32
    %gt3A_44 = arith.cmpi sgt, %arg0, %gt3A_43 : i32
    %convert_element_type3A_45 = arith.extui %gt3A_44 : i1 to i32
    %cond3A_46 = arith.constant 0 : i32
    %cond3A_47 = arith.cmpi ne, %convert_element_type3A_45, %cond3A_46 : i32
    scf.if %cond3A_47 {
      %get3A_48 = arith.constant 0 : index
      %get3A_49 = arith.constant 0 : index
      %get3A_50 = vector.load %arg10[%get3A_48, %get3A_49] : memref<1x104xf32, #tpu.memory_space<vmem>>, vector<1x104xf32>
      %max3A_51 = arith.maximumf %get3A_50, %broadcast_in_dim3A_40 : vector<1x104xf32>
      %swap3A_52 = arith.constant 0 : index
      %swap3A_53 = arith.constant 0 : index
      %swap3A_54 = vector.load %arg10[%swap3A_52, %swap3A_53] : memref<1x104xf32, #tpu.memory_space<vmem>>, vector<1x104xf32>
      tpu.vector_store %arg10[%swap3A_52, %swap3A_53], %max3A_51 {strides = array<i32>} : memref<1x104xf32, #tpu.memory_space<vmem>>, vector<1x104xf32>,
    } else {
    }
    return
  }
  func.func @transform_0(%arg0: i32) -> (i32, i32) {
    %c0_i32 = arith.constant 0 : i32
    %c0_i32_0 = arith.constant 0 : i32
    return %arg0, %c0_i32 : i32, i32
  }
  func.func @transform_1(%arg0: i32) -> (i32, i32) {
    %c0_i32 = arith.constant 0 : i32
    %c0_i32_0 = arith.constant 0 : i32
    return %arg0, %c0_i32 : i32, i32
  }
  func.func @transform_2(%arg0: i32) -> (i32, i32) {
    %c0_i32 = arith.constant 0 : i32
    %c0_i32_0 = arith.constant 0 : i32
    return %arg0, %c0_i32 : i32, i32
  }
  func.func @transform_3(%arg0: i32) -> (i32, i32) {
    %c0_i32 = arith.constant 0 : i32
    %c0_i32_0 = arith.constant 0 : i32
    return %arg0, %c0_i32 : i32, i32
  }
  func.func @transform_4(%arg0: i32) -> (i32, i32) {
    %c0_i32 = arith.constant 0 : i32
    %c0_i32_0 = arith.constant 0 : i32
    %c0_i32_1 = arith.constant 0 : i32
    return %c0_i32, %c0_i32_0 : i32, i32
  }
  func.func @transform_5(%arg0: i32) -> (i32, i32) {
    %c0_i32 = arith.constant 0 : i32
    %c0_i32_0 = arith.constant 0 : i32
    %c0_i32_1 = arith.constant 0 : i32
    return %c0_i32, %c0_i32_0 : i32, i32
  }
  func.func @transform_6(%arg0: i32) -> (i32, i32) {
    %c0_i32 = arith.constant 0 : i32
    %c0_i32_0 = arith.constant 0 : i32
    %c0_i32_1 = arith.constant 0 : i32
    return %c0_i32, %c0_i32_0 : i32, i32
  }
  func.func @transform_7(%arg0: i32) -> (i32, i32) {
    %c0_i32 = arith.constant 0 : i32
    %c0_i32_0 = arith.constant 0 : i32
    %c0_i32_1 = arith.constant 0 : i32
    return %c0_i32, %c0_i32_0 : i32, i32
  }
  func.func @transform_8(%arg0: i32) -> (i32, i32) {
    %c0_i32 = arith.constant 0 : i32
    %c0_i32_0 = arith.constant 0 : i32
    return %arg0, %c0_i32 : i32, i32
  }
  func.func @transform_9(%arg0: i32) -> (i32, i32) {
    %c0_i32 = arith.constant 0 : i32
    %c0_i32_0 = arith.constant 0 : i32
    %c0_i32_1 = arith.constant 0 : i32
    return %c0_i32, %c0_i32_0 : i32, i32
  }
}

module attributes {stable_mosaic.version = 14 : i64} {
  func.func @_final1_body(%arg0: i32, %arg1: memref<1000x104xf32, #tpu.memory_space<vmem>>, %arg2: memref<1x104xf32, #tpu.memory_space<vmem>>, %arg3: memref<1x104xf32, #tpu.memory_space<vmem>>, %arg4: memref<1x104xf32, #tpu.memory_space<vmem>>, %arg5: memref<1x104xf32, #tpu.memory_space<vmem>>) attributes {dimension_semantics = [#tpu.dimension_semantics<arbitrary>], iteration_bounds = array<i64: 10>, scalar_prefetch = 0 : i64, scratch_operands = 0 : i64, tpu.core_type = #tpu.core_type<tc>, window_params = [{transform_indices = @transform_0, window_bounds = array<i64: 1000, 104>}, {pipeline_mode = #tpu.pipeline_mode<synchronous>, transform_indices = @transform_1, window_bounds = array<i64: 1, 104>}, {pipeline_mode = #tpu.pipeline_mode<synchronous>, transform_indices = @transform_2, window_bounds = array<i64: 1, 104>}, {pipeline_mode = #tpu.pipeline_mode<synchronous>, transform_indices = @transform_3, window_bounds = array<i64: 1, 104>}, {pipeline_mode = #tpu.pipeline_mode<synchronous>, transform_indices = @transform_4, window_bounds = array<i64: 1, 104>}]} {
    %get3A = arith.constant 0 : index
    %get3A_0 = arith.constant 0 : index
    %get3A_1 = vector.load %arg1[%get3A, %get3A_0] : memref<1000x104xf32, #tpu.memory_space<vmem>>, vector<1000x104xf32>
    %get3A_2 = arith.constant 0 : index
    %get3A_3 = arith.constant 0 : index
    %get3A_4 = vector.load %arg2[%get3A_2, %get3A_3] : memref<1x104xf32, #tpu.memory_space<vmem>>, vector<1x104xf32>
    %mul3A = vector.broadcast %get3A_4 : vector<1x104xf32> to vector<1000x104xf32>
    %mul3A_5 = arith.mulf %get3A_1, %mul3A : vector<1000x104xf32>
    %get3A_6 = arith.constant 0 : index
    %get3A_7 = arith.constant 0 : index
    %get3A_8 = vector.load %arg3[%get3A_6, %get3A_7] : memref<1x104xf32, #tpu.memory_space<vmem>>, vector<1x104xf32>
    %sub3A = vector.broadcast %get3A_8 : vector<1x104xf32> to vector<1000x104xf32>
    %sub3A_9 = arith.subf %mul3A_5, %sub3A : vector<1000x104xf32>
    %exp3A = math.exp %sub3A_9 : vector<1000x104xf32>
    %reduce_sum3A = arith.constant dense<0.000000e+00> : vector<104xf32>
    %reduce_sum3A_10 = vector.multi_reduction <add>, %exp3A, %reduce_sum3A [0] : vector<1000x104xf32> to vector<104xf32>
    %broadcast_in_dim3A = vector.shape_cast %reduce_sum3A_10 : vector<104xf32> to vector<1x104xf32>
    %mul3A_11 = arith.mulf %exp3A, %get3A_1 : vector<1000x104xf32>
    %reduce_sum3A_12 = arith.constant dense<0.000000e+00> : vector<104xf32>
    %reduce_sum3A_13 = vector.multi_reduction <add>, %mul3A_11, %reduce_sum3A_12 [0] : vector<1000x104xf32> to vector<104xf32>
    %broadcast_in_dim3A_14 = vector.shape_cast %reduce_sum3A_13 : vector<104xf32> to vector<1x104xf32>
    %eq3A = arith.constant 0 : i32
    %eq3A_15 = arith.cmpi eq, %arg0, %eq3A : i32
    %convert_element_type3A = arith.extui %eq3A_15 : i1 to i32
    %cond3A = arith.constant 0 : i32
    %cond3A_16 = arith.cmpi ne, %convert_element_type3A, %cond3A : i32
    scf.if %cond3A_16 {
      %swap3A = arith.constant 0 : index
      %swap3A_21 = arith.constant 0 : index
      %swap3A_22 = vector.load %arg4[%swap3A, %swap3A_21] : memref<1x104xf32, #tpu.memory_space<vmem>>, vector<1x104xf32>
      tpu.vector_store %arg4[%swap3A, %swap3A_21], %broadcast_in_dim3A {strides = array<i32>} : memref<1x104xf32, #tpu.memory_space<vmem>>, vector<1x104xf32>,
      %swap3A_23 = arith.constant 0 : index
      %swap3A_24 = arith.constant 0 : index
      %swap3A_25 = vector.load %arg5[%swap3A_23, %swap3A_24] : memref<1x104xf32, #tpu.memory_space<vmem>>, vector<1x104xf32>
      tpu.vector_store %arg5[%swap3A_23, %swap3A_24], %broadcast_in_dim3A_14 {strides = array<i32>} : memref<1x104xf32, #tpu.memory_space<vmem>>, vector<1x104xf32>,
    } else {
    }
    %gt3A = arith.constant 0 : i32
    %gt3A_17 = arith.cmpi sgt, %arg0, %gt3A : i32
    %convert_element_type3A_18 = arith.extui %gt3A_17 : i1 to i32
    %cond3A_19 = arith.constant 0 : i32
    %cond3A_20 = arith.cmpi ne, %convert_element_type3A_18, %cond3A_19 : i32
    scf.if %cond3A_20 {
      %get3A_21 = arith.constant 0 : index
      %get3A_22 = arith.constant 0 : index
      %get3A_23 = vector.load %arg4[%get3A_21, %get3A_22] : memref<1x104xf32, #tpu.memory_space<vmem>>, vector<1x104xf32>
      %add3A = arith.addf %get3A_23, %broadcast_in_dim3A : vector<1x104xf32>
      %swap3A = arith.constant 0 : index
      %swap3A_24 = arith.constant 0 : index
      %swap3A_25 = vector.load %arg4[%swap3A, %swap3A_24] : memref<1x104xf32, #tpu.memory_space<vmem>>, vector<1x104xf32>
      tpu.vector_store %arg4[%swap3A, %swap3A_24], %add3A {strides = array<i32>} : memref<1x104xf32, #tpu.memory_space<vmem>>, vector<1x104xf32>,
      %get3A_26 = arith.constant 0 : index
      %get3A_27 = arith.constant 0 : index
      %get3A_28 = vector.load %arg5[%get3A_26, %get3A_27] : memref<1x104xf32, #tpu.memory_space<vmem>>, vector<1x104xf32>
      %add3A_29 = arith.addf %get3A_28, %broadcast_in_dim3A_14 : vector<1x104xf32>
      %swap3A_30 = arith.constant 0 : index
      %swap3A_31 = arith.constant 0 : index
      %swap3A_32 = vector.load %arg5[%swap3A_30, %swap3A_31] : memref<1x104xf32, #tpu.memory_space<vmem>>, vector<1x104xf32>
      tpu.vector_store %arg5[%swap3A_30, %swap3A_31], %add3A_29 {strides = array<i32>} : memref<1x104xf32, #tpu.memory_space<vmem>>, vector<1x104xf32>,
    } else {
    }
    return
  }
  func.func @transform_0(%arg0: i32) -> (i32, i32) {
    %c0_i32 = arith.constant 0 : i32
    %c0_i32_0 = arith.constant 0 : i32
    return %arg0, %c0_i32 : i32, i32
  }
  func.func @transform_1(%arg0: i32) -> (i32, i32) {
    %c0_i32 = arith.constant 0 : i32
    %c0_i32_0 = arith.constant 0 : i32
    %c0_i32_1 = arith.constant 0 : i32
    return %c0_i32, %c0_i32_0 : i32, i32
  }
  func.func @transform_2(%arg0: i32) -> (i32, i32) {
    %c0_i32 = arith.constant 0 : i32
    %c0_i32_0 = arith.constant 0 : i32
    %c0_i32_1 = arith.constant 0 : i32
    return %c0_i32, %c0_i32_0 : i32, i32
  }
  func.func @transform_3(%arg0: i32) -> (i32, i32) {
    %c0_i32 = arith.constant 0 : i32
    %c0_i32_0 = arith.constant 0 : i32
    %c0_i32_1 = arith.constant 0 : i32
    return %c0_i32, %c0_i32_0 : i32, i32
  }
  func.func @transform_4(%arg0: i32) -> (i32, i32) {
    %c0_i32 = arith.constant 0 : i32
    %c0_i32_0 = arith.constant 0 : i32
    %c0_i32_1 = arith.constant 0 : i32
    return %c0_i32, %c0_i32_0 : i32, i32
  }
}

module attributes {stable_mosaic.version = 14 : i64} {
  func.func @_final2_body(%arg0: memref<1x104xf32, #tpu.memory_space<vmem>>, %arg1: memref<1x104xf32, #tpu.memory_space<vmem>>, %arg2: memref<104x500xf32, #tpu.memory_space<vmem>>, %arg3: memref<1x500xf32, #tpu.memory_space<vmem>>, %arg4: memref<1x500xf32, #tpu.memory_space<vmem>>) attributes {dimension_semantics = [], scalar_prefetch = 0 : i64, scratch_operands = 0 : i64, tpu.core_type = #tpu.core_type<tc>} {
    %get3A = arith.constant 0 : index
    %get3A_0 = arith.constant 0 : index
    %get3A_1 = vector.load %arg1[%get3A, %get3A_0] : memref<1x104xf32, #tpu.memory_space<vmem>>, vector<1x104xf32>
    %get3A_2 = arith.constant 0 : index
    %get3A_3 = arith.constant 0 : index
    %get3A_4 = vector.load %arg0[%get3A_2, %get3A_3] : memref<1x104xf32, #tpu.memory_space<vmem>>, vector<1x104xf32>
    %div3A = arith.divf %get3A_1, %get3A_4 : vector<1x104xf32>
    %get3A_5 = arith.constant 0 : index
    %get3A_6 = arith.constant 0 : index
    %get3A_7 = vector.load %arg2[%get3A_5, %get3A_6] : memref<104x500xf32, #tpu.memory_space<vmem>>, vector<104x500xf32>
    %dot_general3A = arith.constant dense<0.000000e+00> : vector<1x500xf32>
    %dot_general3A_8 = tpu.matmul %div3A, %get3A_7, %dot_general3A {dimension_numbers = #tpu.dot_dimension_numbers<[1], [0], [0], [1], [0, 0, 1, 1], [], []>, transpose_lhs_hint = false} : vector<1x104xf32>, vector<104x500xf32>, vector<1x500xf32> -> vector<1x500xf32>
    %get3A_9 = arith.constant 0 : index
    %get3A_10 = arith.constant 0 : index
    %get3A_11 = vector.load %arg3[%get3A_9, %get3A_10] : memref<1x500xf32, #tpu.memory_space<vmem>>, vector<1x500xf32>
    %add3A = arith.addf %dot_general3A_8, %get3A_11 : vector<1x500xf32>
    %swap3A = arith.constant 0 : index
    %swap3A_12 = arith.constant 0 : index
    %swap3A_13 = vector.load %arg4[%swap3A, %swap3A_12] : memref<1x500xf32, #tpu.memory_space<vmem>>, vector<1x500xf32>
    tpu.vector_store %arg4[%swap3A, %swap3A_12], %add3A {strides = array<i32>} : memref<1x500xf32, #tpu.memory_space<vmem>>, vector<1x500xf32>,
    return
  }
}

</mosaic_0001>

<sc_bundles>
// kernel: kernel.11.cloned.1.call-start
scs
__scs_entry_jumppad:
0x0: {  	(pc) =	sbr.rel $0x88, $3  }
0x1: {  	(tag) =	ssettag $0x0;
	lr =	simm.s32 $0x1  }
0x2: {  	[smem:$0x3F97] =	sst lr;
	_ =	strace $0xD0000000  }
0x3: {  	_ = 	snop  }
0x4: {  	_ = 	snop  }
0x5: {  	_ = 	snop  }
0x6: {  	_ = 	snop  }
0x7: {  	_ = 	snop  }
__scs_overlays_trampoline_lowered:
0x8: {  	[smem:$0x3FA6] =	sst s0  }
0x9: {  	[smem:$0x3FA7] =	sst s1  }
0xa: {  	[smem:$0x3FA8] =	sst s2  }
0xb: {  	[smem:$0x3FA9] =	sst s3  }
0xc: {  	[smem:$0x3FAA] =	sst s4  }
0xd: {  	[smem:$0x3FAB] =	sst s5  }
0xe: {  	[smem:$0x3FAC] =	sst s6  }
0xf: {  	[smem:$0x3FAD] =	sst s7  }
0x10: {  	[smem:$0x3FAE] =	sst s8  }
0x11: {  	[smem:$0x3FAF] =	sst s9;
	s0 =	simm.s32 @!p0 $0x0  }
0x12: {  	s1 =	sld [smem:$0x3F95];
	s0 =	simm.s32 @p0 $0x1  }
0x13: {  	[smem:$0x3FB0] =	sst s0;
	s0 =	simm.s32 @!p1 $0x0  }
0x14: {  	s2 =	sld [smem:$0x3F94];
	s0 =	simm.s32 @p1 $0x1  }
0x15: {  	[smem:$0x3FB1] =	sst s0;
	s0 =	simm.s32 @!p2 $0x0  }
0x16: {  	s3 =	sld [smem:$0x3FDB];
	s0 =	simm.s32 @p2 $0x1  }
0x17: {  	s4 =	simm.s32 $0x1BF5;
	[smem:$0x3FB3] =	sst s0  }
0x18: {  	s0 =	sld [smem:$0x3F96];
	_ =	swait.ge [sflag:s4], $0x0  }
0x19: {  	s7 =	sld [smem:$0x3F97]  }
0x1a: {  	s8 =	sadd.s32 $0xFFFFE003, lr  }
0x1b: {  	s9 =	sadd.s32 $0xFFFFFEF7, lr;
	s5 =	simm.s32 $0xFFFFFFFF;
	p2 =	slt.u32 s8, $0xFFFFF086  }
0x1c: {  	p1 =	slt.u32 s9, $0xF7A;
	s5 =	simm.s32 @!p2 $0x0  }
0x1d: {  	s5 =	simm.s32 @p1 $0x1;
	p0 =	seq.s32 s7, s2  }
0x1e: {  	s7 =	smul.u32 @!p0 $0xF7A, s2;
	p2 =	seq.s32 @!p0 s5, $0x0  }
0x1f: {  	s9 =	smul.u32 $0xF7A, s1;
	s8 =	simm.s32 @!p0 $0x1BF5;
	p2 =	por !p2, p0  }
0x20: {  	[sflag:s8] =	ssyncset.s32 @!p0 $0xFFFFF086;
	s6 =	sadd.s32 @!p0 s3, s7;
	s7 =	simm.s32 @!p0 $0x108  }
0x21: {  	s3 =	sadd.s32 s3, s9;
	s6 =	sadd.s32 @!p0 $0x88, s6;
	s7 =	simm.s32 @p2 $0x1082  }
0x22: {  	[simem:s7], [sflag:s8] =	dma.local @!p0 [hbm:s6], $0xF7A  }
0x23: {  	s9 =	sor.u32 $0xD0000000, s2;
	s6 =	simm.s32 $0x108;
	_ =	swait.ge @!p0 [sflag:s8], $0x0  }
0x24: {  	s3 =	sadd.s32 $0x88, s3;
	s6 =	simm.s32 @!p1 $0x1082;
	[sflag:s4] =	ssyncset.s32 $0xFFFFF086  }
0x25: {  	[simem:s6], [sflag:s4] =	dma.local [hbm:s3], $0xF7A  }
0x26: {  	[smem:$0x3F97] =	sst s1;
	(tag) =	ssettag s2;
	_ =	strace s9  }
0x27: {  	s1 =	sld [smem:$0x3FA7]  }
0x28: {  	s2 =	sld [smem:$0x3FA8]  }
0x29: {  	s4 =	sld [smem:$0x3FAA]  }
0x2a: {  	p0 =	seq.s32 s5, $0x0;
	s5 =	sld [smem:$0x3FAB]  }
0x2b: {  	s6 =	sld [smem:$0x3FAC]  }
0x2c: {  	s7 =	sld [smem:$0x3FAD]  }
0x2d: {  	s3 =	simm.s32 $0x108;
	s8 =	sld [smem:$0x3FAE]  }
0x2e: {  	s3 =	simm.s32 @!p0 $0x1082;
	s9 =	sld [smem:$0x3FAF]  }
0x2f: {  	lr =	sadd.s32 s0, s3;
	s0 =	sld [smem:$0x3FA6]  }
0x30: {  	s3 =	sld [smem:$0x3FA9]  }
0x31: {  	[smem:$0x3FB2] =	sst s10  }
0x32: {  	s10 =	sld [smem:$0x3FB0];
	_ =	sdelay $0x3  }
0x33: {  	p0 =	seq.s32 s10, $0x1;
	s10 =	sld [smem:$0x3FB2];
	_ =	sdelay $0x3  }
0x34: {  	[smem:$0x3FB2] =	sst s10  }
0x35: {  	s10 =	sld [smem:$0x3FB1];
	_ =	sdelay $0x3  }
0x36: {  	p1 =	seq.s32 s10, $0x1;
	s10 =	sld [smem:$0x3FB2];
	_ =	sdelay $0x3  }
0x37: {  	[smem:$0x3FB2] =	sst s10  }
0x38: {  	s10 =	sld [smem:$0x3FB3]  }
0x39: {  	_ = 	snop;
	(pc) =	sbr.ind lr, $3  }
0x3a: {  	_ = 	snop  }
0x3b: {  	_ = 	snop  }
0x3c: {  	p2 =	seq.s32 s10, $0x1;
	s10 =	sld [smem:$0x3FB2]  }
0x3d: {  	_ =	shalt  }
0x3e: {  	_ =	shalt  }
0x3f: {  	_ =	shalt  }
0x40: {  	_ =	shalt  }
0x41: {  	_ =	shalt  }
0x42: {  	_ =	shalt  }
0x43: {  	_ =	shalt  }
0x44: {  	_ =	shalt  }
0x45: {  	_ =	shalt  }
0x46: {  	_ =	shalt  }
0x47: {  	_ =	shalt  }
0x48: {  	_ =	shalt  }
0x49: {  	_ =	shalt  }
0x4a: {  	_ =	shalt  }
0x4b: {  	_ =	shalt  }
0x4c: {  	_ =	shalt  }
0x4d: {  	_ =	shalt  }
0x4e: {  	_ =	shalt  }
0x4f: {  	_ =	shalt  }
0x50: {  	_ =	shalt  }
0x51: {  	_ =	shalt  }
0x52: {  	_ =	shalt  }
0x53: {  	_ =	shalt  }
0x54: {  	_ =	shalt  }
0x55: {  	_ =	shalt  }
0x56: {  	_ =	shalt  }
0x57: {  	_ =	shalt  }
0x58: {  	_ =	shalt  }
0x59: {  	_ =	shalt  }
0x5a: {  	_ =	shalt  }
0x5b: {  	_ =	shalt  }
0x5c: {  	_ =	shalt  }
0x5d: {  	_ =	shalt  }
0x5e: {  	_ =	shalt  }
0x5f: {  	_ =	shalt  }
0x60: {  	_ =	shalt  }
0x61: {  	_ =	shalt  }
0x62: {  	_ =	shalt  }
0x63: {  	_ =	shalt  }
0x64: {  	_ =	shalt  }
0x65: {  	_ =	shalt  }
0x66: {  	_ =	shalt  }
0x67: {  	_ =	shalt  }
0x68: {  	_ =	shalt  }
0x69: {  	_ =	shalt  }
0x6a: {  	_ =	shalt  }
0x6b: {  	_ =	shalt  }
0x6c: {  	_ =	shalt  }
0x6d: {  	_ =	shalt  }
0x6e: {  	_ =	shalt  }
0x6f: {  	_ =	shalt  }
0x70: {  	_ =	shalt  }
0x71: {  	_ =	shalt  }
0x72: {  	_ =	shalt  }
0x73: {  	_ =	shalt  }
0x74: {  	_ =	shalt  }
0x75: {  	_ =	shalt  }
0x76: {  	_ =	shalt  }
0x77: {  	_ =	shalt  }
0x78: {  	_ =	shalt  }
0x79: {  	_ =	shalt  }
0x7a: {  	_ =	shalt  }
0x7b: {  	_ =	shalt  }
0x7c: {  	_ =	shalt  }
0x7d: {  	_ =	shalt  }
0x7e: {  	_ =	shalt  }
0x7f: {  	_ =	shalt  }
0x80: {  	_ =	shalt  }
0x81: {  	_ =	shalt  }
0x82: {  	_ =	shalt  }
0x83: {  	_ =	shalt  }
0x84: {  	_ =	shalt  }
0x85: {  	_ =	shalt  }
0x86: {  	_ =	shalt  }
0x87: {  	_ =	shalt  }
.Lfunc_end0:
.L_simem_size_0:
called_computation_lowered:
.L_overlay_start_0:
0x88: {  	s2 =	sld [smem:$0x3FD9]  }
0x89: {  	s3 =	sld [smem:$0x3FFE];
	_ =	sdelay $0x1  }
0x8a: {  	s1 =	srdreg.scid  }
0x8b: {  	s0 =	sand.u32 $0x1, s1  }
0x8c: {  	s16 =	sshll.u32 s0, $0xA;
	s2 =	sadd.s32 s3, s2  }
0x8d: {  	s2 =	sadd.s32 s2, s16  }
0x8e: {  	[smem:$0x3FBE] =	sst s2  }
0x8f: {  	_ = 	snop  }
0x90: {  	(tm) =	ssettm $0x1  }
0x91: {  	s17 =	sld [smem:$0x3FFB];
	_ =	sdelay $0x3  }
0x92: {  	_ =	strace s17  }
0x93: {  	s2 =	sld [smem:$0x3FFC];
	_ =	sdelay $0x3  }
0x94: {  	_ =	strace s2  }
0x95: {  	s2 =	sld [smem:$0x3FFD];
	_ =	sdelay $0x3  }
0x96: {  	_ =	strace s2  }
0x97: {  	_ =	strace $0x8FFFFFFF  }
0x98: {  	s18 =	sld [smem:$0x3FDB];
	_ =	sdelay $0x1  }
0x99: {  	s19 =	simm.s32 $_scs_section_size  }
0x9a: {  	s4 =	simm.s32 $_size__tile_overlayer_lowered;
	s5 =	simm.s32 $_tile_overlayer_lowered  }
0x9b: {  	s22 =	simm.s32 $0x1BFF;
	s21 =	sshll.u32 s5, $0x1;
	s2 =	sadd.s32 s19, s18  }
0x9c: {  	s6 =	simm.s32 $0x0;
	s20 =	sshll.u32 s4, $0x1;
	s4 =	sadd.s32 s21, s2  }
0x9d: {  	[timem:s6], [sflag:s22] =	dma.local [hbm:s4], s20  }
0x9e: {  	_ =	swait.ge [sflag:s22], s20  }
0x9f: {  	s3 =	ssub.s32 $0x0, s20;
	[sflag:s22] =	ssyncset.done $0x0  }
0xa0: {  	[sflag:s22] =	ssyncadd.s32 s3;
	_ =	sdelay $0x1  }
0xa1: {  	s23 =	simm.s32 $0x1B8B  }
0xa2: {  	_ =	swait.ge [sflag:s23], $0x1  }
0xa3: {  	[sflag:s23] =	ssyncset.done $0x0  }
0xa4: {  	s25 =	simm.s32 $0x1B8E;
	s24 =	sld [smem:$0x3FFE];
	[sflag:s23] =	ssyncadd.s32 $0xFFFFFFFF  }
0xa5: {  	s26 =	simm.s32 $execute0_lowered;
	[smem:$0x3FD2] =	sst s25  }
0xa6: {  	s4 =	sshll.u32 s26, $0x1;
	_ =	strace $0x80000046;
	[dreg:$0x1] =	wrdreg $0xFFFFFFFF  }
0xa7: {  	s28 =	simm.s32 $_size_execute0_lowered;
	s2 =	sadd.s32 s2, s4;
	[dreg:$0x0] =	wrdreg $0x0  }
0xa8: {  	s4 =	sshll.u32 s28, $0x1;
	[dreg:$0x2] =	wrdreg s2  }
0xa9: {  	[dreg:$0x3] =	wrdreg s4  }
0xaa: {  	[dreg:$0x4] =	wrdreg $0xC0  }
0xab: {  	_ =	task [dreg:s6], $0x5FFFF  }
0xac: {  	[dreg:$0x1] =	wrdreg $0xFFFFFFFF  }
0xad: {  	[dreg:$0x0] =	wrdreg $0x60  }
0xae: {  	[dreg:$0x2] =	wrdreg s24  }
0xaf: {  	[dreg:$0x3] =	wrdreg $0x84000  }
0xb0: {  	[dreg:$0x4] =	wrdreg $0x9  }
0xb1: {  	_ =	task.clear_ibuf [dreg:s6], $0x5FFFF;
	_ =	strace $0x90000046  }
0xb2: {  	s29 =	simm.s32 $0x9;
	_ =	strace $0x80000048  }
0xb3: {  	_ =	swait.ge [sflag:s29], $0x1  }
0xb4: {  	[sflag:s29] =	ssyncadd.s32 $0xFFFFFFFF  }
0xb5: {  	_ =	strace $0x90000048  }
0xb6: {  	_ =	sfence  }
0xb7: {  	s30 =	sld [smem:$0x0];
	_ =	sdelay $0x2  }
0xb8: {  	s31 =	sshll.u32 s1, $0xD;
	s1 =	sshrl.u32 s1, $0x2  }
0xb9: {  	s3 =	sand.u32 $0x4000, s31;
	s1 =	sadd.s32 s1, s30  }
0xba: {  	s0 =	sor.u32 s3, s0;
	s1 =	sshll.u32 s1, $0x11  }
0xbb: {  	s0 =	sor.u32 s1, s0  }
0xbc: {  	s0 =	sadd.s32 $0x8F2B, s0  }
0xbd: {  	[sflag:s0] =	ssyncadd.remote.s32 $0x1  }
0xbe: {  	_ =	sfence.sel $0xFFFF  }
0xbf: {  	[dreg:$0x0] =	wrdreg $0xFFFFFFFF;
	(pc) =	sbr.abs _section_cstart, $3  }
0xc0: {  	[dreg:$0x1] =	wrdreg $0xFFFFFFFF  }
0xc1: {  	_ =	task.clear_ibuf [dreg:s6], $0x2FFFF;
	_ =	strace $0x9FFFFFFF  }
0xc2: {  	(tm) =	ssettm $0x7FFFFFFF  }
0xc3: {  	_ =	shalt  }
tec
execute0_lowered:
.L_overlay_start_1:
0x0: {  	(tag) =	ssettag $0x1  }
0x1: {  	s0 =	rddreg [dreg:$0x0]  }
0x2: {  	s2 =	rddreg [dreg:$0x1];
	s3 =	simm.s32 $0x0  }
0x3: {  	s10 =	stileid.u32;
	s1 =	srdreg.scid;
	s17 =	simm.s32 $0x7  }
0x4: {  	s18 =	simm.s32 $0x5;
	s19 =	simm.s32 $0x80;
	s20 =	simm.s32 $0x400  }
0x5: {  	s21 =	simm.s32 $0x100;
	s28 =	simm.s32 $0x6;
	s29 =	simm.s32 $0x3  }
0x6: {  	s30 =	simm.s32 $0x4;
	s31 =	simm.s32 $0x300;
	s7 =	smul.u32 $0x2780, s10  }
0x7: {  	[smem:$0x7FF] =	sst s3;
	s5 =	sadd.s32 $0x7AA00, s0;
	s9 =	smul.u32 $0x4F000, s10  }
0x8: {  	s6 =	sadd.s32 $0x53800, s0;
	s4 =	sadd.s32 $0x4600, s0;
	s11 =	smul.u32 $0x2800, s10  }
0x9: {  	s1 =	sand.u32 $0x1, s1;
	s8 =	sadd.s32 $0xC9400, s0;
	s12 =	smul.u32 $0x14000, s10  }
0xa: {  	s25 =	sshll.u32 s10, $0x6;
	_ =	strace $0x80000047;
	[dreg:$0x4] =	wrdreg s8  }
0xb: {  	s22 =	ssub.s32 $0x2, s1;
	s10 =	sor.u32 $0x1C07, s25;
	p0 =	sne.s32 s1, $0x0  }
0xc: {  	s25 =	simm.s32 $0x2;
	s1 =	simm.s32 $0x380;
	[dreg:$0x3] =	wrdreg s7  }
0xd: {  	s7 =	sadd.s32 s7, s0;
	s0 =	sadd.s32 $0xF0C00, s0;
	s23 =	sshrl.u32 s22, $0x1  }
0xe: {  	s24 =	sshrl.u32 s9, $0x2;
	s11 =	sadd.s32 s4, s11;
	s26 =	sshrl.u32 s12, $0x3  }
0xf: {  	[dreg:$0x5] =	wrdreg s0;
	s0 =	ssub.s32 s22, s23;
	s8 =	sadd.s32 s24, s2  }
.Ltmp0:
0x10: {  	s7 =	sadd.s32 $0xA1C00, s7;
	s12 =	sadd.s32 $0x40, s11;
	(pc) =	sbr.rel .LBB2_1-.Ltmp0, $4  }
0x11: {  	s13 =	sadd.s32 $0x80, s11;
	s4 =	sadd.s32 s4, s26;
	s22 =	simm.s32 $0x4400  }
0x12: {  	s23 =	simm.s32 $0x200;
	s24 =	simm.s32 $0x1;
	s26 =	simm.s32 $0x180  }
0x13: {  	[dreg:$0x6] =	wrdreg s7;
	s14 =	sadd.s32 $0x27C0, s4;
	s15 =	smax.u32 s0, $0x1  }
0x14: {  	s16 =	sshrl.u32 s8, $0x3;
	s0 =	simm.s32 $0x280;
	s7 =	simm.s32 $0x0  }
.LBB2_7:
0x15: {  	[spmem:s2] =	stream.indirect.scatter.add.f32 [tilespmem:s22], [sflag:$0x4], $0x80, s1, s19, $0xb8;
	[tilespmem:$0x1C000] =	vst v63  }
0x16: {  	s4 =	smov.u32 s6;
	s8 =	rddreg [dreg:$0x5]  }
.LBB2_8:
0x17: {  	_ =	swait.ge [sflag:s18], $0x200  }
0x18: {  	[sflag:s18] =	ssyncset.done $0x0  }
0x19: {  	[sflag:s18] =	ssyncadd.s32 $0xFFFFFE00  }
0x1a: {  	_ =	swait.ge [sflag:s29], $0x4000  }
0x1b: {  	[sflag:s29] =	ssyncset.done $0x0  }
0x1c: {  	[sflag:s29] =	ssyncadd.s32 $0xFFFFC000  }
0x1d: {  	[tilespmem:s20], [sflag:$0x1] =	stream.indirect.gather [hbm4b:s4+s19], $0x80, s3, s19, $0xb8;
	[tilespmem:$0x1C000] =	vst v63  }
0x1e: {  	_ =	swait.ge [sflag:s30], $0x4000  }
0x1f: {  	[sflag:s30] =	ssyncset.done $0x0  }
0x20: {  	[sflag:s30] =	ssyncadd.s32 $0xFFFFC000  }
0x21: {  	[tilespmem:s22], [sflag:$0x2] =	stream.indirect.gather [hbm4b:s4+s19], $0x80, s21, s19, $0xb8;
	[tilespmem:$0x1C000] =	vst v63  }
0x22: {  	_ = 	snop  }
0x23: {  	[tilespmem:s23], [sflag:$0x6] =	stream.linear.gather [hbm4b:s14+s3], $0x200, $0x38;
	[tilespmem:$0x1C000] =	vst v63  }
0x24: {  	_ =	swait.ge [sflag:s24], $0x4000  }
0x25: {  	[sflag:s24] =	ssyncset.done $0x0  }
0x26: {  	[sflag:s24] =	ssyncadd.s32 $0xFFFFC000  }
0x27: {  	[spmem:s2] =	stream.indirect.scatter.add.f32 [tilespmem:s20], [sflag:$0x3], $0x80, s19, s19, $0xb8;
	[tilespmem:$0x1C000] =	vst v63  }
0x28: {  	_ =	swait.ge [sflag:s25], $0x4000  }
0x29: {  	[sflag:s25] =	ssyncset.done $0x0  }
0x2a: {  	[sflag:s25] =	ssyncadd.s32 $0xFFFFC000  }
0x2b: {  	[spmem:s2] =	stream.indirect.scatter.add.f32 [tilespmem:s22], [sflag:$0x4], $0x80, s26, s19, $0xb8;
	[tilespmem:$0x1C000] =	vst v63  }
0x2c: {  	_ =	swait.ge [sflag:s28], $0x200  }
0x2d: {  	[sflag:s28] =	ssyncset.done $0x0  }
0x2e: {  	[sflag:s28] =	ssyncadd.s32 $0xFFFFFE00  }
0x2f: {  	_ =	swait.ge [sflag:s29], $0x4000  }
0x30: {  	[sflag:s29] =	ssyncset.done $0x0  }
0x31: {  	[sflag:s29] =	ssyncadd.s32 $0xFFFFC000  }
0x32: {  	[tilespmem:s20], [sflag:$0x1] =	stream.indirect.gather [hbm4b:s4+s19], $0x80, s23, s19, $0xb8;
	[tilespmem:$0x1C000] =	vst v63  }
0x33: {  	_ =	swait.ge [sflag:s30], $0x4000  }
0x34: {  	[sflag:s30] =	ssyncset.done $0x0  }
0x35: {  	[sflag:s30] =	ssyncadd.s32 $0xFFFFC000  }
0x36: {  	[tilespmem:s22], [sflag:$0x2] =	stream.indirect.gather [hbm4b:s4+s19], $0x80, s31, s19, $0xb8;
	[tilespmem:$0x1C000] =	vst v63  }
0x37: {  	_ =	swait.ge [sflag:s24], $0x4000  }
0x38: {  	[sflag:s24] =	ssyncset.done $0x0  }
0x39: {  	[sflag:s24] =	ssyncadd.s32 $0xFFFFC000  }
0x3a: {  	[spmem:s2] =	stream.indirect.scatter.add.f32 [tilespmem:s20], [sflag:$0x3], $0x80, s0, s19, $0xb8;
	[tilespmem:$0x1C000] =	vst v63  }
0x3b: {  	_ =	swait.ge [sflag:s25], $0x4000  }
0x3c: {  	[sflag:s25] =	ssyncset.done $0x0  }
0x3d: {  	[sflag:s25] =	ssyncadd.s32 $0xFFFFC000  }
0x3e: {  	[spmem:s2] =	stream.indirect.scatter.add.f32 [tilespmem:s22], [sflag:$0x4], $0x80, s1, s19, $0xb8;
	[tilespmem:$0x1C000] =	vst v63  }
0x3f: {  	_ =	swait.ge [sflag:s29], $0x4000  }
0x40: {  	[sflag:s29] =	ssyncset.done $0x0  }
0x41: {  	[sflag:s29] =	ssyncadd.s32 $0xFFFFC000  }
0x42: {  	_ =	swait.ge [sflag:s30], $0x4000  }
0x43: {  	s7 =	sadd.s32 $0x1, s7;
	[sflag:s30] =	ssyncset.done $0x0  }
0x44: {  	p1 =	sne.s32 s7, s15;
	s9 =	rddreg [dreg:$0x3];
	[sflag:s30] =	ssyncadd.s32 $0xFFFFC000  }
.Ltmp1:
0x45: {  	s4 =	sadd.s32 s8, s9;
	[bflag:$0x0] =	sbarrier.arrive $0xFFFF;
	(pc) =	sbr.rel @!p1 .LBB2_9-.Ltmp1, $4  }
0x46: {  	[hbm:s4], [sflag:s10] =	dma.local [spmem:s16], $0x2780  }
0x47: {  	_ =	swait.ge [sflag:s17], $0x2780  }
0x48: {  	[sflag:s17] =	ssyncset.done $0x0  }
0x49: {  	[sflag:s17] =	ssyncadd.s32 $0xFFFFD880  }
.LBB2_1:
0x4a: {  	s4 =	rddreg [dreg:$0x6]  }
0x4b: {  	[spmem:s16], [sflag:s10] =	dma.local [hbm:s4], $0x2780  }
0x4c: {  	_ =	swait.ge [sflag:s17], $0x2780  }
0x4d: {  	[sflag:s17] =	ssyncset.done $0x0  }
0x4e: {  	[sflag:s17] =	ssyncadd.s32 $0xFFFFD880  }
.Ltmp2:
0x4f: {  	[bflag:$0x0] =	sbarrier.arrive $0xFFFF;
	(pc) =	sbr.rel @p0 .LBB2_5-.Ltmp2, $4  }
0x50: {  	[tilespmem:s3], [sflag:$0x5] =	stream.linear.gather [hbm4b:s11+s3], $0x200, $0x38;
	[tilespmem:$0x1C000] =	vst v63  }
0x51: {  	_ =	swait.ge [sflag:s18], $0x200  }
0x52: {  	[sflag:s18] =	ssyncset.done $0x0  }
0x53: {  	[sflag:s18] =	ssyncadd.s32 $0xFFFFFE00  }
0x54: {  	[tilespmem:s20], [sflag:$0x1] =	stream.indirect.gather [hbm4b:s5+s19], $0x80, s3, s19, $0xb8;
	[tilespmem:$0x1C000] =	vst v63  }
0x55: {  	_ = 	snop  }
0x56: {  	[tilespmem:s22], [sflag:$0x2] =	stream.indirect.gather [hbm4b:s5+s19], $0x80, s21, s19, $0xb8;
	[tilespmem:$0x1C000] =	vst v63  }
0x57: {  	_ = 	snop  }
0x58: {  	[tilespmem:s23], [sflag:$0x6] =	stream.linear.gather [hbm4b:s12+s3], $0x200, $0x38;
	[tilespmem:$0x1C000] =	vst v63  }
0x59: {  	_ =	swait.ge [sflag:s24], $0x4000  }
0x5a: {  	[sflag:s24] =	ssyncset.done $0x0  }
0x5b: {  	[sflag:s24] =	ssyncadd.s32 $0xFFFFC000  }
0x5c: {  	[spmem:s2] =	stream.indirect.scatter.add.f32 [tilespmem:s20], [sflag:$0x3], $0x80, s19, s19, $0xb8;
	[tilespmem:$0x1C000] =	vst v63  }
0x5d: {  	_ =	swait.ge [sflag:s25], $0x4000  }
0x5e: {  	[sflag:s25] =	ssyncset.done $0x0  }
0x5f: {  	[sflag:s25] =	ssyncadd.s32 $0xFFFFC000  }
0x60: {  	[spmem:s2] =	stream.indirect.scatter.add.f32 [tilespmem:s22], [sflag:$0x4], $0x80, s26, s19, $0xb8;
	[tilespmem:$0x1C000] =	vst v63  }
0x61: {  	_ =	swait.ge [sflag:s28], $0x200  }
0x62: {  	[sflag:s28] =	ssyncset.done $0x0  }
0x63: {  	[sflag:s28] =	ssyncadd.s32 $0xFFFFFE00  }
0x64: {  	_ =	swait.ge [sflag:s29], $0x4000  }
0x65: {  	[sflag:s29] =	ssyncset.done $0x0  }
0x66: {  	[sflag:s29] =	ssyncadd.s32 $0xFFFFC000  }
0x67: {  	[tilespmem:s20], [sflag:$0x1] =	stream.indirect.gather [hbm4b:s5+s19], $0x80, s23, s19, $0xb8;
	[tilespmem:$0x1C000] =	vst v63  }
0x68: {  	_ =	swait.ge [sflag:s30], $0x4000  }
0x69: {  	[sflag:s30] =	ssyncset.done $0x0  }
0x6a: {  	[sflag:s30] =	ssyncadd.s32 $0xFFFFC000  }
0x6b: {  	[tilespmem:s22], [sflag:$0x2] =	stream.indirect.gather [hbm4b:s5+s19], $0x80, s31, s19, $0xb8;
	[tilespmem:$0x1C000] =	vst v63  }
0x6c: {  	_ = 	snop  }
0x6d: {  	[tilespmem:s3], [sflag:$0x5] =	stream.linear.gather [hbm4b:s13+s3], $0x200, $0x38;
	[tilespmem:$0x1C000] =	vst v63  }
0x6e: {  	_ =	swait.ge [sflag:s24], $0x4000  }
0x6f: {  	[sflag:s24] =	ssyncset.done $0x0  }
0x70: {  	[sflag:s24] =	ssyncadd.s32 $0xFFFFC000  }
0x71: {  	[spmem:s2] =	stream.indirect.scatter.add.f32 [tilespmem:s20], [sflag:$0x3], $0x80, s0, s19, $0xb8;
	[tilespmem:$0x1C000] =	vst v63  }
0x72: {  	_ =	swait.ge [sflag:s25], $0x4000  }
0x73: {  	[sflag:s25] =	ssyncset.done $0x0  }
0x74: {  	[sflag:s25] =	ssyncadd.s32 $0xFFFFC000  }
0x75: {  	[spmem:s2] =	stream.indirect.scatter.add.f32 [tilespmem:s22], [sflag:$0x4], $0x80, s1, s19, $0xb8;
	[tilespmem:$0x1C000] =	vst v63  }
0x76: {  	_ =	swait.ge [sflag:s18], $0x200  }
0x77: {  	[sflag:s18] =	ssyncset.done $0x0  }
0x78: {  	[sflag:s18] =	ssyncadd.s32 $0xFFFFFE00  }
0x79: {  	_ =	swait.ge [sflag:s29], $0x4000  }
0x7a: {  	[sflag:s29] =	ssyncset.done $0x0  }
0x7b: {  	[sflag:s29] =	ssyncadd.s32 $0xFFFFC000  }
0x7c: {  	[tilespmem:s20], [sflag:$0x1] =	stream.indirect.gather [hbm4b:s5+s19], $0x80, s3, s19, $0xb8;
	[tilespmem:$0x1C000] =	vst v63  }
0x7d: {  	_ =	swait.ge [sflag:s30], $0x4000  }
0x7e: {  	[sflag:s30] =	ssyncset.done $0x0  }
0x7f: {  	s4 =	sadd.s32 $0xFFFFD900, s11;
	[sflag:s30] =	ssyncadd.s32 $0xFFFFC000  }
0x80: {  	[tilespmem:s22], [sflag:$0x2] =	stream.indirect.gather [hbm4b:s5+s19], $0x80, s21, s19, $0xb8;
	[tilespmem:$0x1C000] =	vst v63  }
0x81: {  	s8 =	sadd.s32 $0x27C0, s4  }
0x82: {  	[tilespmem:s23], [sflag:$0x6] =	stream.linear.gather [hbm4b:s8+s3], $0x200, $0x38;
	[tilespmem:$0x1C000] =	vst v63  }
0x83: {  	_ =	swait.ge [sflag:s24], $0x4000  }
0x84: {  	[sflag:s24] =	ssyncset.done $0x0  }
0x85: {  	[sflag:s24] =	ssyncadd.s32 $0xFFFFC000  }
0x86: {  	[spmem:s2] =	stream.indirect.scatter.add.f32 [tilespmem:s20], [sflag:$0x3], $0x80, s19, s19, $0xb8;
	[tilespmem:$0x1C000] =	vst v63  }
0x87: {  	_ =	swait.ge [sflag:s25], $0x4000  }
0x88: {  	[sflag:s25] =	ssyncset.done $0x0  }
0x89: {  	[sflag:s25] =	ssyncadd.s32 $0xFFFFC000  }
0x8a: {  	[spmem:s2] =	stream.indirect.scatter.add.f32 [tilespmem:s22], [sflag:$0x4], $0x80, s26, s19, $0xb8;
	[tilespmem:$0x1C000] =	vst v63  }
0x8b: {  	_ =	swait.ge [sflag:s28], $0x200  }
0x8c: {  	[sflag:s28] =	ssyncset.done $0x0  }
0x8d: {  	[sflag:s28] =	ssyncadd.s32 $0xFFFFFE00  }
0x8e: {  	_ =	swait.ge [sflag:s29], $0x4000  }
0x8f: {  	[sflag:s29] =	ssyncset.done $0x0  }
0x90: {  	[sflag:s29] =	ssyncadd.s32 $0xFFFFC000  }
0x91: {  	[tilespmem:s20], [sflag:$0x1] =	stream.indirect.gather [hbm4b:s5+s19], $0x80, s23, s19, $0xb8;
	[tilespmem:$0x1C000] =	vst v63  }
0x92: {  	_ =	swait.ge [sflag:s30], $0x4000  }
0x93: {  	[sflag:s30] =	ssyncset.done $0x0  }
0x94: {  	[sflag:s30] =	ssyncadd.s32 $0xFFFFC000  }
0x95: {  	[tilespmem:s22], [sflag:$0x2] =	stream.indirect.gather [hbm4b:s5+s19], $0x80, s31, s19, $0xb8;
	[tilespmem:$0x1C000] =	vst v63  }
0x96: {  	s4 =	sadd.s32 $0x2800, s4  }
0x97: {  	[tilespmem:s3], [sflag:$0x5] =	stream.linear.gather [hbm4b:s4+s3], $0x200, $0x38;
	[tilespmem:$0x1C000] =	vst v63  }
0x98: {  	_ =	swait.ge [sflag:s24], $0x4000  }
0x99: {  	[sflag:s24] =	ssyncset.done $0x0  }
0x9a: {  	[sflag:s24] =	ssyncadd.s32 $0xFFFFC000  }
0x9b: {  	[spmem:s2] =	stream.indirect.scatter.add.f32 [tilespmem:s20], [sflag:$0x3], $0x80, s0, s19, $0xb8;
	[tilespmem:$0x1C000] =	vst v63  }
0x9c: {  	_ =	swait.ge [sflag:s25], $0x4000  }
0x9d: {  	[sflag:s25] =	ssyncset.done $0x0  }
0x9e: {  	s8 =	simm.s32 $0xFFFFD980;
	[sflag:s25] =	ssyncadd.s32 $0xFFFFC000  }
.LBB2_3:
0x9f: {  	[spmem:s2] =	stream.indirect.scatter.add.f32 [tilespmem:s22], [sflag:$0x4], $0x80, s1, s19, $0xb8;
	[tilespmem:$0x1C000] =	vst v63  }
0xa0: {  	s4 =	smov.u32 s8  }
0xa1: {  	p1 =	seq.s32 s8, $0xFFFFFF80;
	s8 =	sadd.s32 $0x80, s8;
	_ =	swait.ge [sflag:s18], $0x200  }
0xa2: {  	[sflag:s18] =	ssyncset.done $0x0  }
0xa3: {  	[sflag:s18] =	ssyncadd.s32 $0xFFFFFE00  }
0xa4: {  	_ =	swait.ge [sflag:s29], $0x4000  }
0xa5: {  	[sflag:s29] =	ssyncset.done $0x0  }
0xa6: {  	[sflag:s29] =	ssyncadd.s32 $0xFFFFC000  }
0xa7: {  	[tilespmem:s20], [sflag:$0x1] =	stream.indirect.gather [hbm4b:s5+s19], $0x80, s3, s19, $0xb8;
	[tilespmem:$0x1C000] =	vst v63  }
0xa8: {  	_ =	swait.ge [sflag:s30], $0x4000  }
0xa9: {  	[sflag:s30] =	ssyncset.done $0x0  }
0xaa: {  	s4 =	sadd.s32 s4, s11;
	[sflag:s30] =	ssyncadd.s32 $0xFFFFC000  }
0xab: {  	[tilespmem:s22], [sflag:$0x2] =	stream.indirect.gather [hbm4b:s5+s19], $0x80, s21, s19, $0xb8;
	[tilespmem:$0x1C000] =	vst v63  }
0xac: {  	s9 =	sadd.s32 $0x27C0, s4  }
0xad: {  	[tilespmem:s23], [sflag:$0x6] =	stream.linear.gather [hbm4b:s9+s3], $0x200, $0x38;
	[tilespmem:$0x1C000] =	vst v63  }
0xae: {  	_ =	swait.ge [sflag:s24], $0x4000  }
0xaf: {  	[sflag:s24] =	ssyncset.done $0x0  }
0xb0: {  	[sflag:s24] =	ssyncadd.s32 $0xFFFFC000  }
0xb1: {  	[spmem:s2] =	stream.indirect.scatter.add.f32 [tilespmem:s20], [sflag:$0x3], $0x80, s19, s19, $0xb8;
	[tilespmem:$0x1C000] =	vst v63  }
0xb2: {  	_ =	swait.ge [sflag:s25], $0x4000  }
0xb3: {  	[sflag:s25] =	ssyncset.done $0x0  }
0xb4: {  	[sflag:s25] =	ssyncadd.s32 $0xFFFFC000  }
0xb5: {  	[spmem:s2] =	stream.indirect.scatter.add.f32 [tilespmem:s22], [sflag:$0x4], $0x80, s26, s19, $0xb8;
	[tilespmem:$0x1C000] =	vst v63  }
0xb6: {  	_ =	swait.ge [sflag:s28], $0x200  }
0xb7: {  	[sflag:s28] =	ssyncset.done $0x0  }
0xb8: {  	[sflag:s28] =	ssyncadd.s32 $0xFFFFFE00  }
0xb9: {  	_ =	swait.ge [sflag:s29], $0x4000  }
0xba: {  	[sflag:s29] =	ssyncset.done $0x0  }
0xbb: {  	[sflag:s29] =	ssyncadd.s32 $0xFFFFC000  }
0xbc: {  	[tilespmem:s20], [sflag:$0x1] =	stream.indirect.gather [hbm4b:s5+s19], $0x80, s23, s19, $0xb8;
	[tilespmem:$0x1C000] =	vst v63  }
0xbd: {  	_ =	swait.ge [sflag:s30], $0x4000  }
0xbe: {  	[sflag:s30] =	ssyncset.done $0x0  }
0xbf: {  	[sflag:s30] =	ssyncadd.s32 $0xFFFFC000  }
0xc0: {  	[tilespmem:s22], [sflag:$0x2] =	stream.indirect.gather [hbm4b:s5+s19], $0x80, s31, s19, $0xb8;
	[tilespmem:$0x1C000] =	vst v63  }
0xc1: {  	s4 =	sadd.s32 $0x2800, s4  }
0xc2: {  	[tilespmem:s3], [sflag:$0x5] =	stream.linear.gather [hbm4b:s4+s3], $0x200, $0x38;
	[tilespmem:$0x1C000] =	vst v63  }
0xc3: {  	_ =	swait.ge [sflag:s24], $0x4000  }
0xc4: {  	[sflag:s24] =	ssyncset.done $0x0  }
.Ltmp3:
0xc5: {  	[sflag:s24] =	ssyncadd.s32 $0xFFFFC000;
	(pc) =	sbr.rel @!p1 .LBB2_3-.Ltmp3, $4  }
0xc6: {  	[spmem:s2] =	stream.indirect.scatter.add.f32 [tilespmem:s20], [sflag:$0x3], $0x80, s0, s19, $0xb8;
	[tilespmem:$0x1C000] =	vst v63  }
0xc7: {  	_ =	swait.ge [sflag:s25], $0x4000  }
0xc8: {  	[sflag:s25] =	ssyncset.done $0x0  }
0xc9: {  	[sflag:s25] =	ssyncadd.s32 $0xFFFFC000  }
.Ltmp4:
0xca: {  	(pc) =	sbr.rel .LBB2_8-.Ltmp4, $3  }
0xcb: {  	_ =	sdelay $0x1  }
0xcc: {  	[spmem:s2] =	stream.indirect.scatter.add.f32 [tilespmem:s22], [sflag:$0x4], $0x80, s1, s19, $0xb8;
	[tilespmem:$0x1C000] =	vst v63  }
0xcd: {  	s4 =	smov.u32 s5;
	s8 =	rddreg [dreg:$0x4]  }
.LBB2_5:
0xce: {  	[tilespmem:s20], [sflag:$0x1] =	stream.indirect.gather [hbm4b:s6+s19], $0x80, s3, s19, $0xb8;
	[tilespmem:$0x1C000] =	vst v63  }
0xcf: {  	_ = 	snop  }
0xd0: {  	[tilespmem:s22], [sflag:$0x2] =	stream.indirect.gather [hbm4b:s6+s19], $0x80, s21, s19, $0xb8;
	[tilespmem:$0x1C000] =	vst v63  }
0xd1: {  	_ = 	snop  }
0xd2: {  	[tilespmem:s23], [sflag:$0x6] =	stream.linear.gather [hbm4b:s12+s3], $0x200, $0x38;
	[tilespmem:$0x1C000] =	vst v63  }
0xd3: {  	_ =	swait.ge [sflag:s24], $0x4000  }
0xd4: {  	[sflag:s24] =	ssyncset.done $0x0  }
0xd5: {  	[sflag:s24] =	ssyncadd.s32 $0xFFFFC000  }
0xd6: {  	[spmem:s2] =	stream.indirect.scatter.add.f32 [tilespmem:s20], [sflag:$0x3], $0x80, s19, s19, $0xb8;
	[tilespmem:$0x1C000] =	vst v63  }
0xd7: {  	_ =	swait.ge [sflag:s25], $0x4000  }
0xd8: {  	[sflag:s25] =	ssyncset.done $0x0  }
0xd9: {  	[sflag:s25] =	ssyncadd.s32 $0xFFFFC000  }
0xda: {  	[spmem:s2] =	stream.indirect.scatter.add.f32 [tilespmem:s22], [sflag:$0x4], $0x80, s26, s19, $0xb8;
	[tilespmem:$0x1C000] =	vst v63  }
0xdb: {  	_ =	swait.ge [sflag:s28], $0x200  }
0xdc: {  	[sflag:s28] =	ssyncset.done $0x0  }
0xdd: {  	[sflag:s28] =	ssyncadd.s32 $0xFFFFFE00  }
0xde: {  	_ =	swait.ge [sflag:s29], $0x4000  }
0xdf: {  	[sflag:s29] =	ssyncset.done $0x0  }
0xe0: {  	[sflag:s29] =	ssyncadd.s32 $0xFFFFC000  }
0xe1: {  	[tilespmem:s20], [sflag:$0x1] =	stream.indirect.gather [hbm4b:s6+s19], $0x80, s23, s19, $0xb8;
	[tilespmem:$0x1C000] =	vst v63  }
0xe2: {  	_ =	swait.ge [sflag:s30], $0x4000  }
0xe3: {  	[sflag:s30] =	ssyncset.done $0x0  }
0xe4: {  	[sflag:s30] =	ssyncadd.s32 $0xFFFFC000  }
0xe5: {  	[tilespmem:s22], [sflag:$0x2] =	stream.indirect.gather [hbm4b:s6+s19], $0x80, s31, s19, $0xb8;
	[tilespmem:$0x1C000] =	vst v63  }
0xe6: {  	_ = 	snop  }
0xe7: {  	[tilespmem:s3], [sflag:$0x5] =	stream.linear.gather [hbm4b:s13+s3], $0x200, $0x38;
	[tilespmem:$0x1C000] =	vst v63  }
0xe8: {  	_ =	swait.ge [sflag:s24], $0x4000  }
0xe9: {  	[sflag:s24] =	ssyncset.done $0x0  }
0xea: {  	[sflag:s24] =	ssyncadd.s32 $0xFFFFC000  }
0xeb: {  	[spmem:s2] =	stream.indirect.scatter.add.f32 [tilespmem:s20], [sflag:$0x3], $0x80, s0, s19, $0xb8;
	[tilespmem:$0x1C000] =	vst v63  }
0xec: {  	_ =	swait.ge [sflag:s25], $0x4000  }
0xed: {  	[sflag:s25] =	ssyncset.done $0x0  }
0xee: {  	[sflag:s25] =	ssyncadd.s32 $0xFFFFC000  }
0xef: {  	[spmem:s2] =	stream.indirect.scatter.add.f32 [tilespmem:s22], [sflag:$0x4], $0x80, s1, s19, $0xb8;
	[tilespmem:$0x1C000] =	vst v63  }
0xf0: {  	_ =	swait.ge [sflag:s18], $0x200  }
0xf1: {  	[sflag:s18] =	ssyncset.done $0x0  }
0xf2: {  	[sflag:s18] =	ssyncadd.s32 $0xFFFFFE00  }
0xf3: {  	_ =	swait.ge [sflag:s29], $0x4000  }
0xf4: {  	[sflag:s29] =	ssyncset.done $0x0  }
0xf5: {  	[sflag:s29] =	ssyncadd.s32 $0xFFFFC000  }
0xf6: {  	[tilespmem:s20], [sflag:$0x1] =	stream.indirect.gather [hbm4b:s6+s19], $0x80, s3, s19, $0xb8;
	[tilespmem:$0x1C000] =	vst v63  }
0xf7: {  	_ =	swait.ge [sflag:s30], $0x4000  }
0xf8: {  	[sflag:s30] =	ssyncset.done $0x0  }
0xf9: {  	s4 =	sadd.s32 $0xFFFFD900, s11;
	[sflag:s30] =	ssyncadd.s32 $0xFFFFC000  }
0xfa: {  	[tilespmem:s22], [sflag:$0x2] =	stream.indirect.gather [hbm4b:s6+s19], $0x80, s21, s19, $0xb8;
	[tilespmem:$0x1C000] =	vst v63  }
0xfb: {  	s8 =	sadd.s32 $0x27C0, s4  }
0xfc: {  	[tilespmem:s23], [sflag:$0x6] =	stream.linear.gather [hbm4b:s8+s3], $0x200, $0x38;
	[tilespmem:$0x1C000] =	vst v63  }
0xfd: {  	_ =	swait.ge [sflag:s24], $0x4000  }
0xfe: {  	[sflag:s24] =	ssyncset.done $0x0  }
0xff: {  	[sflag:s24] =	ssyncadd.s32 $0xFFFFC000  }
0x100: {  	[spmem:s2] =	stream.indirect.scatter.add.f32 [tilespmem:s20], [sflag:$0x3], $0x80, s19, s19, $0xb8;
	[tilespmem:$0x1C000] =	vst v63  }
0x101: {  	_ =	swait.ge [sflag:s25], $0x4000  }
0x102: {  	[sflag:s25] =	ssyncset.done $0x0  }
0x103: {  	[sflag:s25] =	ssyncadd.s32 $0xFFFFC000  }
0x104: {  	[spmem:s2] =	stream.indirect.scatter.add.f32 [tilespmem:s22], [sflag:$0x4], $0x80, s26, s19, $0xb8;
	[tilespmem:$0x1C000] =	vst v63  }
0x105: {  	_ =	swait.ge [sflag:s28], $0x200  }
0x106: {  	[sflag:s28] =	ssyncset.done $0x0  }
0x107: {  	[sflag:s28] =	ssyncadd.s32 $0xFFFFFE00  }
0x108: {  	_ =	swait.ge [sflag:s29], $0x4000  }
0x109: {  	[sflag:s29] =	ssyncset.done $0x0  }
0x10a: {  	[sflag:s29] =	ssyncadd.s32 $0xFFFFC000  }
0x10b: {  	[tilespmem:s20], [sflag:$0x1] =	stream.indirect.gather [hbm4b:s6+s19], $0x80, s23, s19, $0xb8;
	[tilespmem:$0x1C000] =	vst v63  }
0x10c: {  	_ =	swait.ge [sflag:s30], $0x4000  }
0x10d: {  	[sflag:s30] =	ssyncset.done $0x0  }
0x10e: {  	[sflag:s30] =	ssyncadd.s32 $0xFFFFC000  }
0x10f: {  	[tilespmem:s22], [sflag:$0x2] =	stream.indirect.gather [hbm4b:s6+s19], $0x80, s31, s19, $0xb8;
	[tilespmem:$0x1C000] =	vst v63  }
0x110: {  	s4 =	sadd.s32 $0x2800, s4  }
0x111: {  	[tilespmem:s3], [sflag:$0x5] =	stream.linear.gather [hbm4b:s4+s3], $0x200, $0x38;
	[tilespmem:$0x1C000] =	vst v63  }
0x112: {  	_ =	swait.ge [sflag:s24], $0x4000  }
0x113: {  	[sflag:s24] =	ssyncset.done $0x0  }
0x114: {  	[sflag:s24] =	ssyncadd.s32 $0xFFFFC000  }
0x115: {  	[spmem:s2] =	stream.indirect.scatter.add.f32 [tilespmem:s20], [sflag:$0x3], $0x80, s0, s19, $0xb8;
	[tilespmem:$0x1C000] =	vst v63  }
0x116: {  	_ =	swait.ge [sflag:s25], $0x4000  }
0x117: {  	[sflag:s25] =	ssyncset.done $0x0  }
0x118: {  	s8 =	simm.s32 $0xFFFFD980;
	[sflag:s25] =	ssyncadd.s32 $0xFFFFC000  }
.LBB2_6:
0x119: {  	[spmem:s2] =	stream.indirect.scatter.add.f32 [tilespmem:s22], [sflag:$0x4], $0x80, s1, s19, $0xb8;
	[tilespmem:$0x1C000] =	vst v63  }
0x11a: {  	s4 =	smov.u32 s8  }
0x11b: {  	p1 =	sne.s32 s8, $0xFFFFFF80;
	s8 =	sadd.s32 $0x80, s8;
	_ =	swait.ge [sflag:s18], $0x200  }
0x11c: {  	[sflag:s18] =	ssyncset.done $0x0  }
0x11d: {  	[sflag:s18] =	ssyncadd.s32 $0xFFFFFE00  }
0x11e: {  	_ =	swait.ge [sflag:s29], $0x4000  }
0x11f: {  	[sflag:s29] =	ssyncset.done $0x0  }
0x120: {  	[sflag:s29] =	ssyncadd.s32 $0xFFFFC000  }
0x121: {  	[tilespmem:s20], [sflag:$0x1] =	stream.indirect.gather [hbm4b:s6+s19], $0x80, s3, s19, $0xb8;
	[tilespmem:$0x1C000] =	vst v63  }
0x122: {  	_ =	swait.ge [sflag:s30], $0x4000  }
0x123: {  	[sflag:s30] =	ssyncset.done $0x0  }
0x124: {  	s4 =	sadd.s32 s4, s11;
	[sflag:s30] =	ssyncadd.s32 $0xFFFFC000  }
0x125: {  	[tilespmem:s22], [sflag:$0x2] =	stream.indirect.gather [hbm4b:s6+s19], $0x80, s21, s19, $0xb8;
	[tilespmem:$0x1C000] =	vst v63  }
0x126: {  	s9 =	sadd.s32 $0x27C0, s4  }
0x127: {  	[tilespmem:s23], [sflag:$0x6] =	stream.linear.gather [hbm4b:s9+s3], $0x200, $0x38;
	[tilespmem:$0x1C000] =	vst v63  }
0x128: {  	_ =	swait.ge [sflag:s24], $0x4000  }
0x129: {  	[sflag:s24] =	ssyncset.done $0x0  }
0x12a: {  	[sflag:s24] =	ssyncadd.s32 $0xFFFFC000  }
0x12b: {  	[spmem:s2] =	stream.indirect.scatter.add.f32 [tilespmem:s20], [sflag:$0x3], $0x80, s19, s19, $0xb8;
	[tilespmem:$0x1C000] =	vst v63  }
0x12c: {  	_ =	swait.ge [sflag:s25], $0x4000  }
0x12d: {  	[sflag:s25] =	ssyncset.done $0x0  }
0x12e: {  	[sflag:s25] =	ssyncadd.s32 $0xFFFFC000  }
0x12f: {  	[spmem:s2] =	stream.indirect.scatter.add.f32 [tilespmem:s22], [sflag:$0x4], $0x80, s26, s19, $0xb8;
	[tilespmem:$0x1C000] =	vst v63  }
0x130: {  	_ =	swait.ge [sflag:s28], $0x200  }
0x131: {  	[sflag:s28] =	ssyncset.done $0x0  }
0x132: {  	[sflag:s28] =	ssyncadd.s32 $0xFFFFFE00  }
0x133: {  	_ =	swait.ge [sflag:s29], $0x4000  }
0x134: {  	[sflag:s29] =	ssyncset.done $0x0  }
0x135: {  	[sflag:s29] =	ssyncadd.s32 $0xFFFFC000  }
0x136: {  	[tilespmem:s20], [sflag:$0x1] =	stream.indirect.gather [hbm4b:s6+s19], $0x80, s23, s19, $0xb8;
	[tilespmem:$0x1C000] =	vst v63  }
0x137: {  	_ =	swait.ge [sflag:s30], $0x4000  }
0x138: {  	[sflag:s30] =	ssyncset.done $0x0  }
0x139: {  	[sflag:s30] =	ssyncadd.s32 $0xFFFFC000  }
0x13a: {  	[tilespmem:s22], [sflag:$0x2] =	stream.indirect.gather [hbm4b:s6+s19], $0x80, s31, s19, $0xb8;
	[tilespmem:$0x1C000] =	vst v63  }
0x13b: {  	s4 =	sadd.s32 $0x2800, s4  }
0x13c: {  	[tilespmem:s3], [sflag:$0x5] =	stream.linear.gather [hbm4b:s4+s3], $0x200, $0x38;
	[tilespmem:$0x1C000] =	vst v63  }
0x13d: {  	_ =	swait.ge [sflag:s24], $0x4000  }
0x13e: {  	[sflag:s24] =	ssyncset.done $0x0  }
.Ltmp5:
0x13f: {  	[sflag:s24] =	ssyncadd.s32 $0xFFFFC000;
	(pc) =	sbr.rel @p1 .LBB2_6-.Ltmp5, $4  }
0x140: {  	[spmem:s2] =	stream.indirect.scatter.add.f32 [tilespmem:s20], [sflag:$0x3], $0x80, s0, s19, $0xb8;
	[tilespmem:$0x1C000] =	vst v63  }
0x141: {  	_ =	swait.ge [sflag:s25], $0x4000  }
0x142: {  	[sflag:s25] =	ssyncset.done $0x0  }
0x143: {  	[sflag:s25] =	ssyncadd.s32 $0xFFFFC000  }
.Ltmp6:
0x144: {  	_ = 	snop;
	(pc) =	sbr.rel .LBB2_7-.Ltmp6, $1  }
0x145: {  	_ =	sdelay $0x3  }
.LBB2_9:
0x146: {  	_ =	sfence.sel $0x180000  }
0x147: {  	[bflag:$0x0] =	sbarrier.arrive $0xFFFF  }
0x148: {  	_ =	strace $0x90000047  }
0x149: {  	s0 =	stileid.u32;
	[bflag:$0x2] =	sbarrier.arrive $0xFFFF  }
0x14a: {  	p0 =	sne.s32 s0, $0x0;
	s0 =	rddreg [dreg:$0x2]  }
0x14b: {  	s0 =	sadd.s32 @!p0 $0x100000, s0  }
0x14c: {  	[sflag:s0] =	ssyncadd.tile.s32 @!p0 $0x1;
	_ =	shalt  }
.Lfunc_end2:
_tile_overlayer_lowered:
.L_overlay_start_2:
0x14d: {  	(tag) =	ssettag $0x2  }
0x14e: {  	s0 =	rddreg [dreg:$0x0];
	s2 =	stileid.u32  }
0x14f: {  	s1 =	rddreg [dreg:$0x1];
	p0 =	sne.s32 s2, $0x0  }
0x150: {  	s3 =	rddreg [dreg:$0x2];
	[bflag:$0x3] =	sbarrier.arrive $0xFFFF;
	s2 =	simm.s32 @!p0 $0x1C07  }
0x151: {  	[timem:s3], [sflag:s2] =	dma.local @!p0 [hbm:s0], s1  }
0x152: {  	s0 =	simm.s32 @!p0 $0x7  }
0x153: {  	_ =	swait.ge @!p0 [sflag:s0], s1  }
0x154: {  	s1 =	ssub.s32 @!p0 $0x0, s1;
	[sflag:s0] =	ssyncset.done @!p0 $0x0  }
0x155: {  	[sflag:s0] =	ssyncadd.s32 @!p0 s1  }
0x156: {  	[bflag:$0x3] =	sbarrier.arrive $0xFFFF  }
0x157: {  	_ =	shalt  }

// kernel: kernel.14.cloned.1.call-start
scs
__scs_entry_jumppad:
0x0: {  	(pc) =	sbr.rel $0x88, $3  }
0x1: {  	(tag) =	ssettag $0x0;
	lr =	simm.s32 $0x1  }
0x2: {  	[smem:$0x3F97] =	sst lr;
	_ =	strace $0xD0000000  }
0x3: {  	_ = 	snop  }
0x4: {  	_ = 	snop  }
0x5: {  	_ = 	snop  }
0x6: {  	_ = 	snop  }
0x7: {  	_ = 	snop  }
__scs_overlays_trampoline_lowered:
0x8: {  	[smem:$0x3FA6] =	sst s0  }
0x9: {  	[smem:$0x3FA7] =	sst s1  }
0xa: {  	[smem:$0x3FA8] =	sst s2  }
0xb: {  	[smem:$0x3FA9] =	sst s3  }
0xc: {  	[smem:$0x3FAA] =	sst s4  }
0xd: {  	[smem:$0x3FAB] =	sst s5  }
0xe: {  	[smem:$0x3FAC] =	sst s6  }
0xf: {  	[smem:$0x3FAD] =	sst s7  }
0x10: {  	[smem:$0x3FAE] =	sst s8  }
0x11: {  	[smem:$0x3FAF] =	sst s9;
	s0 =	simm.s32 @!p0 $0x0  }
0x12: {  	s1 =	sld [smem:$0x3F95];
	s0 =	simm.s32 @p0 $0x1  }
0x13: {  	[smem:$0x3FB0] =	sst s0;
	s0 =	simm.s32 @!p1 $0x0  }
0x14: {  	s2 =	sld [smem:$0x3F94];
	s0 =	simm.s32 @p1 $0x1  }
0x15: {  	[smem:$0x3FB1] =	sst s0;
	s0 =	simm.s32 @!p2 $0x0  }
0x16: {  	s3 =	sld [smem:$0x3FDB];
	s0 =	simm.s32 @p2 $0x1  }
0x17: {  	s4 =	simm.s32 $0x1BF5;
	[smem:$0x3FB3] =	sst s0  }
0x18: {  	s0 =	sld [smem:$0x3F96];
	_ =	swait.ge [sflag:s4], $0x0  }
0x19: {  	s7 =	sld [smem:$0x3F97]  }
0x1a: {  	s8 =	sadd.s32 $0xFFFFE003, lr  }
0x1b: {  	s9 =	sadd.s32 $0xFFFFFEF7, lr;
	s5 =	simm.s32 $0xFFFFFFFF;
	p2 =	slt.u32 s8, $0xFFFFF086  }
0x1c: {  	p1 =	slt.u32 s9, $0xF7A;
	s5 =	simm.s32 @!p2 $0x0  }
0x1d: {  	s5 =	simm.s32 @p1 $0x1;
	p0 =	seq.s32 s7, s2  }
0x1e: {  	s7 =	smul.u32 @!p0 $0xF7A, s2;
	p2 =	seq.s32 @!p0 s5, $0x0  }
0x1f: {  	s9 =	smul.u32 $0xF7A, s1;
	s8 =	simm.s32 @!p0 $0x1BF5;
	p2 =	por !p2, p0  }
0x20: {  	[sflag:s8] =	ssyncset.s32 @!p0 $0xFFFFF086;
	s6 =	sadd.s32 @!p0 s3, s7;
	s7 =	simm.s32 @!p0 $0x108  }
0x21: {  	s3 =	sadd.s32 s3, s9;
	s6 =	sadd.s32 @!p0 $0x88, s6;
	s7 =	simm.s32 @p2 $0x1082  }
0x22: {  	[simem:s7], [sflag:s8] =	dma.local @!p0 [hbm:s6], $0xF7A  }
0x23: {  	s9 =	sor.u32 $0xD0000000, s2;
	s6 =	simm.s32 $0x108;
	_ =	swait.ge @!p0 [sflag:s8], $0x0  }
0x24: {  	s3 =	sadd.s32 $0x88, s3;
	s6 =	simm.s32 @!p1 $0x1082;
	[sflag:s4] =	ssyncset.s32 $0xFFFFF086  }
0x25: {  	[simem:s6], [sflag:s4] =	dma.local [hbm:s3], $0xF7A  }
0x26: {  	[smem:$0x3F97] =	sst s1;
	(tag) =	ssettag s2;
	_ =	strace s9  }
0x27: {  	s1 =	sld [smem:$0x3FA7]  }
0x28: {  	s2 =	sld [smem:$0x3FA8]  }
0x29: {  	s4 =	sld [smem:$0x3FAA]  }
0x2a: {  	p0 =	seq.s32 s5, $0x0;
	s5 =	sld [smem:$0x3FAB]  }
0x2b: {  	s6 =	sld [smem:$0x3FAC]  }
0x2c: {  	s7 =	sld [smem:$0x3FAD]  }
0x2d: {  	s3 =	simm.s32 $0x108;
	s8 =	sld [smem:$0x3FAE]  }
0x2e: {  	s3 =	simm.s32 @!p0 $0x1082;
	s9 =	sld [smem:$0x3FAF]  }
0x2f: {  	lr =	sadd.s32 s0, s3;
	s0 =	sld [smem:$0x3FA6]  }
0x30: {  	s3 =	sld [smem:$0x3FA9]  }
0x31: {  	[smem:$0x3FB2] =	sst s10  }
0x32: {  	s10 =	sld [smem:$0x3FB0];
	_ =	sdelay $0x3  }
0x33: {  	p0 =	seq.s32 s10, $0x1;
	s10 =	sld [smem:$0x3FB2];
	_ =	sdelay $0x3  }
0x34: {  	[smem:$0x3FB2] =	sst s10  }
0x35: {  	s10 =	sld [smem:$0x3FB1];
	_ =	sdelay $0x3  }
0x36: {  	p1 =	seq.s32 s10, $0x1;
	s10 =	sld [smem:$0x3FB2];
	_ =	sdelay $0x3  }
0x37: {  	[smem:$0x3FB2] =	sst s10  }
0x38: {  	s10 =	sld [smem:$0x3FB3]  }
0x39: {  	_ = 	snop;
	(pc) =	sbr.ind lr, $3  }
0x3a: {  	_ = 	snop  }
0x3b: {  	_ = 	snop  }
0x3c: {  	p2 =	seq.s32 s10, $0x1;
	s10 =	sld [smem:$0x3FB2]  }
0x3d: {  	_ =	shalt  }
0x3e: {  	_ =	shalt  }
0x3f: {  	_ =	shalt  }
0x40: {  	_ =	shalt  }
0x41: {  	_ =	shalt  }
0x42: {  	_ =	shalt  }
0x43: {  	_ =	shalt  }
0x44: {  	_ =	shalt  }
0x45: {  	_ =	shalt  }
0x46: {  	_ =	shalt  }
0x47: {  	_ =	shalt  }
0x48: {  	_ =	shalt  }
0x49: {  	_ =	shalt  }
0x4a: {  	_ =	shalt  }
0x4b: {  	_ =	shalt  }
0x4c: {  	_ =	shalt  }
0x4d: {  	_ =	shalt  }
0x4e: {  	_ =	shalt  }
0x4f: {  	_ =	shalt  }
0x50: {  	_ =	shalt  }
0x51: {  	_ =	shalt  }
0x52: {  	_ =	shalt  }
0x53: {  	_ =	shalt  }
0x54: {  	_ =	shalt  }
0x55: {  	_ =	shalt  }
0x56: {  	_ =	shalt  }
0x57: {  	_ =	shalt  }
0x58: {  	_ =	shalt  }
0x59: {  	_ =	shalt  }
0x5a: {  	_ =	shalt  }
0x5b: {  	_ =	shalt  }
0x5c: {  	_ =	shalt  }
0x5d: {  	_ =	shalt  }
0x5e: {  	_ =	shalt  }
0x5f: {  	_ =	shalt  }
0x60: {  	_ =	shalt  }
0x61: {  	_ =	shalt  }
0x62: {  	_ =	shalt  }
0x63: {  	_ =	shalt  }
0x64: {  	_ =	shalt  }
0x65: {  	_ =	shalt  }
0x66: {  	_ =	shalt  }
0x67: {  	_ =	shalt  }
0x68: {  	_ =	shalt  }
0x69: {  	_ =	shalt  }
0x6a: {  	_ =	shalt  }
0x6b: {  	_ =	shalt  }
0x6c: {  	_ =	shalt  }
0x6d: {  	_ =	shalt  }
0x6e: {  	_ =	shalt  }
0x6f: {  	_ =	shalt  }
0x70: {  	_ =	shalt  }
0x71: {  	_ =	shalt  }
0x72: {  	_ =	shalt  }
0x73: {  	_ =	shalt  }
0x74: {  	_ =	shalt  }
0x75: {  	_ =	shalt  }
0x76: {  	_ =	shalt  }
0x77: {  	_ =	shalt  }
0x78: {  	_ =	shalt  }
0x79: {  	_ =	shalt  }
0x7a: {  	_ =	shalt  }
0x7b: {  	_ =	shalt  }
0x7c: {  	_ =	shalt  }
0x7d: {  	_ =	shalt  }
0x7e: {  	_ =	shalt  }
0x7f: {  	_ =	shalt  }
0x80: {  	_ =	shalt  }
0x81: {  	_ =	shalt  }
0x82: {  	_ =	shalt  }
0x83: {  	_ =	shalt  }
0x84: {  	_ =	shalt  }
0x85: {  	_ =	shalt  }
0x86: {  	_ =	shalt  }
0x87: {  	_ =	shalt  }
.Lfunc_end0:
.L_simem_size_0:
called_computation.1_lowered:
.L_overlay_start_0:
0x88: {  	s2 =	sld [smem:$0x3FD9]  }
0x89: {  	s3 =	sld [smem:$0x3FFE];
	_ =	sdelay $0x1  }
0x8a: {  	s1 =	srdreg.scid  }
0x8b: {  	s0 =	sand.u32 $0x1, s1  }
0x8c: {  	s16 =	sshll.u32 s0, $0xA;
	s2 =	sadd.s32 s3, s2  }
0x8d: {  	s2 =	sadd.s32 s2, s16  }
0x8e: {  	[smem:$0x3FBE] =	sst s2  }
0x8f: {  	_ = 	snop  }
0x90: {  	(tm) =	ssettm $0x1  }
0x91: {  	s17 =	sld [smem:$0x3FFB];
	_ =	sdelay $0x3  }
0x92: {  	_ =	strace s17  }
0x93: {  	s2 =	sld [smem:$0x3FFC];
	_ =	sdelay $0x3  }
0x94: {  	_ =	strace s2  }
0x95: {  	s2 =	sld [smem:$0x3FFD];
	_ =	sdelay $0x3  }
0x96: {  	_ =	strace s2  }
0x97: {  	_ =	strace $0x8FFFFFFF  }
0x98: {  	s18 =	sld [smem:$0x3FDB];
	_ =	sdelay $0x1  }
0x99: {  	s19 =	simm.s32 $_scs_section_size  }
0x9a: {  	s4 =	simm.s32 $_size__tile_overlayer_lowered;
	s5 =	simm.s32 $_tile_overlayer_lowered  }
0x9b: {  	s22 =	simm.s32 $0x1BFF;
	s21 =	sshll.u32 s5, $0x1;
	s2 =	sadd.s32 s19, s18  }
0x9c: {  	s6 =	simm.s32 $0x0;
	s20 =	sshll.u32 s4, $0x1;
	s4 =	sadd.s32 s21, s2  }
0x9d: {  	[timem:s6], [sflag:s22] =	dma.local [hbm:s4], s20  }
0x9e: {  	_ =	swait.ge [sflag:s22], s20  }
0x9f: {  	s3 =	ssub.s32 $0x0, s20;
	[sflag:s22] =	ssyncset.done $0x0  }
0xa0: {  	[sflag:s22] =	ssyncadd.s32 s3;
	_ =	sdelay $0x1  }
0xa1: {  	s23 =	simm.s32 $0x1B8B  }
0xa2: {  	_ =	swait.ge [sflag:s23], $0x1  }
0xa3: {  	[sflag:s23] =	ssyncset.done $0x0  }
0xa4: {  	s25 =	simm.s32 $0x1B8E;
	s24 =	sld [smem:$0x3FFE];
	[sflag:s23] =	ssyncadd.s32 $0xFFFFFFFF  }
0xa5: {  	s26 =	simm.s32 $execute0_lowered;
	[smem:$0x3FD2] =	sst s25  }
0xa6: {  	s4 =	sshll.u32 s26, $0x1;
	_ =	strace $0x80000049;
	[dreg:$0x1] =	wrdreg $0xFFFFFFFF  }
0xa7: {  	s28 =	simm.s32 $_size_execute0_lowered;
	s2 =	sadd.s32 s2, s4;
	[dreg:$0x0] =	wrdreg $0x0  }
0xa8: {  	s4 =	sshll.u32 s28, $0x1;
	[dreg:$0x2] =	wrdreg s2  }
0xa9: {  	[dreg:$0x3] =	wrdreg s4  }
0xaa: {  	[dreg:$0x4] =	wrdreg $0xC0  }
0xab: {  	_ =	task [dreg:s6], $0x5FFFF  }
0xac: {  	[dreg:$0x1] =	wrdreg $0xFFFFFFFF  }
0xad: {  	[dreg:$0x0] =	wrdreg $0x60  }
0xae: {  	[dreg:$0x2] =	wrdreg s24  }
0xaf: {  	[dreg:$0x3] =	wrdreg $0x84000  }
0xb0: {  	[dreg:$0x4] =	wrdreg $0x9  }
0xb1: {  	_ =	task.clear_ibuf [dreg:s6], $0x5FFFF;
	_ =	strace $0x90000049  }
0xb2: {  	s29 =	simm.s32 $0x9;
	_ =	strace $0x8000004B  }
0xb3: {  	_ =	swait.ge [sflag:s29], $0x1  }
0xb4: {  	[sflag:s29] =	ssyncadd.s32 $0xFFFFFFFF  }
0xb5: {  	_ =	strace $0x9000004B  }
0xb6: {  	_ =	sfence  }
0xb7: {  	s30 =	sld [smem:$0x0];
	_ =	sdelay $0x2  }
0xb8: {  	s31 =	sshll.u32 s1, $0xD;
	s1 =	sshrl.u32 s1, $0x2  }
0xb9: {  	s3 =	sand.u32 $0x4000, s31;
	s1 =	sadd.s32 s1, s30  }
0xba: {  	s0 =	sor.u32 s3, s0;
	s1 =	sshll.u32 s1, $0x11  }
0xbb: {  	s0 =	sor.u32 s1, s0  }
0xbc: {  	s0 =	sadd.s32 $0x8F2B, s0  }
0xbd: {  	[sflag:s0] =	ssyncadd.remote.s32 $0x1  }
0xbe: {  	_ =	sfence.sel $0xFFFF  }
0xbf: {  	[dreg:$0x0] =	wrdreg $0xFFFFFFFF;
	(pc) =	sbr.abs _section_cstart, $3  }
0xc0: {  	[dreg:$0x1] =	wrdreg $0xFFFFFFFF  }
0xc1: {  	_ =	task.clear_ibuf [dreg:s6], $0x2FFFF;
	_ =	strace $0x9FFFFFFF  }
0xc2: {  	(tm) =	ssettm $0x7FFFFFFF  }
0xc3: {  	_ =	shalt  }
tec
execute0_lowered:
.L_overlay_start_1:
0x0: {  	(tag) =	ssettag $0x1  }
0x1: {  	s0 =	rddreg [dreg:$0x0]  }
0x2: {  	s2 =	rddreg [dreg:$0x1];
	s3 =	simm.s32 $0x0  }
0x3: {  	s10 =	stileid.u32;
	s1 =	srdreg.scid;
	s17 =	simm.s32 $0x7  }
0x4: {  	s18 =	simm.s32 $0x5;
	s19 =	simm.s32 $0x80;
	s20 =	simm.s32 $0x400  }
0x5: {  	s21 =	simm.s32 $0x100;
	s28 =	simm.s32 $0x6;
	s29 =	simm.s32 $0x3  }
0x6: {  	s30 =	simm.s32 $0x4;
	s31 =	simm.s32 $0x300;
	s7 =	smul.u32 $0x2780, s10  }
0x7: {  	[smem:$0x7FF] =	sst s3;
	s5 =	sadd.s32 $0x53800, s0;
	s9 =	smul.u32 $0x4F000, s10  }
0x8: {  	s6 =	sadd.s32 $0x7AA00, s0;
	s4 =	sadd.s32 $0x4600, s0;
	s11 =	smul.u32 $0x2800, s10  }
0x9: {  	s1 =	sand.u32 $0x1, s1;
	s8 =	sadd.s32 $0xC9400, s0;
	s12 =	smul.u32 $0x14000, s10  }
0xa: {  	s25 =	sshll.u32 s10, $0x6;
	_ =	strace $0x8000004A;
	[dreg:$0x4] =	wrdreg s8  }
0xb: {  	s22 =	ssub.s32 $0x2, s1;
	s10 =	sor.u32 $0x1C07, s25;
	p0 =	sne.s32 s1, $0x0  }
0xc: {  	s25 =	simm.s32 $0x2;
	s1 =	simm.s32 $0x380;
	[dreg:$0x3] =	wrdreg s7  }
0xd: {  	s7 =	sadd.s32 s7, s0;
	s0 =	sadd.s32 $0xF0C00, s0;
	s23 =	sshrl.u32 s22, $0x1  }
0xe: {  	s24 =	sshrl.u32 s9, $0x2;
	s11 =	sadd.s32 s4, s11;
	s26 =	sshrl.u32 s12, $0x3  }
0xf: {  	[dreg:$0x5] =	wrdreg s0;
	s0 =	ssub.s32 s22, s23;
	s8 =	sadd.s32 s24, s2  }
.Ltmp0:
0x10: {  	s7 =	sadd.s32 $0xA1C00, s7;
	s12 =	sadd.s32 $0x40, s11;
	(pc) =	sbr.rel .LBB2_1-.Ltmp0, $4  }
0x11: {  	s13 =	sadd.s32 $0x80, s11;
	s4 =	sadd.s32 s4, s26;
	s22 =	simm.s32 $0x4400  }
0x12: {  	s23 =	simm.s32 $0x200;
	s24 =	simm.s32 $0x1;
	s26 =	simm.s32 $0x180  }
0x13: {  	[dreg:$0x6] =	wrdreg s7;
	s14 =	sadd.s32 $0x27C0, s4;
	s15 =	smax.u32 s0, $0x1  }
0x14: {  	s16 =	sshrl.u32 s8, $0x3;
	s0 =	simm.s32 $0x280;
	s7 =	simm.s32 $0x0  }
.LBB2_7:
0x15: {  	[spmem:s2] =	stream.indirect.scatter.add.f32 [tilespmem:s22], [sflag:$0x4], $0x80, s1, s19, $0xb8;
	[tilespmem:$0x1C000] =	vst v63  }
0x16: {  	s4 =	smov.u32 s6;
	s8 =	rddreg [dreg:$0x5]  }
.LBB2_8:
0x17: {  	_ =	swait.ge [sflag:s18], $0x200  }
0x18: {  	[sflag:s18] =	ssyncset.done $0x0  }
0x19: {  	[sflag:s18] =	ssyncadd.s32 $0xFFFFFE00  }
0x1a: {  	_ =	swait.ge [sflag:s29], $0x4000  }
0x1b: {  	[sflag:s29] =	ssyncset.done $0x0  }
0x1c: {  	[sflag:s29] =	ssyncadd.s32 $0xFFFFC000  }
0x1d: {  	[tilespmem:s20], [sflag:$0x1] =	stream.indirect.gather [hbm4b:s4+s19], $0x80, s3, s19, $0xb8;
	[tilespmem:$0x1C000] =	vst v63  }
0x1e: {  	_ =	swait.ge [sflag:s30], $0x4000  }
0x1f: {  	[sflag:s30] =	ssyncset.done $0x0  }
0x20: {  	[sflag:s30] =	ssyncadd.s32 $0xFFFFC000  }
0x21: {  	[tilespmem:s22], [sflag:$0x2] =	stream.indirect.gather [hbm4b:s4+s19], $0x80, s21, s19, $0xb8;
	[tilespmem:$0x1C000] =	vst v63  }
0x22: {  	_ = 	snop  }
0x23: {  	[tilespmem:s23], [sflag:$0x6] =	stream.linear.gather [hbm4b:s14+s3], $0x200, $0x38;
	[tilespmem:$0x1C000] =	vst v63  }
0x24: {  	_ =	swait.ge [sflag:s24], $0x4000  }
0x25: {  	[sflag:s24] =	ssyncset.done $0x0  }
0x26: {  	[sflag:s24] =	ssyncadd.s32 $0xFFFFC000  }
0x27: {  	[spmem:s2] =	stream.indirect.scatter.add.f32 [tilespmem:s20], [sflag:$0x3], $0x80, s19, s19, $0xb8;
	[tilespmem:$0x1C000] =	vst v63  }
0x28: {  	_ =	swait.ge [sflag:s25], $0x4000  }
0x29: {  	[sflag:s25] =	ssyncset.done $0x0  }
0x2a: {  	[sflag:s25] =	ssyncadd.s32 $0xFFFFC000  }
0x2b: {  	[spmem:s2] =	stream.indirect.scatter.add.f32 [tilespmem:s22], [sflag:$0x4], $0x80, s26, s19, $0xb8;
	[tilespmem:$0x1C000] =	vst v63  }
0x2c: {  	_ =	swait.ge [sflag:s28], $0x200  }
0x2d: {  	[sflag:s28] =	ssyncset.done $0x0  }
0x2e: {  	[sflag:s28] =	ssyncadd.s32 $0xFFFFFE00  }
0x2f: {  	_ =	swait.ge [sflag:s29], $0x4000  }
0x30: {  	[sflag:s29] =	ssyncset.done $0x0  }
0x31: {  	[sflag:s29] =	ssyncadd.s32 $0xFFFFC000  }
0x32: {  	[tilespmem:s20], [sflag:$0x1] =	stream.indirect.gather [hbm4b:s4+s19], $0x80, s23, s19, $0xb8;
	[tilespmem:$0x1C000] =	vst v63  }
0x33: {  	_ =	swait.ge [sflag:s30], $0x4000  }
0x34: {  	[sflag:s30] =	ssyncset.done $0x0  }
0x35: {  	[sflag:s30] =	ssyncadd.s32 $0xFFFFC000  }
0x36: {  	[tilespmem:s22], [sflag:$0x2] =	stream.indirect.gather [hbm4b:s4+s19], $0x80, s31, s19, $0xb8;
	[tilespmem:$0x1C000] =	vst v63  }
0x37: {  	_ =	swait.ge [sflag:s24], $0x4000  }
0x38: {  	[sflag:s24] =	ssyncset.done $0x0  }
0x39: {  	[sflag:s24] =	ssyncadd.s32 $0xFFFFC000  }
0x3a: {  	[spmem:s2] =	stream.indirect.scatter.add.f32 [tilespmem:s20], [sflag:$0x3], $0x80, s0, s19, $0xb8;
	[tilespmem:$0x1C000] =	vst v63  }
0x3b: {  	_ =	swait.ge [sflag:s25], $0x4000  }
0x3c: {  	[sflag:s25] =	ssyncset.done $0x0  }
0x3d: {  	[sflag:s25] =	ssyncadd.s32 $0xFFFFC000  }
0x3e: {  	[spmem:s2] =	stream.indirect.scatter.add.f32 [tilespmem:s22], [sflag:$0x4], $0x80, s1, s19, $0xb8;
	[tilespmem:$0x1C000] =	vst v63  }
0x3f: {  	_ =	swait.ge [sflag:s29], $0x4000  }
0x40: {  	[sflag:s29] =	ssyncset.done $0x0  }
0x41: {  	[sflag:s29] =	ssyncadd.s32 $0xFFFFC000  }
0x42: {  	_ =	swait.ge [sflag:s30], $0x4000  }
0x43: {  	s7 =	sadd.s32 $0x1, s7;
	[sflag:s30] =	ssyncset.done $0x0  }
0x44: {  	p1 =	sne.s32 s7, s15;
	s9 =	rddreg [dreg:$0x3];
	[sflag:s30] =	ssyncadd.s32 $0xFFFFC000  }
.Ltmp1:
0x45: {  	s4 =	sadd.s32 s8, s9;
	[bflag:$0x0] =	sbarrier.arrive $0xFFFF;
	(pc) =	sbr.rel @!p1 .LBB2_9-.Ltmp1, $4  }
0x46: {  	[hbm:s4], [sflag:s10] =	dma.local [spmem:s16], $0x2780  }
0x47: {  	_ =	swait.ge [sflag:s17], $0x2780  }
0x48: {  	[sflag:s17] =	ssyncset.done $0x0  }
0x49: {  	[sflag:s17] =	ssyncadd.s32 $0xFFFFD880  }
.LBB2_1:
0x4a: {  	s4 =	rddreg [dreg:$0x6]  }
0x4b: {  	[spmem:s16], [sflag:s10] =	dma.local [hbm:s4], $0x2780  }
0x4c: {  	_ =	swait.ge [sflag:s17], $0x2780  }
0x4d: {  	[sflag:s17] =	ssyncset.done $0x0  }
0x4e: {  	[sflag:s17] =	ssyncadd.s32 $0xFFFFD880  }
.Ltmp2:
0x4f: {  	[bflag:$0x0] =	sbarrier.arrive $0xFFFF;
	(pc) =	sbr.rel @p0 .LBB2_5-.Ltmp2, $4  }
0x50: {  	[tilespmem:s3], [sflag:$0x5] =	stream.linear.gather [hbm4b:s11+s3], $0x200, $0x38;
	[tilespmem:$0x1C000] =	vst v63  }
0x51: {  	_ =	swait.ge [sflag:s18], $0x200  }
0x52: {  	[sflag:s18] =	ssyncset.done $0x0  }
0x53: {  	[sflag:s18] =	ssyncadd.s32 $0xFFFFFE00  }
0x54: {  	[tilespmem:s20], [sflag:$0x1] =	stream.indirect.gather [hbm4b:s5+s19], $0x80, s3, s19, $0xb8;
	[tilespmem:$0x1C000] =	vst v63  }
0x55: {  	_ = 	snop  }
0x56: {  	[tilespmem:s22], [sflag:$0x2] =	stream.indirect.gather [hbm4b:s5+s19], $0x80, s21, s19, $0xb8;
	[tilespmem:$0x1C000] =	vst v63  }
0x57: {  	_ = 	snop  }
0x58: {  	[tilespmem:s23], [sflag:$0x6] =	stream.linear.gather [hbm4b:s12+s3], $0x200, $0x38;
	[tilespmem:$0x1C000] =	vst v63  }
0x59: {  	_ =	swait.ge [sflag:s24], $0x4000  }
0x5a: {  	[sflag:s24] =	ssyncset.done $0x0  }
0x5b: {  	[sflag:s24] =	ssyncadd.s32 $0xFFFFC000  }
0x5c: {  	[spmem:s2] =	stream.indirect.scatter.add.f32 [tilespmem:s20], [sflag:$0x3], $0x80, s19, s19, $0xb8;
	[tilespmem:$0x1C000] =	vst v63  }
0x5d: {  	_ =	swait.ge [sflag:s25], $0x4000  }
0x5e: {  	[sflag:s25] =	ssyncset.done $0x0  }
0x5f: {  	[sflag:s25] =	ssyncadd.s32 $0xFFFFC000  }
0x60: {  	[spmem:s2] =	stream.indirect.scatter.add.f32 [tilespmem:s22], [sflag:$0x4], $0x80, s26, s19, $0xb8;
	[tilespmem:$0x1C000] =	vst v63  }
0x61: {  	_ =	swait.ge [sflag:s28], $0x200  }
0x62: {  	[sflag:s28] =	ssyncset.done $0x0  }
0x63: {  	[sflag:s28] =	ssyncadd.s32 $0xFFFFFE00  }
0x64: {  	_ =	swait.ge [sflag:s29], $0x4000  }
0x65: {  	[sflag:s29] =	ssyncset.done $0x0  }
0x66: {  	[sflag:s29] =	ssyncadd.s32 $0xFFFFC000  }
0x67: {  	[tilespmem:s20], [sflag:$0x1] =	stream.indirect.gather [hbm4b:s5+s19], $0x80, s23, s19, $0xb8;
	[tilespmem:$0x1C000] =	vst v63  }
0x68: {  	_ =	swait.ge [sflag:s30], $0x4000  }
0x69: {  	[sflag:s30] =	ssyncset.done $0x0  }
0x6a: {  	[sflag:s30] =	ssyncadd.s32 $0xFFFFC000  }
0x6b: {  	[tilespmem:s22], [sflag:$0x2] =	stream.indirect.gather [hbm4b:s5+s19], $0x80, s31, s19, $0xb8;
	[tilespmem:$0x1C000] =	vst v63  }
0x6c: {  	_ = 	snop  }
0x6d: {  	[tilespmem:s3], [sflag:$0x5] =	stream.linear.gather [hbm4b:s13+s3], $0x200, $0x38;
	[tilespmem:$0x1C000] =	vst v63  }
0x6e: {  	_ =	swait.ge [sflag:s24], $0x4000  }
0x6f: {  	[sflag:s24] =	ssyncset.done $0x0  }
0x70: {  	[sflag:s24] =	ssyncadd.s32 $0xFFFFC000  }
0x71: {  	[spmem:s2] =	stream.indirect.scatter.add.f32 [tilespmem:s20], [sflag:$0x3], $0x80, s0, s19, $0xb8;
	[tilespmem:$0x1C000] =	vst v63  }
0x72: {  	_ =	swait.ge [sflag:s25], $0x4000  }
0x73: {  	[sflag:s25] =	ssyncset.done $0x0  }
0x74: {  	[sflag:s25] =	ssyncadd.s32 $0xFFFFC000  }
0x75: {  	[spmem:s2] =	stream.indirect.scatter.add.f32 [tilespmem:s22], [sflag:$0x4], $0x80, s1, s19, $0xb8;
	[tilespmem:$0x1C000] =	vst v63  }
0x76: {  	_ =	swait.ge [sflag:s18], $0x200  }
0x77: {  	[sflag:s18] =	ssyncset.done $0x0  }
0x78: {  	[sflag:s18] =	ssyncadd.s32 $0xFFFFFE00  }
0x79: {  	_ =	swait.ge [sflag:s29], $0x4000  }
0x7a: {  	[sflag:s29] =	ssyncset.done $0x0  }
0x7b: {  	[sflag:s29] =	ssyncadd.s32 $0xFFFFC000  }
0x7c: {  	[tilespmem:s20], [sflag:$0x1] =	stream.indirect.gather [hbm4b:s5+s19], $0x80, s3, s19, $0xb8;
	[tilespmem:$0x1C000] =	vst v63  }
0x7d: {  	_ =	swait.ge [sflag:s30], $0x4000  }
0x7e: {  	[sflag:s30] =	ssyncset.done $0x0  }
0x7f: {  	s4 =	sadd.s32 $0xFFFFD900, s11;
	[sflag:s30] =	ssyncadd.s32 $0xFFFFC000  }
0x80: {  	[tilespmem:s22], [sflag:$0x2] =	stream.indirect.gather [hbm4b:s5+s19], $0x80, s21, s19, $0xb8;
	[tilespmem:$0x1C000] =	vst v63  }
0x81: {  	s8 =	sadd.s32 $0x27C0, s4  }
0x82: {  	[tilespmem:s23], [sflag:$0x6] =	stream.linear.gather [hbm4b:s8+s3], $0x200, $0x38;
	[tilespmem:$0x1C000] =	vst v63  }
0x83: {  	_ =	swait.ge [sflag:s24], $0x4000  }
0x84: {  	[sflag:s24] =	ssyncset.done $0x0  }
0x85: {  	[sflag:s24] =	ssyncadd.s32 $0xFFFFC000  }
0x86: {  	[spmem:s2] =	stream.indirect.scatter.add.f32 [tilespmem:s20], [sflag:$0x3], $0x80, s19, s19, $0xb8;
	[tilespmem:$0x1C000] =	vst v63  }
0x87: {  	_ =	swait.ge [sflag:s25], $0x4000  }
0x88: {  	[sflag:s25] =	ssyncset.done $0x0  }
0x89: {  	[sflag:s25] =	ssyncadd.s32 $0xFFFFC000  }
0x8a: {  	[spmem:s2] =	stream.indirect.scatter.add.f32 [tilespmem:s22], [sflag:$0x4], $0x80, s26, s19, $0xb8;
	[tilespmem:$0x1C000] =	vst v63  }
0x8b: {  	_ =	swait.ge [sflag:s28], $0x200  }
0x8c: {  	[sflag:s28] =	ssyncset.done $0x0  }
0x8d: {  	[sflag:s28] =	ssyncadd.s32 $0xFFFFFE00  }
0x8e: {  	_ =	swait.ge [sflag:s29], $0x4000  }
0x8f: {  	[sflag:s29] =	ssyncset.done $0x0  }
0x90: {  	[sflag:s29] =	ssyncadd.s32 $0xFFFFC000  }
0x91: {  	[tilespmem:s20], [sflag:$0x1] =	stream.indirect.gather [hbm4b:s5+s19], $0x80, s23, s19, $0xb8;
	[tilespmem:$0x1C000] =	vst v63  }
0x92: {  	_ =	swait.ge [sflag:s30], $0x4000  }
0x93: {  	[sflag:s30] =	ssyncset.done $0x0  }
0x94: {  	[sflag:s30] =	ssyncadd.s32 $0xFFFFC000  }
0x95: {  	[tilespmem:s22], [sflag:$0x2] =	stream.indirect.gather [hbm4b:s5+s19], $0x80, s31, s19, $0xb8;
	[tilespmem:$0x1C000] =	vst v63  }
0x96: {  	s4 =	sadd.s32 $0x2800, s4  }
0x97: {  	[tilespmem:s3], [sflag:$0x5] =	stream.linear.gather [hbm4b:s4+s3], $0x200, $0x38;
	[tilespmem:$0x1C000] =	vst v63  }
0x98: {  	_ =	swait.ge [sflag:s24], $0x4000  }
0x99: {  	[sflag:s24] =	ssyncset.done $0x0  }
0x9a: {  	[sflag:s24] =	ssyncadd.s32 $0xFFFFC000  }
0x9b: {  	[spmem:s2] =	stream.indirect.scatter.add.f32 [tilespmem:s20], [sflag:$0x3], $0x80, s0, s19, $0xb8;
	[tilespmem:$0x1C000] =	vst v63  }
0x9c: {  	_ =	swait.ge [sflag:s25], $0x4000  }
0x9d: {  	[sflag:s25] =	ssyncset.done $0x0  }
0x9e: {  	s8 =	simm.s32 $0xFFFFD980;
	[sflag:s25] =	ssyncadd.s32 $0xFFFFC000  }
.LBB2_3:
0x9f: {  	[spmem:s2] =	stream.indirect.scatter.add.f32 [tilespmem:s22], [sflag:$0x4], $0x80, s1, s19, $0xb8;
	[tilespmem:$0x1C000] =	vst v63  }
0xa0: {  	s4 =	smov.u32 s8  }
0xa1: {  	p1 =	seq.s32 s8, $0xFFFFFF80;
	s8 =	sadd.s32 $0x80, s8;
	_ =	swait.ge [sflag:s18], $0x200  }
0xa2: {  	[sflag:s18] =	ssyncset.done $0x0  }
0xa3: {  	[sflag:s18] =	ssyncadd.s32 $0xFFFFFE00  }
0xa4: {  	_ =	swait.ge [sflag:s29], $0x4000  }
0xa5: {  	[sflag:s29] =	ssyncset.done $0x0  }
0xa6: {  	[sflag:s29] =	ssyncadd.s32 $0xFFFFC000  }
0xa7: {  	[tilespmem:s20], [sflag:$0x1] =	stream.indirect.gather [hbm4b:s5+s19], $0x80, s3, s19, $0xb8;
	[tilespmem:$0x1C000] =	vst v63  }
0xa8: {  	_ =	swait.ge [sflag:s30], $0x4000  }
0xa9: {  	[sflag:s30] =	ssyncset.done $0x0  }
0xaa: {  	s4 =	sadd.s32 s4, s11;
	[sflag:s30] =	ssyncadd.s32 $0xFFFFC000  }
0xab: {  	[tilespmem:s22], [sflag:$0x2] =	stream.indirect.gather [hbm4b:s5+s19], $0x80, s21, s19, $0xb8;
	[tilespmem:$0x1C000] =	vst v63  }
0xac: {  	s9 =	sadd.s32 $0x27C0, s4  }
0xad: {  	[tilespmem:s23], [sflag:$0x6] =	stream.linear.gather [hbm4b:s9+s3], $0x200, $0x38;
	[tilespmem:$0x1C000] =	vst v63  }
0xae: {  	_ =	swait.ge [sflag:s24], $0x4000  }
0xaf: {  	[sflag:s24] =	ssyncset.done $0x0  }
0xb0: {  	[sflag:s24] =	ssyncadd.s32 $0xFFFFC000  }
0xb1: {  	[spmem:s2] =	stream.indirect.scatter.add.f32 [tilespmem:s20], [sflag:$0x3], $0x80, s19, s19, $0xb8;
	[tilespmem:$0x1C000] =	vst v63  }
0xb2: {  	_ =	swait.ge [sflag:s25], $0x4000  }
0xb3: {  	[sflag:s25] =	ssyncset.done $0x0  }
0xb4: {  	[sflag:s25] =	ssyncadd.s32 $0xFFFFC000  }
0xb5: {  	[spmem:s2] =	stream.indirect.scatter.add.f32 [tilespmem:s22], [sflag:$0x4], $0x80, s26, s19, $0xb8;
	[tilespmem:$0x1C000] =	vst v63  }
0xb6: {  	_ =	swait.ge [sflag:s28], $0x200  }
0xb7: {  	[sflag:s28] =	ssyncset.done $0x0  }
0xb8: {  	[sflag:s28] =	ssyncadd.s32 $0xFFFFFE00  }
0xb9: {  	_ =	swait.ge [sflag:s29], $0x4000  }
0xba: {  	[sflag:s29] =	ssyncset.done $0x0  }
0xbb: {  	[sflag:s29] =	ssyncadd.s32 $0xFFFFC000  }
0xbc: {  	[tilespmem:s20], [sflag:$0x1] =	stream.indirect.gather [hbm4b:s5+s19], $0x80, s23, s19, $0xb8;
	[tilespmem:$0x1C000] =	vst v63  }
0xbd: {  	_ =	swait.ge [sflag:s30], $0x4000  }
0xbe: {  	[sflag:s30] =	ssyncset.done $0x0  }
0xbf: {  	[sflag:s30] =	ssyncadd.s32 $0xFFFFC000  }
0xc0: {  	[tilespmem:s22], [sflag:$0x2] =	stream.indirect.gather [hbm4b:s5+s19], $0x80, s31, s19, $0xb8;
	[tilespmem:$0x1C000] =	vst v63  }
0xc1: {  	s4 =	sadd.s32 $0x2800, s4  }
0xc2: {  	[tilespmem:s3], [sflag:$0x5] =	stream.linear.gather [hbm4b:s4+s3], $0x200, $0x38;
	[tilespmem:$0x1C000] =	vst v63  }
0xc3: {  	_ =	swait.ge [sflag:s24], $0x4000  }
0xc4: {  	[sflag:s24] =	ssyncset.done $0x0  }
.Ltmp3:
0xc5: {  	[sflag:s24] =	ssyncadd.s32 $0xFFFFC000;
	(pc) =	sbr.rel @!p1 .LBB2_3-.Ltmp3, $4  }
0xc6: {  	[spmem:s2] =	stream.indirect.scatter.add.f32 [tilespmem:s20], [sflag:$0x3], $0x80, s0, s19, $0xb8;
	[tilespmem:$0x1C000] =	vst v63  }
0xc7: {  	_ =	swait.ge [sflag:s25], $0x4000  }
0xc8: {  	[sflag:s25] =	ssyncset.done $0x0  }
0xc9: {  	[sflag:s25] =	ssyncadd.s32 $0xFFFFC000  }
.Ltmp4:
0xca: {  	(pc) =	sbr.rel .LBB2_8-.Ltmp4, $3  }
0xcb: {  	_ =	sdelay $0x1  }
0xcc: {  	[spmem:s2] =	stream.indirect.scatter.add.f32 [tilespmem:s22], [sflag:$0x4], $0x80, s1, s19, $0xb8;
	[tilespmem:$0x1C000] =	vst v63  }
0xcd: {  	s4 =	smov.u32 s5;
	s8 =	rddreg [dreg:$0x4]  }
.LBB2_5:
0xce: {  	[tilespmem:s20], [sflag:$0x1] =	stream.indirect.gather [hbm4b:s6+s19], $0x80, s3, s19, $0xb8;
	[tilespmem:$0x1C000] =	vst v63  }
0xcf: {  	_ = 	snop  }
0xd0: {  	[tilespmem:s22], [sflag:$0x2] =	stream.indirect.gather [hbm4b:s6+s19], $0x80, s21, s19, $0xb8;
	[tilespmem:$0x1C000] =	vst v63  }
0xd1: {  	_ = 	snop  }
0xd2: {  	[tilespmem:s23], [sflag:$0x6] =	stream.linear.gather [hbm4b:s12+s3], $0x200, $0x38;
	[tilespmem:$0x1C000] =	vst v63  }
0xd3: {  	_ =	swait.ge [sflag:s24], $0x4000  }
0xd4: {  	[sflag:s24] =	ssyncset.done $0x0  }
0xd5: {  	[sflag:s24] =	ssyncadd.s32 $0xFFFFC000  }
0xd6: {  	[spmem:s2] =	stream.indirect.scatter.add.f32 [tilespmem:s20], [sflag:$0x3], $0x80, s19, s19, $0xb8;
	[tilespmem:$0x1C000] =	vst v63  }
0xd7: {  	_ =	swait.ge [sflag:s25], $0x4000  }
0xd8: {  	[sflag:s25] =	ssyncset.done $0x0  }
0xd9: {  	[sflag:s25] =	ssyncadd.s32 $0xFFFFC000  }
0xda: {  	[spmem:s2] =	stream.indirect.scatter.add.f32 [tilespmem:s22], [sflag:$0x4], $0x80, s26, s19, $0xb8;
	[tilespmem:$0x1C000] =	vst v63  }
0xdb: {  	_ =	swait.ge [sflag:s28], $0x200  }
0xdc: {  	[sflag:s28] =	ssyncset.done $0x0  }
0xdd: {  	[sflag:s28] =	ssyncadd.s32 $0xFFFFFE00  }
0xde: {  	_ =	swait.ge [sflag:s29], $0x4000  }
0xdf: {  	[sflag:s29] =	ssyncset.done $0x0  }
0xe0: {  	[sflag:s29] =	ssyncadd.s32 $0xFFFFC000  }
0xe1: {  	[tilespmem:s20], [sflag:$0x1] =	stream.indirect.gather [hbm4b:s6+s19], $0x80, s23, s19, $0xb8;
	[tilespmem:$0x1C000] =	vst v63  }
0xe2: {  	_ =	swait.ge [sflag:s30], $0x4000  }
0xe3: {  	[sflag:s30] =	ssyncset.done $0x0  }
0xe4: {  	[sflag:s30] =	ssyncadd.s32 $0xFFFFC000  }
0xe5: {  	[tilespmem:s22], [sflag:$0x2] =	stream.indirect.gather [hbm4b:s6+s19], $0x80, s31, s19, $0xb8;
	[tilespmem:$0x1C000] =	vst v63  }
0xe6: {  	_ = 	snop  }
0xe7: {  	[tilespmem:s3], [sflag:$0x5] =	stream.linear.gather [hbm4b:s13+s3], $0x200, $0x38;
	[tilespmem:$0x1C000] =	vst v63  }
0xe8: {  	_ =	swait.ge [sflag:s24], $0x4000  }
0xe9: {  	[sflag:s24] =	ssyncset.done $0x0  }
0xea: {  	[sflag:s24] =	ssyncadd.s32 $0xFFFFC000  }
0xeb: {  	[spmem:s2] =	stream.indirect.scatter.add.f32 [tilespmem:s20], [sflag:$0x3], $0x80, s0, s19, $0xb8;
	[tilespmem:$0x1C000] =	vst v63  }
0xec: {  	_ =	swait.ge [sflag:s25], $0x4000  }
0xed: {  	[sflag:s25] =	ssyncset.done $0x0  }
0xee: {  	[sflag:s25] =	ssyncadd.s32 $0xFFFFC000  }
0xef: {  	[spmem:s2] =	stream.indirect.scatter.add.f32 [tilespmem:s22], [sflag:$0x4], $0x80, s1, s19, $0xb8;
	[tilespmem:$0x1C000] =	vst v63  }
0xf0: {  	_ =	swait.ge [sflag:s18], $0x200  }
0xf1: {  	[sflag:s18] =	ssyncset.done $0x0  }
0xf2: {  	[sflag:s18] =	ssyncadd.s32 $0xFFFFFE00  }
0xf3: {  	_ =	swait.ge [sflag:s29], $0x4000  }
0xf4: {  	[sflag:s29] =	ssyncset.done $0x0  }
0xf5: {  	[sflag:s29] =	ssyncadd.s32 $0xFFFFC000  }
0xf6: {  	[tilespmem:s20], [sflag:$0x1] =	stream.indirect.gather [hbm4b:s6+s19], $0x80, s3, s19, $0xb8;
	[tilespmem:$0x1C000] =	vst v63  }
0xf7: {  	_ =	swait.ge [sflag:s30], $0x4000  }
0xf8: {  	[sflag:s30] =	ssyncset.done $0x0  }
0xf9: {  	s4 =	sadd.s32 $0xFFFFD900, s11;
	[sflag:s30] =	ssyncadd.s32 $0xFFFFC000  }
0xfa: {  	[tilespmem:s22], [sflag:$0x2] =	stream.indirect.gather [hbm4b:s6+s19], $0x80, s21, s19, $0xb8;
	[tilespmem:$0x1C000] =	vst v63  }
0xfb: {  	s8 =	sadd.s32 $0x27C0, s4  }
0xfc: {  	[tilespmem:s23], [sflag:$0x6] =	stream.linear.gather [hbm4b:s8+s3], $0x200, $0x38;
	[tilespmem:$0x1C000] =	vst v63  }
0xfd: {  	_ =	swait.ge [sflag:s24], $0x4000  }
0xfe: {  	[sflag:s24] =	ssyncset.done $0x0  }
0xff: {  	[sflag:s24] =	ssyncadd.s32 $0xFFFFC000  }
0x100: {  	[spmem:s2] =	stream.indirect.scatter.add.f32 [tilespmem:s20], [sflag:$0x3], $0x80, s19, s19, $0xb8;
	[tilespmem:$0x1C000] =	vst v63  }
0x101: {  	_ =	swait.ge [sflag:s25], $0x4000  }
0x102: {  	[sflag:s25] =	ssyncset.done $0x0  }
0x103: {  	[sflag:s25] =	ssyncadd.s32 $0xFFFFC000  }
0x104: {  	[spmem:s2] =	stream.indirect.scatter.add.f32 [tilespmem:s22], [sflag:$0x4], $0x80, s26, s19, $0xb8;
	[tilespmem:$0x1C000] =	vst v63  }
0x105: {  	_ =	swait.ge [sflag:s28], $0x200  }
0x106: {  	[sflag:s28] =	ssyncset.done $0x0  }
0x107: {  	[sflag:s28] =	ssyncadd.s32 $0xFFFFFE00  }
0x108: {  	_ =	swait.ge [sflag:s29], $0x4000  }
0x109: {  	[sflag:s29] =	ssyncset.done $0x0  }
0x10a: {  	[sflag:s29] =	ssyncadd.s32 $0xFFFFC000  }
0x10b: {  	[tilespmem:s20], [sflag:$0x1] =	stream.indirect.gather [hbm4b:s6+s19], $0x80, s23, s19, $0xb8;
	[tilespmem:$0x1C000] =	vst v63  }
0x10c: {  	_ =	swait.ge [sflag:s30], $0x4000  }
0x10d: {  	[sflag:s30] =	ssyncset.done $0x0  }
0x10e: {  	[sflag:s30] =	ssyncadd.s32 $0xFFFFC000  }
0x10f: {  	[tilespmem:s22], [sflag:$0x2] =	stream.indirect.gather [hbm4b:s6+s19], $0x80, s31, s19, $0xb8;
	[tilespmem:$0x1C000] =	vst v63  }
0x110: {  	s4 =	sadd.s32 $0x2800, s4  }
0x111: {  	[tilespmem:s3], [sflag:$0x5] =	stream.linear.gather [hbm4b:s4+s3], $0x200, $0x38;
	[tilespmem:$0x1C000] =	vst v63  }
0x112: {  	_ =	swait.ge [sflag:s24], $0x4000  }
0x113: {  	[sflag:s24] =	ssyncset.done $0x0  }
0x114: {  	[sflag:s24] =	ssyncadd.s32 $0xFFFFC000  }
0x115: {  	[spmem:s2] =	stream.indirect.scatter.add.f32 [tilespmem:s20], [sflag:$0x3], $0x80, s0, s19, $0xb8;
	[tilespmem:$0x1C000] =	vst v63  }
0x116: {  	_ =	swait.ge [sflag:s25], $0x4000  }
0x117: {  	[sflag:s25] =	ssyncset.done $0x0  }
0x118: {  	s8 =	simm.s32 $0xFFFFD980;
	[sflag:s25] =	ssyncadd.s32 $0xFFFFC000  }
.LBB2_6:
0x119: {  	[spmem:s2] =	stream.indirect.scatter.add.f32 [tilespmem:s22], [sflag:$0x4], $0x80, s1, s19, $0xb8;
	[tilespmem:$0x1C000] =	vst v63  }
0x11a: {  	s4 =	smov.u32 s8  }
0x11b: {  	p1 =	sne.s32 s8, $0xFFFFFF80;
	s8 =	sadd.s32 $0x80, s8;
	_ =	swait.ge [sflag:s18], $0x200  }
0x11c: {  	[sflag:s18] =	ssyncset.done $0x0  }
0x11d: {  	[sflag:s18] =	ssyncadd.s32 $0xFFFFFE00  }
0x11e: {  	_ =	swait.ge [sflag:s29], $0x4000  }
0x11f: {  	[sflag:s29] =	ssyncset.done $0x0  }
0x120: {  	[sflag:s29] =	ssyncadd.s32 $0xFFFFC000  }
0x121: {  	[tilespmem:s20], [sflag:$0x1] =	stream.indirect.gather [hbm4b:s6+s19], $0x80, s3, s19, $0xb8;
	[tilespmem:$0x1C000] =	vst v63  }
0x122: {  	_ =	swait.ge [sflag:s30], $0x4000  }
0x123: {  	[sflag:s30] =	ssyncset.done $0x0  }
0x124: {  	s4 =	sadd.s32 s4, s11;
	[sflag:s30] =	ssyncadd.s32 $0xFFFFC000  }
0x125: {  	[tilespmem:s22], [sflag:$0x2] =	stream.indirect.gather [hbm4b:s6+s19], $0x80, s21, s19, $0xb8;
	[tilespmem:$0x1C000] =	vst v63  }
0x126: {  	s9 =	sadd.s32 $0x27C0, s4  }
0x127: {  	[tilespmem:s23], [sflag:$0x6] =	stream.linear.gather [hbm4b:s9+s3], $0x200, $0x38;
	[tilespmem:$0x1C000] =	vst v63  }
0x128: {  	_ =	swait.ge [sflag:s24], $0x4000  }
0x129: {  	[sflag:s24] =	ssyncset.done $0x0  }
0x12a: {  	[sflag:s24] =	ssyncadd.s32 $0xFFFFC000  }
0x12b: {  	[spmem:s2] =	stream.indirect.scatter.add.f32 [tilespmem:s20], [sflag:$0x3], $0x80, s19, s19, $0xb8;
	[tilespmem:$0x1C000] =	vst v63  }
0x12c: {  	_ =	swait.ge [sflag:s25], $0x4000  }
0x12d: {  	[sflag:s25] =	ssyncset.done $0x0  }
0x12e: {  	[sflag:s25] =	ssyncadd.s32 $0xFFFFC000  }
0x12f: {  	[spmem:s2] =	stream.indirect.scatter.add.f32 [tilespmem:s22], [sflag:$0x4], $0x80, s26, s19, $0xb8;
	[tilespmem:$0x1C000] =	vst v63  }
0x130: {  	_ =	swait.ge [sflag:s28], $0x200  }
0x131: {  	[sflag:s28] =	ssyncset.done $0x0  }
0x132: {  	[sflag:s28] =	ssyncadd.s32 $0xFFFFFE00  }
0x133: {  	_ =	swait.ge [sflag:s29], $0x4000  }
0x134: {  	[sflag:s29] =	ssyncset.done $0x0  }
0x135: {  	[sflag:s29] =	ssyncadd.s32 $0xFFFFC000  }
0x136: {  	[tilespmem:s20], [sflag:$0x1] =	stream.indirect.gather [hbm4b:s6+s19], $0x80, s23, s19, $0xb8;
	[tilespmem:$0x1C000] =	vst v63  }
0x137: {  	_ =	swait.ge [sflag:s30], $0x4000  }
0x138: {  	[sflag:s30] =	ssyncset.done $0x0  }
0x139: {  	[sflag:s30] =	ssyncadd.s32 $0xFFFFC000  }
0x13a: {  	[tilespmem:s22], [sflag:$0x2] =	stream.indirect.gather [hbm4b:s6+s19], $0x80, s31, s19, $0xb8;
	[tilespmem:$0x1C000] =	vst v63  }
0x13b: {  	s4 =	sadd.s32 $0x2800, s4  }
0x13c: {  	[tilespmem:s3], [sflag:$0x5] =	stream.linear.gather [hbm4b:s4+s3], $0x200, $0x38;
	[tilespmem:$0x1C000] =	vst v63  }
0x13d: {  	_ =	swait.ge [sflag:s24], $0x4000  }
0x13e: {  	[sflag:s24] =	ssyncset.done $0x0  }
.Ltmp5:
0x13f: {  	[sflag:s24] =	ssyncadd.s32 $0xFFFFC000;
	(pc) =	sbr.rel @p1 .LBB2_6-.Ltmp5, $4  }
0x140: {  	[spmem:s2] =	stream.indirect.scatter.add.f32 [tilespmem:s20], [sflag:$0x3], $0x80, s0, s19, $0xb8;
	[tilespmem:$0x1C000] =	vst v63  }
0x141: {  	_ =	swait.ge [sflag:s25], $0x4000  }
0x142: {  	[sflag:s25] =	ssyncset.done $0x0  }
0x143: {  	[sflag:s25] =	ssyncadd.s32 $0xFFFFC000  }
.Ltmp6:
0x144: {  	_ = 	snop;
	(pc) =	sbr.rel .LBB2_7-.Ltmp6, $1  }
0x145: {  	_ =	sdelay $0x3  }
.LBB2_9:
0x146: {  	_ =	sfence.sel $0x180000  }
0x147: {  	[bflag:$0x0] =	sbarrier.arrive $0xFFFF  }
0x148: {  	_ =	strace $0x9000004A  }
0x149: {  	s0 =	stileid.u32;
	[bflag:$0x2] =	sbarrier.arrive $0xFFFF  }
0x14a: {  	p0 =	sne.s32 s0, $0x0;
	s0 =	rddreg [dreg:$0x2]  }
0x14b: {  	s0 =	sadd.s32 @!p0 $0x100000, s0  }
0x14c: {  	[sflag:s0] =	ssyncadd.tile.s32 @!p0 $0x1;
	_ =	shalt  }
.Lfunc_end2:
_tile_overlayer_lowered:
.L_overlay_start_2:
0x14d: {  	(tag) =	ssettag $0x2  }
0x14e: {  	s0 =	rddreg [dreg:$0x0];
	s2 =	stileid.u32  }
0x14f: {  	s1 =	rddreg [dreg:$0x1];
	p0 =	sne.s32 s2, $0x0  }
0x150: {  	s3 =	rddreg [dreg:$0x2];
	[bflag:$0x3] =	sbarrier.arrive $0xFFFF;
	s2 =	simm.s32 @!p0 $0x1C07  }
0x151: {  	[timem:s3], [sflag:s2] =	dma.local @!p0 [hbm:s0], s1  }
0x152: {  	s0 =	simm.s32 @!p0 $0x7  }
0x153: {  	_ =	swait.ge @!p0 [sflag:s0], s1  }
0x154: {  	s1 =	ssub.s32 @!p0 $0x0, s1;
	[sflag:s0] =	ssyncset.done @!p0 $0x0  }
0x155: {  	[sflag:s0] =	ssyncadd.s32 @!p0 s1  }
0x156: {  	[bflag:$0x3] =	sbarrier.arrive $0xFFFF  }
0x157: {  	_ =	shalt  }

</sc_bundles>
